<compile_context>
chip_gen: v7x
topology: tpu7x:2x2x1
jax: 0.10.2.dev20260603
libtpu: 0.0.44.dev20260713+nightly
codegen_flags: <defaults>
</compile_context>

<pallas_src>
import functools

import jax
import jax.numpy as jnp
from jax import lax
from jax.experimental import pallas as pl
from jax.experimental.pallas import tpu as pltpu
from jax.experimental.pallas import tpu_sc as plsc

_N = 10000
_E = 320000
_H = 128
_HH = _H // 2
_G = 64
_L = 4

_NC = 2
_NS = 16
_EPT = _E // _NS
_C = 80
_NCH = _EPT // _C
_RPT0 = 640
_RPT1 = _N - (_NS - 1) * _RPT0


def _proj_body(x_ref, w_ref, b_ref, o_ref):
    x = x_ref[...]
    x = jnp.where(jnp.isnan(x), 0.0, x)
    y = jnp.dot(x, w_ref[...], preferred_element_type=jnp.float32)
    z = jnp.maximum(y + b_ref[...], 0.0)
    o_ref[0] = z[:, :_HH]
    o_ref[1] = z[:, _HH:]


def _proj(x, w, b, blk):
    m, k = x.shape
    return pl.pallas_call(
        _proj_body,
        grid=(m // blk,),
        in_specs=[
            pl.BlockSpec((blk, k), lambda i: (i, 0)),
            pl.BlockSpec((k, _H), lambda i: (0, 0)),
            pl.BlockSpec((1, _H), lambda i: (0, 0)),
        ],
        out_specs=pl.BlockSpec((2, blk, _HH), lambda i: (0, i, 0)),
        out_shape=jax.ShapeDtypeStruct((2, m, _HH), jnp.float32),
    )(x, w, b.reshape(1, _H))


def _sc_edge_body(h2_hbm, ea2_hbm, src3_hbm, dst3_hbm, out_lo, out_hi,
                  aggr_sh, srcv, dstv, ea0, ea1, g0, g1,
                  se0, se1, sg0, sg1):
    c = lax.axis_index("c")
    s = lax.axis_index("s")
    eab = (ea0, ea1)
    gvb = (g0, g1)
    seb = (se0, se1)
    sgb = (sg0, sg1)

    def _zrow(r, carry):
        for j in range(_HH // 16):
            g0[r, pl.ds(j * 16, 16)] = jnp.zeros((16,), jnp.float32)
        return carry

    lax.fori_loop(0, _C, _zrow, 0)
    r0 = pl.multiple_of(s * _RPT0, 8)

    @pl.when(s < _NS - 1)
    def _():
        for k in range(_RPT0 // _C):
            pltpu.sync_copy(g0, aggr_sh.at[pl.ds(r0 + k * _C, _C)])

    @pl.when(s == _NS - 1)
    def _():
        for k in range(_RPT1 // _C):
            pltpu.sync_copy(g0, aggr_sh.at[pl.ds(r0 + k * _C, _C)])

    plsc.subcore_barrier()

    base0 = c * _E + s * _EPT
    pltpu.sync_copy(src3_hbm.at[s], srcv)
    pltpu.sync_copy(dst3_hbm.at[s], dstv)

    roff = c * _N

    def _shift(r, carry):
        for j in range(_C // 16):
            sl = pl.ds(j * 16, 16)
            srcv[r, sl] = srcv[r, sl] + roff
        return carry

    lax.fori_loop(0, _NCH, _shift, 0)

    def _fetch(i, b):
        off = pl.multiple_of(base0 + i * _C, 8)
        pltpu.async_copy(ea2_hbm.at[pl.ds(off, _C)], eab[b], seb[b])
        pltpu.async_copy(h2_hbm.at[srcv.at[i]], gvb[b], sgb[b])

    def _process(i, b):
        eav = eab[b]
        gv = gvb[b]
        pltpu.make_async_copy(ea2_hbm.at[pl.ds(pl.multiple_of(base0, 8), _C)],
                              eav, seb[b]).wait()
        pltpu.make_async_copy(h2_hbm.at[srcv.at[i]], gv, sgb[b]).wait()

        def _row(r, c2):
            for j in range(_HH // 16):
                sl = pl.ds(j * 16, 16)
                eav[r, sl] = jnp.maximum(eav[r, sl] + gv[r, sl], 0.0)
            return c2

        lax.fori_loop(0, _C, _row, 0)
        pltpu.sync_copy(eav, aggr_sh.at[dstv.at[i]], add=True)

    _fetch(0, 0)
    _fetch(1, 1)

    def _pair(p, carry):
        for b in range(2):
            i = 2 * p + b
            _process(i, b)

            @pl.when(i + 2 < _NCH)
            def _():
                _fetch(i + 2, b)
        return carry

    lax.fori_loop(0, _NCH // 2, _pair, 0)
    plsc.subcore_barrier()

    @pl.when((c == 0) & (s < _NS - 1))
    def _():
        pltpu.sync_copy(aggr_sh.at[pl.ds(r0, _RPT0)], out_lo.at[pl.ds(r0, _RPT0)])

    @pl.when((c == 0) & (s == _NS - 1))
    def _():
        pltpu.sync_copy(aggr_sh.at[pl.ds(r0, _RPT1)], out_lo.at[pl.ds(r0, _RPT1)])

    @pl.when((c == 1) & (s < _NS - 1))
    def _():
        pltpu.sync_copy(aggr_sh.at[pl.ds(r0, _RPT0)], out_hi.at[pl.ds(r0, _RPT0)])

    @pl.when((c == 1) & (s == _NS - 1))
    def _():
        pltpu.sync_copy(aggr_sh.at[pl.ds(r0, _RPT1)], out_hi.at[pl.ds(r0, _RPT1)])


@functools.cache
def _edge_pass_kernel():
    return pl.kernel(
        _sc_edge_body,
        out_type=(jax.ShapeDtypeStruct((_N, _HH), jnp.float32),
                  jax.ShapeDtypeStruct((_N, _HH), jnp.float32)),
        mesh=plsc.VectorSubcoreMesh(core_axis_name="c", subcore_axis_name="s",
                                    num_cores=_NC, num_subcores=_NS),
        scratch_types=[
            pltpu.VMEM_SHARED((_N, _HH), jnp.float32),
            pltpu.VMEM((_NCH, _C), jnp.int32),
            pltpu.VMEM((_NCH, _C), jnp.int32),
            pltpu.VMEM((_C, _HH), jnp.float32),
            pltpu.VMEM((_C, _HH), jnp.float32),
            pltpu.VMEM((_C, _HH), jnp.float32),
            pltpu.VMEM((_C, _HH), jnp.float32),
            pltpu.SemaphoreType.DMA,
            pltpu.SemaphoreType.DMA,
            pltpu.SemaphoreType.DMA,
            pltpu.SemaphoreType.DMA,
        ],
        compiler_params=pltpu.CompilerParams(use_tc_tiling_on_sc=False),
    )


def _edge_pass(h2, ea2, src3, dst3):
    return _edge_pass_kernel()(h2.reshape(2 * _N, _HH), ea2, src3, dst3)


def _mlp_body(h_ref, alo_ref, ahi_ref, w1_ref, b1_ref, w2_ref, b2_ref,
              sc_ref, sb_ref, o_ref):
    z0 = jnp.concatenate([h_ref[0] + alo_ref[...], h_ref[1] + ahi_ref[...]],
                         axis=1)
    t = jnp.dot(z0, w1_ref[...], preferred_element_type=jnp.float32)
    t = jnp.maximum(t + b1_ref[...], 0.0)
    z = jnp.dot(t, w2_ref[...], preferred_element_type=jnp.float32) + b2_ref[...]
    z = jnp.maximum(z * sc_ref[...] + sb_ref[...], 0.0)
    o_ref[0] = z[:, :_HH]
    o_ref[1] = z[:, _HH:]


def _mlp(h2, alo, ahi, w1, b1, w2, b2, bn_scale, bn_bias, blk=1000):
    h2dim = w1.shape[1]
    return pl.pallas_call(
        _mlp_body,
        grid=(_N // blk,),
        in_specs=[
            pl.BlockSpec((2, blk, _HH), lambda i: (0, i, 0)),
            pl.BlockSpec((blk, _HH), lambda i: (i, 0)),
            pl.BlockSpec((blk, _HH), lambda i: (i, 0)),
            pl.BlockSpec((_H, h2dim), lambda i: (0, 0)),
            pl.BlockSpec((1, h2dim), lambda i: (0, 0)),
            pl.BlockSpec((h2dim, _H), lambda i: (0, 0)),
            pl.BlockSpec((1, _H), lambda i: (0, 0)),
            pl.BlockSpec((1, _H), lambda i: (0, 0)),
            pl.BlockSpec((1, _H), lambda i: (0, 0)),
        ],
        out_specs=pl.BlockSpec((2, blk, _HH), lambda i: (0, i, 0)),
        out_shape=jax.ShapeDtypeStruct((2, _N, _HH), jnp.float32),
    )(h2, alo, ahi, w1, b1.reshape(1, h2dim), w2, b2.reshape(1, _H),
      bn_scale.reshape(1, _H), bn_bias.reshape(1, _H))


def _pool_max_body(h_ref, seg_ref, gw_ref, gb_ref, o_ref):
    i = pl.program_id(0)
    h = jnp.concatenate([h_ref[0], h_ref[1]], axis=1)
    g = jnp.sum(h * gw_ref[...], axis=1, keepdims=True) + gb_ref[0, 0]
    mask = seg_ref[...] == lax.broadcasted_iota(jnp.int32, (1, _G), 1)
    gm = jnp.max(jnp.where(mask, g, -1e30), axis=0, keepdims=True)

    @pl.when(i == 0)
    def _():
        o_ref[...] = jnp.full((1, _G), -1e30, jnp.float32)

    o_ref[...] = jnp.maximum(o_ref[...], gm)


def _pool_sum_body(h_ref, seg_ref, gmax_ref, gw_ref, gb_ref, pw_ref, pb_ref,
                   o_ref, num_acc, den_acc):
    i = pl.program_id(0)

    @pl.when(i == 0)
    def _():
        num_acc[...] = jnp.zeros_like(num_acc)
        den_acc[...] = jnp.zeros_like(den_acc)

    h = jnp.concatenate([h_ref[0], h_ref[1]], axis=1)
    g = jnp.sum(h * gw_ref[...], axis=1, keepdims=True) + gb_ref[0, 0]
    maskf = (seg_ref[...] == lax.broadcasted_iota(jnp.int32, (1, _G), 1)
             ).astype(jnp.float32)
    gsel = jnp.sum(maskf * gmax_ref[...], axis=1, keepdims=True)
    e = jnp.exp(g - gsel)
    ht = jnp.dot(h, pw_ref[...], preferred_element_type=jnp.float32) + pb_ref[...]
    dn = (((0,), (0,)), ((), ()))
    num_acc[...] += lax.dot_general(maskf, e * ht, dn,
                                    preferred_element_type=jnp.float32)
    den_acc[...] += lax.dot_general(maskf, jnp.broadcast_to(e, h.shape), dn,
                                    preferred_element_type=jnp.float32)

    @pl.when(i == pl.num_programs(0) - 1)
    def _():
        o_ref[...] = num_acc[...] / (den_acc[...] + 1e-16)


def _pool(h2, seg, gate_w, gate_b, pool_w, pool_b, blk=1000):
    gw = gate_w.reshape(1, _H)
    gb = gate_b.reshape(1, 1)
    hspec = pl.BlockSpec((2, blk, _HH), lambda i: (0, i, 0))
    gmax = pl.pallas_call(
        _pool_max_body,
        grid=(_N // blk,),
        in_specs=[
            hspec,
            pl.BlockSpec((blk, 1), lambda i: (i, 0)),
            pl.BlockSpec((1, _H), lambda i: (0, 0)),
            pl.BlockSpec((1, 1), lambda i: (0, 0)),
        ],
        out_specs=pl.BlockSpec((1, _G), lambda i: (0, 0)),
        out_shape=jax.ShapeDtypeStruct((1, _G), jnp.float32),
    )(h2, seg, gw, gb)
    return pl.pallas_call(
        _pool_sum_body,
        grid=(_N // blk,),
        in_specs=[
            hspec,
            pl.BlockSpec((blk, 1), lambda i: (i, 0)),
            pl.BlockSpec((1, _G), lambda i: (0, 0)),
            pl.BlockSpec((1, _H), lambda i: (0, 0)),
            pl.BlockSpec((1, 1), lambda i: (0, 0)),
            pl.BlockSpec((_H, _H), lambda i: (0, 0)),
            pl.BlockSpec((1, _H), lambda i: (0, 0)),
        ],
        out_specs=pl.BlockSpec((_G, _H), lambda i: (0, 0)),
        out_shape=jax.ShapeDtypeStruct((_G, _H), jnp.float32),
        scratch_shapes=[
            pltpu.VMEM((_G, _H), jnp.float32),
            pltpu.VMEM((_G, _H), jnp.float32),
        ],
    )(h2, seg, gmax, gw, gb, pool_w, pool_b.reshape(1, _H))


def kernel(x, edge_index, edge_attr, batch, node_W, node_b, edge_W, edge_b,
           W1, b1, W2, b2, bn_g, bn_b, gate_W, gate_b, pool_W, pool_b):
    src = edge_index[0].astype(jnp.int32).reshape(_NS, _NCH, _C)
    dst = edge_index[1].astype(jnp.int32).reshape(_NS, _NCH, _C)
    seg = batch.astype(jnp.int32).reshape(_N, 1)
    bn_scale = bn_g * lax.rsqrt(jnp.float32(1.0 + 1e-5))

    h2 = _proj(x, node_W, node_b, blk=1000)
    ea2 = _proj(edge_attr, edge_W, edge_b, blk=4000)
    ea2f = ea2.reshape(2 * _E, _HH)

    for l in range(_L):
        alo, ahi = _edge_pass(h2, ea2f, src, dst)
        h2 = _mlp(h2, alo, ahi, W1[l], b1[l], W2[l], b2[l],
                  bn_scale[l], bn_b[l])

    return _pool(h2, seg, gate_W, gate_b, pool_W, pool_b)

# --- scband reference (transcript-rebuilt; emitter-appended) ---
"""Pipeline reference for scband-gineencoder-2422361554984 (READ-ONLY COPY).

The authoritative reference and input builder live on the scoring server;
editing this copy changes nothing except your own understanding.
"""

import jax, jax.numpy as jnp
import numpy as np

N = 10000
E = 320000
F_IN = 128
E_IN = 16
H = 128
L = 4
G = 64


def setup_inputs(seed: int = 0) -> dict:
    key = jax.random.key(seed)
    ks = jax.random.split(key, 16)
    s = 0.05
    x = jax.random.normal(ks[0], (N, F_IN), dtype=jnp.float32)
    edge_index = jax.random.randint(ks[1], (2, E), 0, N, dtype=jnp.int64 if jax.config.jax_enable_x64 else jnp.int32)
    edge_attr = jax.random.normal(ks[2], (E, E_IN), dtype=jnp.float32)
    batch = jnp.sort(jax.random.randint(ks[3], (N,), 0, G, dtype=jnp.int64 if jax.config.jax_enable_x64 else jnp.int32))
    node_W = jax.random.normal(ks[4], (F_IN, H), dtype=jnp.float32) * s
    node_b = jnp.zeros((H,), dtype=jnp.float32)
    edge_W = jax.random.normal(ks[5], (E_IN, H), dtype=jnp.float32) * s
    edge_b = jnp.zeros((H,), dtype=jnp.float32)
    W1 = jax.random.normal(ks[6], (L, H, 2 * H), dtype=jnp.float32) * s
    b1 = jnp.zeros((L, 2 * H), dtype=jnp.float32)
    W2 = jax.random.normal(ks[7], (L, 2 * H, H), dtype=jnp.float32) * s
    b2 = jnp.zeros((L, H), dtype=jnp.float32)
    bn_g = jnp.ones((L, H), dtype=jnp.float32)
    bn_b = jnp.zeros((L, H), dtype=jnp.float32)
    gate_W = jax.random.normal(ks[8], (H, 1), dtype=jnp.float32) * s
    gate_b = jnp.zeros((1,), dtype=jnp.float32)
    pool_W = jax.random.normal(ks[9], (H, H), dtype=jnp.float32) * s
    pool_b = jnp.zeros((H,), dtype=jnp.float32)
    return {"x": x, "edge_index": edge_index, "edge_attr": edge_attr, "batch": batch,
            "node_W": node_W, "node_b": node_b, "edge_W": edge_W, "edge_b": edge_b,
            "W1": W1, "b1": b1, "W2": W2, "b2": b2, "bn_g": bn_g, "bn_b": bn_b,
            "gate_W": gate_W, "gate_b": gate_b, "pool_W": pool_W, "pool_b": pool_b}


def reference(x, edge_index, edge_attr, batch, node_W, node_b, edge_W, edge_b,
              W1, b1, W2, b2, bn_g, bn_b, gate_W, gate_b, pool_W, pool_b):
    # nan_to_num (faithful to module)
    x = jnp.nan_to_num(x, nan=0.0)
    edge_attr = jnp.nan_to_num(edge_attr, nan=0.0)
    # input projections
    h = jax.nn.relu(x @ node_W + node_b)
    ea = jax.nn.relu(edge_attr @ edge_W + edge_b)
    src = edge_index[0]
    dst = edge_index[1]
    bn_eps = 1e-5
    for l in range(L):
        # GINEConv: message = relu(x_src + edge_attr), scatter-add to dst
        m = jax.nn.relu(h[src] + ea)
        aggr = jax.ops.segment_sum(m, dst, num_segments=N)
        z = (1.0 + 0.0) * h + aggr  # eps = 0 default
        z = jax.nn.relu(z @ W1[l] + b1[l]) @ W2[l] + b2[l]
        # BatchNorm1d in eval mode: running_mean=0, running_var=1
        z = z * (bn_g[l] / jnp.sqrt(1.0 + bn_eps)) + bn_b[l]
        h = jax.nn.relu(z)
        # dropout: identity in eval
    # AttentionalAggregation pooling
    gate = h @ gate_W + gate_b  # [N, 1]
    gmax = jax.ops.segment_max(gate, batch, num_segments=G)
    gate_sh = jnp.exp(gate - gmax[batch])
    denom = jax.ops.segment_sum(gate_sh, batch, num_segments=G)
    alpha = gate_sh / (denom[batch] + 1e-16)
    ht = h @ pool_W + pool_b
    pooled = jax.ops.segment_sum(alpha * ht, batch, num_segments=G)
    return pooled

if __name__ == "__main__":
    import jax
    _d = setup_inputs()
    print(jax.jit(kernel)(*tuple(_d.values())))

</pallas_src>

<mosaic_0001>
#map = affine_map<(d0, d1) -> (0, 0)>
#map1 = affine_map<(d0, d1) -> (0, 0, 0)>
module attributes {stable_mosaic.version = 14 : i64} {
  func.func @_sc_edge_body(%arg0: i32, %arg1: i32, %arg2: memref<20000x64xf32, #tpu.memory_space<hbm>>, %arg3: memref<640000x64xf32, #tpu.memory_space<hbm>>, %arg4: memref<16x250x80xi32, #tpu.memory_space<hbm>>, %arg5: memref<16x250x80xi32, #tpu.memory_space<hbm>>, %arg6: memref<10000x64xf32, #tpu.memory_space<hbm>>, %arg7: memref<10000x64xf32, #tpu.memory_space<hbm>>, %arg8: memref<10000x64xf32, #tpu.memory_space<vmem_shared>>, %arg9: memref<250x80xi32, #tpu.memory_space<vmem>>, %arg10: memref<250x80xi32, #tpu.memory_space<vmem>>, %arg11: memref<80x64xf32, #tpu.memory_space<vmem>>, %arg12: memref<80x64xf32, #tpu.memory_space<vmem>>, %arg13: memref<80x64xf32, #tpu.memory_space<vmem>>, %arg14: memref<80x64xf32, #tpu.memory_space<vmem>>, %arg15: memref<!tpu.dma_semaphore, #tpu.memory_space<semaphore_mem>>, %arg16: memref<!tpu.dma_semaphore, #tpu.memory_space<semaphore_mem>>, %arg17: memref<!tpu.dma_semaphore, #tpu.memory_space<semaphore_mem>>, %arg18: memref<!tpu.dma_semaphore, #tpu.memory_space<semaphore_mem>>) attributes {dimension_semantics = [#tpu.dimension_semantics<core_parallel>, #tpu.dimension_semantics<subcore_parallel>], iteration_bounds = array<i64: 2, 16>, scalar_prefetch = 0 : i64, scratch_operands = 11 : i64, tpu.core_type = #tpu.core_type<sc_vector_subcore>, window_params = [{transform_indices = #map}, {transform_indices = #map}, {transform_indices = #map1}, {transform_indices = #map1}, {transform_indices = #map}, {transform_indices = #map}]} {
    %scan3A = arith.constant 0 : i32
    %scan3A_0 = arith.constant 0 : i32
    %scan3A_1 = arith.constant 80 : i32
    %scan3A_2 = arith.addi %scan3A_0, %scan3A_1 : i32
    %scan3A_3 = arith.constant 1 : i32
    scf.for %scan3A_89 = %scan3A_0 to %scan3A_2 step %scan3A_3  : i32 {
      %broadcast_in_dim3A = arith.constant 0.000000e+00 : f32
      %broadcast_in_dim3A_90 = vector.broadcast %broadcast_in_dim3A : f32 to vector<16xf32>
      %swap3A = arith.index_cast %scan3A_89 : i32 to index
      %swap3A_91 = arith.constant 0 : index
      %swap3A_92 = tpu.vector_load %arg13[%swap3A, %swap3A_91] {strides = array<i32>} : memref<80x64xf32, #tpu.memory_space<vmem>>, vector<1x16xf32>,
      %swap3A_93 = vector.shape_cast %swap3A_92 : vector<1x16xf32> to vector<16xf32>
      %swap3A_94 = vector.shape_cast %broadcast_in_dim3A_90 : vector<16xf32> to vector<1x16xf32>
      tpu.vector_store %arg13[%swap3A, %swap3A_91], %swap3A_94 {strides = array<i32>} : memref<80x64xf32, #tpu.memory_space<vmem>>, vector<1x16xf32>,
      %broadcast_in_dim3A_95 = arith.constant 0.000000e+00 : f32
      %broadcast_in_dim3A_96 = vector.broadcast %broadcast_in_dim3A_95 : f32 to vector<16xf32>
      %swap3A_97 = arith.index_cast %scan3A_89 : i32 to index
      %swap3A_98 = arith.constant 16 : index
      %swap3A_99 = tpu.vector_load %arg13[%swap3A_97, %swap3A_98] {strides = array<i32>} : memref<80x64xf32, #tpu.memory_space<vmem>>, vector<1x16xf32>,
      %swap3A_100 = vector.shape_cast %swap3A_99 : vector<1x16xf32> to vector<16xf32>
      %swap3A_101 = vector.shape_cast %broadcast_in_dim3A_96 : vector<16xf32> to vector<1x16xf32>
      tpu.vector_store %arg13[%swap3A_97, %swap3A_98], %swap3A_101 {strides = array<i32>} : memref<80x64xf32, #tpu.memory_space<vmem>>, vector<1x16xf32>,
      %broadcast_in_dim3A_102 = arith.constant 0.000000e+00 : f32
      %broadcast_in_dim3A_103 = vector.broadcast %broadcast_in_dim3A_102 : f32 to vector<16xf32>
      %swap3A_104 = arith.index_cast %scan3A_89 : i32 to index
      %swap3A_105 = arith.constant 32 : index
      %swap3A_106 = tpu.vector_load %arg13[%swap3A_104, %swap3A_105] {strides = array<i32>} : memref<80x64xf32, #tpu.memory_space<vmem>>, vector<1x16xf32>,
      %swap3A_107 = vector.shape_cast %swap3A_106 : vector<1x16xf32> to vector<16xf32>
      %swap3A_108 = vector.shape_cast %broadcast_in_dim3A_103 : vector<16xf32> to vector<1x16xf32>
      tpu.vector_store %arg13[%swap3A_104, %swap3A_105], %swap3A_108 {strides = array<i32>} : memref<80x64xf32, #tpu.memory_space<vmem>>, vector<1x16xf32>,
      %broadcast_in_dim3A_109 = arith.constant 0.000000e+00 : f32
      %broadcast_in_dim3A_110 = vector.broadcast %broadcast_in_dim3A_109 : f32 to vector<16xf32>
      %swap3A_111 = arith.index_cast %scan3A_89 : i32 to index
      %swap3A_112 = arith.constant 48 : index
      %swap3A_113 = tpu.vector_load %arg13[%swap3A_111, %swap3A_112] {strides = array<i32>} : memref<80x64xf32, #tpu.memory_space<vmem>>, vector<1x16xf32>,
      %swap3A_114 = vector.shape_cast %swap3A_113 : vector<1x16xf32> to vector<16xf32>
      %swap3A_115 = vector.shape_cast %broadcast_in_dim3A_110 : vector<16xf32> to vector<1x16xf32>
      tpu.vector_store %arg13[%swap3A_111, %swap3A_112], %swap3A_115 {strides = array<i32>} : memref<80x64xf32, #tpu.memory_space<vmem>>, vector<1x16xf32>,
    }
    %scan3A_4 = arith.constant 80 : i32
    %mul3A = arith.constant 640 : i32
    %mul3A_5 = arith.muli %arg1, %mul3A : i32
    %multiple_of3A = tpu.assume_multiple %mul3A_5, 8 : i32
    %lt3A = arith.constant 15 : i32
    %lt3A_6 = arith.cmpi slt, %arg1, %lt3A : i32
    %convert_element_type3A = arith.extui %lt3A_6 : i1 to i32
    %cond3A = arith.constant 0 : i32
    %cond3A_7 = arith.cmpi ne, %convert_element_type3A, %cond3A : i32
    scf.if %cond3A_7 {
      %add3A_89 = arith.constant 0 : i32
      %add3A_90 = arith.addi %multiple_of3A, %add3A_89 : i32
      "tpu.region"() ({
        %run_scoped3A = tpu.sem_alloc : memref<!tpu.dma_semaphore, #tpu.memory_space<semaphore_mem>>
        %dma_start3A_105 = arith.constant 0 : i32
        %dma_start3A_106 = tpu.memref_slice %arg8[%add3A_90, %dma_start3A_105] : memref<10000x64xf32, #tpu.memory_space<vmem_shared>> -> memref<80x64xf32, #tpu.memory_space<vmem_shared>>
        %dma_start3A_107 = arith.constant 0 : i32
        %dma_start3A_108 = tpu.memref_slice %arg8[%add3A_90, %dma_start3A_107] : memref<10000x64xf32, #tpu.memory_space<vmem_shared>> -> memref<80x64xf32, #tpu.memory_space<vmem_shared>>
        tpu.enqueue_dma source(%arg13 : memref<80x64xf32, #tpu.memory_space<vmem>>) target(%dma_start3A_108 : memref<80x64xf32, #tpu.memory_space<vmem_shared>>) target_semaphore(%run_scoped3A : memref<!tpu.dma_semaphore, #tpu.memory_space<semaphore_mem>>)
        %dma_wait3A = arith.constant 0 : i32
        %dma_wait3A_109 = tpu.memref_slice %arg8[%add3A_90, %dma_wait3A] : memref<10000x64xf32, #tpu.memory_space<vmem_shared>> -> memref<80x64xf32, #tpu.memory_space<vmem_shared>>
        %dma_wait3A_110 = arith.constant 0 : i32
        %dma_wait3A_111 = tpu.memref_slice %arg8[%add3A_90, %dma_wait3A_110] : memref<10000x64xf32, #tpu.memory_space<vmem_shared>> -> memref<80x64xf32, #tpu.memory_space<vmem_shared>>
        tpu.wait_dma2 semaphore(%run_scoped3A : memref<!tpu.dma_semaphore, #tpu.memory_space<semaphore_mem>>) src(%arg13 : memref<80x64xf32, #tpu.memory_space<vmem>>) dst(%dma_wait3A_111 : memref<80x64xf32, #tpu.memory_space<vmem_shared>>)
        tpu.yield
      }) : () -> ()
      %add3A_91 = arith.constant 80 : i32
      %add3A_92 = arith.addi %multiple_of3A, %add3A_91 : i32
      "tpu.region"() ({
        %run_scoped3A = tpu.sem_alloc : memref<!tpu.dma_semaphore, #tpu.memory_space<semaphore_mem>>
        %dma_start3A_105 = arith.constant 0 : i32
        %dma_start3A_106 = tpu.memref_slice %arg8[%add3A_92, %dma_start3A_105] : memref<10000x64xf32, #tpu.memory_space<vmem_shared>> -> memref<80x64xf32, #tpu.memory_space<vmem_shared>>
        %dma_start3A_107 = arith.constant 0 : i32
        %dma_start3A_108 = tpu.memref_slice %arg8[%add3A_92, %dma_start3A_107] : memref<10000x64xf32, #tpu.memory_space<vmem_shared>> -> memref<80x64xf32, #tpu.memory_space<vmem_shared>>
        tpu.enqueue_dma source(%arg13 : memref<80x64xf32, #tpu.memory_space<vmem>>) target(%dma_start3A_108 : memref<80x64xf32, #tpu.memory_space<vmem_shared>>) target_semaphore(%run_scoped3A : memref<!tpu.dma_semaphore, #tpu.memory_space<semaphore_mem>>)
        %dma_wait3A = arith.constant 0 : i32
        %dma_wait3A_109 = tpu.memref_slice %arg8[%add3A_92, %dma_wait3A] : memref<10000x64xf32, #tpu.memory_space<vmem_shared>> -> memref<80x64xf32, #tpu.memory_space<vmem_shared>>
        %dma_wait3A_110 = arith.constant 0 : i32
        %dma_wait3A_111 = tpu.memref_slice %arg8[%add3A_92, %dma_wait3A_110] : memref<10000x64xf32, #tpu.memory_space<vmem_shared>> -> memref<80x64xf32, #tpu.memory_space<vmem_shared>>
        tpu.wait_dma2 semaphore(%run_scoped3A : memref<!tpu.dma_semaphore, #tpu.memory_space<semaphore_mem>>) src(%arg13 : memref<80x64xf32, #tpu.memory_space<vmem>>) dst(%dma_wait3A_111 : memref<80x64xf32, #tpu.memory_space<vmem_shared>>)
        tpu.yield
      }) : () -> ()
      %add3A_93 = arith.constant 160 : i32
      %add3A_94 = arith.addi %multiple_of3A, %add3A_93 : i32
      "tpu.region"() ({
        %run_scoped3A = tpu.sem_alloc : memref<!tpu.dma_semaphore, #tpu.memory_space<semaphore_mem>>
        %dma_start3A_105 = arith.constant 0 : i32
        %dma_start3A_106 = tpu.memref_slice %arg8[%add3A_94, %dma_start3A_105] : memref<10000x64xf32, #tpu.memory_space<vmem_shared>> -> memref<80x64xf32, #tpu.memory_space<vmem_shared>>
        %dma_start3A_107 = arith.constant 0 : i32
        %dma_start3A_108 = tpu.memref_slice %arg8[%add3A_94, %dma_start3A_107] : memref<10000x64xf32, #tpu.memory_space<vmem_shared>> -> memref<80x64xf32, #tpu.memory_space<vmem_shared>>
        tpu.enqueue_dma source(%arg13 : memref<80x64xf32, #tpu.memory_space<vmem>>) target(%dma_start3A_108 : memref<80x64xf32, #tpu.memory_space<vmem_shared>>) target_semaphore(%run_scoped3A : memref<!tpu.dma_semaphore, #tpu.memory_space<semaphore_mem>>)
        %dma_wait3A = arith.constant 0 : i32
        %dma_wait3A_109 = tpu.memref_slice %arg8[%add3A_94, %dma_wait3A] : memref<10000x64xf32, #tpu.memory_space<vmem_shared>> -> memref<80x64xf32, #tpu.memory_space<vmem_shared>>
        %dma_wait3A_110 = arith.constant 0 : i32
        %dma_wait3A_111 = tpu.memref_slice %arg8[%add3A_94, %dma_wait3A_110] : memref<10000x64xf32, #tpu.memory_space<vmem_shared>> -> memref<80x64xf32, #tpu.memory_space<vmem_shared>>
        tpu.wait_dma2 semaphore(%run_scoped3A : memref<!tpu.dma_semaphore, #tpu.memory_space<semaphore_mem>>) src(%arg13 : memref<80x64xf32, #tpu.memory_space<vmem>>) dst(%dma_wait3A_111 : memref<80x64xf32, #tpu.memory_space<vmem_shared>>)
        tpu.yield
      }) : () -> ()
      %add3A_95 = arith.constant 240 : i32
      %add3A_96 = arith.addi %multiple_of3A, %add3A_95 : i32
      "tpu.region"() ({
        %run_scoped3A = tpu.sem_alloc : memref<!tpu.dma_semaphore, #tpu.memory_space<semaphore_mem>>
        %dma_start3A_105 = arith.constant 0 : i32
        %dma_start3A_106 = tpu.memref_slice %arg8[%add3A_96, %dma_start3A_105] : memref<10000x64xf32, #tpu.memory_space<vmem_shared>> -> memref<80x64xf32, #tpu.memory_space<vmem_shared>>
        %dma_start3A_107 = arith.constant 0 : i32
        %dma_start3A_108 = tpu.memref_slice %arg8[%add3A_96, %dma_start3A_107] : memref<10000x64xf32, #tpu.memory_space<vmem_shared>> -> memref<80x64xf32, #tpu.memory_space<vmem_shared>>
        tpu.enqueue_dma source(%arg13 : memref<80x64xf32, #tpu.memory_space<vmem>>) target(%dma_start3A_108 : memref<80x64xf32, #tpu.memory_space<vmem_shared>>) target_semaphore(%run_scoped3A : memref<!tpu.dma_semaphore, #tpu.memory_space<semaphore_mem>>)
        %dma_wait3A = arith.constant 0 : i32
        %dma_wait3A_109 = tpu.memref_slice %arg8[%add3A_96, %dma_wait3A] : memref<10000x64xf32, #tpu.memory_space<vmem_shared>> -> memref<80x64xf32, #tpu.memory_space<vmem_shared>>
        %dma_wait3A_110 = arith.constant 0 : i32
        %dma_wait3A_111 = tpu.memref_slice %arg8[%add3A_96, %dma_wait3A_110] : memref<10000x64xf32, #tpu.memory_space<vmem_shared>> -> memref<80x64xf32, #tpu.memory_space<vmem_shared>>
        tpu.wait_dma2 semaphore(%run_scoped3A : memref<!tpu.dma_semaphore, #tpu.memory_space<semaphore_mem>>) src(%arg13 : memref<80x64xf32, #tpu.memory_space<vmem>>) dst(%dma_wait3A_111 : memref<80x64xf32, #tpu.memory_space<vmem_shared>>)
        tpu.yield
      }) : () -> ()
      %add3A_97 = arith.constant 320 : i32
      %add3A_98 = arith.addi %multiple_of3A, %add3A_97 : i32
      "tpu.region"() ({
        %run_scoped3A = tpu.sem_alloc : memref<!tpu.dma_semaphore, #tpu.memory_space<semaphore_mem>>
        %dma_start3A_105 = arith.constant 0 : i32
        %dma_start3A_106 = tpu.memref_slice %arg8[%add3A_98, %dma_start3A_105] : memref<10000x64xf32, #tpu.memory_space<vmem_shared>> -> memref<80x64xf32, #tpu.memory_space<vmem_shared>>
        %dma_start3A_107 = arith.constant 0 : i32
        %dma_start3A_108 = tpu.memref_slice %arg8[%add3A_98, %dma_start3A_107] : memref<10000x64xf32, #tpu.memory_space<vmem_shared>> -> memref<80x64xf32, #tpu.memory_space<vmem_shared>>
        tpu.enqueue_dma source(%arg13 : memref<80x64xf32, #tpu.memory_space<vmem>>) target(%dma_start3A_108 : memref<80x64xf32, #tpu.memory_space<vmem_shared>>) target_semaphore(%run_scoped3A : memref<!tpu.dma_semaphore, #tpu.memory_space<semaphore_mem>>)
        %dma_wait3A = arith.constant 0 : i32
        %dma_wait3A_109 = tpu.memref_slice %arg8[%add3A_98, %dma_wait3A] : memref<10000x64xf32, #tpu.memory_space<vmem_shared>> -> memref<80x64xf32, #tpu.memory_space<vmem_shared>>
        %dma_wait3A_110 = arith.constant 0 : i32
        %dma_wait3A_111 = tpu.memref_slice %arg8[%add3A_98, %dma_wait3A_110] : memref<10000x64xf32, #tpu.memory_space<vmem_shared>> -> memref<80x64xf32, #tpu.memory_space<vmem_shared>>
        tpu.wait_dma2 semaphore(%run_scoped3A : memref<!tpu.dma_semaphore, #tpu.memory_space<semaphore_mem>>) src(%arg13 : memref<80x64xf32, #tpu.memory_space<vmem>>) dst(%dma_wait3A_111 : memref<80x64xf32, #tpu.memory_space<vmem_shared>>)
        tpu.yield
      }) : () -> ()
      %add3A_99 = arith.constant 400 : i32
      %add3A_100 = arith.addi %multiple_of3A, %add3A_99 : i32
      "tpu.region"() ({
        %run_scoped3A = tpu.sem_alloc : memref<!tpu.dma_semaphore, #tpu.memory_space<semaphore_mem>>
        %dma_start3A_105 = arith.constant 0 : i32
        %dma_start3A_106 = tpu.memref_slice %arg8[%add3A_100, %dma_start3A_105] : memref<10000x64xf32, #tpu.memory_space<vmem_shared>> -> memref<80x64xf32, #tpu.memory_space<vmem_shared>>
        %dma_start3A_107 = arith.constant 0 : i32
        %dma_start3A_108 = tpu.memref_slice %arg8[%add3A_100, %dma_start3A_107] : memref<10000x64xf32, #tpu.memory_space<vmem_shared>> -> memref<80x64xf32, #tpu.memory_space<vmem_shared>>
        tpu.enqueue_dma source(%arg13 : memref<80x64xf32, #tpu.memory_space<vmem>>) target(%dma_start3A_108 : memref<80x64xf32, #tpu.memory_space<vmem_shared>>) target_semaphore(%run_scoped3A : memref<!tpu.dma_semaphore, #tpu.memory_space<semaphore_mem>>)
        %dma_wait3A = arith.constant 0 : i32
        %dma_wait3A_109 = tpu.memref_slice %arg8[%add3A_100, %dma_wait3A] : memref<10000x64xf32, #tpu.memory_space<vmem_shared>> -> memref<80x64xf32, #tpu.memory_space<vmem_shared>>
        %dma_wait3A_110 = arith.constant 0 : i32
        %dma_wait3A_111 = tpu.memref_slice %arg8[%add3A_100, %dma_wait3A_110] : memref<10000x64xf32, #tpu.memory_space<vmem_shared>> -> memref<80x64xf32, #tpu.memory_space<vmem_shared>>
        tpu.wait_dma2 semaphore(%run_scoped3A : memref<!tpu.dma_semaphore, #tpu.memory_space<semaphore_mem>>) src(%arg13 : memref<80x64xf32, #tpu.memory_space<vmem>>) dst(%dma_wait3A_111 : memref<80x64xf32, #tpu.memory_space<vmem_shared>>)
        tpu.yield
      }) : () -> ()
      %add3A_101 = arith.constant 480 : i32
      %add3A_102 = arith.addi %multiple_of3A, %add3A_101 : i32
      "tpu.region"() ({
        %run_scoped3A = tpu.sem_alloc : memref<!tpu.dma_semaphore, #tpu.memory_space<semaphore_mem>>
        %dma_start3A_105 = arith.constant 0 : i32
        %dma_start3A_106 = tpu.memref_slice %arg8[%add3A_102, %dma_start3A_105] : memref<10000x64xf32, #tpu.memory_space<vmem_shared>> -> memref<80x64xf32, #tpu.memory_space<vmem_shared>>
        %dma_start3A_107 = arith.constant 0 : i32
        %dma_start3A_108 = tpu.memref_slice %arg8[%add3A_102, %dma_start3A_107] : memref<10000x64xf32, #tpu.memory_space<vmem_shared>> -> memref<80x64xf32, #tpu.memory_space<vmem_shared>>
        tpu.enqueue_dma source(%arg13 : memref<80x64xf32, #tpu.memory_space<vmem>>) target(%dma_start3A_108 : memref<80x64xf32, #tpu.memory_space<vmem_shared>>) target_semaphore(%run_scoped3A : memref<!tpu.dma_semaphore, #tpu.memory_space<semaphore_mem>>)
        %dma_wait3A = arith.constant 0 : i32
        %dma_wait3A_109 = tpu.memref_slice %arg8[%add3A_102, %dma_wait3A] : memref<10000x64xf32, #tpu.memory_space<vmem_shared>> -> memref<80x64xf32, #tpu.memory_space<vmem_shared>>
        %dma_wait3A_110 = arith.constant 0 : i32
        %dma_wait3A_111 = tpu.memref_slice %arg8[%add3A_102, %dma_wait3A_110] : memref<10000x64xf32, #tpu.memory_space<vmem_shared>> -> memref<80x64xf32, #tpu.memory_space<vmem_shared>>
        tpu.wait_dma2 semaphore(%run_scoped3A : memref<!tpu.dma_semaphore, #tpu.memory_space<semaphore_mem>>) src(%arg13 : memref<80x64xf32, #tpu.memory_space<vmem>>) dst(%dma_wait3A_111 : memref<80x64xf32, #tpu.memory_space<vmem_shared>>)
        tpu.yield
      }) : () -> ()
      %add3A_103 = arith.constant 560 : i32
      %add3A_104 = arith.addi %multiple_of3A, %add3A_103 : i32
      "tpu.region"() ({
        %run_scoped3A = tpu.sem_alloc : memref<!tpu.dma_semaphore, #tpu.memory_space<semaphore_mem>>
        %dma_start3A_105 = arith.constant 0 : i32
        %dma_start3A_106 = tpu.memref_slice %arg8[%add3A_104, %dma_start3A_105] : memref<10000x64xf32, #tpu.memory_space<vmem_shared>> -> memref<80x64xf32, #tpu.memory_space<vmem_shared>>
        %dma_start3A_107 = arith.constant 0 : i32
        %dma_start3A_108 = tpu.memref_slice %arg8[%add3A_104, %dma_start3A_107] : memref<10000x64xf32, #tpu.memory_space<vmem_shared>> -> memref<80x64xf32, #tpu.memory_space<vmem_shared>>
        tpu.enqueue_dma source(%arg13 : memref<80x64xf32, #tpu.memory_space<vmem>>) target(%dma_start3A_108 : memref<80x64xf32, #tpu.memory_space<vmem_shared>>) target_semaphore(%run_scoped3A : memref<!tpu.dma_semaphore, #tpu.memory_space<semaphore_mem>>)
        %dma_wait3A = arith.constant 0 : i32
        %dma_wait3A_109 = tpu.memref_slice %arg8[%add3A_104, %dma_wait3A] : memref<10000x64xf32, #tpu.memory_space<vmem_shared>> -> memref<80x64xf32, #tpu.memory_space<vmem_shared>>
        %dma_wait3A_110 = arith.constant 0 : i32
        %dma_wait3A_111 = tpu.memref_slice %arg8[%add3A_104, %dma_wait3A_110] : memref<10000x64xf32, #tpu.memory_space<vmem_shared>> -> memref<80x64xf32, #tpu.memory_space<vmem_shared>>
        tpu.wait_dma2 semaphore(%run_scoped3A : memref<!tpu.dma_semaphore, #tpu.memory_space<semaphore_mem>>) src(%arg13 : memref<80x64xf32, #tpu.memory_space<vmem>>) dst(%dma_wait3A_111 : memref<80x64xf32, #tpu.memory_space<vmem_shared>>)
        tpu.yield
      }) : () -> ()
    } else {
    }
    %eq3A = arith.constant 15 : i32
    %eq3A_8 = arith.cmpi eq, %arg1, %eq3A : i32
    %convert_element_type3A_9 = arith.extui %eq3A_8 : i1 to i32
    %cond3A_10 = arith.constant 0 : i32
    %cond3A_11 = arith.cmpi ne, %convert_element_type3A_9, %cond3A_10 : i32
    scf.if %cond3A_11 {
      %add3A_89 = arith.constant 0 : i32
      %add3A_90 = arith.addi %multiple_of3A, %add3A_89 : i32
      "tpu.region"() ({
        %run_scoped3A = tpu.sem_alloc : memref<!tpu.dma_semaphore, #tpu.memory_space<semaphore_mem>>
        %dma_start3A_99 = arith.constant 0 : i32
        %dma_start3A_100 = tpu.memref_slice %arg8[%add3A_90, %dma_start3A_99] : memref<10000x64xf32, #tpu.memory_space<vmem_shared>> -> memref<80x64xf32, #tpu.memory_space<vmem_shared>>
        %dma_start3A_101 = arith.constant 0 : i32
        %dma_start3A_102 = tpu.memref_slice %arg8[%add3A_90, %dma_start3A_101] : memref<10000x64xf32, #tpu.memory_space<vmem_shared>> -> memref<80x64xf32, #tpu.memory_space<vmem_shared>>
        tpu.enqueue_dma source(%arg13 : memref<80x64xf32, #tpu.memory_space<vmem>>) target(%dma_start3A_102 : memref<80x64xf32, #tpu.memory_space<vmem_shared>>) target_semaphore(%run_scoped3A : memref<!tpu.dma_semaphore, #tpu.memory_space<semaphore_mem>>)
        %dma_wait3A = arith.constant 0 : i32
        %dma_wait3A_103 = tpu.memref_slice %arg8[%add3A_90, %dma_wait3A] : memref<10000x64xf32, #tpu.memory_space<vmem_shared>> -> memref<80x64xf32, #tpu.memory_space<vmem_shared>>
        %dma_wait3A_104 = arith.constant 0 : i32
        %dma_wait3A_105 = tpu.memref_slice %arg8[%add3A_90, %dma_wait3A_104] : memref<10000x64xf32, #tpu.memory_space<vmem_shared>> -> memref<80x64xf32, #tpu.memory_space<vmem_shared>>
        tpu.wait_dma2 semaphore(%run_scoped3A : memref<!tpu.dma_semaphore, #tpu.memory_space<semaphore_mem>>) src(%arg13 : memref<80x64xf32, #tpu.memory_space<vmem>>) dst(%dma_wait3A_105 : memref<80x64xf32, #tpu.memory_space<vmem_shared>>)
        tpu.yield
      }) : () -> ()
      %add3A_91 = arith.constant 80 : i32
      %add3A_92 = arith.addi %multiple_of3A, %add3A_91 : i32
      "tpu.region"() ({
        %run_scoped3A = tpu.sem_alloc : memref<!tpu.dma_semaphore, #tpu.memory_space<semaphore_mem>>
        %dma_start3A_99 = arith.constant 0 : i32
        %dma_start3A_100 = tpu.memref_slice %arg8[%add3A_92, %dma_start3A_99] : memref<10000x64xf32, #tpu.memory_space<vmem_shared>> -> memref<80x64xf32, #tpu.memory_space<vmem_shared>>
        %dma_start3A_101 = arith.constant 0 : i32
        %dma_start3A_102 = tpu.memref_slice %arg8[%add3A_92, %dma_start3A_101] : memref<10000x64xf32, #tpu.memory_space<vmem_shared>> -> memref<80x64xf32, #tpu.memory_space<vmem_shared>>
        tpu.enqueue_dma source(%arg13 : memref<80x64xf32, #tpu.memory_space<vmem>>) target(%dma_start3A_102 : memref<80x64xf32, #tpu.memory_space<vmem_shared>>) target_semaphore(%run_scoped3A : memref<!tpu.dma_semaphore, #tpu.memory_space<semaphore_mem>>)
        %dma_wait3A = arith.constant 0 : i32
        %dma_wait3A_103 = tpu.memref_slice %arg8[%add3A_92, %dma_wait3A] : memref<10000x64xf32, #tpu.memory_space<vmem_shared>> -> memref<80x64xf32, #tpu.memory_space<vmem_shared>>
        %dma_wait3A_104 = arith.constant 0 : i32
        %dma_wait3A_105 = tpu.memref_slice %arg8[%add3A_92, %dma_wait3A_104] : memref<10000x64xf32, #tpu.memory_space<vmem_shared>> -> memref<80x64xf32, #tpu.memory_space<vmem_shared>>
        tpu.wait_dma2 semaphore(%run_scoped3A : memref<!tpu.dma_semaphore, #tpu.memory_space<semaphore_mem>>) src(%arg13 : memref<80x64xf32, #tpu.memory_space<vmem>>) dst(%dma_wait3A_105 : memref<80x64xf32, #tpu.memory_space<vmem_shared>>)
        tpu.yield
      }) : () -> ()
      %add3A_93 = arith.constant 160 : i32
      %add3A_94 = arith.addi %multiple_of3A, %add3A_93 : i32
      "tpu.region"() ({
        %run_scoped3A = tpu.sem_alloc : memref<!tpu.dma_semaphore, #tpu.memory_space<semaphore_mem>>
        %dma_start3A_99 = arith.constant 0 : i32
        %dma_start3A_100 = tpu.memref_slice %arg8[%add3A_94, %dma_start3A_99] : memref<10000x64xf32, #tpu.memory_space<vmem_shared>> -> memref<80x64xf32, #tpu.memory_space<vmem_shared>>
        %dma_start3A_101 = arith.constant 0 : i32
        %dma_start3A_102 = tpu.memref_slice %arg8[%add3A_94, %dma_start3A_101] : memref<10000x64xf32, #tpu.memory_space<vmem_shared>> -> memref<80x64xf32, #tpu.memory_space<vmem_shared>>
        tpu.enqueue_dma source(%arg13 : memref<80x64xf32, #tpu.memory_space<vmem>>) target(%dma_start3A_102 : memref<80x64xf32, #tpu.memory_space<vmem_shared>>) target_semaphore(%run_scoped3A : memref<!tpu.dma_semaphore, #tpu.memory_space<semaphore_mem>>)
        %dma_wait3A = arith.constant 0 : i32
        %dma_wait3A_103 = tpu.memref_slice %arg8[%add3A_94, %dma_wait3A] : memref<10000x64xf32, #tpu.memory_space<vmem_shared>> -> memref<80x64xf32, #tpu.memory_space<vmem_shared>>
        %dma_wait3A_104 = arith.constant 0 : i32
        %dma_wait3A_105 = tpu.memref_slice %arg8[%add3A_94, %dma_wait3A_104] : memref<10000x64xf32, #tpu.memory_space<vmem_shared>> -> memref<80x64xf32, #tpu.memory_space<vmem_shared>>
        tpu.wait_dma2 semaphore(%run_scoped3A : memref<!tpu.dma_semaphore, #tpu.memory_space<semaphore_mem>>) src(%arg13 : memref<80x64xf32, #tpu.memory_space<vmem>>) dst(%dma_wait3A_105 : memref<80x64xf32, #tpu.memory_space<vmem_shared>>)
        tpu.yield
      }) : () -> ()
      %add3A_95 = arith.constant 240 : i32
      %add3A_96 = arith.addi %multiple_of3A, %add3A_95 : i32
      "tpu.region"() ({
        %run_scoped3A = tpu.sem_alloc : memref<!tpu.dma_semaphore, #tpu.memory_space<semaphore_mem>>
        %dma_start3A_99 = arith.constant 0 : i32
        %dma_start3A_100 = tpu.memref_slice %arg8[%add3A_96, %dma_start3A_99] : memref<10000x64xf32, #tpu.memory_space<vmem_shared>> -> memref<80x64xf32, #tpu.memory_space<vmem_shared>>
        %dma_start3A_101 = arith.constant 0 : i32
        %dma_start3A_102 = tpu.memref_slice %arg8[%add3A_96, %dma_start3A_101] : memref<10000x64xf32, #tpu.memory_space<vmem_shared>> -> memref<80x64xf32, #tpu.memory_space<vmem_shared>>
        tpu.enqueue_dma source(%arg13 : memref<80x64xf32, #tpu.memory_space<vmem>>) target(%dma_start3A_102 : memref<80x64xf32, #tpu.memory_space<vmem_shared>>) target_semaphore(%run_scoped3A : memref<!tpu.dma_semaphore, #tpu.memory_space<semaphore_mem>>)
        %dma_wait3A = arith.constant 0 : i32
        %dma_wait3A_103 = tpu.memref_slice %arg8[%add3A_96, %dma_wait3A] : memref<10000x64xf32, #tpu.memory_space<vmem_shared>> -> memref<80x64xf32, #tpu.memory_space<vmem_shared>>
        %dma_wait3A_104 = arith.constant 0 : i32
        %dma_wait3A_105 = tpu.memref_slice %arg8[%add3A_96, %dma_wait3A_104] : memref<10000x64xf32, #tpu.memory_space<vmem_shared>> -> memref<80x64xf32, #tpu.memory_space<vmem_shared>>
        tpu.wait_dma2 semaphore(%run_scoped3A : memref<!tpu.dma_semaphore, #tpu.memory_space<semaphore_mem>>) src(%arg13 : memref<80x64xf32, #tpu.memory_space<vmem>>) dst(%dma_wait3A_105 : memref<80x64xf32, #tpu.memory_space<vmem_shared>>)
        tpu.yield
      }) : () -> ()
      %add3A_97 = arith.constant 320 : i32
      %add3A_98 = arith.addi %multiple_of3A, %add3A_97 : i32
      "tpu.region"() ({
        %run_scoped3A = tpu.sem_alloc : memref<!tpu.dma_semaphore, #tpu.memory_space<semaphore_mem>>
        %dma_start3A_99 = arith.constant 0 : i32
        %dma_start3A_100 = tpu.memref_slice %arg8[%add3A_98, %dma_start3A_99] : memref<10000x64xf32, #tpu.memory_space<vmem_shared>> -> memref<80x64xf32, #tpu.memory_space<vmem_shared>>
        %dma_start3A_101 = arith.constant 0 : i32
        %dma_start3A_102 = tpu.memref_slice %arg8[%add3A_98, %dma_start3A_101] : memref<10000x64xf32, #tpu.memory_space<vmem_shared>> -> memref<80x64xf32, #tpu.memory_space<vmem_shared>>
        tpu.enqueue_dma source(%arg13 : memref<80x64xf32, #tpu.memory_space<vmem>>) target(%dma_start3A_102 : memref<80x64xf32, #tpu.memory_space<vmem_shared>>) target_semaphore(%run_scoped3A : memref<!tpu.dma_semaphore, #tpu.memory_space<semaphore_mem>>)
        %dma_wait3A = arith.constant 0 : i32
        %dma_wait3A_103 = tpu.memref_slice %arg8[%add3A_98, %dma_wait3A] : memref<10000x64xf32, #tpu.memory_space<vmem_shared>> -> memref<80x64xf32, #tpu.memory_space<vmem_shared>>
        %dma_wait3A_104 = arith.constant 0 : i32
        %dma_wait3A_105 = tpu.memref_slice %arg8[%add3A_98, %dma_wait3A_104] : memref<10000x64xf32, #tpu.memory_space<vmem_shared>> -> memref<80x64xf32, #tpu.memory_space<vmem_shared>>
        tpu.wait_dma2 semaphore(%run_scoped3A : memref<!tpu.dma_semaphore, #tpu.memory_space<semaphore_mem>>) src(%arg13 : memref<80x64xf32, #tpu.memory_space<vmem>>) dst(%dma_wait3A_105 : memref<80x64xf32, #tpu.memory_space<vmem_shared>>)
        tpu.yield
      }) : () -> ()
    } else {
    }
    %barrier3A = arith.constant 0 : index
    tpu.barrier barrier_id(%barrier3A)
    %mul3A_12 = arith.constant 320000 : i32
    %mul3A_13 = arith.muli %arg0, %mul3A_12 : i32
    %mul3A_14 = arith.constant 20000 : i32
    %mul3A_15 = arith.muli %arg1, %mul3A_14 : i32
    %add3A = arith.addi %mul3A_13, %mul3A_15 : i32
    "tpu.region"() ({
      %run_scoped3A = tpu.sem_alloc : memref<!tpu.dma_semaphore, #tpu.memory_space<semaphore_mem>>
      %dma_start3A_89 = arith.constant 0 : i32
      %dma_start3A_90 = arith.constant 0 : i32
      %dma_start3A_91 = tpu.memref_slice %arg4[%arg1, %dma_start3A_89, %dma_start3A_90] : memref<16x250x80xi32, #tpu.memory_space<hbm>> -> memref<1x250x80xi32, #tpu.memory_space<hbm>>
      %dma_start3A_92 = tpu.memref_squeeze %dma_start3A_91 : memref<1x250x80xi32, #tpu.memory_space<hbm>> -> memref<250x80xi32, #tpu.memory_space<hbm>>
      %dma_start3A_93 = arith.constant 0 : i32
      %dma_start3A_94 = arith.constant 0 : i32
      %dma_start3A_95 = tpu.memref_slice %arg4[%arg1, %dma_start3A_93, %dma_start3A_94] : memref<16x250x80xi32, #tpu.memory_space<hbm>> -> memref<1x250x80xi32, #tpu.memory_space<hbm>>
      %dma_start3A_96 = tpu.memref_squeeze %dma_start3A_95 : memref<1x250x80xi32, #tpu.memory_space<hbm>> -> memref<250x80xi32, #tpu.memory_space<hbm>>
      tpu.enqueue_dma source(%dma_start3A_96 : memref<250x80xi32, #tpu.memory_space<hbm>>) target(%arg9 : memref<250x80xi32, #tpu.memory_space<vmem>>) target_semaphore(%run_scoped3A : memref<!tpu.dma_semaphore, #tpu.memory_space<semaphore_mem>>)
      %dma_wait3A = arith.constant 0 : i32
      %dma_wait3A_97 = arith.constant 0 : i32
      %dma_wait3A_98 = tpu.memref_slice %arg4[%arg1, %dma_wait3A, %dma_wait3A_97] : memref<16x250x80xi32, #tpu.memory_space<hbm>> -> memref<1x250x80xi32, #tpu.memory_space<hbm>>
      %dma_wait3A_99 = tpu.memref_squeeze %dma_wait3A_98 : memref<1x250x80xi32, #tpu.memory_space<hbm>> -> memref<250x80xi32, #tpu.memory_space<hbm>>
      %dma_wait3A_100 = arith.constant 0 : i32
      %dma_wait3A_101 = arith.constant 0 : i32
      %dma_wait3A_102 = tpu.memref_slice %arg4[%arg1, %dma_wait3A_100, %dma_wait3A_101] : memref<16x250x80xi32, #tpu.memory_space<hbm>> -> memref<1x250x80xi32, #tpu.memory_space<hbm>>
      %dma_wait3A_103 = tpu.memref_squeeze %dma_wait3A_102 : memref<1x250x80xi32, #tpu.memory_space<hbm>> -> memref<250x80xi32, #tpu.memory_space<hbm>>
      tpu.wait_dma2 semaphore(%run_scoped3A : memref<!tpu.dma_semaphore, #tpu.memory_space<semaphore_mem>>) src(%dma_wait3A_103 : memref<250x80xi32, #tpu.memory_space<hbm>>) dst(%arg9 : memref<250x80xi32, #tpu.memory_space<vmem>>)
      tpu.yield
    }) : () -> ()
    "tpu.region"() ({
      %run_scoped3A = tpu.sem_alloc : memref<!tpu.dma_semaphore, #tpu.memory_space<semaphore_mem>>
      %dma_start3A_89 = arith.constant 0 : i32
      %dma_start3A_90 = arith.constant 0 : i32
      %dma_start3A_91 = tpu.memref_slice %arg5[%arg1, %dma_start3A_89, %dma_start3A_90] : memref<16x250x80xi32, #tpu.memory_space<hbm>> -> memref<1x250x80xi32, #tpu.memory_space<hbm>>
      %dma_start3A_92 = tpu.memref_squeeze %dma_start3A_91 : memref<1x250x80xi32, #tpu.memory_space<hbm>> -> memref<250x80xi32, #tpu.memory_space<hbm>>
      %dma_start3A_93 = arith.constant 0 : i32
      %dma_start3A_94 = arith.constant 0 : i32
      %dma_start3A_95 = tpu.memref_slice %arg5[%arg1, %dma_start3A_93, %dma_start3A_94] : memref<16x250x80xi32, #tpu.memory_space<hbm>> -> memref<1x250x80xi32, #tpu.memory_space<hbm>>
      %dma_start3A_96 = tpu.memref_squeeze %dma_start3A_95 : memref<1x250x80xi32, #tpu.memory_space<hbm>> -> memref<250x80xi32, #tpu.memory_space<hbm>>
      tpu.enqueue_dma source(%dma_start3A_96 : memref<250x80xi32, #tpu.memory_space<hbm>>) target(%arg10 : memref<250x80xi32, #tpu.memory_space<vmem>>) target_semaphore(%run_scoped3A : memref<!tpu.dma_semaphore, #tpu.memory_space<semaphore_mem>>)
      %dma_wait3A = arith.constant 0 : i32
      %dma_wait3A_97 = arith.constant 0 : i32
      %dma_wait3A_98 = tpu.memref_slice %arg5[%arg1, %dma_wait3A, %dma_wait3A_97] : memref<16x250x80xi32, #tpu.memory_space<hbm>> -> memref<1x250x80xi32, #tpu.memory_space<hbm>>
      %dma_wait3A_99 = tpu.memref_squeeze %dma_wait3A_98 : memref<1x250x80xi32, #tpu.memory_space<hbm>> -> memref<250x80xi32, #tpu.memory_space<hbm>>
      %dma_wait3A_100 = arith.constant 0 : i32
      %dma_wait3A_101 = arith.constant 0 : i32
      %dma_wait3A_102 = tpu.memref_slice %arg5[%arg1, %dma_wait3A_100, %dma_wait3A_101] : memref<16x250x80xi32, #tpu.memory_space<hbm>> -> memref<1x250x80xi32, #tpu.memory_space<hbm>>
      %dma_wait3A_103 = tpu.memref_squeeze %dma_wait3A_102 : memref<1x250x80xi32, #tpu.memory_space<hbm>> -> memref<250x80xi32, #tpu.memory_space<hbm>>
      tpu.wait_dma2 semaphore(%run_scoped3A : memref<!tpu.dma_semaphore, #tpu.memory_space<semaphore_mem>>) src(%dma_wait3A_103 : memref<250x80xi32, #tpu.memory_space<hbm>>) dst(%arg10 : memref<250x80xi32, #tpu.memory_space<vmem>>)
      tpu.yield
    }) : () -> ()
    %mul3A_16 = arith.constant 10000 : i32
    %mul3A_17 = arith.muli %arg0, %mul3A_16 : i32
    %scan3A_18 = arith.constant 0 : i32
    %scan3A_19 = arith.constant 0 : i32
    %scan3A_20 = arith.constant 250 : i32
    %scan3A_21 = arith.addi %scan3A_19, %scan3A_20 : i32
    %scan3A_22 = arith.constant 1 : i32
    scf.for %scan3A_89 = %scan3A_19 to %scan3A_21 step %scan3A_22  : i32 {
      %get3A = arith.index_cast %scan3A_89 : i32 to index
      %get3A_90 = arith.constant 0 : index
      %get3A_91 = tpu.vector_load %arg9[%get3A, %get3A_90] {strides = array<i32>} : memref<250x80xi32, #tpu.memory_space<vmem>>, vector<1x16xi32>,
      %get3A_92 = vector.shape_cast %get3A_91 : vector<1x16xi32> to vector<16xi32>
      %add3A_93 = vector.broadcast %mul3A_17 : i32 to vector<16xi32>
      %add3A_94 = arith.addi %get3A_92, %add3A_93 : vector<16xi32>
      %swap3A = arith.index_cast %scan3A_89 : i32 to index
      %swap3A_95 = arith.constant 0 : index
      %swap3A_96 = tpu.vector_load %arg9[%swap3A, %swap3A_95] {strides = array<i32>} : memref<250x80xi32, #tpu.memory_space<vmem>>, vector<1x16xi32>,
      %swap3A_97 = vector.shape_cast %swap3A_96 : vector<1x16xi32> to vector<16xi32>
      %swap3A_98 = vector.shape_cast %add3A_94 : vector<16xi32> to vector<1x16xi32>
      tpu.vector_store %arg9[%swap3A, %swap3A_95], %swap3A_98 {strides = array<i32>} : memref<250x80xi32, #tpu.memory_space<vmem>>, vector<1x16xi32>,
      %get3A_99 = arith.index_cast %scan3A_89 : i32 to index
      %get3A_100 = arith.constant 16 : index
      %get3A_101 = tpu.vector_load %arg9[%get3A_99, %get3A_100] {strides = array<i32>} : memref<250x80xi32, #tpu.memory_space<vmem>>, vector<1x16xi32>,
      %get3A_102 = vector.shape_cast %get3A_101 : vector<1x16xi32> to vector<16xi32>
      %add3A_103 = vector.broadcast %mul3A_17 : i32 to vector<16xi32>
      %add3A_104 = arith.addi %get3A_102, %add3A_103 : vector<16xi32>
      %swap3A_105 = arith.index_cast %scan3A_89 : i32 to index
      %swap3A_106 = arith.constant 16 : index
      %swap3A_107 = tpu.vector_load %arg9[%swap3A_105, %swap3A_106] {strides = array<i32>} : memref<250x80xi32, #tpu.memory_space<vmem>>, vector<1x16xi32>,
      %swap3A_108 = vector.shape_cast %swap3A_107 : vector<1x16xi32> to vector<16xi32>
      %swap3A_109 = vector.shape_cast %add3A_104 : vector<16xi32> to vector<1x16xi32>
      tpu.vector_store %arg9[%swap3A_105, %swap3A_106], %swap3A_109 {strides = array<i32>} : memref<250x80xi32, #tpu.memory_space<vmem>>, vector<1x16xi32>,
      %get3A_110 = arith.index_cast %scan3A_89 : i32 to index
      %get3A_111 = arith.constant 32 : index
      %get3A_112 = tpu.vector_load %arg9[%get3A_110, %get3A_111] {strides = array<i32>} : memref<250x80xi32, #tpu.memory_space<vmem>>, vector<1x16xi32>,
      %get3A_113 = vector.shape_cast %get3A_112 : vector<1x16xi32> to vector<16xi32>
      %add3A_114 = vector.broadcast %mul3A_17 : i32 to vector<16xi32>
      %add3A_115 = arith.addi %get3A_113, %add3A_114 : vector<16xi32>
      %swap3A_116 = arith.index_cast %scan3A_89 : i32 to index
      %swap3A_117 = arith.constant 32 : index
      %swap3A_118 = tpu.vector_load %arg9[%swap3A_116, %swap3A_117] {strides = array<i32>} : memref<250x80xi32, #tpu.memory_space<vmem>>, vector<1x16xi32>,
      %swap3A_119 = vector.shape_cast %swap3A_118 : vector<1x16xi32> to vector<16xi32>
      %swap3A_120 = vector.shape_cast %add3A_115 : vector<16xi32> to vector<1x16xi32>
      tpu.vector_store %arg9[%swap3A_116, %swap3A_117], %swap3A_120 {strides = array<i32>} : memref<250x80xi32, #tpu.memory_space<vmem>>, vector<1x16xi32>,
      %get3A_121 = arith.index_cast %scan3A_89 : i32 to index
      %get3A_122 = arith.constant 48 : index
      %get3A_123 = tpu.vector_load %arg9[%get3A_121, %get3A_122] {strides = array<i32>} : memref<250x80xi32, #tpu.memory_space<vmem>>, vector<1x16xi32>,
      %get3A_124 = vector.shape_cast %get3A_123 : vector<1x16xi32> to vector<16xi32>
      %add3A_125 = vector.broadcast %mul3A_17 : i32 to vector<16xi32>
      %add3A_126 = arith.addi %get3A_124, %add3A_125 : vector<16xi32>
      %swap3A_127 = arith.index_cast %scan3A_89 : i32 to index
      %swap3A_128 = arith.constant 48 : index
      %swap3A_129 = tpu.vector_load %arg9[%swap3A_127, %swap3A_128] {strides = array<i32>} : memref<250x80xi32, #tpu.memory_space<vmem>>, vector<1x16xi32>,
      %swap3A_130 = vector.shape_cast %swap3A_129 : vector<1x16xi32> to vector<16xi32>
      %swap3A_131 = vector.shape_cast %add3A_126 : vector<16xi32> to vector<1x16xi32>
      tpu.vector_store %arg9[%swap3A_127, %swap3A_128], %swap3A_131 {strides = array<i32>} : memref<250x80xi32, #tpu.memory_space<vmem>>, vector<1x16xi32>,
      %get3A_132 = arith.index_cast %scan3A_89 : i32 to index
      %get3A_133 = arith.constant 64 : index
      %get3A_134 = tpu.vector_load %arg9[%get3A_132, %get3A_133] {strides = array<i32>} : memref<250x80xi32, #tpu.memory_space<vmem>>, vector<1x16xi32>,
      %get3A_135 = vector.shape_cast %get3A_134 : vector<1x16xi32> to vector<16xi32>
      %add3A_136 = vector.broadcast %mul3A_17 : i32 to vector<16xi32>
      %add3A_137 = arith.addi %get3A_135, %add3A_136 : vector<16xi32>
      %swap3A_138 = arith.index_cast %scan3A_89 : i32 to index
      %swap3A_139 = arith.constant 64 : index
      %swap3A_140 = tpu.vector_load %arg9[%swap3A_138, %swap3A_139] {strides = array<i32>} : memref<250x80xi32, #tpu.memory_space<vmem>>, vector<1x16xi32>,
      %swap3A_141 = vector.shape_cast %swap3A_140 : vector<1x16xi32> to vector<16xi32>
      %swap3A_142 = vector.shape_cast %add3A_137 : vector<16xi32> to vector<1x16xi32>
      tpu.vector_store %arg9[%swap3A_138, %swap3A_139], %swap3A_142 {strides = array<i32>} : memref<250x80xi32, #tpu.memory_space<vmem>>, vector<1x16xi32>,
    }
    %scan3A_23 = arith.constant 250 : i32
    %add3A_24 = arith.constant 0 : i32
    %add3A_25 = arith.addi %add3A, %add3A_24 : i32
    %multiple_of3A_26 = tpu.assume_multiple %add3A_25, 8 : i32
    %dma_start3A = arith.constant 0 : i32
    %dma_start3A_27 = tpu.memref_slice %arg3[%multiple_of3A_26, %dma_start3A] : memref<640000x64xf32, #tpu.memory_space<hbm>> -> memref<80x64xf32, #tpu.memory_space<hbm>>
    %dma_start3A_28 = arith.constant 0 : i32
    %dma_start3A_29 = tpu.memref_slice %arg3[%multiple_of3A_26, %dma_start3A_28] : memref<640000x64xf32, #tpu.memory_space<hbm>> -> memref<80x64xf32, #tpu.memory_space<hbm>>
    tpu.enqueue_dma source(%dma_start3A_29 : memref<80x64xf32, #tpu.memory_space<hbm>>) target(%arg11 : memref<80x64xf32, #tpu.memory_space<vmem>>) target_semaphore(%arg15 : memref<!tpu.dma_semaphore, #tpu.memory_space<semaphore_mem>>)
    %dma_start3A_30 = arith.constant 0 : i32
    %dma_start3A_31 = arith.constant 0 : i32
    %dma_start3A_32 = tpu.memref_slice %arg9[%dma_start3A_30, %dma_start3A_31] : memref<250x80xi32, #tpu.memory_space<vmem>> -> memref<1x80xi32, #tpu.memory_space<vmem>>
    %dma_start3A_33 = tpu.memref_squeeze %dma_start3A_32 : memref<1x80xi32, #tpu.memory_space<vmem>> -> memref<80xi32, #tpu.memory_space<vmem>>
    %dma_start3A_34 = arith.constant 0 : i32
    %dma_start3A_35 = arith.constant 0 : i32
    %dma_start3A_36 = tpu.memref_slice %arg2[%dma_start3A_34, %dma_start3A_35] : memref<20000x64xf32, #tpu.memory_space<hbm>> -> memref<20000x64xf32, #tpu.memory_space<hbm>>
    tpu.enqueue_indirect_dma source(%dma_start3A_36 : memref<20000x64xf32, #tpu.memory_space<hbm>>) target(%arg13 : memref<80x64xf32, #tpu.memory_space<vmem>>) offsets(%dma_start3A_33 : memref<80xi32, #tpu.memory_space<vmem>>) semaphore(%arg17 : memref<!tpu.dma_semaphore, #tpu.memory_space<semaphore_mem>>)
    %add3A_37 = arith.constant 80 : i32
    %add3A_38 = arith.addi %add3A, %add3A_37 : i32
    %multiple_of3A_39 = tpu.assume_multiple %add3A_38, 8 : i32
    %dma_start3A_40 = arith.constant 0 : i32
    %dma_start3A_41 = tpu.memref_slice %arg3[%multiple_of3A_39, %dma_start3A_40] : memref<640000x64xf32, #tpu.memory_space<hbm>> -> memref<80x64xf32, #tpu.memory_space<hbm>>
    %dma_start3A_42 = arith.constant 0 : i32
    %dma_start3A_43 = tpu.memref_slice %arg3[%multiple_of3A_39, %dma_start3A_42] : memref<640000x64xf32, #tpu.memory_space<hbm>> -> memref<80x64xf32, #tpu.memory_space<hbm>>
    tpu.enqueue_dma source(%dma_start3A_43 : memref<80x64xf32, #tpu.memory_space<hbm>>) target(%arg12 : memref<80x64xf32, #tpu.memory_space<vmem>>) target_semaphore(%arg16 : memref<!tpu.dma_semaphore, #tpu.memory_space<semaphore_mem>>)
    %dma_start3A_44 = arith.constant 1 : i32
    %dma_start3A_45 = arith.constant 0 : i32
    %dma_start3A_46 = tpu.memref_slice %arg9[%dma_start3A_44, %dma_start3A_45] : memref<250x80xi32, #tpu.memory_space<vmem>> -> memref<1x80xi32, #tpu.memory_space<vmem>>
    %dma_start3A_47 = tpu.memref_squeeze %dma_start3A_46 : memref<1x80xi32, #tpu.memory_space<vmem>> -> memref<80xi32, #tpu.memory_space<vmem>>
    %dma_start3A_48 = arith.constant 0 : i32
    %dma_start3A_49 = arith.constant 0 : i32
    %dma_start3A_50 = tpu.memref_slice %arg2[%dma_start3A_48, %dma_start3A_49] : memref<20000x64xf32, #tpu.memory_space<hbm>> -> memref<20000x64xf32, #tpu.memory_space<hbm>>
    tpu.enqueue_indirect_dma source(%dma_start3A_50 : memref<20000x64xf32, #tpu.memory_space<hbm>>) target(%arg14 : memref<80x64xf32, #tpu.memory_space<vmem>>) offsets(%dma_start3A_47 : memref<80xi32, #tpu.memory_space<vmem>>) semaphore(%arg18 : memref<!tpu.dma_semaphore, #tpu.memory_space<semaphore_mem>>)
    %scan3A_51 = arith.constant 0 : i32
    %scan3A_52 = arith.constant 0 : i32
    %scan3A_53 = arith.constant 125 : i32
    %scan3A_54 = arith.addi %scan3A_52, %scan3A_53 : i32
    %scan3A_55 = arith.constant 1 : i32
    scf.for %scan3A_89 = %scan3A_52 to %scan3A_54 step %scan3A_55  : i32 {
      %mul3A_90 = arith.constant 2 : i32
      %mul3A_91 = arith.muli %mul3A_90, %scan3A_89 : i32
      %add3A_92 = arith.constant 0 : i32
      %add3A_93 = arith.addi %mul3A_91, %add3A_92 : i32
      %multiple_of3A_94 = tpu.assume_multiple %add3A, 8 : i32
      %dma_wait3A = arith.constant 0 : i32
      %dma_wait3A_95 = tpu.memref_slice %arg3[%multiple_of3A_94, %dma_wait3A] : memref<640000x64xf32, #tpu.memory_space<hbm>> -> memref<80x64xf32, #tpu.memory_space<hbm>>
      %dma_wait3A_96 = arith.constant 0 : i32
      %dma_wait3A_97 = tpu.memref_slice %arg3[%multiple_of3A_94, %dma_wait3A_96] : memref<640000x64xf32, #tpu.memory_space<hbm>> -> memref<80x64xf32, #tpu.memory_space<hbm>>
      tpu.wait_dma2 semaphore(%arg15 : memref<!tpu.dma_semaphore, #tpu.memory_space<semaphore_mem>>) src(%dma_wait3A_97 : memref<80x64xf32, #tpu.memory_space<hbm>>) dst(%arg11 : memref<80x64xf32, #tpu.memory_space<vmem>>)
      %dma_wait3A_98 = arith.constant 0 : i32
      %dma_wait3A_99 = tpu.memref_slice %arg9[%add3A_93, %dma_wait3A_98] : memref<250x80xi32, #tpu.memory_space<vmem>> -> memref<1x80xi32, #tpu.memory_space<vmem>>
      %dma_wait3A_100 = tpu.memref_squeeze %dma_wait3A_99 : memref<1x80xi32, #tpu.memory_space<vmem>> -> memref<80xi32, #tpu.memory_space<vmem>>
      %dma_wait3A_101 = arith.constant 0 : i32
      %dma_wait3A_102 = arith.constant 0 : i32
      %dma_wait3A_103 = tpu.memref_slice %arg2[%dma_wait3A_101, %dma_wait3A_102] : memref<20000x64xf32, #tpu.memory_space<hbm>> -> memref<20000x64xf32, #tpu.memory_space<hbm>>
      tpu.wait_indirect_dma semaphore(%arg17 : memref<!tpu.dma_semaphore, #tpu.memory_space<semaphore_mem>>) src(%dma_wait3A_103 : memref<20000x64xf32, #tpu.memory_space<hbm>>) dst(%arg13 : memref<80x64xf32, #tpu.memory_space<vmem>>)
      %scan3A_104 = arith.constant 0 : i32
      %scan3A_105 = arith.constant 0 : i32
      %scan3A_106 = arith.constant 80 : i32
      %scan3A_107 = arith.addi %scan3A_105, %scan3A_106 : i32
      %scan3A_108 = arith.constant 1 : i32
      scf.for %scan3A_145 = %scan3A_105 to %scan3A_107 step %scan3A_108  : i32 {
        %get3A = arith.index_cast %scan3A_145 : i32 to index
        %get3A_146 = arith.constant 0 : index
        %get3A_147 = tpu.vector_load %arg11[%get3A, %get3A_146] {strides = array<i32>} : memref<80x64xf32, #tpu.memory_space<vmem>>, vector<1x16xf32>,
        %get3A_148 = vector.shape_cast %get3A_147 : vector<1x16xf32> to vector<16xf32>
        %get3A_149 = arith.index_cast %scan3A_145 : i32 to index
        %get3A_150 = arith.constant 0 : index
        %get3A_151 = tpu.vector_load %arg13[%get3A_149, %get3A_150] {strides = array<i32>} : memref<80x64xf32, #tpu.memory_space<vmem>>, vector<1x16xf32>,
        %get3A_152 = vector.shape_cast %get3A_151 : vector<1x16xf32> to vector<16xf32>
        %add3A_153 = arith.addf %get3A_148, %get3A_152 : vector<16xf32>
        %max3A = arith.constant 0.000000e+00 : f32
        %max3A_154 = vector.broadcast %max3A : f32 to vector<16xf32>
        %max3A_155 = arith.maximumf %add3A_153, %max3A_154 : vector<16xf32>
        %swap3A = arith.index_cast %scan3A_145 : i32 to index
        %swap3A_156 = arith.constant 0 : index
        %swap3A_157 = tpu.vector_load %arg11[%swap3A, %swap3A_156] {strides = array<i32>} : memref<80x64xf32, #tpu.memory_space<vmem>>, vector<1x16xf32>,
        %swap3A_158 = vector.shape_cast %swap3A_157 : vector<1x16xf32> to vector<16xf32>
        %swap3A_159 = vector.shape_cast %max3A_155 : vector<16xf32> to vector<1x16xf32>
        tpu.vector_store %arg11[%swap3A, %swap3A_156], %swap3A_159 {strides = array<i32>} : memref<80x64xf32, #tpu.memory_space<vmem>>, vector<1x16xf32>,
        %get3A_160 = arith.index_cast %scan3A_145 : i32 to index
        %get3A_161 = arith.constant 16 : index
        %get3A_162 = tpu.vector_load %arg11[%get3A_160, %get3A_161] {strides = array<i32>} : memref<80x64xf32, #tpu.memory_space<vmem>>, vector<1x16xf32>,
        %get3A_163 = vector.shape_cast %get3A_162 : vector<1x16xf32> to vector<16xf32>
        %get3A_164 = arith.index_cast %scan3A_145 : i32 to index
        %get3A_165 = arith.constant 16 : index
        %get3A_166 = tpu.vector_load %arg13[%get3A_164, %get3A_165] {strides = array<i32>} : memref<80x64xf32, #tpu.memory_space<vmem>>, vector<1x16xf32>,
        %get3A_167 = vector.shape_cast %get3A_166 : vector<1x16xf32> to vector<16xf32>
        %add3A_168 = arith.addf %get3A_163, %get3A_167 : vector<16xf32>
        %max3A_169 = arith.constant 0.000000e+00 : f32
        %max3A_170 = vector.broadcast %max3A_169 : f32 to vector<16xf32>
        %max3A_171 = arith.maximumf %add3A_168, %max3A_170 : vector<16xf32>
        %swap3A_172 = arith.index_cast %scan3A_145 : i32 to index
        %swap3A_173 = arith.constant 16 : index
        %swap3A_174 = tpu.vector_load %arg11[%swap3A_172, %swap3A_173] {strides = array<i32>} : memref<80x64xf32, #tpu.memory_space<vmem>>, vector<1x16xf32>,
        %swap3A_175 = vector.shape_cast %swap3A_174 : vector<1x16xf32> to vector<16xf32>
        %swap3A_176 = vector.shape_cast %max3A_171 : vector<16xf32> to vector<1x16xf32>
        tpu.vector_store %arg11[%swap3A_172, %swap3A_173], %swap3A_176 {strides = array<i32>} : memref<80x64xf32, #tpu.memory_space<vmem>>, vector<1x16xf32>,
        %get3A_177 = arith.index_cast %scan3A_145 : i32 to index
        %get3A_178 = arith.constant 32 : index
        %get3A_179 = tpu.vector_load %arg11[%get3A_177, %get3A_178] {strides = array<i32>} : memref<80x64xf32, #tpu.memory_space<vmem>>, vector<1x16xf32>,
        %get3A_180 = vector.shape_cast %get3A_179 : vector<1x16xf32> to vector<16xf32>
        %get3A_181 = arith.index_cast %scan3A_145 : i32 to index
        %get3A_182 = arith.constant 32 : index
        %get3A_183 = tpu.vector_load %arg13[%get3A_181, %get3A_182] {strides = array<i32>} : memref<80x64xf32, #tpu.memory_space<vmem>>, vector<1x16xf32>,
        %get3A_184 = vector.shape_cast %get3A_183 : vector<1x16xf32> to vector<16xf32>
        %add3A_185 = arith.addf %get3A_180, %get3A_184 : vector<16xf32>
        %max3A_186 = arith.constant 0.000000e+00 : f32
        %max3A_187 = vector.broadcast %max3A_186 : f32 to vector<16xf32>
        %max3A_188 = arith.maximumf %add3A_185, %max3A_187 : vector<16xf32>
        %swap3A_189 = arith.index_cast %scan3A_145 : i32 to index
        %swap3A_190 = arith.constant 32 : index
        %swap3A_191 = tpu.vector_load %arg11[%swap3A_189, %swap3A_190] {strides = array<i32>} : memref<80x64xf32, #tpu.memory_space<vmem>>, vector<1x16xf32>,
        %swap3A_192 = vector.shape_cast %swap3A_191 : vector<1x16xf32> to vector<16xf32>
        %swap3A_193 = vector.shape_cast %max3A_188 : vector<16xf32> to vector<1x16xf32>
        tpu.vector_store %arg11[%swap3A_189, %swap3A_190], %swap3A_193 {strides = array<i32>} : memref<80x64xf32, #tpu.memory_space<vmem>>, vector<1x16xf32>,
        %get3A_194 = arith.index_cast %scan3A_145 : i32 to index
        %get3A_195 = arith.constant 48 : index
        %get3A_196 = tpu.vector_load %arg11[%get3A_194, %get3A_195] {strides = array<i32>} : memref<80x64xf32, #tpu.memory_space<vmem>>, vector<1x16xf32>,
        %get3A_197 = vector.shape_cast %get3A_196 : vector<1x16xf32> to vector<16xf32>
        %get3A_198 = arith.index_cast %scan3A_145 : i32 to index
        %get3A_199 = arith.constant 48 : index
        %get3A_200 = tpu.vector_load %arg13[%get3A_198, %get3A_199] {strides = array<i32>} : memref<80x64xf32, #tpu.memory_space<vmem>>, vector<1x16xf32>,
        %get3A_201 = vector.shape_cast %get3A_200 : vector<1x16xf32> to vector<16xf32>
        %add3A_202 = arith.addf %get3A_197, %get3A_201 : vector<16xf32>
        %max3A_203 = arith.constant 0.000000e+00 : f32
        %max3A_204 = vector.broadcast %max3A_203 : f32 to vector<16xf32>
        %max3A_205 = arith.maximumf %add3A_202, %max3A_204 : vector<16xf32>
        %swap3A_206 = arith.index_cast %scan3A_145 : i32 to index
        %swap3A_207 = arith.constant 48 : index
        %swap3A_208 = tpu.vector_load %arg11[%swap3A_206, %swap3A_207] {strides = array<i32>} : memref<80x64xf32, #tpu.memory_space<vmem>>, vector<1x16xf32>,
        %swap3A_209 = vector.shape_cast %swap3A_208 : vector<1x16xf32> to vector<16xf32>
        %swap3A_210 = vector.shape_cast %max3A_205 : vector<16xf32> to vector<1x16xf32>
        tpu.vector_store %arg11[%swap3A_206, %swap3A_207], %swap3A_210 {strides = array<i32>} : memref<80x64xf32, #tpu.memory_space<vmem>>, vector<1x16xf32>,
      }
      %scan3A_109 = arith.constant 80 : i32
      "tpu.region"() ({
        %run_scoped3A = tpu.sem_alloc : memref<!tpu.dma_semaphore, #tpu.memory_space<semaphore_mem>>
        %dma_start3A_145 = arith.constant 0 : i32
        %dma_start3A_146 = tpu.memref_slice %arg10[%add3A_93, %dma_start3A_145] : memref<250x80xi32, #tpu.memory_space<vmem>> -> memref<1x80xi32, #tpu.memory_space<vmem>>
        %dma_start3A_147 = tpu.memref_squeeze %dma_start3A_146 : memref<1x80xi32, #tpu.memory_space<vmem>> -> memref<80xi32, #tpu.memory_space<vmem>>
        %dma_start3A_148 = arith.constant 0 : i32
        %dma_start3A_149 = arith.constant 0 : i32
        %dma_start3A_150 = tpu.memref_slice %arg8[%dma_start3A_148, %dma_start3A_149] : memref<10000x64xf32, #tpu.memory_space<vmem_shared>> -> memref<10000x64xf32, #tpu.memory_space<vmem_shared>>
        tpu.enqueue_indirect_dma source(%arg11 : memref<80x64xf32, #tpu.memory_space<vmem>>) target(%dma_start3A_150 : memref<10000x64xf32, #tpu.memory_space<vmem_shared>>) offsets(%dma_start3A_147 : memref<80xi32, #tpu.memory_space<vmem>>) semaphore(%run_scoped3A : memref<!tpu.dma_semaphore, #tpu.memory_space<semaphore_mem>>) {add = true}
        %dma_wait3A_151 = arith.constant 0 : i32
        %dma_wait3A_152 = tpu.memref_slice %arg10[%add3A_93, %dma_wait3A_151] : memref<250x80xi32, #tpu.memory_space<vmem>> -> memref<1x80xi32, #tpu.memory_space<vmem>>
        %dma_wait3A_153 = tpu.memref_squeeze %dma_wait3A_152 : memref<1x80xi32, #tpu.memory_space<vmem>> -> memref<80xi32, #tpu.memory_space<vmem>>
        %dma_wait3A_154 = arith.constant 0 : i32
        %dma_wait3A_155 = arith.constant 0 : i32
        %dma_wait3A_156 = tpu.memref_slice %arg8[%dma_wait3A_154, %dma_wait3A_155] : memref<10000x64xf32, #tpu.memory_space<vmem_shared>> -> memref<10000x64xf32, #tpu.memory_space<vmem_shared>>
        tpu.wait_indirect_dma semaphore(%run_scoped3A : memref<!tpu.dma_semaphore, #tpu.memory_space<semaphore_mem>>) src(%arg11 : memref<80x64xf32, #tpu.memory_space<vmem>>) dst(%dma_wait3A_156 : memref<10000x64xf32, #tpu.memory_space<vmem_shared>>)
        tpu.yield
      }) : () -> ()
      %add3A_110 = arith.constant 2 : i32
      %add3A_111 = arith.addi %add3A_93, %add3A_110 : i32
      %lt3A_112 = arith.constant 250 : i32
      %lt3A_113 = arith.cmpi slt, %add3A_111, %lt3A_112 : i32
      %convert_element_type3A_114 = arith.extui %lt3A_113 : i1 to i32
      %cond3A_115 = arith.constant 0 : i32
      %cond3A_116 = arith.cmpi ne, %convert_element_type3A_114, %cond3A_115 : i32
      scf.if %cond3A_116 {
        %add3A_145 = arith.constant 2 : i32
        %add3A_146 = arith.addi %add3A_93, %add3A_145 : i32
        %mul3A_147 = arith.constant 80 : i32
        %mul3A_148 = arith.muli %add3A_146, %mul3A_147 : i32
        %add3A_149 = arith.addi %add3A, %mul3A_148 : i32
        %multiple_of3A_150 = tpu.assume_multiple %add3A_149, 8 : i32
        %dma_start3A_151 = arith.constant 0 : i32
        %dma_start3A_152 = tpu.memref_slice %arg3[%multiple_of3A_150, %dma_start3A_151] : memref<640000x64xf32, #tpu.memory_space<hbm>> -> memref<80x64xf32, #tpu.memory_space<hbm>>
        %dma_start3A_153 = arith.constant 0 : i32
        %dma_start3A_154 = tpu.memref_slice %arg3[%multiple_of3A_150, %dma_start3A_153] : memref<640000x64xf32, #tpu.memory_space<hbm>> -> memref<80x64xf32, #tpu.memory_space<hbm>>
        tpu.enqueue_dma source(%dma_start3A_154 : memref<80x64xf32, #tpu.memory_space<hbm>>) target(%arg11 : memref<80x64xf32, #tpu.memory_space<vmem>>) target_semaphore(%arg15 : memref<!tpu.dma_semaphore, #tpu.memory_space<semaphore_mem>>)
        %dma_start3A_155 = arith.constant 0 : i32
        %dma_start3A_156 = tpu.memref_slice %arg9[%add3A_146, %dma_start3A_155] : memref<250x80xi32, #tpu.memory_space<vmem>> -> memref<1x80xi32, #tpu.memory_space<vmem>>
        %dma_start3A_157 = tpu.memref_squeeze %dma_start3A_156 : memref<1x80xi32, #tpu.memory_space<vmem>> -> memref<80xi32, #tpu.memory_space<vmem>>
        %dma_start3A_158 = arith.constant 0 : i32
        %dma_start3A_159 = arith.constant 0 : i32
        %dma_start3A_160 = tpu.memref_slice %arg2[%dma_start3A_158, %dma_start3A_159] : memref<20000x64xf32, #tpu.memory_space<hbm>> -> memref<20000x64xf32, #tpu.memory_space<hbm>>
        tpu.enqueue_indirect_dma source(%dma_start3A_160 : memref<20000x64xf32, #tpu.memory_space<hbm>>) target(%arg13 : memref<80x64xf32, #tpu.memory_space<vmem>>) offsets(%dma_start3A_157 : memref<80xi32, #tpu.memory_space<vmem>>) semaphore(%arg17 : memref<!tpu.dma_semaphore, #tpu.memory_space<semaphore_mem>>)
      } else {
      }
      %mul3A_117 = arith.constant 2 : i32
      %mul3A_118 = arith.muli %mul3A_117, %scan3A_89 : i32
      %add3A_119 = arith.constant 1 : i32
      %add3A_120 = arith.addi %mul3A_118, %add3A_119 : i32
      %multiple_of3A_121 = tpu.assume_multiple %add3A, 8 : i32
      %dma_wait3A_122 = arith.constant 0 : i32
      %dma_wait3A_123 = tpu.memref_slice %arg3[%multiple_of3A_121, %dma_wait3A_122] : memref<640000x64xf32, #tpu.memory_space<hbm>> -> memref<80x64xf32, #tpu.memory_space<hbm>>
      %dma_wait3A_124 = arith.constant 0 : i32
      %dma_wait3A_125 = tpu.memref_slice %arg3[%multiple_of3A_121, %dma_wait3A_124] : memref<640000x64xf32, #tpu.memory_space<hbm>> -> memref<80x64xf32, #tpu.memory_space<hbm>>
      tpu.wait_dma2 semaphore(%arg16 : memref<!tpu.dma_semaphore, #tpu.memory_space<semaphore_mem>>) src(%dma_wait3A_125 : memref<80x64xf32, #tpu.memory_space<hbm>>) dst(%arg12 : memref<80x64xf32, #tpu.memory_space<vmem>>)
      %dma_wait3A_126 = arith.constant 0 : i32
      %dma_wait3A_127 = tpu.memref_slice %arg9[%add3A_120, %dma_wait3A_126] : memref<250x80xi32, #tpu.memory_space<vmem>> -> memref<1x80xi32, #tpu.memory_space<vmem>>
      %dma_wait3A_128 = tpu.memref_squeeze %dma_wait3A_127 : memref<1x80xi32, #tpu.memory_space<vmem>> -> memref<80xi32, #tpu.memory_space<vmem>>
      %dma_wait3A_129 = arith.constant 0 : i32
      %dma_wait3A_130 = arith.constant 0 : i32
      %dma_wait3A_131 = tpu.memref_slice %arg2[%dma_wait3A_129, %dma_wait3A_130] : memref<20000x64xf32, #tpu.memory_space<hbm>> -> memref<20000x64xf32, #tpu.memory_space<hbm>>
      tpu.wait_indirect_dma semaphore(%arg18 : memref<!tpu.dma_semaphore, #tpu.memory_space<semaphore_mem>>) src(%dma_wait3A_131 : memref<20000x64xf32, #tpu.memory_space<hbm>>) dst(%arg14 : memref<80x64xf32, #tpu.memory_space<vmem>>)
      %scan3A_132 = arith.constant 0 : i32
      %scan3A_133 = arith.constant 0 : i32
      %scan3A_134 = arith.constant 80 : i32
      %scan3A_135 = arith.addi %scan3A_133, %scan3A_134 : i32
      %scan3A_136 = arith.constant 1 : i32
      scf.for %scan3A_145 = %scan3A_133 to %scan3A_135 step %scan3A_136  : i32 {
        %get3A = arith.index_cast %scan3A_145 : i32 to index
        %get3A_146 = arith.constant 0 : index
        %get3A_147 = tpu.vector_load %arg12[%get3A, %get3A_146] {strides = array<i32>} : memref<80x64xf32, #tpu.memory_space<vmem>>, vector<1x16xf32>,
        %get3A_148 = vector.shape_cast %get3A_147 : vector<1x16xf32> to vector<16xf32>
        %get3A_149 = arith.index_cast %scan3A_145 : i32 to index
        %get3A_150 = arith.constant 0 : index
        %get3A_151 = tpu.vector_load %arg14[%get3A_149, %get3A_150] {strides = array<i32>} : memref<80x64xf32, #tpu.memory_space<vmem>>, vector<1x16xf32>,
        %get3A_152 = vector.shape_cast %get3A_151 : vector<1x16xf32> to vector<16xf32>
        %add3A_153 = arith.addf %get3A_148, %get3A_152 : vector<16xf32>
        %max3A = arith.constant 0.000000e+00 : f32
        %max3A_154 = vector.broadcast %max3A : f32 to vector<16xf32>
        %max3A_155 = arith.maximumf %add3A_153, %max3A_154 : vector<16xf32>
        %swap3A = arith.index_cast %scan3A_145 : i32 to index
        %swap3A_156 = arith.constant 0 : index
        %swap3A_157 = tpu.vector_load %arg12[%swap3A, %swap3A_156] {strides = array<i32>} : memref<80x64xf32, #tpu.memory_space<vmem>>, vector<1x16xf32>,
        %swap3A_158 = vector.shape_cast %swap3A_157 : vector<1x16xf32> to vector<16xf32>
        %swap3A_159 = vector.shape_cast %max3A_155 : vector<16xf32> to vector<1x16xf32>
        tpu.vector_store %arg12[%swap3A, %swap3A_156], %swap3A_159 {strides = array<i32>} : memref<80x64xf32, #tpu.memory_space<vmem>>, vector<1x16xf32>,
        %get3A_160 = arith.index_cast %scan3A_145 : i32 to index
        %get3A_161 = arith.constant 16 : index
        %get3A_162 = tpu.vector_load %arg12[%get3A_160, %get3A_161] {strides = array<i32>} : memref<80x64xf32, #tpu.memory_space<vmem>>, vector<1x16xf32>,
        %get3A_163 = vector.shape_cast %get3A_162 : vector<1x16xf32> to vector<16xf32>
        %get3A_164 = arith.index_cast %scan3A_145 : i32 to index
        %get3A_165 = arith.constant 16 : index
        %get3A_166 = tpu.vector_load %arg14[%get3A_164, %get3A_165] {strides = array<i32>} : memref<80x64xf32, #tpu.memory_space<vmem>>, vector<1x16xf32>,
        %get3A_167 = vector.shape_cast %get3A_166 : vector<1x16xf32> to vector<16xf32>
        %add3A_168 = arith.addf %get3A_163, %get3A_167 : vector<16xf32>
        %max3A_169 = arith.constant 0.000000e+00 : f32
        %max3A_170 = vector.broadcast %max3A_169 : f32 to vector<16xf32>
        %max3A_171 = arith.maximumf %add3A_168, %max3A_170 : vector<16xf32>
        %swap3A_172 = arith.index_cast %scan3A_145 : i32 to index
        %swap3A_173 = arith.constant 16 : index
        %swap3A_174 = tpu.vector_load %arg12[%swap3A_172, %swap3A_173] {strides = array<i32>} : memref<80x64xf32, #tpu.memory_space<vmem>>, vector<1x16xf32>,
        %swap3A_175 = vector.shape_cast %swap3A_174 : vector<1x16xf32> to vector<16xf32>
        %swap3A_176 = vector.shape_cast %max3A_171 : vector<16xf32> to vector<1x16xf32>
        tpu.vector_store %arg12[%swap3A_172, %swap3A_173], %swap3A_176 {strides = array<i32>} : memref<80x64xf32, #tpu.memory_space<vmem>>, vector<1x16xf32>,
        %get3A_177 = arith.index_cast %scan3A_145 : i32 to index
        %get3A_178 = arith.constant 32 : index
        %get3A_179 = tpu.vector_load %arg12[%get3A_177, %get3A_178] {strides = array<i32>} : memref<80x64xf32, #tpu.memory_space<vmem>>, vector<1x16xf32>,
        %get3A_180 = vector.shape_cast %get3A_179 : vector<1x16xf32> to vector<16xf32>
        %get3A_181 = arith.index_cast %scan3A_145 : i32 to index
        %get3A_182 = arith.constant 32 : index
        %get3A_183 = tpu.vector_load %arg14[%get3A_181, %get3A_182] {strides = array<i32>} : memref<80x64xf32, #tpu.memory_space<vmem>>, vector<1x16xf32>,
        %get3A_184 = vector.shape_cast %get3A_183 : vector<1x16xf32> to vector<16xf32>
        %add3A_185 = arith.addf %get3A_180, %get3A_184 : vector<16xf32>
        %max3A_186 = arith.constant 0.000000e+00 : f32
        %max3A_187 = vector.broadcast %max3A_186 : f32 to vector<16xf32>
        %max3A_188 = arith.maximumf %add3A_185, %max3A_187 : vector<16xf32>
        %swap3A_189 = arith.index_cast %scan3A_145 : i32 to index
        %swap3A_190 = arith.constant 32 : index
        %swap3A_191 = tpu.vector_load %arg12[%swap3A_189, %swap3A_190] {strides = array<i32>} : memref<80x64xf32, #tpu.memory_space<vmem>>, vector<1x16xf32>,
        %swap3A_192 = vector.shape_cast %swap3A_191 : vector<1x16xf32> to vector<16xf32>
        %swap3A_193 = vector.shape_cast %max3A_188 : vector<16xf32> to vector<1x16xf32>
        tpu.vector_store %arg12[%swap3A_189, %swap3A_190], %swap3A_193 {strides = array<i32>} : memref<80x64xf32, #tpu.memory_space<vmem>>, vector<1x16xf32>,
        %get3A_194 = arith.index_cast %scan3A_145 : i32 to index
        %get3A_195 = arith.constant 48 : index
        %get3A_196 = tpu.vector_load %arg12[%get3A_194, %get3A_195] {strides = array<i32>} : memref<80x64xf32, #tpu.memory_space<vmem>>, vector<1x16xf32>,
        %get3A_197 = vector.shape_cast %get3A_196 : vector<1x16xf32> to vector<16xf32>
        %get3A_198 = arith.index_cast %scan3A_145 : i32 to index
        %get3A_199 = arith.constant 48 : index
        %get3A_200 = tpu.vector_load %arg14[%get3A_198, %get3A_199] {strides = array<i32>} : memref<80x64xf32, #tpu.memory_space<vmem>>, vector<1x16xf32>,
        %get3A_201 = vector.shape_cast %get3A_200 : vector<1x16xf32> to vector<16xf32>
        %add3A_202 = arith.addf %get3A_197, %get3A_201 : vector<16xf32>
        %max3A_203 = arith.constant 0.000000e+00 : f32
        %max3A_204 = vector.broadcast %max3A_203 : f32 to vector<16xf32>
        %max3A_205 = arith.maximumf %add3A_202, %max3A_204 : vector<16xf32>
        %swap3A_206 = arith.index_cast %scan3A_145 : i32 to index
        %swap3A_207 = arith.constant 48 : index
        %swap3A_208 = tpu.vector_load %arg12[%swap3A_206, %swap3A_207] {strides = array<i32>} : memref<80x64xf32, #tpu.memory_space<vmem>>, vector<1x16xf32>,
        %swap3A_209 = vector.shape_cast %swap3A_208 : vector<1x16xf32> to vector<16xf32>
        %swap3A_210 = vector.shape_cast %max3A_205 : vector<16xf32> to vector<1x16xf32>
        tpu.vector_store %arg12[%swap3A_206, %swap3A_207], %swap3A_210 {strides = array<i32>} : memref<80x64xf32, #tpu.memory_space<vmem>>, vector<1x16xf32>,
      }
      %scan3A_137 = arith.constant 80 : i32
      "tpu.region"() ({
        %run_scoped3A = tpu.sem_alloc : memref<!tpu.dma_semaphore, #tpu.memory_space<semaphore_mem>>
        %dma_start3A_145 = arith.constant 0 : i32
        %dma_start3A_146 = tpu.memref_slice %arg10[%add3A_120, %dma_start3A_145] : memref<250x80xi32, #tpu.memory_space<vmem>> -> memref<1x80xi32, #tpu.memory_space<vmem>>
        %dma_start3A_147 = tpu.memref_squeeze %dma_start3A_146 : memref<1x80xi32, #tpu.memory_space<vmem>> -> memref<80xi32, #tpu.memory_space<vmem>>
        %dma_start3A_148 = arith.constant 0 : i32
        %dma_start3A_149 = arith.constant 0 : i32
        %dma_start3A_150 = tpu.memref_slice %arg8[%dma_start3A_148, %dma_start3A_149] : memref<10000x64xf32, #tpu.memory_space<vmem_shared>> -> memref<10000x64xf32, #tpu.memory_space<vmem_shared>>
        tpu.enqueue_indirect_dma source(%arg12 : memref<80x64xf32, #tpu.memory_space<vmem>>) target(%dma_start3A_150 : memref<10000x64xf32, #tpu.memory_space<vmem_shared>>) offsets(%dma_start3A_147 : memref<80xi32, #tpu.memory_space<vmem>>) semaphore(%run_scoped3A : memref<!tpu.dma_semaphore, #tpu.memory_space<semaphore_mem>>) {add = true}
        %dma_wait3A_151 = arith.constant 0 : i32
        %dma_wait3A_152 = tpu.memref_slice %arg10[%add3A_120, %dma_wait3A_151] : memref<250x80xi32, #tpu.memory_space<vmem>> -> memref<1x80xi32, #tpu.memory_space<vmem>>
        %dma_wait3A_153 = tpu.memref_squeeze %dma_wait3A_152 : memref<1x80xi32, #tpu.memory_space<vmem>> -> memref<80xi32, #tpu.memory_space<vmem>>
        %dma_wait3A_154 = arith.constant 0 : i32
        %dma_wait3A_155 = arith.constant 0 : i32
        %dma_wait3A_156 = tpu.memref_slice %arg8[%dma_wait3A_154, %dma_wait3A_155] : memref<10000x64xf32, #tpu.memory_space<vmem_shared>> -> memref<10000x64xf32, #tpu.memory_space<vmem_shared>>
        tpu.wait_indirect_dma semaphore(%run_scoped3A : memref<!tpu.dma_semaphore, #tpu.memory_space<semaphore_mem>>) src(%arg12 : memref<80x64xf32, #tpu.memory_space<vmem>>) dst(%dma_wait3A_156 : memref<10000x64xf32, #tpu.memory_space<vmem_shared>>)
        tpu.yield
      }) : () -> ()
      %add3A_138 = arith.constant 2 : i32
      %add3A_139 = arith.addi %add3A_120, %add3A_138 : i32
      %lt3A_140 = arith.constant 250 : i32
      %lt3A_141 = arith.cmpi slt, %add3A_139, %lt3A_140 : i32
      %convert_element_type3A_142 = arith.extui %lt3A_141 : i1 to i32
      %cond3A_143 = arith.constant 0 : i32
      %cond3A_144 = arith.cmpi ne, %convert_element_type3A_142, %cond3A_143 : i32
      scf.if %cond3A_144 {
        %add3A_145 = arith.constant 2 : i32
        %add3A_146 = arith.addi %add3A_120, %add3A_145 : i32
        %mul3A_147 = arith.constant 80 : i32
        %mul3A_148 = arith.muli %add3A_146, %mul3A_147 : i32
        %add3A_149 = arith.addi %add3A, %mul3A_148 : i32
        %multiple_of3A_150 = tpu.assume_multiple %add3A_149, 8 : i32
        %dma_start3A_151 = arith.constant 0 : i32
        %dma_start3A_152 = tpu.memref_slice %arg3[%multiple_of3A_150, %dma_start3A_151] : memref<640000x64xf32, #tpu.memory_space<hbm>> -> memref<80x64xf32, #tpu.memory_space<hbm>>
        %dma_start3A_153 = arith.constant 0 : i32
        %dma_start3A_154 = tpu.memref_slice %arg3[%multiple_of3A_150, %dma_start3A_153] : memref<640000x64xf32, #tpu.memory_space<hbm>> -> memref<80x64xf32, #tpu.memory_space<hbm>>
        tpu.enqueue_dma source(%dma_start3A_154 : memref<80x64xf32, #tpu.memory_space<hbm>>) target(%arg12 : memref<80x64xf32, #tpu.memory_space<vmem>>) target_semaphore(%arg16 : memref<!tpu.dma_semaphore, #tpu.memory_space<semaphore_mem>>)
        %dma_start3A_155 = arith.constant 0 : i32
        %dma_start3A_156 = tpu.memref_slice %arg9[%add3A_146, %dma_start3A_155] : memref<250x80xi32, #tpu.memory_space<vmem>> -> memref<1x80xi32, #tpu.memory_space<vmem>>
        %dma_start3A_157 = tpu.memref_squeeze %dma_start3A_156 : memref<1x80xi32, #tpu.memory_space<vmem>> -> memref<80xi32, #tpu.memory_space<vmem>>
        %dma_start3A_158 = arith.constant 0 : i32
        %dma_start3A_159 = arith.constant 0 : i32
        %dma_start3A_160 = tpu.memref_slice %arg2[%dma_start3A_158, %dma_start3A_159] : memref<20000x64xf32, #tpu.memory_space<hbm>> -> memref<20000x64xf32, #tpu.memory_space<hbm>>
        tpu.enqueue_indirect_dma source(%dma_start3A_160 : memref<20000x64xf32, #tpu.memory_space<hbm>>) target(%arg14 : memref<80x64xf32, #tpu.memory_space<vmem>>) offsets(%dma_start3A_157 : memref<80xi32, #tpu.memory_space<vmem>>) semaphore(%arg18 : memref<!tpu.dma_semaphore, #tpu.memory_space<semaphore_mem>>)
      } else {
      }
    }
    %scan3A_56 = arith.constant 125 : i32
    %barrier3A_57 = arith.constant 0 : index
    tpu.barrier barrier_id(%barrier3A_57)
    %eq3A_58 = arith.constant 0 : i32
    %eq3A_59 = arith.cmpi eq, %arg0, %eq3A_58 : i32
    %lt3A_60 = arith.constant 15 : i32
    %lt3A_61 = arith.cmpi slt, %arg1, %lt3A_60 : i32
    %and3A = arith.andi %eq3A_59, %lt3A_61 : i1
    %convert_element_type3A_62 = arith.extui %and3A : i1 to i32
    %cond3A_63 = arith.constant 0 : i32
    %cond3A_64 = arith.cmpi ne, %convert_element_type3A_62, %cond3A_63 : i32
    scf.if %cond3A_64 {
      "tpu.region"() ({
        %run_scoped3A = tpu.sem_alloc : memref<!tpu.dma_semaphore, #tpu.memory_space<semaphore_mem>>
        %dma_start3A_89 = arith.constant 0 : i32
        %dma_start3A_90 = tpu.memref_slice %arg6[%multiple_of3A, %dma_start3A_89] : memref<10000x64xf32, #tpu.memory_space<hbm>> -> memref<640x64xf32, #tpu.memory_space<hbm>>
        %dma_start3A_91 = arith.constant 0 : i32
        %dma_start3A_92 = tpu.memref_slice %arg8[%multiple_of3A, %dma_start3A_91] : memref<10000x64xf32, #tpu.memory_space<vmem_shared>> -> memref<640x64xf32, #tpu.memory_space<vmem_shared>>
        tpu.enqueue_dma source(%dma_start3A_92 : memref<640x64xf32, #tpu.memory_space<vmem_shared>>) target(%dma_start3A_90 : memref<640x64xf32, #tpu.memory_space<hbm>>) target_semaphore(%run_scoped3A : memref<!tpu.dma_semaphore, #tpu.memory_space<semaphore_mem>>)
        %dma_wait3A = arith.constant 0 : i32
        %dma_wait3A_93 = tpu.memref_slice %arg6[%multiple_of3A, %dma_wait3A] : memref<10000x64xf32, #tpu.memory_space<hbm>> -> memref<640x64xf32, #tpu.memory_space<hbm>>
        %dma_wait3A_94 = arith.constant 0 : i32
        %dma_wait3A_95 = tpu.memref_slice %arg8[%multiple_of3A, %dma_wait3A_94] : memref<10000x64xf32, #tpu.memory_space<vmem_shared>> -> memref<640x64xf32, #tpu.memory_space<vmem_shared>>
        tpu.wait_dma2 semaphore(%run_scoped3A : memref<!tpu.dma_semaphore, #tpu.memory_space<semaphore_mem>>) src(%dma_wait3A_95 : memref<640x64xf32, #tpu.memory_space<vmem_shared>>) dst(%dma_wait3A_93 : memref<640x64xf32, #tpu.memory_space<hbm>>)
        tpu.yield
      }) : () -> ()
    } else {
    }
    %eq3A_65 = arith.constant 0 : i32
    %eq3A_66 = arith.cmpi eq, %arg0, %eq3A_65 : i32
    %eq3A_67 = arith.constant 15 : i32
    %eq3A_68 = arith.cmpi eq, %arg1, %eq3A_67 : i32
    %and3A_69 = arith.andi %eq3A_66, %eq3A_68 : i1
    %convert_element_type3A_70 = arith.extui %and3A_69 : i1 to i32
    %cond3A_71 = arith.constant 0 : i32
    %cond3A_72 = arith.cmpi ne, %convert_element_type3A_70, %cond3A_71 : i32
    scf.if %cond3A_72 {
      "tpu.region"() ({
        %run_scoped3A = tpu.sem_alloc : memref<!tpu.dma_semaphore, #tpu.memory_space<semaphore_mem>>
        %dma_start3A_89 = arith.constant 0 : i32
        %dma_start3A_90 = tpu.memref_slice %arg6[%multiple_of3A, %dma_start3A_89] : memref<10000x64xf32, #tpu.memory_space<hbm>> -> memref<400x64xf32, #tpu.memory_space<hbm>>
        %dma_start3A_91 = arith.constant 0 : i32
        %dma_start3A_92 = tpu.memref_slice %arg8[%multiple_of3A, %dma_start3A_91] : memref<10000x64xf32, #tpu.memory_space<vmem_shared>> -> memref<400x64xf32, #tpu.memory_space<vmem_shared>>
        tpu.enqueue_dma source(%dma_start3A_92 : memref<400x64xf32, #tpu.memory_space<vmem_shared>>) target(%dma_start3A_90 : memref<400x64xf32, #tpu.memory_space<hbm>>) target_semaphore(%run_scoped3A : memref<!tpu.dma_semaphore, #tpu.memory_space<semaphore_mem>>)
        %dma_wait3A = arith.constant 0 : i32
        %dma_wait3A_93 = tpu.memref_slice %arg6[%multiple_of3A, %dma_wait3A] : memref<10000x64xf32, #tpu.memory_space<hbm>> -> memref<400x64xf32, #tpu.memory_space<hbm>>
        %dma_wait3A_94 = arith.constant 0 : i32
        %dma_wait3A_95 = tpu.memref_slice %arg8[%multiple_of3A, %dma_wait3A_94] : memref<10000x64xf32, #tpu.memory_space<vmem_shared>> -> memref<400x64xf32, #tpu.memory_space<vmem_shared>>
        tpu.wait_dma2 semaphore(%run_scoped3A : memref<!tpu.dma_semaphore, #tpu.memory_space<semaphore_mem>>) src(%dma_wait3A_95 : memref<400x64xf32, #tpu.memory_space<vmem_shared>>) dst(%dma_wait3A_93 : memref<400x64xf32, #tpu.memory_space<hbm>>)
        tpu.yield
      }) : () -> ()
    } else {
    }
    %eq3A_73 = arith.constant 1 : i32
    %eq3A_74 = arith.cmpi eq, %arg0, %eq3A_73 : i32
    %lt3A_75 = arith.constant 15 : i32
    %lt3A_76 = arith.cmpi slt, %arg1, %lt3A_75 : i32
    %and3A_77 = arith.andi %eq3A_74, %lt3A_76 : i1
    %convert_element_type3A_78 = arith.extui %and3A_77 : i1 to i32
    %cond3A_79 = arith.constant 0 : i32
    %cond3A_80 = arith.cmpi ne, %convert_element_type3A_78, %cond3A_79 : i32
    scf.if %cond3A_80 {
      "tpu.region"() ({
        %run_scoped3A = tpu.sem_alloc : memref<!tpu.dma_semaphore, #tpu.memory_space<semaphore_mem>>
        %dma_start3A_89 = arith.constant 0 : i32
        %dma_start3A_90 = tpu.memref_slice %arg7[%multiple_of3A, %dma_start3A_89] : memref<10000x64xf32, #tpu.memory_space<hbm>> -> memref<640x64xf32, #tpu.memory_space<hbm>>
        %dma_start3A_91 = arith.constant 0 : i32
        %dma_start3A_92 = tpu.memref_slice %arg8[%multiple_of3A, %dma_start3A_91] : memref<10000x64xf32, #tpu.memory_space<vmem_shared>> -> memref<640x64xf32, #tpu.memory_space<vmem_shared>>
        tpu.enqueue_dma source(%dma_start3A_92 : memref<640x64xf32, #tpu.memory_space<vmem_shared>>) target(%dma_start3A_90 : memref<640x64xf32, #tpu.memory_space<hbm>>) target_semaphore(%run_scoped3A : memref<!tpu.dma_semaphore, #tpu.memory_space<semaphore_mem>>)
        %dma_wait3A = arith.constant 0 : i32
        %dma_wait3A_93 = tpu.memref_slice %arg7[%multiple_of3A, %dma_wait3A] : memref<10000x64xf32, #tpu.memory_space<hbm>> -> memref<640x64xf32, #tpu.memory_space<hbm>>
        %dma_wait3A_94 = arith.constant 0 : i32
        %dma_wait3A_95 = tpu.memref_slice %arg8[%multiple_of3A, %dma_wait3A_94] : memref<10000x64xf32, #tpu.memory_space<vmem_shared>> -> memref<640x64xf32, #tpu.memory_space<vmem_shared>>
        tpu.wait_dma2 semaphore(%run_scoped3A : memref<!tpu.dma_semaphore, #tpu.memory_space<semaphore_mem>>) src(%dma_wait3A_95 : memref<640x64xf32, #tpu.memory_space<vmem_shared>>) dst(%dma_wait3A_93 : memref<640x64xf32, #tpu.memory_space<hbm>>)
        tpu.yield
      }) : () -> ()
    } else {
    }
    %eq3A_81 = arith.constant 1 : i32
    %eq3A_82 = arith.cmpi eq, %arg0, %eq3A_81 : i32
    %eq3A_83 = arith.constant 15 : i32
    %eq3A_84 = arith.cmpi eq, %arg1, %eq3A_83 : i32
    %and3A_85 = arith.andi %eq3A_82, %eq3A_84 : i1
    %convert_element_type3A_86 = arith.extui %and3A_85 : i1 to i32
    %cond3A_87 = arith.constant 0 : i32
    %cond3A_88 = arith.cmpi ne, %convert_element_type3A_86, %cond3A_87 : i32
    scf.if %cond3A_88 {
      "tpu.region"() ({
        %run_scoped3A = tpu.sem_alloc : memref<!tpu.dma_semaphore, #tpu.memory_space<semaphore_mem>>
        %dma_start3A_89 = arith.constant 0 : i32
        %dma_start3A_90 = tpu.memref_slice %arg7[%multiple_of3A, %dma_start3A_89] : memref<10000x64xf32, #tpu.memory_space<hbm>> -> memref<400x64xf32, #tpu.memory_space<hbm>>
        %dma_start3A_91 = arith.constant 0 : i32
        %dma_start3A_92 = tpu.memref_slice %arg8[%multiple_of3A, %dma_start3A_91] : memref<10000x64xf32, #tpu.memory_space<vmem_shared>> -> memref<400x64xf32, #tpu.memory_space<vmem_shared>>
        tpu.enqueue_dma source(%dma_start3A_92 : memref<400x64xf32, #tpu.memory_space<vmem_shared>>) target(%dma_start3A_90 : memref<400x64xf32, #tpu.memory_space<hbm>>) target_semaphore(%run_scoped3A : memref<!tpu.dma_semaphore, #tpu.memory_space<semaphore_mem>>)
        %dma_wait3A = arith.constant 0 : i32
        %dma_wait3A_93 = tpu.memref_slice %arg7[%multiple_of3A, %dma_wait3A] : memref<10000x64xf32, #tpu.memory_space<hbm>> -> memref<400x64xf32, #tpu.memory_space<hbm>>
        %dma_wait3A_94 = arith.constant 0 : i32
        %dma_wait3A_95 = tpu.memref_slice %arg8[%multiple_of3A, %dma_wait3A_94] : memref<10000x64xf32, #tpu.memory_space<vmem_shared>> -> memref<400x64xf32, #tpu.memory_space<vmem_shared>>
        tpu.wait_dma2 semaphore(%run_scoped3A : memref<!tpu.dma_semaphore, #tpu.memory_space<semaphore_mem>>) src(%dma_wait3A_95 : memref<400x64xf32, #tpu.memory_space<vmem_shared>>) dst(%dma_wait3A_93 : memref<400x64xf32, #tpu.memory_space<hbm>>)
        tpu.yield
      }) : () -> ()
    } else {
    }
    return
  }
}

#map = affine_map<(d0, d1) -> (0, 0)>
#map1 = affine_map<(d0, d1) -> (0, 0, 0)>
module attributes {stable_mosaic.version = 14 : i64} {
  func.func @_sc_edge_body(%arg0: i32, %arg1: i32, %arg2: memref<20000x64xf32, #tpu.memory_space<hbm>>, %arg3: memref<640000x64xf32, #tpu.memory_space<hbm>>, %arg4: memref<16x250x80xi32, #tpu.memory_space<hbm>>, %arg5: memref<16x250x80xi32, #tpu.memory_space<hbm>>, %arg6: memref<10000x64xf32, #tpu.memory_space<hbm>>, %arg7: memref<10000x64xf32, #tpu.memory_space<hbm>>, %arg8: memref<10000x64xf32, #tpu.memory_space<vmem_shared>>, %arg9: memref<250x80xi32, #tpu.memory_space<vmem>>, %arg10: memref<250x80xi32, #tpu.memory_space<vmem>>, %arg11: memref<80x64xf32, #tpu.memory_space<vmem>>, %arg12: memref<80x64xf32, #tpu.memory_space<vmem>>, %arg13: memref<80x64xf32, #tpu.memory_space<vmem>>, %arg14: memref<80x64xf32, #tpu.memory_space<vmem>>, %arg15: memref<!tpu.dma_semaphore, #tpu.memory_space<semaphore_mem>>, %arg16: memref<!tpu.dma_semaphore, #tpu.memory_space<semaphore_mem>>, %arg17: memref<!tpu.dma_semaphore, #tpu.memory_space<semaphore_mem>>, %arg18: memref<!tpu.dma_semaphore, #tpu.memory_space<semaphore_mem>>) attributes {dimension_semantics = [#tpu.dimension_semantics<core_parallel>, #tpu.dimension_semantics<subcore_parallel>], iteration_bounds = array<i64: 2, 16>, scalar_prefetch = 0 : i64, scratch_operands = 11 : i64, tpu.core_type = #tpu.core_type<sc_vector_subcore>, window_params = [{transform_indices = #map}, {transform_indices = #map}, {transform_indices = #map1}, {transform_indices = #map1}, {transform_indices = #map}, {transform_indices = #map}]} {
    %scan3A = arith.constant 0 : i32
    %scan3A_0 = arith.constant 0 : i32
    %scan3A_1 = arith.constant 80 : i32
    %scan3A_2 = arith.addi %scan3A_0, %scan3A_1 : i32
    %scan3A_3 = arith.constant 1 : i32
    scf.for %scan3A_89 = %scan3A_0 to %scan3A_2 step %scan3A_3  : i32 {
      %broadcast_in_dim3A = arith.constant 0.000000e+00 : f32
      %broadcast_in_dim3A_90 = vector.broadcast %broadcast_in_dim3A : f32 to vector<16xf32>
      %swap3A = arith.index_cast %scan3A_89 : i32 to index
      %swap3A_91 = arith.constant 0 : index
      %swap3A_92 = tpu.vector_load %arg13[%swap3A, %swap3A_91] {strides = array<i32>} : memref<80x64xf32, #tpu.memory_space<vmem>>, vector<1x16xf32>,
      %swap3A_93 = vector.shape_cast %swap3A_92 : vector<1x16xf32> to vector<16xf32>
      %swap3A_94 = vector.shape_cast %broadcast_in_dim3A_90 : vector<16xf32> to vector<1x16xf32>
      tpu.vector_store %arg13[%swap3A, %swap3A_91], %swap3A_94 {strides = array<i32>} : memref<80x64xf32, #tpu.memory_space<vmem>>, vector<1x16xf32>,
      %broadcast_in_dim3A_95 = arith.constant 0.000000e+00 : f32
      %broadcast_in_dim3A_96 = vector.broadcast %broadcast_in_dim3A_95 : f32 to vector<16xf32>
      %swap3A_97 = arith.index_cast %scan3A_89 : i32 to index
      %swap3A_98 = arith.constant 16 : index
      %swap3A_99 = tpu.vector_load %arg13[%swap3A_97, %swap3A_98] {strides = array<i32>} : memref<80x64xf32, #tpu.memory_space<vmem>>, vector<1x16xf32>,
      %swap3A_100 = vector.shape_cast %swap3A_99 : vector<1x16xf32> to vector<16xf32>
      %swap3A_101 = vector.shape_cast %broadcast_in_dim3A_96 : vector<16xf32> to vector<1x16xf32>
      tpu.vector_store %arg13[%swap3A_97, %swap3A_98], %swap3A_101 {strides = array<i32>} : memref<80x64xf32, #tpu.memory_space<vmem>>, vector<1x16xf32>,
      %broadcast_in_dim3A_102 = arith.constant 0.000000e+00 : f32
      %broadcast_in_dim3A_103 = vector.broadcast %broadcast_in_dim3A_102 : f32 to vector<16xf32>
      %swap3A_104 = arith.index_cast %scan3A_89 : i32 to index
      %swap3A_105 = arith.constant 32 : index
      %swap3A_106 = tpu.vector_load %arg13[%swap3A_104, %swap3A_105] {strides = array<i32>} : memref<80x64xf32, #tpu.memory_space<vmem>>, vector<1x16xf32>,
      %swap3A_107 = vector.shape_cast %swap3A_106 : vector<1x16xf32> to vector<16xf32>
      %swap3A_108 = vector.shape_cast %broadcast_in_dim3A_103 : vector<16xf32> to vector<1x16xf32>
      tpu.vector_store %arg13[%swap3A_104, %swap3A_105], %swap3A_108 {strides = array<i32>} : memref<80x64xf32, #tpu.memory_space<vmem>>, vector<1x16xf32>,
      %broadcast_in_dim3A_109 = arith.constant 0.000000e+00 : f32
      %broadcast_in_dim3A_110 = vector.broadcast %broadcast_in_dim3A_109 : f32 to vector<16xf32>
      %swap3A_111 = arith.index_cast %scan3A_89 : i32 to index
      %swap3A_112 = arith.constant 48 : index
      %swap3A_113 = tpu.vector_load %arg13[%swap3A_111, %swap3A_112] {strides = array<i32>} : memref<80x64xf32, #tpu.memory_space<vmem>>, vector<1x16xf32>,
      %swap3A_114 = vector.shape_cast %swap3A_113 : vector<1x16xf32> to vector<16xf32>
      %swap3A_115 = vector.shape_cast %broadcast_in_dim3A_110 : vector<16xf32> to vector<1x16xf32>
      tpu.vector_store %arg13[%swap3A_111, %swap3A_112], %swap3A_115 {strides = array<i32>} : memref<80x64xf32, #tpu.memory_space<vmem>>, vector<1x16xf32>,
    }
    %scan3A_4 = arith.constant 80 : i32
    %mul3A = arith.constant 640 : i32
    %mul3A_5 = arith.muli %arg1, %mul3A : i32
    %multiple_of3A = tpu.assume_multiple %mul3A_5, 8 : i32
    %lt3A = arith.constant 15 : i32
    %lt3A_6 = arith.cmpi slt, %arg1, %lt3A : i32
    %convert_element_type3A = arith.extui %lt3A_6 : i1 to i32
    %cond3A = arith.constant 0 : i32
    %cond3A_7 = arith.cmpi ne, %convert_element_type3A, %cond3A : i32
    scf.if %cond3A_7 {
      %add3A_89 = arith.constant 0 : i32
      %add3A_90 = arith.addi %multiple_of3A, %add3A_89 : i32
      "tpu.region"() ({
        %run_scoped3A = tpu.sem_alloc : memref<!tpu.dma_semaphore, #tpu.memory_space<semaphore_mem>>
        %dma_start3A_105 = arith.constant 0 : i32
        %dma_start3A_106 = tpu.memref_slice %arg8[%add3A_90, %dma_start3A_105] : memref<10000x64xf32, #tpu.memory_space<vmem_shared>> -> memref<80x64xf32, #tpu.memory_space<vmem_shared>>
        %dma_start3A_107 = arith.constant 0 : i32
        %dma_start3A_108 = tpu.memref_slice %arg8[%add3A_90, %dma_start3A_107] : memref<10000x64xf32, #tpu.memory_space<vmem_shared>> -> memref<80x64xf32, #tpu.memory_space<vmem_shared>>
        tpu.enqueue_dma source(%arg13 : memref<80x64xf32, #tpu.memory_space<vmem>>) target(%dma_start3A_108 : memref<80x64xf32, #tpu.memory_space<vmem_shared>>) target_semaphore(%run_scoped3A : memref<!tpu.dma_semaphore, #tpu.memory_space<semaphore_mem>>)
        %dma_wait3A = arith.constant 0 : i32
        %dma_wait3A_109 = tpu.memref_slice %arg8[%add3A_90, %dma_wait3A] : memref<10000x64xf32, #tpu.memory_space<vmem_shared>> -> memref<80x64xf32, #tpu.memory_space<vmem_shared>>
        %dma_wait3A_110 = arith.constant 0 : i32
        %dma_wait3A_111 = tpu.memref_slice %arg8[%add3A_90, %dma_wait3A_110] : memref<10000x64xf32, #tpu.memory_space<vmem_shared>> -> memref<80x64xf32, #tpu.memory_space<vmem_shared>>
        tpu.wait_dma2 semaphore(%run_scoped3A : memref<!tpu.dma_semaphore, #tpu.memory_space<semaphore_mem>>) src(%arg13 : memref<80x64xf32, #tpu.memory_space<vmem>>) dst(%dma_wait3A_111 : memref<80x64xf32, #tpu.memory_space<vmem_shared>>)
        tpu.yield
      }) : () -> ()
      %add3A_91 = arith.constant 80 : i32
      %add3A_92 = arith.addi %multiple_of3A, %add3A_91 : i32
      "tpu.region"() ({
        %run_scoped3A = tpu.sem_alloc : memref<!tpu.dma_semaphore, #tpu.memory_space<semaphore_mem>>
        %dma_start3A_105 = arith.constant 0 : i32
        %dma_start3A_106 = tpu.memref_slice %arg8[%add3A_92, %dma_start3A_105] : memref<10000x64xf32, #tpu.memory_space<vmem_shared>> -> memref<80x64xf32, #tpu.memory_space<vmem_shared>>
        %dma_start3A_107 = arith.constant 0 : i32
        %dma_start3A_108 = tpu.memref_slice %arg8[%add3A_92, %dma_start3A_107] : memref<10000x64xf32, #tpu.memory_space<vmem_shared>> -> memref<80x64xf32, #tpu.memory_space<vmem_shared>>
        tpu.enqueue_dma source(%arg13 : memref<80x64xf32, #tpu.memory_space<vmem>>) target(%dma_start3A_108 : memref<80x64xf32, #tpu.memory_space<vmem_shared>>) target_semaphore(%run_scoped3A : memref<!tpu.dma_semaphore, #tpu.memory_space<semaphore_mem>>)
        %dma_wait3A = arith.constant 0 : i32
        %dma_wait3A_109 = tpu.memref_slice %arg8[%add3A_92, %dma_wait3A] : memref<10000x64xf32, #tpu.memory_space<vmem_shared>> -> memref<80x64xf32, #tpu.memory_space<vmem_shared>>
        %dma_wait3A_110 = arith.constant 0 : i32
        %dma_wait3A_111 = tpu.memref_slice %arg8[%add3A_92, %dma_wait3A_110] : memref<10000x64xf32, #tpu.memory_space<vmem_shared>> -> memref<80x64xf32, #tpu.memory_space<vmem_shared>>
        tpu.wait_dma2 semaphore(%run_scoped3A : memref<!tpu.dma_semaphore, #tpu.memory_space<semaphore_mem>>) src(%arg13 : memref<80x64xf32, #tpu.memory_space<vmem>>) dst(%dma_wait3A_111 : memref<80x64xf32, #tpu.memory_space<vmem_shared>>)
        tpu.yield
      }) : () -> ()
      %add3A_93 = arith.constant 160 : i32
      %add3A_94 = arith.addi %multiple_of3A, %add3A_93 : i32
      "tpu.region"() ({
        %run_scoped3A = tpu.sem_alloc : memref<!tpu.dma_semaphore, #tpu.memory_space<semaphore_mem>>
        %dma_start3A_105 = arith.constant 0 : i32
        %dma_start3A_106 = tpu.memref_slice %arg8[%add3A_94, %dma_start3A_105] : memref<10000x64xf32, #tpu.memory_space<vmem_shared>> -> memref<80x64xf32, #tpu.memory_space<vmem_shared>>
        %dma_start3A_107 = arith.constant 0 : i32
        %dma_start3A_108 = tpu.memref_slice %arg8[%add3A_94, %dma_start3A_107] : memref<10000x64xf32, #tpu.memory_space<vmem_shared>> -> memref<80x64xf32, #tpu.memory_space<vmem_shared>>
        tpu.enqueue_dma source(%arg13 : memref<80x64xf32, #tpu.memory_space<vmem>>) target(%dma_start3A_108 : memref<80x64xf32, #tpu.memory_space<vmem_shared>>) target_semaphore(%run_scoped3A : memref<!tpu.dma_semaphore, #tpu.memory_space<semaphore_mem>>)
        %dma_wait3A = arith.constant 0 : i32
        %dma_wait3A_109 = tpu.memref_slice %arg8[%add3A_94, %dma_wait3A] : memref<10000x64xf32, #tpu.memory_space<vmem_shared>> -> memref<80x64xf32, #tpu.memory_space<vmem_shared>>
        %dma_wait3A_110 = arith.constant 0 : i32
        %dma_wait3A_111 = tpu.memref_slice %arg8[%add3A_94, %dma_wait3A_110] : memref<10000x64xf32, #tpu.memory_space<vmem_shared>> -> memref<80x64xf32, #tpu.memory_space<vmem_shared>>
        tpu.wait_dma2 semaphore(%run_scoped3A : memref<!tpu.dma_semaphore, #tpu.memory_space<semaphore_mem>>) src(%arg13 : memref<80x64xf32, #tpu.memory_space<vmem>>) dst(%dma_wait3A_111 : memref<80x64xf32, #tpu.memory_space<vmem_shared>>)
        tpu.yield
      }) : () -> ()
      %add3A_95 = arith.constant 240 : i32
      %add3A_96 = arith.addi %multiple_of3A, %add3A_95 : i32
      "tpu.region"() ({
        %run_scoped3A = tpu.sem_alloc : memref<!tpu.dma_semaphore, #tpu.memory_space<semaphore_mem>>
        %dma_start3A_105 = arith.constant 0 : i32
        %dma_start3A_106 = tpu.memref_slice %arg8[%add3A_96, %dma_start3A_105] : memref<10000x64xf32, #tpu.memory_space<vmem_shared>> -> memref<80x64xf32, #tpu.memory_space<vmem_shared>>
        %dma_start3A_107 = arith.constant 0 : i32
        %dma_start3A_108 = tpu.memref_slice %arg8[%add3A_96, %dma_start3A_107] : memref<10000x64xf32, #tpu.memory_space<vmem_shared>> -> memref<80x64xf32, #tpu.memory_space<vmem_shared>>
        tpu.enqueue_dma source(%arg13 : memref<80x64xf32, #tpu.memory_space<vmem>>) target(%dma_start3A_108 : memref<80x64xf32, #tpu.memory_space<vmem_shared>>) target_semaphore(%run_scoped3A : memref<!tpu.dma_semaphore, #tpu.memory_space<semaphore_mem>>)
        %dma_wait3A = arith.constant 0 : i32
        %dma_wait3A_109 = tpu.memref_slice %arg8[%add3A_96, %dma_wait3A] : memref<10000x64xf32, #tpu.memory_space<vmem_shared>> -> memref<80x64xf32, #tpu.memory_space<vmem_shared>>
        %dma_wait3A_110 = arith.constant 0 : i32
        %dma_wait3A_111 = tpu.memref_slice %arg8[%add3A_96, %dma_wait3A_110] : memref<10000x64xf32, #tpu.memory_space<vmem_shared>> -> memref<80x64xf32, #tpu.memory_space<vmem_shared>>
        tpu.wait_dma2 semaphore(%run_scoped3A : memref<!tpu.dma_semaphore, #tpu.memory_space<semaphore_mem>>) src(%arg13 : memref<80x64xf32, #tpu.memory_space<vmem>>) dst(%dma_wait3A_111 : memref<80x64xf32, #tpu.memory_space<vmem_shared>>)
        tpu.yield
      }) : () -> ()
      %add3A_97 = arith.constant 320 : i32
      %add3A_98 = arith.addi %multiple_of3A, %add3A_97 : i32
      "tpu.region"() ({
        %run_scoped3A = tpu.sem_alloc : memref<!tpu.dma_semaphore, #tpu.memory_space<semaphore_mem>>
        %dma_start3A_105 = arith.constant 0 : i32
        %dma_start3A_106 = tpu.memref_slice %arg8[%add3A_98, %dma_start3A_105] : memref<10000x64xf32, #tpu.memory_space<vmem_shared>> -> memref<80x64xf32, #tpu.memory_space<vmem_shared>>
        %dma_start3A_107 = arith.constant 0 : i32
        %dma_start3A_108 = tpu.memref_slice %arg8[%add3A_98, %dma_start3A_107] : memref<10000x64xf32, #tpu.memory_space<vmem_shared>> -> memref<80x64xf32, #tpu.memory_space<vmem_shared>>
        tpu.enqueue_dma source(%arg13 : memref<80x64xf32, #tpu.memory_space<vmem>>) target(%dma_start3A_108 : memref<80x64xf32, #tpu.memory_space<vmem_shared>>) target_semaphore(%run_scoped3A : memref<!tpu.dma_semaphore, #tpu.memory_space<semaphore_mem>>)
        %dma_wait3A = arith.constant 0 : i32
        %dma_wait3A_109 = tpu.memref_slice %arg8[%add3A_98, %dma_wait3A] : memref<10000x64xf32, #tpu.memory_space<vmem_shared>> -> memref<80x64xf32, #tpu.memory_space<vmem_shared>>
        %dma_wait3A_110 = arith.constant 0 : i32
        %dma_wait3A_111 = tpu.memref_slice %arg8[%add3A_98, %dma_wait3A_110] : memref<10000x64xf32, #tpu.memory_space<vmem_shared>> -> memref<80x64xf32, #tpu.memory_space<vmem_shared>>
        tpu.wait_dma2 semaphore(%run_scoped3A : memref<!tpu.dma_semaphore, #tpu.memory_space<semaphore_mem>>) src(%arg13 : memref<80x64xf32, #tpu.memory_space<vmem>>) dst(%dma_wait3A_111 : memref<80x64xf32, #tpu.memory_space<vmem_shared>>)
        tpu.yield
      }) : () -> ()
      %add3A_99 = arith.constant 400 : i32
      %add3A_100 = arith.addi %multiple_of3A, %add3A_99 : i32
      "tpu.region"() ({
        %run_scoped3A = tpu.sem_alloc : memref<!tpu.dma_semaphore, #tpu.memory_space<semaphore_mem>>
        %dma_start3A_105 = arith.constant 0 : i32
        %dma_start3A_106 = tpu.memref_slice %arg8[%add3A_100, %dma_start3A_105] : memref<10000x64xf32, #tpu.memory_space<vmem_shared>> -> memref<80x64xf32, #tpu.memory_space<vmem_shared>>
        %dma_start3A_107 = arith.constant 0 : i32
        %dma_start3A_108 = tpu.memref_slice %arg8[%add3A_100, %dma_start3A_107] : memref<10000x64xf32, #tpu.memory_space<vmem_shared>> -> memref<80x64xf32, #tpu.memory_space<vmem_shared>>
        tpu.enqueue_dma source(%arg13 : memref<80x64xf32, #tpu.memory_space<vmem>>) target(%dma_start3A_108 : memref<80x64xf32, #tpu.memory_space<vmem_shared>>) target_semaphore(%run_scoped3A : memref<!tpu.dma_semaphore, #tpu.memory_space<semaphore_mem>>)
        %dma_wait3A = arith.constant 0 : i32
        %dma_wait3A_109 = tpu.memref_slice %arg8[%add3A_100, %dma_wait3A] : memref<10000x64xf32, #tpu.memory_space<vmem_shared>> -> memref<80x64xf32, #tpu.memory_space<vmem_shared>>
        %dma_wait3A_110 = arith.constant 0 : i32
        %dma_wait3A_111 = tpu.memref_slice %arg8[%add3A_100, %dma_wait3A_110] : memref<10000x64xf32, #tpu.memory_space<vmem_shared>> -> memref<80x64xf32, #tpu.memory_space<vmem_shared>>
        tpu.wait_dma2 semaphore(%run_scoped3A : memref<!tpu.dma_semaphore, #tpu.memory_space<semaphore_mem>>) src(%arg13 : memref<80x64xf32, #tpu.memory_space<vmem>>) dst(%dma_wait3A_111 : memref<80x64xf32, #tpu.memory_space<vmem_shared>>)
        tpu.yield
      }) : () -> ()
      %add3A_101 = arith.constant 480 : i32
      %add3A_102 = arith.addi %multiple_of3A, %add3A_101 : i32
      "tpu.region"() ({
        %run_scoped3A = tpu.sem_alloc : memref<!tpu.dma_semaphore, #tpu.memory_space<semaphore_mem>>
        %dma_start3A_105 = arith.constant 0 : i32
        %dma_start3A_106 = tpu.memref_slice %arg8[%add3A_102, %dma_start3A_105] : memref<10000x64xf32, #tpu.memory_space<vmem_shared>> -> memref<80x64xf32, #tpu.memory_space<vmem_shared>>
        %dma_start3A_107 = arith.constant 0 : i32
        %dma_start3A_108 = tpu.memref_slice %arg8[%add3A_102, %dma_start3A_107] : memref<10000x64xf32, #tpu.memory_space<vmem_shared>> -> memref<80x64xf32, #tpu.memory_space<vmem_shared>>
        tpu.enqueue_dma source(%arg13 : memref<80x64xf32, #tpu.memory_space<vmem>>) target(%dma_start3A_108 : memref<80x64xf32, #tpu.memory_space<vmem_shared>>) target_semaphore(%run_scoped3A : memref<!tpu.dma_semaphore, #tpu.memory_space<semaphore_mem>>)
        %dma_wait3A = arith.constant 0 : i32
        %dma_wait3A_109 = tpu.memref_slice %arg8[%add3A_102, %dma_wait3A] : memref<10000x64xf32, #tpu.memory_space<vmem_shared>> -> memref<80x64xf32, #tpu.memory_space<vmem_shared>>
        %dma_wait3A_110 = arith.constant 0 : i32
        %dma_wait3A_111 = tpu.memref_slice %arg8[%add3A_102, %dma_wait3A_110] : memref<10000x64xf32, #tpu.memory_space<vmem_shared>> -> memref<80x64xf32, #tpu.memory_space<vmem_shared>>
        tpu.wait_dma2 semaphore(%run_scoped3A : memref<!tpu.dma_semaphore, #tpu.memory_space<semaphore_mem>>) src(%arg13 : memref<80x64xf32, #tpu.memory_space<vmem>>) dst(%dma_wait3A_111 : memref<80x64xf32, #tpu.memory_space<vmem_shared>>)
        tpu.yield
      }) : () -> ()
      %add3A_103 = arith.constant 560 : i32
      %add3A_104 = arith.addi %multiple_of3A, %add3A_103 : i32
      "tpu.region"() ({
        %run_scoped3A = tpu.sem_alloc : memref<!tpu.dma_semaphore, #tpu.memory_space<semaphore_mem>>
        %dma_start3A_105 = arith.constant 0 : i32
        %dma_start3A_106 = tpu.memref_slice %arg8[%add3A_104, %dma_start3A_105] : memref<10000x64xf32, #tpu.memory_space<vmem_shared>> -> memref<80x64xf32, #tpu.memory_space<vmem_shared>>
        %dma_start3A_107 = arith.constant 0 : i32
        %dma_start3A_108 = tpu.memref_slice %arg8[%add3A_104, %dma_start3A_107] : memref<10000x64xf32, #tpu.memory_space<vmem_shared>> -> memref<80x64xf32, #tpu.memory_space<vmem_shared>>
        tpu.enqueue_dma source(%arg13 : memref<80x64xf32, #tpu.memory_space<vmem>>) target(%dma_start3A_108 : memref<80x64xf32, #tpu.memory_space<vmem_shared>>) target_semaphore(%run_scoped3A : memref<!tpu.dma_semaphore, #tpu.memory_space<semaphore_mem>>)
        %dma_wait3A = arith.constant 0 : i32
        %dma_wait3A_109 = tpu.memref_slice %arg8[%add3A_104, %dma_wait3A] : memref<10000x64xf32, #tpu.memory_space<vmem_shared>> -> memref<80x64xf32, #tpu.memory_space<vmem_shared>>
        %dma_wait3A_110 = arith.constant 0 : i32
        %dma_wait3A_111 = tpu.memref_slice %arg8[%add3A_104, %dma_wait3A_110] : memref<10000x64xf32, #tpu.memory_space<vmem_shared>> -> memref<80x64xf32, #tpu.memory_space<vmem_shared>>
        tpu.wait_dma2 semaphore(%run_scoped3A : memref<!tpu.dma_semaphore, #tpu.memory_space<semaphore_mem>>) src(%arg13 : memref<80x64xf32, #tpu.memory_space<vmem>>) dst(%dma_wait3A_111 : memref<80x64xf32, #tpu.memory_space<vmem_shared>>)
        tpu.yield
      }) : () -> ()
    } else {
    }
    %eq3A = arith.constant 15 : i32
    %eq3A_8 = arith.cmpi eq, %arg1, %eq3A : i32
    %convert_element_type3A_9 = arith.extui %eq3A_8 : i1 to i32
    %cond3A_10 = arith.constant 0 : i32
    %cond3A_11 = arith.cmpi ne, %convert_element_type3A_9, %cond3A_10 : i32
    scf.if %cond3A_11 {
      %add3A_89 = arith.constant 0 : i32
      %add3A_90 = arith.addi %multiple_of3A, %add3A_89 : i32
      "tpu.region"() ({
        %run_scoped3A = tpu.sem_alloc : memref<!tpu.dma_semaphore, #tpu.memory_space<semaphore_mem>>
        %dma_start3A_99 = arith.constant 0 : i32
        %dma_start3A_100 = tpu.memref_slice %arg8[%add3A_90, %dma_start3A_99] : memref<10000x64xf32, #tpu.memory_space<vmem_shared>> -> memref<80x64xf32, #tpu.memory_space<vmem_shared>>
        %dma_start3A_101 = arith.constant 0 : i32
        %dma_start3A_102 = tpu.memref_slice %arg8[%add3A_90, %dma_start3A_101] : memref<10000x64xf32, #tpu.memory_space<vmem_shared>> -> memref<80x64xf32, #tpu.memory_space<vmem_shared>>
        tpu.enqueue_dma source(%arg13 : memref<80x64xf32, #tpu.memory_space<vmem>>) target(%dma_start3A_102 : memref<80x64xf32, #tpu.memory_space<vmem_shared>>) target_semaphore(%run_scoped3A : memref<!tpu.dma_semaphore, #tpu.memory_space<semaphore_mem>>)
        %dma_wait3A = arith.constant 0 : i32
        %dma_wait3A_103 = tpu.memref_slice %arg8[%add3A_90, %dma_wait3A] : memref<10000x64xf32, #tpu.memory_space<vmem_shared>> -> memref<80x64xf32, #tpu.memory_space<vmem_shared>>
        %dma_wait3A_104 = arith.constant 0 : i32
        %dma_wait3A_105 = tpu.memref_slice %arg8[%add3A_90, %dma_wait3A_104] : memref<10000x64xf32, #tpu.memory_space<vmem_shared>> -> memref<80x64xf32, #tpu.memory_space<vmem_shared>>
        tpu.wait_dma2 semaphore(%run_scoped3A : memref<!tpu.dma_semaphore, #tpu.memory_space<semaphore_mem>>) src(%arg13 : memref<80x64xf32, #tpu.memory_space<vmem>>) dst(%dma_wait3A_105 : memref<80x64xf32, #tpu.memory_space<vmem_shared>>)
        tpu.yield
      }) : () -> ()
      %add3A_91 = arith.constant 80 : i32
      %add3A_92 = arith.addi %multiple_of3A, %add3A_91 : i32
      "tpu.region"() ({
        %run_scoped3A = tpu.sem_alloc : memref<!tpu.dma_semaphore, #tpu.memory_space<semaphore_mem>>
        %dma_start3A_99 = arith.constant 0 : i32
        %dma_start3A_100 = tpu.memref_slice %arg8[%add3A_92, %dma_start3A_99] : memref<10000x64xf32, #tpu.memory_space<vmem_shared>> -> memref<80x64xf32, #tpu.memory_space<vmem_shared>>
        %dma_start3A_101 = arith.constant 0 : i32
        %dma_start3A_102 = tpu.memref_slice %arg8[%add3A_92, %dma_start3A_101] : memref<10000x64xf32, #tpu.memory_space<vmem_shared>> -> memref<80x64xf32, #tpu.memory_space<vmem_shared>>
        tpu.enqueue_dma source(%arg13 : memref<80x64xf32, #tpu.memory_space<vmem>>) target(%dma_start3A_102 : memref<80x64xf32, #tpu.memory_space<vmem_shared>>) target_semaphore(%run_scoped3A : memref<!tpu.dma_semaphore, #tpu.memory_space<semaphore_mem>>)
        %dma_wait3A = arith.constant 0 : i32
        %dma_wait3A_103 = tpu.memref_slice %arg8[%add3A_92, %dma_wait3A] : memref<10000x64xf32, #tpu.memory_space<vmem_shared>> -> memref<80x64xf32, #tpu.memory_space<vmem_shared>>
        %dma_wait3A_104 = arith.constant 0 : i32
        %dma_wait3A_105 = tpu.memref_slice %arg8[%add3A_92, %dma_wait3A_104] : memref<10000x64xf32, #tpu.memory_space<vmem_shared>> -> memref<80x64xf32, #tpu.memory_space<vmem_shared>>
        tpu.wait_dma2 semaphore(%run_scoped3A : memref<!tpu.dma_semaphore, #tpu.memory_space<semaphore_mem>>) src(%arg13 : memref<80x64xf32, #tpu.memory_space<vmem>>) dst(%dma_wait3A_105 : memref<80x64xf32, #tpu.memory_space<vmem_shared>>)
        tpu.yield
      }) : () -> ()
      %add3A_93 = arith.constant 160 : i32
      %add3A_94 = arith.addi %multiple_of3A, %add3A_93 : i32
      "tpu.region"() ({
        %run_scoped3A = tpu.sem_alloc : memref<!tpu.dma_semaphore, #tpu.memory_space<semaphore_mem>>
        %dma_start3A_99 = arith.constant 0 : i32
        %dma_start3A_100 = tpu.memref_slice %arg8[%add3A_94, %dma_start3A_99] : memref<10000x64xf32, #tpu.memory_space<vmem_shared>> -> memref<80x64xf32, #tpu.memory_space<vmem_shared>>
        %dma_start3A_101 = arith.constant 0 : i32
        %dma_start3A_102 = tpu.memref_slice %arg8[%add3A_94, %dma_start3A_101] : memref<10000x64xf32, #tpu.memory_space<vmem_shared>> -> memref<80x64xf32, #tpu.memory_space<vmem_shared>>
        tpu.enqueue_dma source(%arg13 : memref<80x64xf32, #tpu.memory_space<vmem>>) target(%dma_start3A_102 : memref<80x64xf32, #tpu.memory_space<vmem_shared>>) target_semaphore(%run_scoped3A : memref<!tpu.dma_semaphore, #tpu.memory_space<semaphore_mem>>)
        %dma_wait3A = arith.constant 0 : i32
        %dma_wait3A_103 = tpu.memref_slice %arg8[%add3A_94, %dma_wait3A] : memref<10000x64xf32, #tpu.memory_space<vmem_shared>> -> memref<80x64xf32, #tpu.memory_space<vmem_shared>>
        %dma_wait3A_104 = arith.constant 0 : i32
        %dma_wait3A_105 = tpu.memref_slice %arg8[%add3A_94, %dma_wait3A_104] : memref<10000x64xf32, #tpu.memory_space<vmem_shared>> -> memref<80x64xf32, #tpu.memory_space<vmem_shared>>
        tpu.wait_dma2 semaphore(%run_scoped3A : memref<!tpu.dma_semaphore, #tpu.memory_space<semaphore_mem>>) src(%arg13 : memref<80x64xf32, #tpu.memory_space<vmem>>) dst(%dma_wait3A_105 : memref<80x64xf32, #tpu.memory_space<vmem_shared>>)
        tpu.yield
      }) : () -> ()
      %add3A_95 = arith.constant 240 : i32
      %add3A_96 = arith.addi %multiple_of3A, %add3A_95 : i32
      "tpu.region"() ({
        %run_scoped3A = tpu.sem_alloc : memref<!tpu.dma_semaphore, #tpu.memory_space<semaphore_mem>>
        %dma_start3A_99 = arith.constant 0 : i32
        %dma_start3A_100 = tpu.memref_slice %arg8[%add3A_96, %dma_start3A_99] : memref<10000x64xf32, #tpu.memory_space<vmem_shared>> -> memref<80x64xf32, #tpu.memory_space<vmem_shared>>
        %dma_start3A_101 = arith.constant 0 : i32
        %dma_start3A_102 = tpu.memref_slice %arg8[%add3A_96, %dma_start3A_101] : memref<10000x64xf32, #tpu.memory_space<vmem_shared>> -> memref<80x64xf32, #tpu.memory_space<vmem_shared>>
        tpu.enqueue_dma source(%arg13 : memref<80x64xf32, #tpu.memory_space<vmem>>) target(%dma_start3A_102 : memref<80x64xf32, #tpu.memory_space<vmem_shared>>) target_semaphore(%run_scoped3A : memref<!tpu.dma_semaphore, #tpu.memory_space<semaphore_mem>>)
        %dma_wait3A = arith.constant 0 : i32
        %dma_wait3A_103 = tpu.memref_slice %arg8[%add3A_96, %dma_wait3A] : memref<10000x64xf32, #tpu.memory_space<vmem_shared>> -> memref<80x64xf32, #tpu.memory_space<vmem_shared>>
        %dma_wait3A_104 = arith.constant 0 : i32
        %dma_wait3A_105 = tpu.memref_slice %arg8[%add3A_96, %dma_wait3A_104] : memref<10000x64xf32, #tpu.memory_space<vmem_shared>> -> memref<80x64xf32, #tpu.memory_space<vmem_shared>>
        tpu.wait_dma2 semaphore(%run_scoped3A : memref<!tpu.dma_semaphore, #tpu.memory_space<semaphore_mem>>) src(%arg13 : memref<80x64xf32, #tpu.memory_space<vmem>>) dst(%dma_wait3A_105 : memref<80x64xf32, #tpu.memory_space<vmem_shared>>)
        tpu.yield
      }) : () -> ()
      %add3A_97 = arith.constant 320 : i32
      %add3A_98 = arith.addi %multiple_of3A, %add3A_97 : i32
      "tpu.region"() ({
        %run_scoped3A = tpu.sem_alloc : memref<!tpu.dma_semaphore, #tpu.memory_space<semaphore_mem>>
        %dma_start3A_99 = arith.constant 0 : i32
        %dma_start3A_100 = tpu.memref_slice %arg8[%add3A_98, %dma_start3A_99] : memref<10000x64xf32, #tpu.memory_space<vmem_shared>> -> memref<80x64xf32, #tpu.memory_space<vmem_shared>>
        %dma_start3A_101 = arith.constant 0 : i32
        %dma_start3A_102 = tpu.memref_slice %arg8[%add3A_98, %dma_start3A_101] : memref<10000x64xf32, #tpu.memory_space<vmem_shared>> -> memref<80x64xf32, #tpu.memory_space<vmem_shared>>
        tpu.enqueue_dma source(%arg13 : memref<80x64xf32, #tpu.memory_space<vmem>>) target(%dma_start3A_102 : memref<80x64xf32, #tpu.memory_space<vmem_shared>>) target_semaphore(%run_scoped3A : memref<!tpu.dma_semaphore, #tpu.memory_space<semaphore_mem>>)
        %dma_wait3A = arith.constant 0 : i32
        %dma_wait3A_103 = tpu.memref_slice %arg8[%add3A_98, %dma_wait3A] : memref<10000x64xf32, #tpu.memory_space<vmem_shared>> -> memref<80x64xf32, #tpu.memory_space<vmem_shared>>
        %dma_wait3A_104 = arith.constant 0 : i32
        %dma_wait3A_105 = tpu.memref_slice %arg8[%add3A_98, %dma_wait3A_104] : memref<10000x64xf32, #tpu.memory_space<vmem_shared>> -> memref<80x64xf32, #tpu.memory_space<vmem_shared>>
        tpu.wait_dma2 semaphore(%run_scoped3A : memref<!tpu.dma_semaphore, #tpu.memory_space<semaphore_mem>>) src(%arg13 : memref<80x64xf32, #tpu.memory_space<vmem>>) dst(%dma_wait3A_105 : memref<80x64xf32, #tpu.memory_space<vmem_shared>>)
        tpu.yield
      }) : () -> ()
    } else {
    }
    %barrier3A = arith.constant 0 : index
    tpu.barrier barrier_id(%barrier3A)
    %mul3A_12 = arith.constant 320000 : i32
    %mul3A_13 = arith.muli %arg0, %mul3A_12 : i32
    %mul3A_14 = arith.constant 20000 : i32
    %mul3A_15 = arith.muli %arg1, %mul3A_14 : i32
    %add3A = arith.addi %mul3A_13, %mul3A_15 : i32
    "tpu.region"() ({
      %run_scoped3A = tpu.sem_alloc : memref<!tpu.dma_semaphore, #tpu.memory_space<semaphore_mem>>
      %dma_start3A_89 = arith.constant 0 : i32
      %dma_start3A_90 = arith.constant 0 : i32
      %dma_start3A_91 = tpu.memref_slice %arg4[%arg1, %dma_start3A_89, %dma_start3A_90] : memref<16x250x80xi32, #tpu.memory_space<hbm>> -> memref<1x250x80xi32, #tpu.memory_space<hbm>>
      %dma_start3A_92 = tpu.memref_squeeze %dma_start3A_91 : memref<1x250x80xi32, #tpu.memory_space<hbm>> -> memref<250x80xi32, #tpu.memory_space<hbm>>
      %dma_start3A_93 = arith.constant 0 : i32
      %dma_start3A_94 = arith.constant 0 : i32
      %dma_start3A_95 = tpu.memref_slice %arg4[%arg1, %dma_start3A_93, %dma_start3A_94] : memref<16x250x80xi32, #tpu.memory_space<hbm>> -> memref<1x250x80xi32, #tpu.memory_space<hbm>>
      %dma_start3A_96 = tpu.memref_squeeze %dma_start3A_95 : memref<1x250x80xi32, #tpu.memory_space<hbm>> -> memref<250x80xi32, #tpu.memory_space<hbm>>
      tpu.enqueue_dma source(%dma_start3A_96 : memref<250x80xi32, #tpu.memory_space<hbm>>) target(%arg9 : memref<250x80xi32, #tpu.memory_space<vmem>>) target_semaphore(%run_scoped3A : memref<!tpu.dma_semaphore, #tpu.memory_space<semaphore_mem>>)
      %dma_wait3A = arith.constant 0 : i32
      %dma_wait3A_97 = arith.constant 0 : i32
      %dma_wait3A_98 = tpu.memref_slice %arg4[%arg1, %dma_wait3A, %dma_wait3A_97] : memref<16x250x80xi32, #tpu.memory_space<hbm>> -> memref<1x250x80xi32, #tpu.memory_space<hbm>>
      %dma_wait3A_99 = tpu.memref_squeeze %dma_wait3A_98 : memref<1x250x80xi32, #tpu.memory_space<hbm>> -> memref<250x80xi32, #tpu.memory_space<hbm>>
      %dma_wait3A_100 = arith.constant 0 : i32
      %dma_wait3A_101 = arith.constant 0 : i32
      %dma_wait3A_102 = tpu.memref_slice %arg4[%arg1, %dma_wait3A_100, %dma_wait3A_101] : memref<16x250x80xi32, #tpu.memory_space<hbm>> -> memref<1x250x80xi32, #tpu.memory_space<hbm>>
      %dma_wait3A_103 = tpu.memref_squeeze %dma_wait3A_102 : memref<1x250x80xi32, #tpu.memory_space<hbm>> -> memref<250x80xi32, #tpu.memory_space<hbm>>
      tpu.wait_dma2 semaphore(%run_scoped3A : memref<!tpu.dma_semaphore, #tpu.memory_space<semaphore_mem>>) src(%dma_wait3A_103 : memref<250x80xi32, #tpu.memory_space<hbm>>) dst(%arg9 : memref<250x80xi32, #tpu.memory_space<vmem>>)
      tpu.yield
    }) : () -> ()
    "tpu.region"() ({
      %run_scoped3A = tpu.sem_alloc : memref<!tpu.dma_semaphore, #tpu.memory_space<semaphore_mem>>
      %dma_start3A_89 = arith.constant 0 : i32
      %dma_start3A_90 = arith.constant 0 : i32
      %dma_start3A_91 = tpu.memref_slice %arg5[%arg1, %dma_start3A_89, %dma_start3A_90] : memref<16x250x80xi32, #tpu.memory_space<hbm>> -> memref<1x250x80xi32, #tpu.memory_space<hbm>>
      %dma_start3A_92 = tpu.memref_squeeze %dma_start3A_91 : memref<1x250x80xi32, #tpu.memory_space<hbm>> -> memref<250x80xi32, #tpu.memory_space<hbm>>
      %dma_start3A_93 = arith.constant 0 : i32
      %dma_start3A_94 = arith.constant 0 : i32
      %dma_start3A_95 = tpu.memref_slice %arg5[%arg1, %dma_start3A_93, %dma_start3A_94] : memref<16x250x80xi32, #tpu.memory_space<hbm>> -> memref<1x250x80xi32, #tpu.memory_space<hbm>>
      %dma_start3A_96 = tpu.memref_squeeze %dma_start3A_95 : memref<1x250x80xi32, #tpu.memory_space<hbm>> -> memref<250x80xi32, #tpu.memory_space<hbm>>
      tpu.enqueue_dma source(%dma_start3A_96 : memref<250x80xi32, #tpu.memory_space<hbm>>) target(%arg10 : memref<250x80xi32, #tpu.memory_space<vmem>>) target_semaphore(%run_scoped3A : memref<!tpu.dma_semaphore, #tpu.memory_space<semaphore_mem>>)
      %dma_wait3A = arith.constant 0 : i32
      %dma_wait3A_97 = arith.constant 0 : i32
      %dma_wait3A_98 = tpu.memref_slice %arg5[%arg1, %dma_wait3A, %dma_wait3A_97] : memref<16x250x80xi32, #tpu.memory_space<hbm>> -> memref<1x250x80xi32, #tpu.memory_space<hbm>>
      %dma_wait3A_99 = tpu.memref_squeeze %dma_wait3A_98 : memref<1x250x80xi32, #tpu.memory_space<hbm>> -> memref<250x80xi32, #tpu.memory_space<hbm>>
      %dma_wait3A_100 = arith.constant 0 : i32
      %dma_wait3A_101 = arith.constant 0 : i32
      %dma_wait3A_102 = tpu.memref_slice %arg5[%arg1, %dma_wait3A_100, %dma_wait3A_101] : memref<16x250x80xi32, #tpu.memory_space<hbm>> -> memref<1x250x80xi32, #tpu.memory_space<hbm>>
      %dma_wait3A_103 = tpu.memref_squeeze %dma_wait3A_102 : memref<1x250x80xi32, #tpu.memory_space<hbm>> -> memref<250x80xi32, #tpu.memory_space<hbm>>
      tpu.wait_dma2 semaphore(%run_scoped3A : memref<!tpu.dma_semaphore, #tpu.memory_space<semaphore_mem>>) src(%dma_wait3A_103 : memref<250x80xi32, #tpu.memory_space<hbm>>) dst(%arg10 : memref<250x80xi32, #tpu.memory_space<vmem>>)
      tpu.yield
    }) : () -> ()
    %mul3A_16 = arith.constant 10000 : i32
    %mul3A_17 = arith.muli %arg0, %mul3A_16 : i32
    %scan3A_18 = arith.constant 0 : i32
    %scan3A_19 = arith.constant 0 : i32
    %scan3A_20 = arith.constant 250 : i32
    %scan3A_21 = arith.addi %scan3A_19, %scan3A_20 : i32
    %scan3A_22 = arith.constant 1 : i32
    scf.for %scan3A_89 = %scan3A_19 to %scan3A_21 step %scan3A_22  : i32 {
      %get3A = arith.index_cast %scan3A_89 : i32 to index
      %get3A_90 = arith.constant 0 : index
      %get3A_91 = tpu.vector_load %arg9[%get3A, %get3A_90] {strides = array<i32>} : memref<250x80xi32, #tpu.memory_space<vmem>>, vector<1x16xi32>,
      %get3A_92 = vector.shape_cast %get3A_91 : vector<1x16xi32> to vector<16xi32>
      %add3A_93 = vector.broadcast %mul3A_17 : i32 to vector<16xi32>
      %add3A_94 = arith.addi %get3A_92, %add3A_93 : vector<16xi32>
      %swap3A = arith.index_cast %scan3A_89 : i32 to index
      %swap3A_95 = arith.constant 0 : index
      %swap3A_96 = tpu.vector_load %arg9[%swap3A, %swap3A_95] {strides = array<i32>} : memref<250x80xi32, #tpu.memory_space<vmem>>, vector<1x16xi32>,
      %swap3A_97 = vector.shape_cast %swap3A_96 : vector<1x16xi32> to vector<16xi32>
      %swap3A_98 = vector.shape_cast %add3A_94 : vector<16xi32> to vector<1x16xi32>
      tpu.vector_store %arg9[%swap3A, %swap3A_95], %swap3A_98 {strides = array<i32>} : memref<250x80xi32, #tpu.memory_space<vmem>>, vector<1x16xi32>,
      %get3A_99 = arith.index_cast %scan3A_89 : i32 to index
      %get3A_100 = arith.constant 16 : index
      %get3A_101 = tpu.vector_load %arg9[%get3A_99, %get3A_100] {strides = array<i32>} : memref<250x80xi32, #tpu.memory_space<vmem>>, vector<1x16xi32>,
      %get3A_102 = vector.shape_cast %get3A_101 : vector<1x16xi32> to vector<16xi32>
      %add3A_103 = vector.broadcast %mul3A_17 : i32 to vector<16xi32>
      %add3A_104 = arith.addi %get3A_102, %add3A_103 : vector<16xi32>
      %swap3A_105 = arith.index_cast %scan3A_89 : i32 to index
      %swap3A_106 = arith.constant 16 : index
      %swap3A_107 = tpu.vector_load %arg9[%swap3A_105, %swap3A_106] {strides = array<i32>} : memref<250x80xi32, #tpu.memory_space<vmem>>, vector<1x16xi32>,
      %swap3A_108 = vector.shape_cast %swap3A_107 : vector<1x16xi32> to vector<16xi32>
      %swap3A_109 = vector.shape_cast %add3A_104 : vector<16xi32> to vector<1x16xi32>
      tpu.vector_store %arg9[%swap3A_105, %swap3A_106], %swap3A_109 {strides = array<i32>} : memref<250x80xi32, #tpu.memory_space<vmem>>, vector<1x16xi32>,
      %get3A_110 = arith.index_cast %scan3A_89 : i32 to index
      %get3A_111 = arith.constant 32 : index
      %get3A_112 = tpu.vector_load %arg9[%get3A_110, %get3A_111] {strides = array<i32>} : memref<250x80xi32, #tpu.memory_space<vmem>>, vector<1x16xi32>,
      %get3A_113 = vector.shape_cast %get3A_112 : vector<1x16xi32> to vector<16xi32>
      %add3A_114 = vector.broadcast %mul3A_17 : i32 to vector<16xi32>
      %add3A_115 = arith.addi %get3A_113, %add3A_114 : vector<16xi32>
      %swap3A_116 = arith.index_cast %scan3A_89 : i32 to index
      %swap3A_117 = arith.constant 32 : index
      %swap3A_118 = tpu.vector_load %arg9[%swap3A_116, %swap3A_117] {strides = array<i32>} : memref<250x80xi32, #tpu.memory_space<vmem>>, vector<1x16xi32>,
      %swap3A_119 = vector.shape_cast %swap3A_118 : vector<1x16xi32> to vector<16xi32>
      %swap3A_120 = vector.shape_cast %add3A_115 : vector<16xi32> to vector<1x16xi32>
      tpu.vector_store %arg9[%swap3A_116, %swap3A_117], %swap3A_120 {strides = array<i32>} : memref<250x80xi32, #tpu.memory_space<vmem>>, vector<1x16xi32>,
      %get3A_121 = arith.index_cast %scan3A_89 : i32 to index
      %get3A_122 = arith.constant 48 : index
      %get3A_123 = tpu.vector_load %arg9[%get3A_121, %get3A_122] {strides = array<i32>} : memref<250x80xi32, #tpu.memory_space<vmem>>, vector<1x16xi32>,
      %get3A_124 = vector.shape_cast %get3A_123 : vector<1x16xi32> to vector<16xi32>
      %add3A_125 = vector.broadcast %mul3A_17 : i32 to vector<16xi32>
      %add3A_126 = arith.addi %get3A_124, %add3A_125 : vector<16xi32>
      %swap3A_127 = arith.index_cast %scan3A_89 : i32 to index
      %swap3A_128 = arith.constant 48 : index
      %swap3A_129 = tpu.vector_load %arg9[%swap3A_127, %swap3A_128] {strides = array<i32>} : memref<250x80xi32, #tpu.memory_space<vmem>>, vector<1x16xi32>,
      %swap3A_130 = vector.shape_cast %swap3A_129 : vector<1x16xi32> to vector<16xi32>
      %swap3A_131 = vector.shape_cast %add3A_126 : vector<16xi32> to vector<1x16xi32>
      tpu.vector_store %arg9[%swap3A_127, %swap3A_128], %swap3A_131 {strides = array<i32>} : memref<250x80xi32, #tpu.memory_space<vmem>>, vector<1x16xi32>,
      %get3A_132 = arith.index_cast %scan3A_89 : i32 to index
      %get3A_133 = arith.constant 64 : index
      %get3A_134 = tpu.vector_load %arg9[%get3A_132, %get3A_133] {strides = array<i32>} : memref<250x80xi32, #tpu.memory_space<vmem>>, vector<1x16xi32>,
      %get3A_135 = vector.shape_cast %get3A_134 : vector<1x16xi32> to vector<16xi32>
      %add3A_136 = vector.broadcast %mul3A_17 : i32 to vector<16xi32>
      %add3A_137 = arith.addi %get3A_135, %add3A_136 : vector<16xi32>
      %swap3A_138 = arith.index_cast %scan3A_89 : i32 to index
      %swap3A_139 = arith.constant 64 : index
      %swap3A_140 = tpu.vector_load %arg9[%swap3A_138, %swap3A_139] {strides = array<i32>} : memref<250x80xi32, #tpu.memory_space<vmem>>, vector<1x16xi32>,
      %swap3A_141 = vector.shape_cast %swap3A_140 : vector<1x16xi32> to vector<16xi32>
      %swap3A_142 = vector.shape_cast %add3A_137 : vector<16xi32> to vector<1x16xi32>
      tpu.vector_store %arg9[%swap3A_138, %swap3A_139], %swap3A_142 {strides = array<i32>} : memref<250x80xi32, #tpu.memory_space<vmem>>, vector<1x16xi32>,
    }
    %scan3A_23 = arith.constant 250 : i32
    %add3A_24 = arith.constant 0 : i32
    %add3A_25 = arith.addi %add3A, %add3A_24 : i32
    %multiple_of3A_26 = tpu.assume_multiple %add3A_25, 8 : i32
    %dma_start3A = arith.constant 0 : i32
    %dma_start3A_27 = tpu.memref_slice %arg3[%multiple_of3A_26, %dma_start3A] : memref<640000x64xf32, #tpu.memory_space<hbm>> -> memref<80x64xf32, #tpu.memory_space<hbm>>
    %dma_start3A_28 = arith.constant 0 : i32
    %dma_start3A_29 = tpu.memref_slice %arg3[%multiple_of3A_26, %dma_start3A_28] : memref<640000x64xf32, #tpu.memory_space<hbm>> -> memref<80x64xf32, #tpu.memory_space<hbm>>
    tpu.enqueue_dma source(%dma_start3A_29 : memref<80x64xf32, #tpu.memory_space<hbm>>) target(%arg11 : memref<80x64xf32, #tpu.memory_space<vmem>>) target_semaphore(%arg15 : memref<!tpu.dma_semaphore, #tpu.memory_space<semaphore_mem>>)
    %dma_start3A_30 = arith.constant 0 : i32
    %dma_start3A_31 = arith.constant 0 : i32
    %dma_start3A_32 = tpu.memref_slice %arg9[%dma_start3A_30, %dma_start3A_31] : memref<250x80xi32, #tpu.memory_space<vmem>> -> memref<1x80xi32, #tpu.memory_space<vmem>>
    %dma_start3A_33 = tpu.memref_squeeze %dma_start3A_32 : memref<1x80xi32, #tpu.memory_space<vmem>> -> memref<80xi32, #tpu.memory_space<vmem>>
    %dma_start3A_34 = arith.constant 0 : i32
    %dma_start3A_35 = arith.constant 0 : i32
    %dma_start3A_36 = tpu.memref_slice %arg2[%dma_start3A_34, %dma_start3A_35] : memref<20000x64xf32, #tpu.memory_space<hbm>> -> memref<20000x64xf32, #tpu.memory_space<hbm>>
    tpu.enqueue_indirect_dma source(%dma_start3A_36 : memref<20000x64xf32, #tpu.memory_space<hbm>>) target(%arg13 : memref<80x64xf32, #tpu.memory_space<vmem>>) offsets(%dma_start3A_33 : memref<80xi32, #tpu.memory_space<vmem>>) semaphore(%arg17 : memref<!tpu.dma_semaphore, #tpu.memory_space<semaphore_mem>>)
    %add3A_37 = arith.constant 80 : i32
    %add3A_38 = arith.addi %add3A, %add3A_37 : i32
    %multiple_of3A_39 = tpu.assume_multiple %add3A_38, 8 : i32
    %dma_start3A_40 = arith.constant 0 : i32
    %dma_start3A_41 = tpu.memref_slice %arg3[%multiple_of3A_39, %dma_start3A_40] : memref<640000x64xf32, #tpu.memory_space<hbm>> -> memref<80x64xf32, #tpu.memory_space<hbm>>
    %dma_start3A_42 = arith.constant 0 : i32
    %dma_start3A_43 = tpu.memref_slice %arg3[%multiple_of3A_39, %dma_start3A_42] : memref<640000x64xf32, #tpu.memory_space<hbm>> -> memref<80x64xf32, #tpu.memory_space<hbm>>
    tpu.enqueue_dma source(%dma_start3A_43 : memref<80x64xf32, #tpu.memory_space<hbm>>) target(%arg12 : memref<80x64xf32, #tpu.memory_space<vmem>>) target_semaphore(%arg16 : memref<!tpu.dma_semaphore, #tpu.memory_space<semaphore_mem>>)
    %dma_start3A_44 = arith.constant 1 : i32
    %dma_start3A_45 = arith.constant 0 : i32
    %dma_start3A_46 = tpu.memref_slice %arg9[%dma_start3A_44, %dma_start3A_45] : memref<250x80xi32, #tpu.memory_space<vmem>> -> memref<1x80xi32, #tpu.memory_space<vmem>>
    %dma_start3A_47 = tpu.memref_squeeze %dma_start3A_46 : memref<1x80xi32, #tpu.memory_space<vmem>> -> memref<80xi32, #tpu.memory_space<vmem>>
    %dma_start3A_48 = arith.constant 0 : i32
    %dma_start3A_49 = arith.constant 0 : i32
    %dma_start3A_50 = tpu.memref_slice %arg2[%dma_start3A_48, %dma_start3A_49] : memref<20000x64xf32, #tpu.memory_space<hbm>> -> memref<20000x64xf32, #tpu.memory_space<hbm>>
    tpu.enqueue_indirect_dma source(%dma_start3A_50 : memref<20000x64xf32, #tpu.memory_space<hbm>>) target(%arg14 : memref<80x64xf32, #tpu.memory_space<vmem>>) offsets(%dma_start3A_47 : memref<80xi32, #tpu.memory_space<vmem>>) semaphore(%arg18 : memref<!tpu.dma_semaphore, #tpu.memory_space<semaphore_mem>>)
    %scan3A_51 = arith.constant 0 : i32
    %scan3A_52 = arith.constant 0 : i32
    %scan3A_53 = arith.constant 125 : i32
    %scan3A_54 = arith.addi %scan3A_52, %scan3A_53 : i32
    %scan3A_55 = arith.constant 1 : i32
    scf.for %scan3A_89 = %scan3A_52 to %scan3A_54 step %scan3A_55  : i32 {
      %mul3A_90 = arith.constant 2 : i32
      %mul3A_91 = arith.muli %mul3A_90, %scan3A_89 : i32
      %add3A_92 = arith.constant 0 : i32
      %add3A_93 = arith.addi %mul3A_91, %add3A_92 : i32
      %multiple_of3A_94 = tpu.assume_multiple %add3A, 8 : i32
      %dma_wait3A = arith.constant 0 : i32
      %dma_wait3A_95 = tpu.memref_slice %arg3[%multiple_of3A_94, %dma_wait3A] : memref<640000x64xf32, #tpu.memory_space<hbm>> -> memref<80x64xf32, #tpu.memory_space<hbm>>
      %dma_wait3A_96 = arith.constant 0 : i32
      %dma_wait3A_97 = tpu.memref_slice %arg3[%multiple_of3A_94, %dma_wait3A_96] : memref<640000x64xf32, #tpu.memory_space<hbm>> -> memref<80x64xf32, #tpu.memory_space<hbm>>
      tpu.wait_dma2 semaphore(%arg15 : memref<!tpu.dma_semaphore, #tpu.memory_space<semaphore_mem>>) src(%dma_wait3A_97 : memref<80x64xf32, #tpu.memory_space<hbm>>) dst(%arg11 : memref<80x64xf32, #tpu.memory_space<vmem>>)
      %dma_wait3A_98 = arith.constant 0 : i32
      %dma_wait3A_99 = tpu.memref_slice %arg9[%add3A_93, %dma_wait3A_98] : memref<250x80xi32, #tpu.memory_space<vmem>> -> memref<1x80xi32, #tpu.memory_space<vmem>>
      %dma_wait3A_100 = tpu.memref_squeeze %dma_wait3A_99 : memref<1x80xi32, #tpu.memory_space<vmem>> -> memref<80xi32, #tpu.memory_space<vmem>>
      %dma_wait3A_101 = arith.constant 0 : i32
      %dma_wait3A_102 = arith.constant 0 : i32
      %dma_wait3A_103 = tpu.memref_slice %arg2[%dma_wait3A_101, %dma_wait3A_102] : memref<20000x64xf32, #tpu.memory_space<hbm>> -> memref<20000x64xf32, #tpu.memory_space<hbm>>
      tpu.wait_indirect_dma semaphore(%arg17 : memref<!tpu.dma_semaphore, #tpu.memory_space<semaphore_mem>>) src(%dma_wait3A_103 : memref<20000x64xf32, #tpu.memory_space<hbm>>) dst(%arg13 : memref<80x64xf32, #tpu.memory_space<vmem>>)
      %scan3A_104 = arith.constant 0 : i32
      %scan3A_105 = arith.constant 0 : i32
      %scan3A_106 = arith.constant 80 : i32
      %scan3A_107 = arith.addi %scan3A_105, %scan3A_106 : i32
      %scan3A_108 = arith.constant 1 : i32
      scf.for %scan3A_145 = %scan3A_105 to %scan3A_107 step %scan3A_108  : i32 {
        %get3A = arith.index_cast %scan3A_145 : i32 to index
        %get3A_146 = arith.constant 0 : index
        %get3A_147 = tpu.vector_load %arg11[%get3A, %get3A_146] {strides = array<i32>} : memref<80x64xf32, #tpu.memory_space<vmem>>, vector<1x16xf32>,
        %get3A_148 = vector.shape_cast %get3A_147 : vector<1x16xf32> to vector<16xf32>
        %get3A_149 = arith.index_cast %scan3A_145 : i32 to index
        %get3A_150 = arith.constant 0 : index
        %get3A_151 = tpu.vector_load %arg13[%get3A_149, %get3A_150] {strides = array<i32>} : memref<80x64xf32, #tpu.memory_space<vmem>>, vector<1x16xf32>,
        %get3A_152 = vector.shape_cast %get3A_151 : vector<1x16xf32> to vector<16xf32>
        %add3A_153 = arith.addf %get3A_148, %get3A_152 : vector<16xf32>
        %max3A = arith.constant 0.000000e+00 : f32
        %max3A_154 = vector.broadcast %max3A : f32 to vector<16xf32>
        %max3A_155 = arith.maximumf %add3A_153, %max3A_154 : vector<16xf32>
        %swap3A = arith.index_cast %scan3A_145 : i32 to index
        %swap3A_156 = arith.constant 0 : index
        %swap3A_157 = tpu.vector_load %arg11[%swap3A, %swap3A_156] {strides = array<i32>} : memref<80x64xf32, #tpu.memory_space<vmem>>, vector<1x16xf32>,
        %swap3A_158 = vector.shape_cast %swap3A_157 : vector<1x16xf32> to vector<16xf32>
        %swap3A_159 = vector.shape_cast %max3A_155 : vector<16xf32> to vector<1x16xf32>
        tpu.vector_store %arg11[%swap3A, %swap3A_156], %swap3A_159 {strides = array<i32>} : memref<80x64xf32, #tpu.memory_space<vmem>>, vector<1x16xf32>,
        %get3A_160 = arith.index_cast %scan3A_145 : i32 to index
        %get3A_161 = arith.constant 16 : index
        %get3A_162 = tpu.vector_load %arg11[%get3A_160, %get3A_161] {strides = array<i32>} : memref<80x64xf32, #tpu.memory_space<vmem>>, vector<1x16xf32>,
        %get3A_163 = vector.shape_cast %get3A_162 : vector<1x16xf32> to vector<16xf32>
        %get3A_164 = arith.index_cast %scan3A_145 : i32 to index
        %get3A_165 = arith.constant 16 : index
        %get3A_166 = tpu.vector_load %arg13[%get3A_164, %get3A_165] {strides = array<i32>} : memref<80x64xf32, #tpu.memory_space<vmem>>, vector<1x16xf32>,
        %get3A_167 = vector.shape_cast %get3A_166 : vector<1x16xf32> to vector<16xf32>
        %add3A_168 = arith.addf %get3A_163, %get3A_167 : vector<16xf32>
        %max3A_169 = arith.constant 0.000000e+00 : f32
        %max3A_170 = vector.broadcast %max3A_169 : f32 to vector<16xf32>
        %max3A_171 = arith.maximumf %add3A_168, %max3A_170 : vector<16xf32>
        %swap3A_172 = arith.index_cast %scan3A_145 : i32 to index
        %swap3A_173 = arith.constant 16 : index
        %swap3A_174 = tpu.vector_load %arg11[%swap3A_172, %swap3A_173] {strides = array<i32>} : memref<80x64xf32, #tpu.memory_space<vmem>>, vector<1x16xf32>,
        %swap3A_175 = vector.shape_cast %swap3A_174 : vector<1x16xf32> to vector<16xf32>
        %swap3A_176 = vector.shape_cast %max3A_171 : vector<16xf32> to vector<1x16xf32>
        tpu.vector_store %arg11[%swap3A_172, %swap3A_173], %swap3A_176 {strides = array<i32>} : memref<80x64xf32, #tpu.memory_space<vmem>>, vector<1x16xf32>,
        %get3A_177 = arith.index_cast %scan3A_145 : i32 to index
        %get3A_178 = arith.constant 32 : index
        %get3A_179 = tpu.vector_load %arg11[%get3A_177, %get3A_178] {strides = array<i32>} : memref<80x64xf32, #tpu.memory_space<vmem>>, vector<1x16xf32>,
        %get3A_180 = vector.shape_cast %get3A_179 : vector<1x16xf32> to vector<16xf32>
        %get3A_181 = arith.index_cast %scan3A_145 : i32 to index
        %get3A_182 = arith.constant 32 : index
        %get3A_183 = tpu.vector_load %arg13[%get3A_181, %get3A_182] {strides = array<i32>} : memref<80x64xf32, #tpu.memory_space<vmem>>, vector<1x16xf32>,
        %get3A_184 = vector.shape_cast %get3A_183 : vector<1x16xf32> to vector<16xf32>
        %add3A_185 = arith.addf %get3A_180, %get3A_184 : vector<16xf32>
        %max3A_186 = arith.constant 0.000000e+00 : f32
        %max3A_187 = vector.broadcast %max3A_186 : f32 to vector<16xf32>
        %max3A_188 = arith.maximumf %add3A_185, %max3A_187 : vector<16xf32>
        %swap3A_189 = arith.index_cast %scan3A_145 : i32 to index
        %swap3A_190 = arith.constant 32 : index
        %swap3A_191 = tpu.vector_load %arg11[%swap3A_189, %swap3A_190] {strides = array<i32>} : memref<80x64xf32, #tpu.memory_space<vmem>>, vector<1x16xf32>,
        %swap3A_192 = vector.shape_cast %swap3A_191 : vector<1x16xf32> to vector<16xf32>
        %swap3A_193 = vector.shape_cast %max3A_188 : vector<16xf32> to vector<1x16xf32>
        tpu.vector_store %arg11[%swap3A_189, %swap3A_190], %swap3A_193 {strides = array<i32>} : memref<80x64xf32, #tpu.memory_space<vmem>>, vector<1x16xf32>,
        %get3A_194 = arith.index_cast %scan3A_145 : i32 to index
        %get3A_195 = arith.constant 48 : index
        %get3A_196 = tpu.vector_load %arg11[%get3A_194, %get3A_195] {strides = array<i32>} : memref<80x64xf32, #tpu.memory_space<vmem>>, vector<1x16xf32>,
        %get3A_197 = vector.shape_cast %get3A_196 : vector<1x16xf32> to vector<16xf32>
        %get3A_198 = arith.index_cast %scan3A_145 : i32 to index
        %get3A_199 = arith.constant 48 : index
        %get3A_200 = tpu.vector_load %arg13[%get3A_198, %get3A_199] {strides = array<i32>} : memref<80x64xf32, #tpu.memory_space<vmem>>, vector<1x16xf32>,
        %get3A_201 = vector.shape_cast %get3A_200 : vector<1x16xf32> to vector<16xf32>
        %add3A_202 = arith.addf %get3A_197, %get3A_201 : vector<16xf32>
        %max3A_203 = arith.constant 0.000000e+00 : f32
        %max3A_204 = vector.broadcast %max3A_203 : f32 to vector<16xf32>
        %max3A_205 = arith.maximumf %add3A_202, %max3A_204 : vector<16xf32>
        %swap3A_206 = arith.index_cast %scan3A_145 : i32 to index
        %swap3A_207 = arith.constant 48 : index
        %swap3A_208 = tpu.vector_load %arg11[%swap3A_206, %swap3A_207] {strides = array<i32>} : memref<80x64xf32, #tpu.memory_space<vmem>>, vector<1x16xf32>,
        %swap3A_209 = vector.shape_cast %swap3A_208 : vector<1x16xf32> to vector<16xf32>
        %swap3A_210 = vector.shape_cast %max3A_205 : vector<16xf32> to vector<1x16xf32>
        tpu.vector_store %arg11[%swap3A_206, %swap3A_207], %swap3A_210 {strides = array<i32>} : memref<80x64xf32, #tpu.memory_space<vmem>>, vector<1x16xf32>,
      }
      %scan3A_109 = arith.constant 80 : i32
      "tpu.region"() ({
        %run_scoped3A = tpu.sem_alloc : memref<!tpu.dma_semaphore, #tpu.memory_space<semaphore_mem>>
        %dma_start3A_145 = arith.constant 0 : i32
        %dma_start3A_146 = tpu.memref_slice %arg10[%add3A_93, %dma_start3A_145] : memref<250x80xi32, #tpu.memory_space<vmem>> -> memref<1x80xi32, #tpu.memory_space<vmem>>
        %dma_start3A_147 = tpu.memref_squeeze %dma_start3A_146 : memref<1x80xi32, #tpu.memory_space<vmem>> -> memref<80xi32, #tpu.memory_space<vmem>>
        %dma_start3A_148 = arith.constant 0 : i32
        %dma_start3A_149 = arith.constant 0 : i32
        %dma_start3A_150 = tpu.memref_slice %arg8[%dma_start3A_148, %dma_start3A_149] : memref<10000x64xf32, #tpu.memory_space<vmem_shared>> -> memref<10000x64xf32, #tpu.memory_space<vmem_shared>>
        tpu.enqueue_indirect_dma source(%arg11 : memref<80x64xf32, #tpu.memory_space<vmem>>) target(%dma_start3A_150 : memref<10000x64xf32, #tpu.memory_space<vmem_shared>>) offsets(%dma_start3A_147 : memref<80xi32, #tpu.memory_space<vmem>>) semaphore(%run_scoped3A : memref<!tpu.dma_semaphore, #tpu.memory_space<semaphore_mem>>) {add = true}
        %dma_wait3A_151 = arith.constant 0 : i32
        %dma_wait3A_152 = tpu.memref_slice %arg10[%add3A_93, %dma_wait3A_151] : memref<250x80xi32, #tpu.memory_space<vmem>> -> memref<1x80xi32, #tpu.memory_space<vmem>>
        %dma_wait3A_153 = tpu.memref_squeeze %dma_wait3A_152 : memref<1x80xi32, #tpu.memory_space<vmem>> -> memref<80xi32, #tpu.memory_space<vmem>>
        %dma_wait3A_154 = arith.constant 0 : i32
        %dma_wait3A_155 = arith.constant 0 : i32
        %dma_wait3A_156 = tpu.memref_slice %arg8[%dma_wait3A_154, %dma_wait3A_155] : memref<10000x64xf32, #tpu.memory_space<vmem_shared>> -> memref<10000x64xf32, #tpu.memory_space<vmem_shared>>
        tpu.wait_indirect_dma semaphore(%run_scoped3A : memref<!tpu.dma_semaphore, #tpu.memory_space<semaphore_mem>>) src(%arg11 : memref<80x64xf32, #tpu.memory_space<vmem>>) dst(%dma_wait3A_156 : memref<10000x64xf32, #tpu.memory_space<vmem_shared>>)
        tpu.yield
      }) : () -> ()
      %add3A_110 = arith.constant 2 : i32
      %add3A_111 = arith.addi %add3A_93, %add3A_110 : i32
      %lt3A_112 = arith.constant 250 : i32
      %lt3A_113 = arith.cmpi slt, %add3A_111, %lt3A_112 : i32
      %convert_element_type3A_114 = arith.extui %lt3A_113 : i1 to i32
      %cond3A_115 = arith.constant 0 : i32
      %cond3A_116 = arith.cmpi ne, %convert_element_type3A_114, %cond3A_115 : i32
      scf.if %cond3A_116 {
        %add3A_145 = arith.constant 2 : i32
        %add3A_146 = arith.addi %add3A_93, %add3A_145 : i32
        %mul3A_147 = arith.constant 80 : i32
        %mul3A_148 = arith.muli %add3A_146, %mul3A_147 : i32
        %add3A_149 = arith.addi %add3A, %mul3A_148 : i32
        %multiple_of3A_150 = tpu.assume_multiple %add3A_149, 8 : i32
        %dma_start3A_151 = arith.constant 0 : i32
        %dma_start3A_152 = tpu.memref_slice %arg3[%multiple_of3A_150, %dma_start3A_151] : memref<640000x64xf32, #tpu.memory_space<hbm>> -> memref<80x64xf32, #tpu.memory_space<hbm>>
        %dma_start3A_153 = arith.constant 0 : i32
        %dma_start3A_154 = tpu.memref_slice %arg3[%multiple_of3A_150, %dma_start3A_153] : memref<640000x64xf32, #tpu.memory_space<hbm>> -> memref<80x64xf32, #tpu.memory_space<hbm>>
        tpu.enqueue_dma source(%dma_start3A_154 : memref<80x64xf32, #tpu.memory_space<hbm>>) target(%arg11 : memref<80x64xf32, #tpu.memory_space<vmem>>) target_semaphore(%arg15 : memref<!tpu.dma_semaphore, #tpu.memory_space<semaphore_mem>>)
        %dma_start3A_155 = arith.constant 0 : i32
        %dma_start3A_156 = tpu.memref_slice %arg9[%add3A_146, %dma_start3A_155] : memref<250x80xi32, #tpu.memory_space<vmem>> -> memref<1x80xi32, #tpu.memory_space<vmem>>
        %dma_start3A_157 = tpu.memref_squeeze %dma_start3A_156 : memref<1x80xi32, #tpu.memory_space<vmem>> -> memref<80xi32, #tpu.memory_space<vmem>>
        %dma_start3A_158 = arith.constant 0 : i32
        %dma_start3A_159 = arith.constant 0 : i32
        %dma_start3A_160 = tpu.memref_slice %arg2[%dma_start3A_158, %dma_start3A_159] : memref<20000x64xf32, #tpu.memory_space<hbm>> -> memref<20000x64xf32, #tpu.memory_space<hbm>>
        tpu.enqueue_indirect_dma source(%dma_start3A_160 : memref<20000x64xf32, #tpu.memory_space<hbm>>) target(%arg13 : memref<80x64xf32, #tpu.memory_space<vmem>>) offsets(%dma_start3A_157 : memref<80xi32, #tpu.memory_space<vmem>>) semaphore(%arg17 : memref<!tpu.dma_semaphore, #tpu.memory_space<semaphore_mem>>)
      } else {
      }
      %mul3A_117 = arith.constant 2 : i32
      %mul3A_118 = arith.muli %mul3A_117, %scan3A_89 : i32
      %add3A_119 = arith.constant 1 : i32
      %add3A_120 = arith.addi %mul3A_118, %add3A_119 : i32
      %multiple_of3A_121 = tpu.assume_multiple %add3A, 8 : i32
      %dma_wait3A_122 = arith.constant 0 : i32
      %dma_wait3A_123 = tpu.memref_slice %arg3[%multiple_of3A_121, %dma_wait3A_122] : memref<640000x64xf32, #tpu.memory_space<hbm>> -> memref<80x64xf32, #tpu.memory_space<hbm>>
      %dma_wait3A_124 = arith.constant 0 : i32
      %dma_wait3A_125 = tpu.memref_slice %arg3[%multiple_of3A_121, %dma_wait3A_124] : memref<640000x64xf32, #tpu.memory_space<hbm>> -> memref<80x64xf32, #tpu.memory_space<hbm>>
      tpu.wait_dma2 semaphore(%arg16 : memref<!tpu.dma_semaphore, #tpu.memory_space<semaphore_mem>>) src(%dma_wait3A_125 : memref<80x64xf32, #tpu.memory_space<hbm>>) dst(%arg12 : memref<80x64xf32, #tpu.memory_space<vmem>>)
      %dma_wait3A_126 = arith.constant 0 : i32
      %dma_wait3A_127 = tpu.memref_slice %arg9[%add3A_120, %dma_wait3A_126] : memref<250x80xi32, #tpu.memory_space<vmem>> -> memref<1x80xi32, #tpu.memory_space<vmem>>
      %dma_wait3A_128 = tpu.memref_squeeze %dma_wait3A_127 : memref<1x80xi32, #tpu.memory_space<vmem>> -> memref<80xi32, #tpu.memory_space<vmem>>
      %dma_wait3A_129 = arith.constant 0 : i32
      %dma_wait3A_130 = arith.constant 0 : i32
      %dma_wait3A_131 = tpu.memref_slice %arg2[%dma_wait3A_129, %dma_wait3A_130] : memref<20000x64xf32, #tpu.memory_space<hbm>> -> memref<20000x64xf32, #tpu.memory_space<hbm>>
      tpu.wait_indirect_dma semaphore(%arg18 : memref<!tpu.dma_semaphore, #tpu.memory_space<semaphore_mem>>) src(%dma_wait3A_131 : memref<20000x64xf32, #tpu.memory_space<hbm>>) dst(%arg14 : memref<80x64xf32, #tpu.memory_space<vmem>>)
      %scan3A_132 = arith.constant 0 : i32
      %scan3A_133 = arith.constant 0 : i32
      %scan3A_134 = arith.constant 80 : i32
      %scan3A_135 = arith.addi %scan3A_133, %scan3A_134 : i32
      %scan3A_136 = arith.constant 1 : i32
      scf.for %scan3A_145 = %scan3A_133 to %scan3A_135 step %scan3A_136  : i32 {
        %get3A = arith.index_cast %scan3A_145 : i32 to index
        %get3A_146 = arith.constant 0 : index
        %get3A_147 = tpu.vector_load %arg12[%get3A, %get3A_146] {strides = array<i32>} : memref<80x64xf32, #tpu.memory_space<vmem>>, vector<1x16xf32>,
        %get3A_148 = vector.shape_cast %get3A_147 : vector<1x16xf32> to vector<16xf32>
        %get3A_149 = arith.index_cast %scan3A_145 : i32 to index
        %get3A_150 = arith.constant 0 : index
        %get3A_151 = tpu.vector_load %arg14[%get3A_149, %get3A_150] {strides = array<i32>} : memref<80x64xf32, #tpu.memory_space<vmem>>, vector<1x16xf32>,
        %get3A_152 = vector.shape_cast %get3A_151 : vector<1x16xf32> to vector<16xf32>
        %add3A_153 = arith.addf %get3A_148, %get3A_152 : vector<16xf32>
        %max3A = arith.constant 0.000000e+00 : f32
        %max3A_154 = vector.broadcast %max3A : f32 to vector<16xf32>
        %max3A_155 = arith.maximumf %add3A_153, %max3A_154 : vector<16xf32>
        %swap3A = arith.index_cast %scan3A_145 : i32 to index
        %swap3A_156 = arith.constant 0 : index
        %swap3A_157 = tpu.vector_load %arg12[%swap3A, %swap3A_156] {strides = array<i32>} : memref<80x64xf32, #tpu.memory_space<vmem>>, vector<1x16xf32>,
        %swap3A_158 = vector.shape_cast %swap3A_157 : vector<1x16xf32> to vector<16xf32>
        %swap3A_159 = vector.shape_cast %max3A_155 : vector<16xf32> to vector<1x16xf32>
        tpu.vector_store %arg12[%swap3A, %swap3A_156], %swap3A_159 {strides = array<i32>} : memref<80x64xf32, #tpu.memory_space<vmem>>, vector<1x16xf32>,
        %get3A_160 = arith.index_cast %scan3A_145 : i32 to index
        %get3A_161 = arith.constant 16 : index
        %get3A_162 = tpu.vector_load %arg12[%get3A_160, %get3A_161] {strides = array<i32>} : memref<80x64xf32, #tpu.memory_space<vmem>>, vector<1x16xf32>,
        %get3A_163 = vector.shape_cast %get3A_162 : vector<1x16xf32> to vector<16xf32>
        %get3A_164 = arith.index_cast %scan3A_145 : i32 to index
        %get3A_165 = arith.constant 16 : index
        %get3A_166 = tpu.vector_load %arg14[%get3A_164, %get3A_165] {strides = array<i32>} : memref<80x64xf32, #tpu.memory_space<vmem>>, vector<1x16xf32>,
        %get3A_167 = vector.shape_cast %get3A_166 : vector<1x16xf32> to vector<16xf32>
        %add3A_168 = arith.addf %get3A_163, %get3A_167 : vector<16xf32>
        %max3A_169 = arith.constant 0.000000e+00 : f32
        %max3A_170 = vector.broadcast %max3A_169 : f32 to vector<16xf32>
        %max3A_171 = arith.maximumf %add3A_168, %max3A_170 : vector<16xf32>
        %swap3A_172 = arith.index_cast %scan3A_145 : i32 to index
        %swap3A_173 = arith.constant 16 : index
        %swap3A_174 = tpu.vector_load %arg12[%swap3A_172, %swap3A_173] {strides = array<i32>} : memref<80x64xf32, #tpu.memory_space<vmem>>, vector<1x16xf32>,
        %swap3A_175 = vector.shape_cast %swap3A_174 : vector<1x16xf32> to vector<16xf32>
        %swap3A_176 = vector.shape_cast %max3A_171 : vector<16xf32> to vector<1x16xf32>
        tpu.vector_store %arg12[%swap3A_172, %swap3A_173], %swap3A_176 {strides = array<i32>} : memref<80x64xf32, #tpu.memory_space<vmem>>, vector<1x16xf32>,
        %get3A_177 = arith.index_cast %scan3A_145 : i32 to index
        %get3A_178 = arith.constant 32 : index
        %get3A_179 = tpu.vector_load %arg12[%get3A_177, %get3A_178] {strides = array<i32>} : memref<80x64xf32, #tpu.memory_space<vmem>>, vector<1x16xf32>,
        %get3A_180 = vector.shape_cast %get3A_179 : vector<1x16xf32> to vector<16xf32>
        %get3A_181 = arith.index_cast %scan3A_145 : i32 to index
        %get3A_182 = arith.constant 32 : index
        %get3A_183 = tpu.vector_load %arg14[%get3A_181, %get3A_182] {strides = array<i32>} : memref<80x64xf32, #tpu.memory_space<vmem>>, vector<1x16xf32>,
        %get3A_184 = vector.shape_cast %get3A_183 : vector<1x16xf32> to vector<16xf32>
        %add3A_185 = arith.addf %get3A_180, %get3A_184 : vector<16xf32>
        %max3A_186 = arith.constant 0.000000e+00 : f32
        %max3A_187 = vector.broadcast %max3A_186 : f32 to vector<16xf32>
        %max3A_188 = arith.maximumf %add3A_185, %max3A_187 : vector<16xf32>
        %swap3A_189 = arith.index_cast %scan3A_145 : i32 to index
        %swap3A_190 = arith.constant 32 : index
        %swap3A_191 = tpu.vector_load %arg12[%swap3A_189, %swap3A_190] {strides = array<i32>} : memref<80x64xf32, #tpu.memory_space<vmem>>, vector<1x16xf32>,
        %swap3A_192 = vector.shape_cast %swap3A_191 : vector<1x16xf32> to vector<16xf32>
        %swap3A_193 = vector.shape_cast %max3A_188 : vector<16xf32> to vector<1x16xf32>
        tpu.vector_store %arg12[%swap3A_189, %swap3A_190], %swap3A_193 {strides = array<i32>} : memref<80x64xf32, #tpu.memory_space<vmem>>, vector<1x16xf32>,
        %get3A_194 = arith.index_cast %scan3A_145 : i32 to index
        %get3A_195 = arith.constant 48 : index
        %get3A_196 = tpu.vector_load %arg12[%get3A_194, %get3A_195] {strides = array<i32>} : memref<80x64xf32, #tpu.memory_space<vmem>>, vector<1x16xf32>,
        %get3A_197 = vector.shape_cast %get3A_196 : vector<1x16xf32> to vector<16xf32>
        %get3A_198 = arith.index_cast %scan3A_145 : i32 to index
        %get3A_199 = arith.constant 48 : index
        %get3A_200 = tpu.vector_load %arg14[%get3A_198, %get3A_199] {strides = array<i32>} : memref<80x64xf32, #tpu.memory_space<vmem>>, vector<1x16xf32>,
        %get3A_201 = vector.shape_cast %get3A_200 : vector<1x16xf32> to vector<16xf32>
        %add3A_202 = arith.addf %get3A_197, %get3A_201 : vector<16xf32>
        %max3A_203 = arith.constant 0.000000e+00 : f32
        %max3A_204 = vector.broadcast %max3A_203 : f32 to vector<16xf32>
        %max3A_205 = arith.maximumf %add3A_202, %max3A_204 : vector<16xf32>
        %swap3A_206 = arith.index_cast %scan3A_145 : i32 to index
        %swap3A_207 = arith.constant 48 : index
        %swap3A_208 = tpu.vector_load %arg12[%swap3A_206, %swap3A_207] {strides = array<i32>} : memref<80x64xf32, #tpu.memory_space<vmem>>, vector<1x16xf32>,
        %swap3A_209 = vector.shape_cast %swap3A_208 : vector<1x16xf32> to vector<16xf32>
        %swap3A_210 = vector.shape_cast %max3A_205 : vector<16xf32> to vector<1x16xf32>
        tpu.vector_store %arg12[%swap3A_206, %swap3A_207], %swap3A_210 {strides = array<i32>} : memref<80x64xf32, #tpu.memory_space<vmem>>, vector<1x16xf32>,
      }
      %scan3A_137 = arith.constant 80 : i32
      "tpu.region"() ({
        %run_scoped3A = tpu.sem_alloc : memref<!tpu.dma_semaphore, #tpu.memory_space<semaphore_mem>>
        %dma_start3A_145 = arith.constant 0 : i32
        %dma_start3A_146 = tpu.memref_slice %arg10[%add3A_120, %dma_start3A_145] : memref<250x80xi32, #tpu.memory_space<vmem>> -> memref<1x80xi32, #tpu.memory_space<vmem>>
        %dma_start3A_147 = tpu.memref_squeeze %dma_start3A_146 : memref<1x80xi32, #tpu.memory_space<vmem>> -> memref<80xi32, #tpu.memory_space<vmem>>
        %dma_start3A_148 = arith.constant 0 : i32
        %dma_start3A_149 = arith.constant 0 : i32
        %dma_start3A_150 = tpu.memref_slice %arg8[%dma_start3A_148, %dma_start3A_149] : memref<10000x64xf32, #tpu.memory_space<vmem_shared>> -> memref<10000x64xf32, #tpu.memory_space<vmem_shared>>
        tpu.enqueue_indirect_dma source(%arg12 : memref<80x64xf32, #tpu.memory_space<vmem>>) target(%dma_start3A_150 : memref<10000x64xf32, #tpu.memory_space<vmem_shared>>) offsets(%dma_start3A_147 : memref<80xi32, #tpu.memory_space<vmem>>) semaphore(%run_scoped3A : memref<!tpu.dma_semaphore, #tpu.memory_space<semaphore_mem>>) {add = true}
        %dma_wait3A_151 = arith.constant 0 : i32
        %dma_wait3A_152 = tpu.memref_slice %arg10[%add3A_120, %dma_wait3A_151] : memref<250x80xi32, #tpu.memory_space<vmem>> -> memref<1x80xi32, #tpu.memory_space<vmem>>
        %dma_wait3A_153 = tpu.memref_squeeze %dma_wait3A_152 : memref<1x80xi32, #tpu.memory_space<vmem>> -> memref<80xi32, #tpu.memory_space<vmem>>
        %dma_wait3A_154 = arith.constant 0 : i32
        %dma_wait3A_155 = arith.constant 0 : i32
        %dma_wait3A_156 = tpu.memref_slice %arg8[%dma_wait3A_154, %dma_wait3A_155] : memref<10000x64xf32, #tpu.memory_space<vmem_shared>> -> memref<10000x64xf32, #tpu.memory_space<vmem_shared>>
        tpu.wait_indirect_dma semaphore(%run_scoped3A : memref<!tpu.dma_semaphore, #tpu.memory_space<semaphore_mem>>) src(%arg12 : memref<80x64xf32, #tpu.memory_space<vmem>>) dst(%dma_wait3A_156 : memref<10000x64xf32, #tpu.memory_space<vmem_shared>>)
        tpu.yield
      }) : () -> ()
      %add3A_138 = arith.constant 2 : i32
      %add3A_139 = arith.addi %add3A_120, %add3A_138 : i32
      %lt3A_140 = arith.constant 250 : i32
      %lt3A_141 = arith.cmpi slt, %add3A_139, %lt3A_140 : i32
      %convert_element_type3A_142 = arith.extui %lt3A_141 : i1 to i32
      %cond3A_143 = arith.constant 0 : i32
      %cond3A_144 = arith.cmpi ne, %convert_element_type3A_142, %cond3A_143 : i32
      scf.if %cond3A_144 {
        %add3A_145 = arith.constant 2 : i32
        %add3A_146 = arith.addi %add3A_120, %add3A_145 : i32
        %mul3A_147 = arith.constant 80 : i32
        %mul3A_148 = arith.muli %add3A_146, %mul3A_147 : i32
        %add3A_149 = arith.addi %add3A, %mul3A_148 : i32
        %multiple_of3A_150 = tpu.assume_multiple %add3A_149, 8 : i32
        %dma_start3A_151 = arith.constant 0 : i32
        %dma_start3A_152 = tpu.memref_slice %arg3[%multiple_of3A_150, %dma_start3A_151] : memref<640000x64xf32, #tpu.memory_space<hbm>> -> memref<80x64xf32, #tpu.memory_space<hbm>>
        %dma_start3A_153 = arith.constant 0 : i32
        %dma_start3A_154 = tpu.memref_slice %arg3[%multiple_of3A_150, %dma_start3A_153] : memref<640000x64xf32, #tpu.memory_space<hbm>> -> memref<80x64xf32, #tpu.memory_space<hbm>>
        tpu.enqueue_dma source(%dma_start3A_154 : memref<80x64xf32, #tpu.memory_space<hbm>>) target(%arg12 : memref<80x64xf32, #tpu.memory_space<vmem>>) target_semaphore(%arg16 : memref<!tpu.dma_semaphore, #tpu.memory_space<semaphore_mem>>)
        %dma_start3A_155 = arith.constant 0 : i32
        %dma_start3A_156 = tpu.memref_slice %arg9[%add3A_146, %dma_start3A_155] : memref<250x80xi32, #tpu.memory_space<vmem>> -> memref<1x80xi32, #tpu.memory_space<vmem>>
        %dma_start3A_157 = tpu.memref_squeeze %dma_start3A_156 : memref<1x80xi32, #tpu.memory_space<vmem>> -> memref<80xi32, #tpu.memory_space<vmem>>
        %dma_start3A_158 = arith.constant 0 : i32
        %dma_start3A_159 = arith.constant 0 : i32
        %dma_start3A_160 = tpu.memref_slice %arg2[%dma_start3A_158, %dma_start3A_159] : memref<20000x64xf32, #tpu.memory_space<hbm>> -> memref<20000x64xf32, #tpu.memory_space<hbm>>
        tpu.enqueue_indirect_dma source(%dma_start3A_160 : memref<20000x64xf32, #tpu.memory_space<hbm>>) target(%arg14 : memref<80x64xf32, #tpu.memory_space<vmem>>) offsets(%dma_start3A_157 : memref<80xi32, #tpu.memory_space<vmem>>) semaphore(%arg18 : memref<!tpu.dma_semaphore, #tpu.memory_space<semaphore_mem>>)
      } else {
      }
    }
    %scan3A_56 = arith.constant 125 : i32
    %barrier3A_57 = arith.constant 0 : index
    tpu.barrier barrier_id(%barrier3A_57)
    %eq3A_58 = arith.constant 0 : i32
    %eq3A_59 = arith.cmpi eq, %arg0, %eq3A_58 : i32
    %lt3A_60 = arith.constant 15 : i32
    %lt3A_61 = arith.cmpi slt, %arg1, %lt3A_60 : i32
    %and3A = arith.andi %eq3A_59, %lt3A_61 : i1
    %convert_element_type3A_62 = arith.extui %and3A : i1 to i32
    %cond3A_63 = arith.constant 0 : i32
    %cond3A_64 = arith.cmpi ne, %convert_element_type3A_62, %cond3A_63 : i32
    scf.if %cond3A_64 {
      "tpu.region"() ({
        %run_scoped3A = tpu.sem_alloc : memref<!tpu.dma_semaphore, #tpu.memory_space<semaphore_mem>>
        %dma_start3A_89 = arith.constant 0 : i32
        %dma_start3A_90 = tpu.memref_slice %arg6[%multiple_of3A, %dma_start3A_89] : memref<10000x64xf32, #tpu.memory_space<hbm>> -> memref<640x64xf32, #tpu.memory_space<hbm>>
        %dma_start3A_91 = arith.constant 0 : i32
        %dma_start3A_92 = tpu.memref_slice %arg8[%multiple_of3A, %dma_start3A_91] : memref<10000x64xf32, #tpu.memory_space<vmem_shared>> -> memref<640x64xf32, #tpu.memory_space<vmem_shared>>
        tpu.enqueue_dma source(%dma_start3A_92 : memref<640x64xf32, #tpu.memory_space<vmem_shared>>) target(%dma_start3A_90 : memref<640x64xf32, #tpu.memory_space<hbm>>) target_semaphore(%run_scoped3A : memref<!tpu.dma_semaphore, #tpu.memory_space<semaphore_mem>>)
        %dma_wait3A = arith.constant 0 : i32
        %dma_wait3A_93 = tpu.memref_slice %arg6[%multiple_of3A, %dma_wait3A] : memref<10000x64xf32, #tpu.memory_space<hbm>> -> memref<640x64xf32, #tpu.memory_space<hbm>>
        %dma_wait3A_94 = arith.constant 0 : i32
        %dma_wait3A_95 = tpu.memref_slice %arg8[%multiple_of3A, %dma_wait3A_94] : memref<10000x64xf32, #tpu.memory_space<vmem_shared>> -> memref<640x64xf32, #tpu.memory_space<vmem_shared>>
        tpu.wait_dma2 semaphore(%run_scoped3A : memref<!tpu.dma_semaphore, #tpu.memory_space<semaphore_mem>>) src(%dma_wait3A_95 : memref<640x64xf32, #tpu.memory_space<vmem_shared>>) dst(%dma_wait3A_93 : memref<640x64xf32, #tpu.memory_space<hbm>>)
        tpu.yield
      }) : () -> ()
    } else {
    }
    %eq3A_65 = arith.constant 0 : i32
    %eq3A_66 = arith.cmpi eq, %arg0, %eq3A_65 : i32
    %eq3A_67 = arith.constant 15 : i32
    %eq3A_68 = arith.cmpi eq, %arg1, %eq3A_67 : i32
    %and3A_69 = arith.andi %eq3A_66, %eq3A_68 : i1
    %convert_element_type3A_70 = arith.extui %and3A_69 : i1 to i32
    %cond3A_71 = arith.constant 0 : i32
    %cond3A_72 = arith.cmpi ne, %convert_element_type3A_70, %cond3A_71 : i32
    scf.if %cond3A_72 {
      "tpu.region"() ({
        %run_scoped3A = tpu.sem_alloc : memref<!tpu.dma_semaphore, #tpu.memory_space<semaphore_mem>>
        %dma_start3A_89 = arith.constant 0 : i32
        %dma_start3A_90 = tpu.memref_slice %arg6[%multiple_of3A, %dma_start3A_89] : memref<10000x64xf32, #tpu.memory_space<hbm>> -> memref<400x64xf32, #tpu.memory_space<hbm>>
        %dma_start3A_91 = arith.constant 0 : i32
        %dma_start3A_92 = tpu.memref_slice %arg8[%multiple_of3A, %dma_start3A_91] : memref<10000x64xf32, #tpu.memory_space<vmem_shared>> -> memref<400x64xf32, #tpu.memory_space<vmem_shared>>
        tpu.enqueue_dma source(%dma_start3A_92 : memref<400x64xf32, #tpu.memory_space<vmem_shared>>) target(%dma_start3A_90 : memref<400x64xf32, #tpu.memory_space<hbm>>) target_semaphore(%run_scoped3A : memref<!tpu.dma_semaphore, #tpu.memory_space<semaphore_mem>>)
        %dma_wait3A = arith.constant 0 : i32
        %dma_wait3A_93 = tpu.memref_slice %arg6[%multiple_of3A, %dma_wait3A] : memref<10000x64xf32, #tpu.memory_space<hbm>> -> memref<400x64xf32, #tpu.memory_space<hbm>>
        %dma_wait3A_94 = arith.constant 0 : i32
        %dma_wait3A_95 = tpu.memref_slice %arg8[%multiple_of3A, %dma_wait3A_94] : memref<10000x64xf32, #tpu.memory_space<vmem_shared>> -> memref<400x64xf32, #tpu.memory_space<vmem_shared>>
        tpu.wait_dma2 semaphore(%run_scoped3A : memref<!tpu.dma_semaphore, #tpu.memory_space<semaphore_mem>>) src(%dma_wait3A_95 : memref<400x64xf32, #tpu.memory_space<vmem_shared>>) dst(%dma_wait3A_93 : memref<400x64xf32, #tpu.memory_space<hbm>>)
        tpu.yield
      }) : () -> ()
    } else {
    }
    %eq3A_73 = arith.constant 1 : i32
    %eq3A_74 = arith.cmpi eq, %arg0, %eq3A_73 : i32
    %lt3A_75 = arith.constant 15 : i32
    %lt3A_76 = arith.cmpi slt, %arg1, %lt3A_75 : i32
    %and3A_77 = arith.andi %eq3A_74, %lt3A_76 : i1
    %convert_element_type3A_78 = arith.extui %and3A_77 : i1 to i32
    %cond3A_79 = arith.constant 0 : i32
    %cond3A_80 = arith.cmpi ne, %convert_element_type3A_78, %cond3A_79 : i32
    scf.if %cond3A_80 {
      "tpu.region"() ({
        %run_scoped3A = tpu.sem_alloc : memref<!tpu.dma_semaphore, #tpu.memory_space<semaphore_mem>>
        %dma_start3A_89 = arith.constant 0 : i32
        %dma_start3A_90 = tpu.memref_slice %arg7[%multiple_of3A, %dma_start3A_89] : memref<10000x64xf32, #tpu.memory_space<hbm>> -> memref<640x64xf32, #tpu.memory_space<hbm>>
        %dma_start3A_91 = arith.constant 0 : i32
        %dma_start3A_92 = tpu.memref_slice %arg8[%multiple_of3A, %dma_start3A_91] : memref<10000x64xf32, #tpu.memory_space<vmem_shared>> -> memref<640x64xf32, #tpu.memory_space<vmem_shared>>
        tpu.enqueue_dma source(%dma_start3A_92 : memref<640x64xf32, #tpu.memory_space<vmem_shared>>) target(%dma_start3A_90 : memref<640x64xf32, #tpu.memory_space<hbm>>) target_semaphore(%run_scoped3A : memref<!tpu.dma_semaphore, #tpu.memory_space<semaphore_mem>>)
        %dma_wait3A = arith.constant 0 : i32
        %dma_wait3A_93 = tpu.memref_slice %arg7[%multiple_of3A, %dma_wait3A] : memref<10000x64xf32, #tpu.memory_space<hbm>> -> memref<640x64xf32, #tpu.memory_space<hbm>>
        %dma_wait3A_94 = arith.constant 0 : i32
        %dma_wait3A_95 = tpu.memref_slice %arg8[%multiple_of3A, %dma_wait3A_94] : memref<10000x64xf32, #tpu.memory_space<vmem_shared>> -> memref<640x64xf32, #tpu.memory_space<vmem_shared>>
        tpu.wait_dma2 semaphore(%run_scoped3A : memref<!tpu.dma_semaphore, #tpu.memory_space<semaphore_mem>>) src(%dma_wait3A_95 : memref<640x64xf32, #tpu.memory_space<vmem_shared>>) dst(%dma_wait3A_93 : memref<640x64xf32, #tpu.memory_space<hbm>>)
        tpu.yield
      }) : () -> ()
    } else {
    }
    %eq3A_81 = arith.constant 1 : i32
    %eq3A_82 = arith.cmpi eq, %arg0, %eq3A_81 : i32
    %eq3A_83 = arith.constant 15 : i32
    %eq3A_84 = arith.cmpi eq, %arg1, %eq3A_83 : i32
    %and3A_85 = arith.andi %eq3A_82, %eq3A_84 : i1
    %convert_element_type3A_86 = arith.extui %and3A_85 : i1 to i32
    %cond3A_87 = arith.constant 0 : i32
    %cond3A_88 = arith.cmpi ne, %convert_element_type3A_86, %cond3A_87 : i32
    scf.if %cond3A_88 {
      "tpu.region"() ({
        %run_scoped3A = tpu.sem_alloc : memref<!tpu.dma_semaphore, #tpu.memory_space<semaphore_mem>>
        %dma_start3A_89 = arith.constant 0 : i32
        %dma_start3A_90 = tpu.memref_slice %arg7[%multiple_of3A, %dma_start3A_89] : memref<10000x64xf32, #tpu.memory_space<hbm>> -> memref<400x64xf32, #tpu.memory_space<hbm>>
        %dma_start3A_91 = arith.constant 0 : i32
        %dma_start3A_92 = tpu.memref_slice %arg8[%multiple_of3A, %dma_start3A_91] : memref<10000x64xf32, #tpu.memory_space<vmem_shared>> -> memref<400x64xf32, #tpu.memory_space<vmem_shared>>
        tpu.enqueue_dma source(%dma_start3A_92 : memref<400x64xf32, #tpu.memory_space<vmem_shared>>) target(%dma_start3A_90 : memref<400x64xf32, #tpu.memory_space<hbm>>) target_semaphore(%run_scoped3A : memref<!tpu.dma_semaphore, #tpu.memory_space<semaphore_mem>>)
        %dma_wait3A = arith.constant 0 : i32
        %dma_wait3A_93 = tpu.memref_slice %arg7[%multiple_of3A, %dma_wait3A] : memref<10000x64xf32, #tpu.memory_space<hbm>> -> memref<400x64xf32, #tpu.memory_space<hbm>>
        %dma_wait3A_94 = arith.constant 0 : i32
        %dma_wait3A_95 = tpu.memref_slice %arg8[%multiple_of3A, %dma_wait3A_94] : memref<10000x64xf32, #tpu.memory_space<vmem_shared>> -> memref<400x64xf32, #tpu.memory_space<vmem_shared>>
        tpu.wait_dma2 semaphore(%run_scoped3A : memref<!tpu.dma_semaphore, #tpu.memory_space<semaphore_mem>>) src(%dma_wait3A_95 : memref<400x64xf32, #tpu.memory_space<vmem_shared>>) dst(%dma_wait3A_93 : memref<400x64xf32, #tpu.memory_space<hbm>>)
        tpu.yield
      }) : () -> ()
    } else {
    }
    return
  }
}

#map = affine_map<(d0, d1) -> (0, 0)>
#map1 = affine_map<(d0, d1) -> (0, 0, 0)>
module attributes {stable_mosaic.version = 14 : i64} {
  func.func @_sc_edge_body(%arg0: i32, %arg1: i32, %arg2: memref<20000x64xf32, #tpu.memory_space<hbm>>, %arg3: memref<640000x64xf32, #tpu.memory_space<hbm>>, %arg4: memref<16x250x80xi32, #tpu.memory_space<hbm>>, %arg5: memref<16x250x80xi32, #tpu.memory_space<hbm>>, %arg6: memref<10000x64xf32, #tpu.memory_space<hbm>>, %arg7: memref<10000x64xf32, #tpu.memory_space<hbm>>, %arg8: memref<10000x64xf32, #tpu.memory_space<vmem_shared>>, %arg9: memref<250x80xi32, #tpu.memory_space<vmem>>, %arg10: memref<250x80xi32, #tpu.memory_space<vmem>>, %arg11: memref<80x64xf32, #tpu.memory_space<vmem>>, %arg12: memref<80x64xf32, #tpu.memory_space<vmem>>, %arg13: memref<80x64xf32, #tpu.memory_space<vmem>>, %arg14: memref<80x64xf32, #tpu.memory_space<vmem>>, %arg15: memref<!tpu.dma_semaphore, #tpu.memory_space<semaphore_mem>>, %arg16: memref<!tpu.dma_semaphore, #tpu.memory_space<semaphore_mem>>, %arg17: memref<!tpu.dma_semaphore, #tpu.memory_space<semaphore_mem>>, %arg18: memref<!tpu.dma_semaphore, #tpu.memory_space<semaphore_mem>>) attributes {dimension_semantics = [#tpu.dimension_semantics<core_parallel>, #tpu.dimension_semantics<subcore_parallel>], iteration_bounds = array<i64: 2, 16>, scalar_prefetch = 0 : i64, scratch_operands = 11 : i64, tpu.core_type = #tpu.core_type<sc_vector_subcore>, window_params = [{transform_indices = #map}, {transform_indices = #map}, {transform_indices = #map1}, {transform_indices = #map1}, {transform_indices = #map}, {transform_indices = #map}]} {
    %scan3A = arith.constant 0 : i32
    %scan3A_0 = arith.constant 0 : i32
    %scan3A_1 = arith.constant 80 : i32
    %scan3A_2 = arith.addi %scan3A_0, %scan3A_1 : i32
    %scan3A_3 = arith.constant 1 : i32
    scf.for %scan3A_89 = %scan3A_0 to %scan3A_2 step %scan3A_3  : i32 {
      %broadcast_in_dim3A = arith.constant 0.000000e+00 : f32
      %broadcast_in_dim3A_90 = vector.broadcast %broadcast_in_dim3A : f32 to vector<16xf32>
      %swap3A = arith.index_cast %scan3A_89 : i32 to index
      %swap3A_91 = arith.constant 0 : index
      %swap3A_92 = tpu.vector_load %arg13[%swap3A, %swap3A_91] {strides = array<i32>} : memref<80x64xf32, #tpu.memory_space<vmem>>, vector<1x16xf32>,
      %swap3A_93 = vector.shape_cast %swap3A_92 : vector<1x16xf32> to vector<16xf32>
      %swap3A_94 = vector.shape_cast %broadcast_in_dim3A_90 : vector<16xf32> to vector<1x16xf32>
      tpu.vector_store %arg13[%swap3A, %swap3A_91], %swap3A_94 {strides = array<i32>} : memref<80x64xf32, #tpu.memory_space<vmem>>, vector<1x16xf32>,
      %broadcast_in_dim3A_95 = arith.constant 0.000000e+00 : f32
      %broadcast_in_dim3A_96 = vector.broadcast %broadcast_in_dim3A_95 : f32 to vector<16xf32>
      %swap3A_97 = arith.index_cast %scan3A_89 : i32 to index
      %swap3A_98 = arith.constant 16 : index
      %swap3A_99 = tpu.vector_load %arg13[%swap3A_97, %swap3A_98] {strides = array<i32>} : memref<80x64xf32, #tpu.memory_space<vmem>>, vector<1x16xf32>,
      %swap3A_100 = vector.shape_cast %swap3A_99 : vector<1x16xf32> to vector<16xf32>
      %swap3A_101 = vector.shape_cast %broadcast_in_dim3A_96 : vector<16xf32> to vector<1x16xf32>
      tpu.vector_store %arg13[%swap3A_97, %swap3A_98], %swap3A_101 {strides = array<i32>} : memref<80x64xf32, #tpu.memory_space<vmem>>, vector<1x16xf32>,
      %broadcast_in_dim3A_102 = arith.constant 0.000000e+00 : f32
      %broadcast_in_dim3A_103 = vector.broadcast %broadcast_in_dim3A_102 : f32 to vector<16xf32>
      %swap3A_104 = arith.index_cast %scan3A_89 : i32 to index
      %swap3A_105 = arith.constant 32 : index
      %swap3A_106 = tpu.vector_load %arg13[%swap3A_104, %swap3A_105] {strides = array<i32>} : memref<80x64xf32, #tpu.memory_space<vmem>>, vector<1x16xf32>,
      %swap3A_107 = vector.shape_cast %swap3A_106 : vector<1x16xf32> to vector<16xf32>
      %swap3A_108 = vector.shape_cast %broadcast_in_dim3A_103 : vector<16xf32> to vector<1x16xf32>
      tpu.vector_store %arg13[%swap3A_104, %swap3A_105], %swap3A_108 {strides = array<i32>} : memref<80x64xf32, #tpu.memory_space<vmem>>, vector<1x16xf32>,
      %broadcast_in_dim3A_109 = arith.constant 0.000000e+00 : f32
      %broadcast_in_dim3A_110 = vector.broadcast %broadcast_in_dim3A_109 : f32 to vector<16xf32>
      %swap3A_111 = arith.index_cast %scan3A_89 : i32 to index
      %swap3A_112 = arith.constant 48 : index
      %swap3A_113 = tpu.vector_load %arg13[%swap3A_111, %swap3A_112] {strides = array<i32>} : memref<80x64xf32, #tpu.memory_space<vmem>>, vector<1x16xf32>,
      %swap3A_114 = vector.shape_cast %swap3A_113 : vector<1x16xf32> to vector<16xf32>
      %swap3A_115 = vector.shape_cast %broadcast_in_dim3A_110 : vector<16xf32> to vector<1x16xf32>
      tpu.vector_store %arg13[%swap3A_111, %swap3A_112], %swap3A_115 {strides = array<i32>} : memref<80x64xf32, #tpu.memory_space<vmem>>, vector<1x16xf32>,
    }
    %scan3A_4 = arith.constant 80 : i32
    %mul3A = arith.constant 640 : i32
    %mul3A_5 = arith.muli %arg1, %mul3A : i32
    %multiple_of3A = tpu.assume_multiple %mul3A_5, 8 : i32
    %lt3A = arith.constant 15 : i32
    %lt3A_6 = arith.cmpi slt, %arg1, %lt3A : i32
    %convert_element_type3A = arith.extui %lt3A_6 : i1 to i32
    %cond3A = arith.constant 0 : i32
    %cond3A_7 = arith.cmpi ne, %convert_element_type3A, %cond3A : i32
    scf.if %cond3A_7 {
      %add3A_89 = arith.constant 0 : i32
      %add3A_90 = arith.addi %multiple_of3A, %add3A_89 : i32
      "tpu.region"() ({
        %run_scoped3A = tpu.sem_alloc : memref<!tpu.dma_semaphore, #tpu.memory_space<semaphore_mem>>
        %dma_start3A_105 = arith.constant 0 : i32
        %dma_start3A_106 = tpu.memref_slice %arg8[%add3A_90, %dma_start3A_105] : memref<10000x64xf32, #tpu.memory_space<vmem_shared>> -> memref<80x64xf32, #tpu.memory_space<vmem_shared>>
        %dma_start3A_107 = arith.constant 0 : i32
        %dma_start3A_108 = tpu.memref_slice %arg8[%add3A_90, %dma_start3A_107] : memref<10000x64xf32, #tpu.memory_space<vmem_shared>> -> memref<80x64xf32, #tpu.memory_space<vmem_shared>>
        tpu.enqueue_dma source(%arg13 : memref<80x64xf32, #tpu.memory_space<vmem>>) target(%dma_start3A_108 : memref<80x64xf32, #tpu.memory_space<vmem_shared>>) target_semaphore(%run_scoped3A : memref<!tpu.dma_semaphore, #tpu.memory_space<semaphore_mem>>)
        %dma_wait3A = arith.constant 0 : i32
        %dma_wait3A_109 = tpu.memref_slice %arg8[%add3A_90, %dma_wait3A] : memref<10000x64xf32, #tpu.memory_space<vmem_shared>> -> memref<80x64xf32, #tpu.memory_space<vmem_shared>>
        %dma_wait3A_110 = arith.constant 0 : i32
        %dma_wait3A_111 = tpu.memref_slice %arg8[%add3A_90, %dma_wait3A_110] : memref<10000x64xf32, #tpu.memory_space<vmem_shared>> -> memref<80x64xf32, #tpu.memory_space<vmem_shared>>
        tpu.wait_dma2 semaphore(%run_scoped3A : memref<!tpu.dma_semaphore, #tpu.memory_space<semaphore_mem>>) src(%arg13 : memref<80x64xf32, #tpu.memory_space<vmem>>) dst(%dma_wait3A_111 : memref<80x64xf32, #tpu.memory_space<vmem_shared>>)
        tpu.yield
      }) : () -> ()
      %add3A_91 = arith.constant 80 : i32
      %add3A_92 = arith.addi %multiple_of3A, %add3A_91 : i32
      "tpu.region"() ({
        %run_scoped3A = tpu.sem_alloc : memref<!tpu.dma_semaphore, #tpu.memory_space<semaphore_mem>>
        %dma_start3A_105 = arith.constant 0 : i32
        %dma_start3A_106 = tpu.memref_slice %arg8[%add3A_92, %dma_start3A_105] : memref<10000x64xf32, #tpu.memory_space<vmem_shared>> -> memref<80x64xf32, #tpu.memory_space<vmem_shared>>
        %dma_start3A_107 = arith.constant 0 : i32
        %dma_start3A_108 = tpu.memref_slice %arg8[%add3A_92, %dma_start3A_107] : memref<10000x64xf32, #tpu.memory_space<vmem_shared>> -> memref<80x64xf32, #tpu.memory_space<vmem_shared>>
        tpu.enqueue_dma source(%arg13 : memref<80x64xf32, #tpu.memory_space<vmem>>) target(%dma_start3A_108 : memref<80x64xf32, #tpu.memory_space<vmem_shared>>) target_semaphore(%run_scoped3A : memref<!tpu.dma_semaphore, #tpu.memory_space<semaphore_mem>>)
        %dma_wait3A = arith.constant 0 : i32
        %dma_wait3A_109 = tpu.memref_slice %arg8[%add3A_92, %dma_wait3A] : memref<10000x64xf32, #tpu.memory_space<vmem_shared>> -> memref<80x64xf32, #tpu.memory_space<vmem_shared>>
        %dma_wait3A_110 = arith.constant 0 : i32
        %dma_wait3A_111 = tpu.memref_slice %arg8[%add3A_92, %dma_wait3A_110] : memref<10000x64xf32, #tpu.memory_space<vmem_shared>> -> memref<80x64xf32, #tpu.memory_space<vmem_shared>>
        tpu.wait_dma2 semaphore(%run_scoped3A : memref<!tpu.dma_semaphore, #tpu.memory_space<semaphore_mem>>) src(%arg13 : memref<80x64xf32, #tpu.memory_space<vmem>>) dst(%dma_wait3A_111 : memref<80x64xf32, #tpu.memory_space<vmem_shared>>)
        tpu.yield
      }) : () -> ()
      %add3A_93 = arith.constant 160 : i32
      %add3A_94 = arith.addi %multiple_of3A, %add3A_93 : i32
      "tpu.region"() ({
        %run_scoped3A = tpu.sem_alloc : memref<!tpu.dma_semaphore, #tpu.memory_space<semaphore_mem>>
        %dma_start3A_105 = arith.constant 0 : i32
        %dma_start3A_106 = tpu.memref_slice %arg8[%add3A_94, %dma_start3A_105] : memref<10000x64xf32, #tpu.memory_space<vmem_shared>> -> memref<80x64xf32, #tpu.memory_space<vmem_shared>>
        %dma_start3A_107 = arith.constant 0 : i32
        %dma_start3A_108 = tpu.memref_slice %arg8[%add3A_94, %dma_start3A_107] : memref<10000x64xf32, #tpu.memory_space<vmem_shared>> -> memref<80x64xf32, #tpu.memory_space<vmem_shared>>
        tpu.enqueue_dma source(%arg13 : memref<80x64xf32, #tpu.memory_space<vmem>>) target(%dma_start3A_108 : memref<80x64xf32, #tpu.memory_space<vmem_shared>>) target_semaphore(%run_scoped3A : memref<!tpu.dma_semaphore, #tpu.memory_space<semaphore_mem>>)
        %dma_wait3A = arith.constant 0 : i32
        %dma_wait3A_109 = tpu.memref_slice %arg8[%add3A_94, %dma_wait3A] : memref<10000x64xf32, #tpu.memory_space<vmem_shared>> -> memref<80x64xf32, #tpu.memory_space<vmem_shared>>
        %dma_wait3A_110 = arith.constant 0 : i32
        %dma_wait3A_111 = tpu.memref_slice %arg8[%add3A_94, %dma_wait3A_110] : memref<10000x64xf32, #tpu.memory_space<vmem_shared>> -> memref<80x64xf32, #tpu.memory_space<vmem_shared>>
        tpu.wait_dma2 semaphore(%run_scoped3A : memref<!tpu.dma_semaphore, #tpu.memory_space<semaphore_mem>>) src(%arg13 : memref<80x64xf32, #tpu.memory_space<vmem>>) dst(%dma_wait3A_111 : memref<80x64xf32, #tpu.memory_space<vmem_shared>>)
        tpu.yield
      }) : () -> ()
      %add3A_95 = arith.constant 240 : i32
      %add3A_96 = arith.addi %multiple_of3A, %add3A_95 : i32
      "tpu.region"() ({
        %run_scoped3A = tpu.sem_alloc : memref<!tpu.dma_semaphore, #tpu.memory_space<semaphore_mem>>
        %dma_start3A_105 = arith.constant 0 : i32
        %dma_start3A_106 = tpu.memref_slice %arg8[%add3A_96, %dma_start3A_105] : memref<10000x64xf32, #tpu.memory_space<vmem_shared>> -> memref<80x64xf32, #tpu.memory_space<vmem_shared>>
        %dma_start3A_107 = arith.constant 0 : i32
        %dma_start3A_108 = tpu.memref_slice %arg8[%add3A_96, %dma_start3A_107] : memref<10000x64xf32, #tpu.memory_space<vmem_shared>> -> memref<80x64xf32, #tpu.memory_space<vmem_shared>>
        tpu.enqueue_dma source(%arg13 : memref<80x64xf32, #tpu.memory_space<vmem>>) target(%dma_start3A_108 : memref<80x64xf32, #tpu.memory_space<vmem_shared>>) target_semaphore(%run_scoped3A : memref<!tpu.dma_semaphore, #tpu.memory_space<semaphore_mem>>)
        %dma_wait3A = arith.constant 0 : i32
        %dma_wait3A_109 = tpu.memref_slice %arg8[%add3A_96, %dma_wait3A] : memref<10000x64xf32, #tpu.memory_space<vmem_shared>> -> memref<80x64xf32, #tpu.memory_space<vmem_shared>>
        %dma_wait3A_110 = arith.constant 0 : i32
        %dma_wait3A_111 = tpu.memref_slice %arg8[%add3A_96, %dma_wait3A_110] : memref<10000x64xf32, #tpu.memory_space<vmem_shared>> -> memref<80x64xf32, #tpu.memory_space<vmem_shared>>
        tpu.wait_dma2 semaphore(%run_scoped3A : memref<!tpu.dma_semaphore, #tpu.memory_space<semaphore_mem>>) src(%arg13 : memref<80x64xf32, #tpu.memory_space<vmem>>) dst(%dma_wait3A_111 : memref<80x64xf32, #tpu.memory_space<vmem_shared>>)
        tpu.yield
      }) : () -> ()
      %add3A_97 = arith.constant 320 : i32
      %add3A_98 = arith.addi %multiple_of3A, %add3A_97 : i32
      "tpu.region"() ({
        %run_scoped3A = tpu.sem_alloc : memref<!tpu.dma_semaphore, #tpu.memory_space<semaphore_mem>>
        %dma_start3A_105 = arith.constant 0 : i32
        %dma_start3A_106 = tpu.memref_slice %arg8[%add3A_98, %dma_start3A_105] : memref<10000x64xf32, #tpu.memory_space<vmem_shared>> -> memref<80x64xf32, #tpu.memory_space<vmem_shared>>
        %dma_start3A_107 = arith.constant 0 : i32
        %dma_start3A_108 = tpu.memref_slice %arg8[%add3A_98, %dma_start3A_107] : memref<10000x64xf32, #tpu.memory_space<vmem_shared>> -> memref<80x64xf32, #tpu.memory_space<vmem_shared>>
        tpu.enqueue_dma source(%arg13 : memref<80x64xf32, #tpu.memory_space<vmem>>) target(%dma_start3A_108 : memref<80x64xf32, #tpu.memory_space<vmem_shared>>) target_semaphore(%run_scoped3A : memref<!tpu.dma_semaphore, #tpu.memory_space<semaphore_mem>>)
        %dma_wait3A = arith.constant 0 : i32
        %dma_wait3A_109 = tpu.memref_slice %arg8[%add3A_98, %dma_wait3A] : memref<10000x64xf32, #tpu.memory_space<vmem_shared>> -> memref<80x64xf32, #tpu.memory_space<vmem_shared>>
        %dma_wait3A_110 = arith.constant 0 : i32
        %dma_wait3A_111 = tpu.memref_slice %arg8[%add3A_98, %dma_wait3A_110] : memref<10000x64xf32, #tpu.memory_space<vmem_shared>> -> memref<80x64xf32, #tpu.memory_space<vmem_shared>>
        tpu.wait_dma2 semaphore(%run_scoped3A : memref<!tpu.dma_semaphore, #tpu.memory_space<semaphore_mem>>) src(%arg13 : memref<80x64xf32, #tpu.memory_space<vmem>>) dst(%dma_wait3A_111 : memref<80x64xf32, #tpu.memory_space<vmem_shared>>)
        tpu.yield
      }) : () -> ()
      %add3A_99 = arith.constant 400 : i32
      %add3A_100 = arith.addi %multiple_of3A, %add3A_99 : i32
      "tpu.region"() ({
        %run_scoped3A = tpu.sem_alloc : memref<!tpu.dma_semaphore, #tpu.memory_space<semaphore_mem>>
        %dma_start3A_105 = arith.constant 0 : i32
        %dma_start3A_106 = tpu.memref_slice %arg8[%add3A_100, %dma_start3A_105] : memref<10000x64xf32, #tpu.memory_space<vmem_shared>> -> memref<80x64xf32, #tpu.memory_space<vmem_shared>>
        %dma_start3A_107 = arith.constant 0 : i32
        %dma_start3A_108 = tpu.memref_slice %arg8[%add3A_100, %dma_start3A_107] : memref<10000x64xf32, #tpu.memory_space<vmem_shared>> -> memref<80x64xf32, #tpu.memory_space<vmem_shared>>
        tpu.enqueue_dma source(%arg13 : memref<80x64xf32, #tpu.memory_space<vmem>>) target(%dma_start3A_108 : memref<80x64xf32, #tpu.memory_space<vmem_shared>>) target_semaphore(%run_scoped3A : memref<!tpu.dma_semaphore, #tpu.memory_space<semaphore_mem>>)
        %dma_wait3A = arith.constant 0 : i32
        %dma_wait3A_109 = tpu.memref_slice %arg8[%add3A_100, %dma_wait3A] : memref<10000x64xf32, #tpu.memory_space<vmem_shared>> -> memref<80x64xf32, #tpu.memory_space<vmem_shared>>
        %dma_wait3A_110 = arith.constant 0 : i32
        %dma_wait3A_111 = tpu.memref_slice %arg8[%add3A_100, %dma_wait3A_110] : memref<10000x64xf32, #tpu.memory_space<vmem_shared>> -> memref<80x64xf32, #tpu.memory_space<vmem_shared>>
        tpu.wait_dma2 semaphore(%run_scoped3A : memref<!tpu.dma_semaphore, #tpu.memory_space<semaphore_mem>>) src(%arg13 : memref<80x64xf32, #tpu.memory_space<vmem>>) dst(%dma_wait3A_111 : memref<80x64xf32, #tpu.memory_space<vmem_shared>>)
        tpu.yield
      }) : () -> ()
      %add3A_101 = arith.constant 480 : i32
      %add3A_102 = arith.addi %multiple_of3A, %add3A_101 : i32
      "tpu.region"() ({
        %run_scoped3A = tpu.sem_alloc : memref<!tpu.dma_semaphore, #tpu.memory_space<semaphore_mem>>
        %dma_start3A_105 = arith.constant 0 : i32
        %dma_start3A_106 = tpu.memref_slice %arg8[%add3A_102, %dma_start3A_105] : memref<10000x64xf32, #tpu.memory_space<vmem_shared>> -> memref<80x64xf32, #tpu.memory_space<vmem_shared>>
        %dma_start3A_107 = arith.constant 0 : i32
        %dma_start3A_108 = tpu.memref_slice %arg8[%add3A_102, %dma_start3A_107] : memref<10000x64xf32, #tpu.memory_space<vmem_shared>> -> memref<80x64xf32, #tpu.memory_space<vmem_shared>>
        tpu.enqueue_dma source(%arg13 : memref<80x64xf32, #tpu.memory_space<vmem>>) target(%dma_start3A_108 : memref<80x64xf32, #tpu.memory_space<vmem_shared>>) target_semaphore(%run_scoped3A : memref<!tpu.dma_semaphore, #tpu.memory_space<semaphore_mem>>)
        %dma_wait3A = arith.constant 0 : i32
        %dma_wait3A_109 = tpu.memref_slice %arg8[%add3A_102, %dma_wait3A] : memref<10000x64xf32, #tpu.memory_space<vmem_shared>> -> memref<80x64xf32, #tpu.memory_space<vmem_shared>>
        %dma_wait3A_110 = arith.constant 0 : i32
        %dma_wait3A_111 = tpu.memref_slice %arg8[%add3A_102, %dma_wait3A_110] : memref<10000x64xf32, #tpu.memory_space<vmem_shared>> -> memref<80x64xf32, #tpu.memory_space<vmem_shared>>
        tpu.wait_dma2 semaphore(%run_scoped3A : memref<!tpu.dma_semaphore, #tpu.memory_space<semaphore_mem>>) src(%arg13 : memref<80x64xf32, #tpu.memory_space<vmem>>) dst(%dma_wait3A_111 : memref<80x64xf32, #tpu.memory_space<vmem_shared>>)
        tpu.yield
      }) : () -> ()
      %add3A_103 = arith.constant 560 : i32
      %add3A_104 = arith.addi %multiple_of3A, %add3A_103 : i32
      "tpu.region"() ({
        %run_scoped3A = tpu.sem_alloc : memref<!tpu.dma_semaphore, #tpu.memory_space<semaphore_mem>>
        %dma_start3A_105 = arith.constant 0 : i32
        %dma_start3A_106 = tpu.memref_slice %arg8[%add3A_104, %dma_start3A_105] : memref<10000x64xf32, #tpu.memory_space<vmem_shared>> -> memref<80x64xf32, #tpu.memory_space<vmem_shared>>
        %dma_start3A_107 = arith.constant 0 : i32
        %dma_start3A_108 = tpu.memref_slice %arg8[%add3A_104, %dma_start3A_107] : memref<10000x64xf32, #tpu.memory_space<vmem_shared>> -> memref<80x64xf32, #tpu.memory_space<vmem_shared>>
        tpu.enqueue_dma source(%arg13 : memref<80x64xf32, #tpu.memory_space<vmem>>) target(%dma_start3A_108 : memref<80x64xf32, #tpu.memory_space<vmem_shared>>) target_semaphore(%run_scoped3A : memref<!tpu.dma_semaphore, #tpu.memory_space<semaphore_mem>>)
        %dma_wait3A = arith.constant 0 : i32
        %dma_wait3A_109 = tpu.memref_slice %arg8[%add3A_104, %dma_wait3A] : memref<10000x64xf32, #tpu.memory_space<vmem_shared>> -> memref<80x64xf32, #tpu.memory_space<vmem_shared>>
        %dma_wait3A_110 = arith.constant 0 : i32
        %dma_wait3A_111 = tpu.memref_slice %arg8[%add3A_104, %dma_wait3A_110] : memref<10000x64xf32, #tpu.memory_space<vmem_shared>> -> memref<80x64xf32, #tpu.memory_space<vmem_shared>>
        tpu.wait_dma2 semaphore(%run_scoped3A : memref<!tpu.dma_semaphore, #tpu.memory_space<semaphore_mem>>) src(%arg13 : memref<80x64xf32, #tpu.memory_space<vmem>>) dst(%dma_wait3A_111 : memref<80x64xf32, #tpu.memory_space<vmem_shared>>)
        tpu.yield
      }) : () -> ()
    } else {
    }
    %eq3A = arith.constant 15 : i32
    %eq3A_8 = arith.cmpi eq, %arg1, %eq3A : i32
    %convert_element_type3A_9 = arith.extui %eq3A_8 : i1 to i32
    %cond3A_10 = arith.constant 0 : i32
    %cond3A_11 = arith.cmpi ne, %convert_element_type3A_9, %cond3A_10 : i32
    scf.if %cond3A_11 {
      %add3A_89 = arith.constant 0 : i32
      %add3A_90 = arith.addi %multiple_of3A, %add3A_89 : i32
      "tpu.region"() ({
        %run_scoped3A = tpu.sem_alloc : memref<!tpu.dma_semaphore, #tpu.memory_space<semaphore_mem>>
        %dma_start3A_99 = arith.constant 0 : i32
        %dma_start3A_100 = tpu.memref_slice %arg8[%add3A_90, %dma_start3A_99] : memref<10000x64xf32, #tpu.memory_space<vmem_shared>> -> memref<80x64xf32, #tpu.memory_space<vmem_shared>>
        %dma_start3A_101 = arith.constant 0 : i32
        %dma_start3A_102 = tpu.memref_slice %arg8[%add3A_90, %dma_start3A_101] : memref<10000x64xf32, #tpu.memory_space<vmem_shared>> -> memref<80x64xf32, #tpu.memory_space<vmem_shared>>
        tpu.enqueue_dma source(%arg13 : memref<80x64xf32, #tpu.memory_space<vmem>>) target(%dma_start3A_102 : memref<80x64xf32, #tpu.memory_space<vmem_shared>>) target_semaphore(%run_scoped3A : memref<!tpu.dma_semaphore, #tpu.memory_space<semaphore_mem>>)
        %dma_wait3A = arith.constant 0 : i32
        %dma_wait3A_103 = tpu.memref_slice %arg8[%add3A_90, %dma_wait3A] : memref<10000x64xf32, #tpu.memory_space<vmem_shared>> -> memref<80x64xf32, #tpu.memory_space<vmem_shared>>
        %dma_wait3A_104 = arith.constant 0 : i32
        %dma_wait3A_105 = tpu.memref_slice %arg8[%add3A_90, %dma_wait3A_104] : memref<10000x64xf32, #tpu.memory_space<vmem_shared>> -> memref<80x64xf32, #tpu.memory_space<vmem_shared>>
        tpu.wait_dma2 semaphore(%run_scoped3A : memref<!tpu.dma_semaphore, #tpu.memory_space<semaphore_mem>>) src(%arg13 : memref<80x64xf32, #tpu.memory_space<vmem>>) dst(%dma_wait3A_105 : memref<80x64xf32, #tpu.memory_space<vmem_shared>>)
        tpu.yield
      }) : () -> ()
      %add3A_91 = arith.constant 80 : i32
      %add3A_92 = arith.addi %multiple_of3A, %add3A_91 : i32
      "tpu.region"() ({
        %run_scoped3A = tpu.sem_alloc : memref<!tpu.dma_semaphore, #tpu.memory_space<semaphore_mem>>
        %dma_start3A_99 = arith.constant 0 : i32
        %dma_start3A_100 = tpu.memref_slice %arg8[%add3A_92, %dma_start3A_99] : memref<10000x64xf32, #tpu.memory_space<vmem_shared>> -> memref<80x64xf32, #tpu.memory_space<vmem_shared>>
        %dma_start3A_101 = arith.constant 0 : i32
        %dma_start3A_102 = tpu.memref_slice %arg8[%add3A_92, %dma_start3A_101] : memref<10000x64xf32, #tpu.memory_space<vmem_shared>> -> memref<80x64xf32, #tpu.memory_space<vmem_shared>>
        tpu.enqueue_dma source(%arg13 : memref<80x64xf32, #tpu.memory_space<vmem>>) target(%dma_start3A_102 : memref<80x64xf32, #tpu.memory_space<vmem_shared>>) target_semaphore(%run_scoped3A : memref<!tpu.dma_semaphore, #tpu.memory_space<semaphore_mem>>)
        %dma_wait3A = arith.constant 0 : i32
        %dma_wait3A_103 = tpu.memref_slice %arg8[%add3A_92, %dma_wait3A] : memref<10000x64xf32, #tpu.memory_space<vmem_shared>> -> memref<80x64xf32, #tpu.memory_space<vmem_shared>>
        %dma_wait3A_104 = arith.constant 0 : i32
        %dma_wait3A_105 = tpu.memref_slice %arg8[%add3A_92, %dma_wait3A_104] : memref<10000x64xf32, #tpu.memory_space<vmem_shared>> -> memref<80x64xf32, #tpu.memory_space<vmem_shared>>
        tpu.wait_dma2 semaphore(%run_scoped3A : memref<!tpu.dma_semaphore, #tpu.memory_space<semaphore_mem>>) src(%arg13 : memref<80x64xf32, #tpu.memory_space<vmem>>) dst(%dma_wait3A_105 : memref<80x64xf32, #tpu.memory_space<vmem_shared>>)
        tpu.yield
      }) : () -> ()
      %add3A_93 = arith.constant 160 : i32
      %add3A_94 = arith.addi %multiple_of3A, %add3A_93 : i32
      "tpu.region"() ({
        %run_scoped3A = tpu.sem_alloc : memref<!tpu.dma_semaphore, #tpu.memory_space<semaphore_mem>>
        %dma_start3A_99 = arith.constant 0 : i32
        %dma_start3A_100 = tpu.memref_slice %arg8[%add3A_94, %dma_start3A_99] : memref<10000x64xf32, #tpu.memory_space<vmem_shared>> -> memref<80x64xf32, #tpu.memory_space<vmem_shared>>
        %dma_start3A_101 = arith.constant 0 : i32
        %dma_start3A_102 = tpu.memref_slice %arg8[%add3A_94, %dma_start3A_101] : memref<10000x64xf32, #tpu.memory_space<vmem_shared>> -> memref<80x64xf32, #tpu.memory_space<vmem_shared>>
        tpu.enqueue_dma source(%arg13 : memref<80x64xf32, #tpu.memory_space<vmem>>) target(%dma_start3A_102 : memref<80x64xf32, #tpu.memory_space<vmem_shared>>) target_semaphore(%run_scoped3A : memref<!tpu.dma_semaphore, #tpu.memory_space<semaphore_mem>>)
        %dma_wait3A = arith.constant 0 : i32
        %dma_wait3A_103 = tpu.memref_slice %arg8[%add3A_94, %dma_wait3A] : memref<10000x64xf32, #tpu.memory_space<vmem_shared>> -> memref<80x64xf32, #tpu.memory_space<vmem_shared>>
        %dma_wait3A_104 = arith.constant 0 : i32
        %dma_wait3A_105 = tpu.memref_slice %arg8[%add3A_94, %dma_wait3A_104] : memref<10000x64xf32, #tpu.memory_space<vmem_shared>> -> memref<80x64xf32, #tpu.memory_space<vmem_shared>>
        tpu.wait_dma2 semaphore(%run_scoped3A : memref<!tpu.dma_semaphore, #tpu.memory_space<semaphore_mem>>) src(%arg13 : memref<80x64xf32, #tpu.memory_space<vmem>>) dst(%dma_wait3A_105 : memref<80x64xf32, #tpu.memory_space<vmem_shared>>)
        tpu.yield
      }) : () -> ()
      %add3A_95 = arith.constant 240 : i32
      %add3A_96 = arith.addi %multiple_of3A, %add3A_95 : i32
      "tpu.region"() ({
        %run_scoped3A = tpu.sem_alloc : memref<!tpu.dma_semaphore, #tpu.memory_space<semaphore_mem>>
        %dma_start3A_99 = arith.constant 0 : i32
        %dma_start3A_100 = tpu.memref_slice %arg8[%add3A_96, %dma_start3A_99] : memref<10000x64xf32, #tpu.memory_space<vmem_shared>> -> memref<80x64xf32, #tpu.memory_space<vmem_shared>>
        %dma_start3A_101 = arith.constant 0 : i32
        %dma_start3A_102 = tpu.memref_slice %arg8[%add3A_96, %dma_start3A_101] : memref<10000x64xf32, #tpu.memory_space<vmem_shared>> -> memref<80x64xf32, #tpu.memory_space<vmem_shared>>
        tpu.enqueue_dma source(%arg13 : memref<80x64xf32, #tpu.memory_space<vmem>>) target(%dma_start3A_102 : memref<80x64xf32, #tpu.memory_space<vmem_shared>>) target_semaphore(%run_scoped3A : memref<!tpu.dma_semaphore, #tpu.memory_space<semaphore_mem>>)
        %dma_wait3A = arith.constant 0 : i32
        %dma_wait3A_103 = tpu.memref_slice %arg8[%add3A_96, %dma_wait3A] : memref<10000x64xf32, #tpu.memory_space<vmem_shared>> -> memref<80x64xf32, #tpu.memory_space<vmem_shared>>
        %dma_wait3A_104 = arith.constant 0 : i32
        %dma_wait3A_105 = tpu.memref_slice %arg8[%add3A_96, %dma_wait3A_104] : memref<10000x64xf32, #tpu.memory_space<vmem_shared>> -> memref<80x64xf32, #tpu.memory_space<vmem_shared>>
        tpu.wait_dma2 semaphore(%run_scoped3A : memref<!tpu.dma_semaphore, #tpu.memory_space<semaphore_mem>>) src(%arg13 : memref<80x64xf32, #tpu.memory_space<vmem>>) dst(%dma_wait3A_105 : memref<80x64xf32, #tpu.memory_space<vmem_shared>>)
        tpu.yield
      }) : () -> ()
      %add3A_97 = arith.constant 320 : i32
      %add3A_98 = arith.addi %multiple_of3A, %add3A_97 : i32
      "tpu.region"() ({
        %run_scoped3A = tpu.sem_alloc : memref<!tpu.dma_semaphore, #tpu.memory_space<semaphore_mem>>
        %dma_start3A_99 = arith.constant 0 : i32
        %dma_start3A_100 = tpu.memref_slice %arg8[%add3A_98, %dma_start3A_99] : memref<10000x64xf32, #tpu.memory_space<vmem_shared>> -> memref<80x64xf32, #tpu.memory_space<vmem_shared>>
        %dma_start3A_101 = arith.constant 0 : i32
        %dma_start3A_102 = tpu.memref_slice %arg8[%add3A_98, %dma_start3A_101] : memref<10000x64xf32, #tpu.memory_space<vmem_shared>> -> memref<80x64xf32, #tpu.memory_space<vmem_shared>>
        tpu.enqueue_dma source(%arg13 : memref<80x64xf32, #tpu.memory_space<vmem>>) target(%dma_start3A_102 : memref<80x64xf32, #tpu.memory_space<vmem_shared>>) target_semaphore(%run_scoped3A : memref<!tpu.dma_semaphore, #tpu.memory_space<semaphore_mem>>)
        %dma_wait3A = arith.constant 0 : i32
        %dma_wait3A_103 = tpu.memref_slice %arg8[%add3A_98, %dma_wait3A] : memref<10000x64xf32, #tpu.memory_space<vmem_shared>> -> memref<80x64xf32, #tpu.memory_space<vmem_shared>>
        %dma_wait3A_104 = arith.constant 0 : i32
        %dma_wait3A_105 = tpu.memref_slice %arg8[%add3A_98, %dma_wait3A_104] : memref<10000x64xf32, #tpu.memory_space<vmem_shared>> -> memref<80x64xf32, #tpu.memory_space<vmem_shared>>
        tpu.wait_dma2 semaphore(%run_scoped3A : memref<!tpu.dma_semaphore, #tpu.memory_space<semaphore_mem>>) src(%arg13 : memref<80x64xf32, #tpu.memory_space<vmem>>) dst(%dma_wait3A_105 : memref<80x64xf32, #tpu.memory_space<vmem_shared>>)
        tpu.yield
      }) : () -> ()
    } else {
    }
    %barrier3A = arith.constant 0 : index
    tpu.barrier barrier_id(%barrier3A)
    %mul3A_12 = arith.constant 320000 : i32
    %mul3A_13 = arith.muli %arg0, %mul3A_12 : i32
    %mul3A_14 = arith.constant 20000 : i32
    %mul3A_15 = arith.muli %arg1, %mul3A_14 : i32
    %add3A = arith.addi %mul3A_13, %mul3A_15 : i32
    "tpu.region"() ({
      %run_scoped3A = tpu.sem_alloc : memref<!tpu.dma_semaphore, #tpu.memory_space<semaphore_mem>>
      %dma_start3A_89 = arith.constant 0 : i32
      %dma_start3A_90 = arith.constant 0 : i32
      %dma_start3A_91 = tpu.memref_slice %arg4[%arg1, %dma_start3A_89, %dma_start3A_90] : memref<16x250x80xi32, #tpu.memory_space<hbm>> -> memref<1x250x80xi32, #tpu.memory_space<hbm>>
      %dma_start3A_92 = tpu.memref_squeeze %dma_start3A_91 : memref<1x250x80xi32, #tpu.memory_space<hbm>> -> memref<250x80xi32, #tpu.memory_space<hbm>>
      %dma_start3A_93 = arith.constant 0 : i32
      %dma_start3A_94 = arith.constant 0 : i32
      %dma_start3A_95 = tpu.memref_slice %arg4[%arg1, %dma_start3A_93, %dma_start3A_94] : memref<16x250x80xi32, #tpu.memory_space<hbm>> -> memref<1x250x80xi32, #tpu.memory_space<hbm>>
      %dma_start3A_96 = tpu.memref_squeeze %dma_start3A_95 : memref<1x250x80xi32, #tpu.memory_space<hbm>> -> memref<250x80xi32, #tpu.memory_space<hbm>>
      tpu.enqueue_dma source(%dma_start3A_96 : memref<250x80xi32, #tpu.memory_space<hbm>>) target(%arg9 : memref<250x80xi32, #tpu.memory_space<vmem>>) target_semaphore(%run_scoped3A : memref<!tpu.dma_semaphore, #tpu.memory_space<semaphore_mem>>)
      %dma_wait3A = arith.constant 0 : i32
      %dma_wait3A_97 = arith.constant 0 : i32
      %dma_wait3A_98 = tpu.memref_slice %arg4[%arg1, %dma_wait3A, %dma_wait3A_97] : memref<16x250x80xi32, #tpu.memory_space<hbm>> -> memref<1x250x80xi32, #tpu.memory_space<hbm>>
      %dma_wait3A_99 = tpu.memref_squeeze %dma_wait3A_98 : memref<1x250x80xi32, #tpu.memory_space<hbm>> -> memref<250x80xi32, #tpu.memory_space<hbm>>
      %dma_wait3A_100 = arith.constant 0 : i32
      %dma_wait3A_101 = arith.constant 0 : i32
      %dma_wait3A_102 = tpu.memref_slice %arg4[%arg1, %dma_wait3A_100, %dma_wait3A_101] : memref<16x250x80xi32, #tpu.memory_space<hbm>> -> memref<1x250x80xi32, #tpu.memory_space<hbm>>
      %dma_wait3A_103 = tpu.memref_squeeze %dma_wait3A_102 : memref<1x250x80xi32, #tpu.memory_space<hbm>> -> memref<250x80xi32, #tpu.memory_space<hbm>>
      tpu.wait_dma2 semaphore(%run_scoped3A : memref<!tpu.dma_semaphore, #tpu.memory_space<semaphore_mem>>) src(%dma_wait3A_103 : memref<250x80xi32, #tpu.memory_space<hbm>>) dst(%arg9 : memref<250x80xi32, #tpu.memory_space<vmem>>)
      tpu.yield
    }) : () -> ()
    "tpu.region"() ({
      %run_scoped3A = tpu.sem_alloc : memref<!tpu.dma_semaphore, #tpu.memory_space<semaphore_mem>>
      %dma_start3A_89 = arith.constant 0 : i32
      %dma_start3A_90 = arith.constant 0 : i32
      %dma_start3A_91 = tpu.memref_slice %arg5[%arg1, %dma_start3A_89, %dma_start3A_90] : memref<16x250x80xi32, #tpu.memory_space<hbm>> -> memref<1x250x80xi32, #tpu.memory_space<hbm>>
      %dma_start3A_92 = tpu.memref_squeeze %dma_start3A_91 : memref<1x250x80xi32, #tpu.memory_space<hbm>> -> memref<250x80xi32, #tpu.memory_space<hbm>>
      %dma_start3A_93 = arith.constant 0 : i32
      %dma_start3A_94 = arith.constant 0 : i32
      %dma_start3A_95 = tpu.memref_slice %arg5[%arg1, %dma_start3A_93, %dma_start3A_94] : memref<16x250x80xi32, #tpu.memory_space<hbm>> -> memref<1x250x80xi32, #tpu.memory_space<hbm>>
      %dma_start3A_96 = tpu.memref_squeeze %dma_start3A_95 : memref<1x250x80xi32, #tpu.memory_space<hbm>> -> memref<250x80xi32, #tpu.memory_space<hbm>>
      tpu.enqueue_dma source(%dma_start3A_96 : memref<250x80xi32, #tpu.memory_space<hbm>>) target(%arg10 : memref<250x80xi32, #tpu.memory_space<vmem>>) target_semaphore(%run_scoped3A : memref<!tpu.dma_semaphore, #tpu.memory_space<semaphore_mem>>)
      %dma_wait3A = arith.constant 0 : i32
      %dma_wait3A_97 = arith.constant 0 : i32
      %dma_wait3A_98 = tpu.memref_slice %arg5[%arg1, %dma_wait3A, %dma_wait3A_97] : memref<16x250x80xi32, #tpu.memory_space<hbm>> -> memref<1x250x80xi32, #tpu.memory_space<hbm>>
      %dma_wait3A_99 = tpu.memref_squeeze %dma_wait3A_98 : memref<1x250x80xi32, #tpu.memory_space<hbm>> -> memref<250x80xi32, #tpu.memory_space<hbm>>
      %dma_wait3A_100 = arith.constant 0 : i32
      %dma_wait3A_101 = arith.constant 0 : i32
      %dma_wait3A_102 = tpu.memref_slice %arg5[%arg1, %dma_wait3A_100, %dma_wait3A_101] : memref<16x250x80xi32, #tpu.memory_space<hbm>> -> memref<1x250x80xi32, #tpu.memory_space<hbm>>
      %dma_wait3A_103 = tpu.memref_squeeze %dma_wait3A_102 : memref<1x250x80xi32, #tpu.memory_space<hbm>> -> memref<250x80xi32, #tpu.memory_space<hbm>>
      tpu.wait_dma2 semaphore(%run_scoped3A : memref<!tpu.dma_semaphore, #tpu.memory_space<semaphore_mem>>) src(%dma_wait3A_103 : memref<250x80xi32, #tpu.memory_space<hbm>>) dst(%arg10 : memref<250x80xi32, #tpu.memory_space<vmem>>)
      tpu.yield
    }) : () -> ()
    %mul3A_16 = arith.constant 10000 : i32
    %mul3A_17 = arith.muli %arg0, %mul3A_16 : i32
    %scan3A_18 = arith.constant 0 : i32
    %scan3A_19 = arith.constant 0 : i32
    %scan3A_20 = arith.constant 250 : i32
    %scan3A_21 = arith.addi %scan3A_19, %scan3A_20 : i32
    %scan3A_22 = arith.constant 1 : i32
    scf.for %scan3A_89 = %scan3A_19 to %scan3A_21 step %scan3A_22  : i32 {
      %get3A = arith.index_cast %scan3A_89 : i32 to index
      %get3A_90 = arith.constant 0 : index
      %get3A_91 = tpu.vector_load %arg9[%get3A, %get3A_90] {strides = array<i32>} : memref<250x80xi32, #tpu.memory_space<vmem>>, vector<1x16xi32>,
      %get3A_92 = vector.shape_cast %get3A_91 : vector<1x16xi32> to vector<16xi32>
      %add3A_93 = vector.broadcast %mul3A_17 : i32 to vector<16xi32>
      %add3A_94 = arith.addi %get3A_92, %add3A_93 : vector<16xi32>
      %swap3A = arith.index_cast %scan3A_89 : i32 to index
      %swap3A_95 = arith.constant 0 : index
      %swap3A_96 = tpu.vector_load %arg9[%swap3A, %swap3A_95] {strides = array<i32>} : memref<250x80xi32, #tpu.memory_space<vmem>>, vector<1x16xi32>,
      %swap3A_97 = vector.shape_cast %swap3A_96 : vector<1x16xi32> to vector<16xi32>
      %swap3A_98 = vector.shape_cast %add3A_94 : vector<16xi32> to vector<1x16xi32>
      tpu.vector_store %arg9[%swap3A, %swap3A_95], %swap3A_98 {strides = array<i32>} : memref<250x80xi32, #tpu.memory_space<vmem>>, vector<1x16xi32>,
      %get3A_99 = arith.index_cast %scan3A_89 : i32 to index
      %get3A_100 = arith.constant 16 : index
      %get3A_101 = tpu.vector_load %arg9[%get3A_99, %get3A_100] {strides = array<i32>} : memref<250x80xi32, #tpu.memory_space<vmem>>, vector<1x16xi32>,
      %get3A_102 = vector.shape_cast %get3A_101 : vector<1x16xi32> to vector<16xi32>
      %add3A_103 = vector.broadcast %mul3A_17 : i32 to vector<16xi32>
      %add3A_104 = arith.addi %get3A_102, %add3A_103 : vector<16xi32>
      %swap3A_105 = arith.index_cast %scan3A_89 : i32 to index
      %swap3A_106 = arith.constant 16 : index
      %swap3A_107 = tpu.vector_load %arg9[%swap3A_105, %swap3A_106] {strides = array<i32>} : memref<250x80xi32, #tpu.memory_space<vmem>>, vector<1x16xi32>,
      %swap3A_108 = vector.shape_cast %swap3A_107 : vector<1x16xi32> to vector<16xi32>
      %swap3A_109 = vector.shape_cast %add3A_104 : vector<16xi32> to vector<1x16xi32>
      tpu.vector_store %arg9[%swap3A_105, %swap3A_106], %swap3A_109 {strides = array<i32>} : memref<250x80xi32, #tpu.memory_space<vmem>>, vector<1x16xi32>,
      %get3A_110 = arith.index_cast %scan3A_89 : i32 to index
      %get3A_111 = arith.constant 32 : index
      %get3A_112 = tpu.vector_load %arg9[%get3A_110, %get3A_111] {strides = array<i32>} : memref<250x80xi32, #tpu.memory_space<vmem>>, vector<1x16xi32>,
      %get3A_113 = vector.shape_cast %get3A_112 : vector<1x16xi32> to vector<16xi32>
      %add3A_114 = vector.broadcast %mul3A_17 : i32 to vector<16xi32>
      %add3A_115 = arith.addi %get3A_113, %add3A_114 : vector<16xi32>
      %swap3A_116 = arith.index_cast %scan3A_89 : i32 to index
      %swap3A_117 = arith.constant 32 : index
      %swap3A_118 = tpu.vector_load %arg9[%swap3A_116, %swap3A_117] {strides = array<i32>} : memref<250x80xi32, #tpu.memory_space<vmem>>, vector<1x16xi32>,
      %swap3A_119 = vector.shape_cast %swap3A_118 : vector<1x16xi32> to vector<16xi32>
      %swap3A_120 = vector.shape_cast %add3A_115 : vector<16xi32> to vector<1x16xi32>
      tpu.vector_store %arg9[%swap3A_116, %swap3A_117], %swap3A_120 {strides = array<i32>} : memref<250x80xi32, #tpu.memory_space<vmem>>, vector<1x16xi32>,
      %get3A_121 = arith.index_cast %scan3A_89 : i32 to index
      %get3A_122 = arith.constant 48 : index
      %get3A_123 = tpu.vector_load %arg9[%get3A_121, %get3A_122] {strides = array<i32>} : memref<250x80xi32, #tpu.memory_space<vmem>>, vector<1x16xi32>,
      %get3A_124 = vector.shape_cast %get3A_123 : vector<1x16xi32> to vector<16xi32>
      %add3A_125 = vector.broadcast %mul3A_17 : i32 to vector<16xi32>
      %add3A_126 = arith.addi %get3A_124, %add3A_125 : vector<16xi32>
      %swap3A_127 = arith.index_cast %scan3A_89 : i32 to index
      %swap3A_128 = arith.constant 48 : index
      %swap3A_129 = tpu.vector_load %arg9[%swap3A_127, %swap3A_128] {strides = array<i32>} : memref<250x80xi32, #tpu.memory_space<vmem>>, vector<1x16xi32>,
      %swap3A_130 = vector.shape_cast %swap3A_129 : vector<1x16xi32> to vector<16xi32>
      %swap3A_131 = vector.shape_cast %add3A_126 : vector<16xi32> to vector<1x16xi32>
      tpu.vector_store %arg9[%swap3A_127, %swap3A_128], %swap3A_131 {strides = array<i32>} : memref<250x80xi32, #tpu.memory_space<vmem>>, vector<1x16xi32>,
      %get3A_132 = arith.index_cast %scan3A_89 : i32 to index
      %get3A_133 = arith.constant 64 : index
      %get3A_134 = tpu.vector_load %arg9[%get3A_132, %get3A_133] {strides = array<i32>} : memref<250x80xi32, #tpu.memory_space<vmem>>, vector<1x16xi32>,
      %get3A_135 = vector.shape_cast %get3A_134 : vector<1x16xi32> to vector<16xi32>
      %add3A_136 = vector.broadcast %mul3A_17 : i32 to vector<16xi32>
      %add3A_137 = arith.addi %get3A_135, %add3A_136 : vector<16xi32>
      %swap3A_138 = arith.index_cast %scan3A_89 : i32 to index
      %swap3A_139 = arith.constant 64 : index
      %swap3A_140 = tpu.vector_load %arg9[%swap3A_138, %swap3A_139] {strides = array<i32>} : memref<250x80xi32, #tpu.memory_space<vmem>>, vector<1x16xi32>,
      %swap3A_141 = vector.shape_cast %swap3A_140 : vector<1x16xi32> to vector<16xi32>
      %swap3A_142 = vector.shape_cast %add3A_137 : vector<16xi32> to vector<1x16xi32>
      tpu.vector_store %arg9[%swap3A_138, %swap3A_139], %swap3A_142 {strides = array<i32>} : memref<250x80xi32, #tpu.memory_space<vmem>>, vector<1x16xi32>,
    }
    %scan3A_23 = arith.constant 250 : i32
    %add3A_24 = arith.constant 0 : i32
    %add3A_25 = arith.addi %add3A, %add3A_24 : i32
    %multiple_of3A_26 = tpu.assume_multiple %add3A_25, 8 : i32
    %dma_start3A = arith.constant 0 : i32
    %dma_start3A_27 = tpu.memref_slice %arg3[%multiple_of3A_26, %dma_start3A] : memref<640000x64xf32, #tpu.memory_space<hbm>> -> memref<80x64xf32, #tpu.memory_space<hbm>>
    %dma_start3A_28 = arith.constant 0 : i32
    %dma_start3A_29 = tpu.memref_slice %arg3[%multiple_of3A_26, %dma_start3A_28] : memref<640000x64xf32, #tpu.memory_space<hbm>> -> memref<80x64xf32, #tpu.memory_space<hbm>>
    tpu.enqueue_dma source(%dma_start3A_29 : memref<80x64xf32, #tpu.memory_space<hbm>>) target(%arg11 : memref<80x64xf32, #tpu.memory_space<vmem>>) target_semaphore(%arg15 : memref<!tpu.dma_semaphore, #tpu.memory_space<semaphore_mem>>)
    %dma_start3A_30 = arith.constant 0 : i32
    %dma_start3A_31 = arith.constant 0 : i32
    %dma_start3A_32 = tpu.memref_slice %arg9[%dma_start3A_30, %dma_start3A_31] : memref<250x80xi32, #tpu.memory_space<vmem>> -> memref<1x80xi32, #tpu.memory_space<vmem>>
    %dma_start3A_33 = tpu.memref_squeeze %dma_start3A_32 : memref<1x80xi32, #tpu.memory_space<vmem>> -> memref<80xi32, #tpu.memory_space<vmem>>
    %dma_start3A_34 = arith.constant 0 : i32
    %dma_start3A_35 = arith.constant 0 : i32
    %dma_start3A_36 = tpu.memref_slice %arg2[%dma_start3A_34, %dma_start3A_35] : memref<20000x64xf32, #tpu.memory_space<hbm>> -> memref<20000x64xf32, #tpu.memory_space<hbm>>
    tpu.enqueue_indirect_dma source(%dma_start3A_36 : memref<20000x64xf32, #tpu.memory_space<hbm>>) target(%arg13 : memref<80x64xf32, #tpu.memory_space<vmem>>) offsets(%dma_start3A_33 : memref<80xi32, #tpu.memory_space<vmem>>) semaphore(%arg17 : memref<!tpu.dma_semaphore, #tpu.memory_space<semaphore_mem>>)
    %add3A_37 = arith.constant 80 : i32
    %add3A_38 = arith.addi %add3A, %add3A_37 : i32
    %multiple_of3A_39 = tpu.assume_multiple %add3A_38, 8 : i32
    %dma_start3A_40 = arith.constant 0 : i32
    %dma_start3A_41 = tpu.memref_slice %arg3[%multiple_of3A_39, %dma_start3A_40] : memref<640000x64xf32, #tpu.memory_space<hbm>> -> memref<80x64xf32, #tpu.memory_space<hbm>>
    %dma_start3A_42 = arith.constant 0 : i32
    %dma_start3A_43 = tpu.memref_slice %arg3[%multiple_of3A_39, %dma_start3A_42] : memref<640000x64xf32, #tpu.memory_space<hbm>> -> memref<80x64xf32, #tpu.memory_space<hbm>>
    tpu.enqueue_dma source(%dma_start3A_43 : memref<80x64xf32, #tpu.memory_space<hbm>>) target(%arg12 : memref<80x64xf32, #tpu.memory_space<vmem>>) target_semaphore(%arg16 : memref<!tpu.dma_semaphore, #tpu.memory_space<semaphore_mem>>)
    %dma_start3A_44 = arith.constant 1 : i32
    %dma_start3A_45 = arith.constant 0 : i32
    %dma_start3A_46 = tpu.memref_slice %arg9[%dma_start3A_44, %dma_start3A_45] : memref<250x80xi32, #tpu.memory_space<vmem>> -> memref<1x80xi32, #tpu.memory_space<vmem>>
    %dma_start3A_47 = tpu.memref_squeeze %dma_start3A_46 : memref<1x80xi32, #tpu.memory_space<vmem>> -> memref<80xi32, #tpu.memory_space<vmem>>
    %dma_start3A_48 = arith.constant 0 : i32
    %dma_start3A_49 = arith.constant 0 : i32
    %dma_start3A_50 = tpu.memref_slice %arg2[%dma_start3A_48, %dma_start3A_49] : memref<20000x64xf32, #tpu.memory_space<hbm>> -> memref<20000x64xf32, #tpu.memory_space<hbm>>
    tpu.enqueue_indirect_dma source(%dma_start3A_50 : memref<20000x64xf32, #tpu.memory_space<hbm>>) target(%arg14 : memref<80x64xf32, #tpu.memory_space<vmem>>) offsets(%dma_start3A_47 : memref<80xi32, #tpu.memory_space<vmem>>) semaphore(%arg18 : memref<!tpu.dma_semaphore, #tpu.memory_space<semaphore_mem>>)
    %scan3A_51 = arith.constant 0 : i32
    %scan3A_52 = arith.constant 0 : i32
    %scan3A_53 = arith.constant 125 : i32
    %scan3A_54 = arith.addi %scan3A_52, %scan3A_53 : i32
    %scan3A_55 = arith.constant 1 : i32
    scf.for %scan3A_89 = %scan3A_52 to %scan3A_54 step %scan3A_55  : i32 {
      %mul3A_90 = arith.constant 2 : i32
      %mul3A_91 = arith.muli %mul3A_90, %scan3A_89 : i32
      %add3A_92 = arith.constant 0 : i32
      %add3A_93 = arith.addi %mul3A_91, %add3A_92 : i32
      %multiple_of3A_94 = tpu.assume_multiple %add3A, 8 : i32
      %dma_wait3A = arith.constant 0 : i32
      %dma_wait3A_95 = tpu.memref_slice %arg3[%multiple_of3A_94, %dma_wait3A] : memref<640000x64xf32, #tpu.memory_space<hbm>> -> memref<80x64xf32, #tpu.memory_space<hbm>>
      %dma_wait3A_96 = arith.constant 0 : i32
      %dma_wait3A_97 = tpu.memref_slice %arg3[%multiple_of3A_94, %dma_wait3A_96] : memref<640000x64xf32, #tpu.memory_space<hbm>> -> memref<80x64xf32, #tpu.memory_space<hbm>>
      tpu.wait_dma2 semaphore(%arg15 : memref<!tpu.dma_semaphore, #tpu.memory_space<semaphore_mem>>) src(%dma_wait3A_97 : memref<80x64xf32, #tpu.memory_space<hbm>>) dst(%arg11 : memref<80x64xf32, #tpu.memory_space<vmem>>)
      %dma_wait3A_98 = arith.constant 0 : i32
      %dma_wait3A_99 = tpu.memref_slice %arg9[%add3A_93, %dma_wait3A_98] : memref<250x80xi32, #tpu.memory_space<vmem>> -> memref<1x80xi32, #tpu.memory_space<vmem>>
      %dma_wait3A_100 = tpu.memref_squeeze %dma_wait3A_99 : memref<1x80xi32, #tpu.memory_space<vmem>> -> memref<80xi32, #tpu.memory_space<vmem>>
      %dma_wait3A_101 = arith.constant 0 : i32
      %dma_wait3A_102 = arith.constant 0 : i32
      %dma_wait3A_103 = tpu.memref_slice %arg2[%dma_wait3A_101, %dma_wait3A_102] : memref<20000x64xf32, #tpu.memory_space<hbm>> -> memref<20000x64xf32, #tpu.memory_space<hbm>>
      tpu.wait_indirect_dma semaphore(%arg17 : memref<!tpu.dma_semaphore, #tpu.memory_space<semaphore_mem>>) src(%dma_wait3A_103 : memref<20000x64xf32, #tpu.memory_space<hbm>>) dst(%arg13 : memref<80x64xf32, #tpu.memory_space<vmem>>)
      %scan3A_104 = arith.constant 0 : i32
      %scan3A_105 = arith.constant 0 : i32
      %scan3A_106 = arith.constant 80 : i32
      %scan3A_107 = arith.addi %scan3A_105, %scan3A_106 : i32
      %scan3A_108 = arith.constant 1 : i32
      scf.for %scan3A_145 = %scan3A_105 to %scan3A_107 step %scan3A_108  : i32 {
        %get3A = arith.index_cast %scan3A_145 : i32 to index
        %get3A_146 = arith.constant 0 : index
        %get3A_147 = tpu.vector_load %arg11[%get3A, %get3A_146] {strides = array<i32>} : memref<80x64xf32, #tpu.memory_space<vmem>>, vector<1x16xf32>,
        %get3A_148 = vector.shape_cast %get3A_147 : vector<1x16xf32> to vector<16xf32>
        %get3A_149 = arith.index_cast %scan3A_145 : i32 to index
        %get3A_150 = arith.constant 0 : index
        %get3A_151 = tpu.vector_load %arg13[%get3A_149, %get3A_150] {strides = array<i32>} : memref<80x64xf32, #tpu.memory_space<vmem>>, vector<1x16xf32>,
        %get3A_152 = vector.shape_cast %get3A_151 : vector<1x16xf32> to vector<16xf32>
        %add3A_153 = arith.addf %get3A_148, %get3A_152 : vector<16xf32>
        %max3A = arith.constant 0.000000e+00 : f32
        %max3A_154 = vector.broadcast %max3A : f32 to vector<16xf32>
        %max3A_155 = arith.maximumf %add3A_153, %max3A_154 : vector<16xf32>
        %swap3A = arith.index_cast %scan3A_145 : i32 to index
        %swap3A_156 = arith.constant 0 : index
        %swap3A_157 = tpu.vector_load %arg11[%swap3A, %swap3A_156] {strides = array<i32>} : memref<80x64xf32, #tpu.memory_space<vmem>>, vector<1x16xf32>,
        %swap3A_158 = vector.shape_cast %swap3A_157 : vector<1x16xf32> to vector<16xf32>
        %swap3A_159 = vector.shape_cast %max3A_155 : vector<16xf32> to vector<1x16xf32>
        tpu.vector_store %arg11[%swap3A, %swap3A_156], %swap3A_159 {strides = array<i32>} : memref<80x64xf32, #tpu.memory_space<vmem>>, vector<1x16xf32>,
        %get3A_160 = arith.index_cast %scan3A_145 : i32 to index
        %get3A_161 = arith.constant 16 : index
        %get3A_162 = tpu.vector_load %arg11[%get3A_160, %get3A_161] {strides = array<i32>} : memref<80x64xf32, #tpu.memory_space<vmem>>, vector<1x16xf32>,
        %get3A_163 = vector.shape_cast %get3A_162 : vector<1x16xf32> to vector<16xf32>
        %get3A_164 = arith.index_cast %scan3A_145 : i32 to index
        %get3A_165 = arith.constant 16 : index
        %get3A_166 = tpu.vector_load %arg13[%get3A_164, %get3A_165] {strides = array<i32>} : memref<80x64xf32, #tpu.memory_space<vmem>>, vector<1x16xf32>,
        %get3A_167 = vector.shape_cast %get3A_166 : vector<1x16xf32> to vector<16xf32>
        %add3A_168 = arith.addf %get3A_163, %get3A_167 : vector<16xf32>
        %max3A_169 = arith.constant 0.000000e+00 : f32
        %max3A_170 = vector.broadcast %max3A_169 : f32 to vector<16xf32>
        %max3A_171 = arith.maximumf %add3A_168, %max3A_170 : vector<16xf32>
        %swap3A_172 = arith.index_cast %scan3A_145 : i32 to index
        %swap3A_173 = arith.constant 16 : index
        %swap3A_174 = tpu.vector_load %arg11[%swap3A_172, %swap3A_173] {strides = array<i32>} : memref<80x64xf32, #tpu.memory_space<vmem>>, vector<1x16xf32>,
        %swap3A_175 = vector.shape_cast %swap3A_174 : vector<1x16xf32> to vector<16xf32>
        %swap3A_176 = vector.shape_cast %max3A_171 : vector<16xf32> to vector<1x16xf32>
        tpu.vector_store %arg11[%swap3A_172, %swap3A_173], %swap3A_176 {strides = array<i32>} : memref<80x64xf32, #tpu.memory_space<vmem>>, vector<1x16xf32>,
        %get3A_177 = arith.index_cast %scan3A_145 : i32 to index
        %get3A_178 = arith.constant 32 : index
        %get3A_179 = tpu.vector_load %arg11[%get3A_177, %get3A_178] {strides = array<i32>} : memref<80x64xf32, #tpu.memory_space<vmem>>, vector<1x16xf32>,
        %get3A_180 = vector.shape_cast %get3A_179 : vector<1x16xf32> to vector<16xf32>
        %get3A_181 = arith.index_cast %scan3A_145 : i32 to index
        %get3A_182 = arith.constant 32 : index
        %get3A_183 = tpu.vector_load %arg13[%get3A_181, %get3A_182] {strides = array<i32>} : memref<80x64xf32, #tpu.memory_space<vmem>>, vector<1x16xf32>,
        %get3A_184 = vector.shape_cast %get3A_183 : vector<1x16xf32> to vector<16xf32>
        %add3A_185 = arith.addf %get3A_180, %get3A_184 : vector<16xf32>
        %max3A_186 = arith.constant 0.000000e+00 : f32
        %max3A_187 = vector.broadcast %max3A_186 : f32 to vector<16xf32>
        %max3A_188 = arith.maximumf %add3A_185, %max3A_187 : vector<16xf32>
        %swap3A_189 = arith.index_cast %scan3A_145 : i32 to index
        %swap3A_190 = arith.constant 32 : index
        %swap3A_191 = tpu.vector_load %arg11[%swap3A_189, %swap3A_190] {strides = array<i32>} : memref<80x64xf32, #tpu.memory_space<vmem>>, vector<1x16xf32>,
        %swap3A_192 = vector.shape_cast %swap3A_191 : vector<1x16xf32> to vector<16xf32>
        %swap3A_193 = vector.shape_cast %max3A_188 : vector<16xf32> to vector<1x16xf32>
        tpu.vector_store %arg11[%swap3A_189, %swap3A_190], %swap3A_193 {strides = array<i32>} : memref<80x64xf32, #tpu.memory_space<vmem>>, vector<1x16xf32>,
        %get3A_194 = arith.index_cast %scan3A_145 : i32 to index
        %get3A_195 = arith.constant 48 : index
        %get3A_196 = tpu.vector_load %arg11[%get3A_194, %get3A_195] {strides = array<i32>} : memref<80x64xf32, #tpu.memory_space<vmem>>, vector<1x16xf32>,
        %get3A_197 = vector.shape_cast %get3A_196 : vector<1x16xf32> to vector<16xf32>
        %get3A_198 = arith.index_cast %scan3A_145 : i32 to index
        %get3A_199 = arith.constant 48 : index
        %get3A_200 = tpu.vector_load %arg13[%get3A_198, %get3A_199] {strides = array<i32>} : memref<80x64xf32, #tpu.memory_space<vmem>>, vector<1x16xf32>,
        %get3A_201 = vector.shape_cast %get3A_200 : vector<1x16xf32> to vector<16xf32>
        %add3A_202 = arith.addf %get3A_197, %get3A_201 : vector<16xf32>
        %max3A_203 = arith.constant 0.000000e+00 : f32
        %max3A_204 = vector.broadcast %max3A_203 : f32 to vector<16xf32>
        %max3A_205 = arith.maximumf %add3A_202, %max3A_204 : vector<16xf32>
        %swap3A_206 = arith.index_cast %scan3A_145 : i32 to index
        %swap3A_207 = arith.constant 48 : index
        %swap3A_208 = tpu.vector_load %arg11[%swap3A_206, %swap3A_207] {strides = array<i32>} : memref<80x64xf32, #tpu.memory_space<vmem>>, vector<1x16xf32>,
        %swap3A_209 = vector.shape_cast %swap3A_208 : vector<1x16xf32> to vector<16xf32>
        %swap3A_210 = vector.shape_cast %max3A_205 : vector<16xf32> to vector<1x16xf32>
        tpu.vector_store %arg11[%swap3A_206, %swap3A_207], %swap3A_210 {strides = array<i32>} : memref<80x64xf32, #tpu.memory_space<vmem>>, vector<1x16xf32>,
      }
      %scan3A_109 = arith.constant 80 : i32
      "tpu.region"() ({
        %run_scoped3A = tpu.sem_alloc : memref<!tpu.dma_semaphore, #tpu.memory_space<semaphore_mem>>
        %dma_start3A_145 = arith.constant 0 : i32
        %dma_start3A_146 = tpu.memref_slice %arg10[%add3A_93, %dma_start3A_145] : memref<250x80xi32, #tpu.memory_space<vmem>> -> memref<1x80xi32, #tpu.memory_space<vmem>>
        %dma_start3A_147 = tpu.memref_squeeze %dma_start3A_146 : memref<1x80xi32, #tpu.memory_space<vmem>> -> memref<80xi32, #tpu.memory_space<vmem>>
        %dma_start3A_148 = arith.constant 0 : i32
        %dma_start3A_149 = arith.constant 0 : i32
        %dma_start3A_150 = tpu.memref_slice %arg8[%dma_start3A_148, %dma_start3A_149] : memref<10000x64xf32, #tpu.memory_space<vmem_shared>> -> memref<10000x64xf32, #tpu.memory_space<vmem_shared>>
        tpu.enqueue_indirect_dma source(%arg11 : memref<80x64xf32, #tpu.memory_space<vmem>>) target(%dma_start3A_150 : memref<10000x64xf32, #tpu.memory_space<vmem_shared>>) offsets(%dma_start3A_147 : memref<80xi32, #tpu.memory_space<vmem>>) semaphore(%run_scoped3A : memref<!tpu.dma_semaphore, #tpu.memory_space<semaphore_mem>>) {add = true}
        %dma_wait3A_151 = arith.constant 0 : i32
        %dma_wait3A_152 = tpu.memref_slice %arg10[%add3A_93, %dma_wait3A_151] : memref<250x80xi32, #tpu.memory_space<vmem>> -> memref<1x80xi32, #tpu.memory_space<vmem>>
        %dma_wait3A_153 = tpu.memref_squeeze %dma_wait3A_152 : memref<1x80xi32, #tpu.memory_space<vmem>> -> memref<80xi32, #tpu.memory_space<vmem>>
        %dma_wait3A_154 = arith.constant 0 : i32
        %dma_wait3A_155 = arith.constant 0 : i32
        %dma_wait3A_156 = tpu.memref_slice %arg8[%dma_wait3A_154, %dma_wait3A_155] : memref<10000x64xf32, #tpu.memory_space<vmem_shared>> -> memref<10000x64xf32, #tpu.memory_space<vmem_shared>>
        tpu.wait_indirect_dma semaphore(%run_scoped3A : memref<!tpu.dma_semaphore, #tpu.memory_space<semaphore_mem>>) src(%arg11 : memref<80x64xf32, #tpu.memory_space<vmem>>) dst(%dma_wait3A_156 : memref<10000x64xf32, #tpu.memory_space<vmem_shared>>)
        tpu.yield
      }) : () -> ()
      %add3A_110 = arith.constant 2 : i32
      %add3A_111 = arith.addi %add3A_93, %add3A_110 : i32
      %lt3A_112 = arith.constant 250 : i32
      %lt3A_113 = arith.cmpi slt, %add3A_111, %lt3A_112 : i32
      %convert_element_type3A_114 = arith.extui %lt3A_113 : i1 to i32
      %cond3A_115 = arith.constant 0 : i32
      %cond3A_116 = arith.cmpi ne, %convert_element_type3A_114, %cond3A_115 : i32
      scf.if %cond3A_116 {
        %add3A_145 = arith.constant 2 : i32
        %add3A_146 = arith.addi %add3A_93, %add3A_145 : i32
        %mul3A_147 = arith.constant 80 : i32
        %mul3A_148 = arith.muli %add3A_146, %mul3A_147 : i32
        %add3A_149 = arith.addi %add3A, %mul3A_148 : i32
        %multiple_of3A_150 = tpu.assume_multiple %add3A_149, 8 : i32
        %dma_start3A_151 = arith.constant 0 : i32
        %dma_start3A_152 = tpu.memref_slice %arg3[%multiple_of3A_150, %dma_start3A_151] : memref<640000x64xf32, #tpu.memory_space<hbm>> -> memref<80x64xf32, #tpu.memory_space<hbm>>
        %dma_start3A_153 = arith.constant 0 : i32
        %dma_start3A_154 = tpu.memref_slice %arg3[%multiple_of3A_150, %dma_start3A_153] : memref<640000x64xf32, #tpu.memory_space<hbm>> -> memref<80x64xf32, #tpu.memory_space<hbm>>
        tpu.enqueue_dma source(%dma_start3A_154 : memref<80x64xf32, #tpu.memory_space<hbm>>) target(%arg11 : memref<80x64xf32, #tpu.memory_space<vmem>>) target_semaphore(%arg15 : memref<!tpu.dma_semaphore, #tpu.memory_space<semaphore_mem>>)
        %dma_start3A_155 = arith.constant 0 : i32
        %dma_start3A_156 = tpu.memref_slice %arg9[%add3A_146, %dma_start3A_155] : memref<250x80xi32, #tpu.memory_space<vmem>> -> memref<1x80xi32, #tpu.memory_space<vmem>>
        %dma_start3A_157 = tpu.memref_squeeze %dma_start3A_156 : memref<1x80xi32, #tpu.memory_space<vmem>> -> memref<80xi32, #tpu.memory_space<vmem>>
        %dma_start3A_158 = arith.constant 0 : i32
        %dma_start3A_159 = arith.constant 0 : i32
        %dma_start3A_160 = tpu.memref_slice %arg2[%dma_start3A_158, %dma_start3A_159] : memref<20000x64xf32, #tpu.memory_space<hbm>> -> memref<20000x64xf32, #tpu.memory_space<hbm>>
        tpu.enqueue_indirect_dma source(%dma_start3A_160 : memref<20000x64xf32, #tpu.memory_space<hbm>>) target(%arg13 : memref<80x64xf32, #tpu.memory_space<vmem>>) offsets(%dma_start3A_157 : memref<80xi32, #tpu.memory_space<vmem>>) semaphore(%arg17 : memref<!tpu.dma_semaphore, #tpu.memory_space<semaphore_mem>>)
      } else {
      }
      %mul3A_117 = arith.constant 2 : i32
      %mul3A_118 = arith.muli %mul3A_117, %scan3A_89 : i32
      %add3A_119 = arith.constant 1 : i32
      %add3A_120 = arith.addi %mul3A_118, %add3A_119 : i32
      %multiple_of3A_121 = tpu.assume_multiple %add3A, 8 : i32
      %dma_wait3A_122 = arith.constant 0 : i32
      %dma_wait3A_123 = tpu.memref_slice %arg3[%multiple_of3A_121, %dma_wait3A_122] : memref<640000x64xf32, #tpu.memory_space<hbm>> -> memref<80x64xf32, #tpu.memory_space<hbm>>
      %dma_wait3A_124 = arith.constant 0 : i32
      %dma_wait3A_125 = tpu.memref_slice %arg3[%multiple_of3A_121, %dma_wait3A_124] : memref<640000x64xf32, #tpu.memory_space<hbm>> -> memref<80x64xf32, #tpu.memory_space<hbm>>
      tpu.wait_dma2 semaphore(%arg16 : memref<!tpu.dma_semaphore, #tpu.memory_space<semaphore_mem>>) src(%dma_wait3A_125 : memref<80x64xf32, #tpu.memory_space<hbm>>) dst(%arg12 : memref<80x64xf32, #tpu.memory_space<vmem>>)
      %dma_wait3A_126 = arith.constant 0 : i32
      %dma_wait3A_127 = tpu.memref_slice %arg9[%add3A_120, %dma_wait3A_126] : memref<250x80xi32, #tpu.memory_space<vmem>> -> memref<1x80xi32, #tpu.memory_space<vmem>>
      %dma_wait3A_128 = tpu.memref_squeeze %dma_wait3A_127 : memref<1x80xi32, #tpu.memory_space<vmem>> -> memref<80xi32, #tpu.memory_space<vmem>>
      %dma_wait3A_129 = arith.constant 0 : i32
      %dma_wait3A_130 = arith.constant 0 : i32
      %dma_wait3A_131 = tpu.memref_slice %arg2[%dma_wait3A_129, %dma_wait3A_130] : memref<20000x64xf32, #tpu.memory_space<hbm>> -> memref<20000x64xf32, #tpu.memory_space<hbm>>
      tpu.wait_indirect_dma semaphore(%arg18 : memref<!tpu.dma_semaphore, #tpu.memory_space<semaphore_mem>>) src(%dma_wait3A_131 : memref<20000x64xf32, #tpu.memory_space<hbm>>) dst(%arg14 : memref<80x64xf32, #tpu.memory_space<vmem>>)
      %scan3A_132 = arith.constant 0 : i32
      %scan3A_133 = arith.constant 0 : i32
      %scan3A_134 = arith.constant 80 : i32
      %scan3A_135 = arith.addi %scan3A_133, %scan3A_134 : i32
      %scan3A_136 = arith.constant 1 : i32
      scf.for %scan3A_145 = %scan3A_133 to %scan3A_135 step %scan3A_136  : i32 {
        %get3A = arith.index_cast %scan3A_145 : i32 to index
        %get3A_146 = arith.constant 0 : index
        %get3A_147 = tpu.vector_load %arg12[%get3A, %get3A_146] {strides = array<i32>} : memref<80x64xf32, #tpu.memory_space<vmem>>, vector<1x16xf32>,
        %get3A_148 = vector.shape_cast %get3A_147 : vector<1x16xf32> to vector<16xf32>
        %get3A_149 = arith.index_cast %scan3A_145 : i32 to index
        %get3A_150 = arith.constant 0 : index
        %get3A_151 = tpu.vector_load %arg14[%get3A_149, %get3A_150] {strides = array<i32>} : memref<80x64xf32, #tpu.memory_space<vmem>>, vector<1x16xf32>,
        %get3A_152 = vector.shape_cast %get3A_151 : vector<1x16xf32> to vector<16xf32>
        %add3A_153 = arith.addf %get3A_148, %get3A_152 : vector<16xf32>
        %max3A = arith.constant 0.000000e+00 : f32
        %max3A_154 = vector.broadcast %max3A : f32 to vector<16xf32>
        %max3A_155 = arith.maximumf %add3A_153, %max3A_154 : vector<16xf32>
        %swap3A = arith.index_cast %scan3A_145 : i32 to index
        %swap3A_156 = arith.constant 0 : index
        %swap3A_157 = tpu.vector_load %arg12[%swap3A, %swap3A_156] {strides = array<i32>} : memref<80x64xf32, #tpu.memory_space<vmem>>, vector<1x16xf32>,
        %swap3A_158 = vector.shape_cast %swap3A_157 : vector<1x16xf32> to vector<16xf32>
        %swap3A_159 = vector.shape_cast %max3A_155 : vector<16xf32> to vector<1x16xf32>
        tpu.vector_store %arg12[%swap3A, %swap3A_156], %swap3A_159 {strides = array<i32>} : memref<80x64xf32, #tpu.memory_space<vmem>>, vector<1x16xf32>,
        %get3A_160 = arith.index_cast %scan3A_145 : i32 to index
        %get3A_161 = arith.constant 16 : index
        %get3A_162 = tpu.vector_load %arg12[%get3A_160, %get3A_161] {strides = array<i32>} : memref<80x64xf32, #tpu.memory_space<vmem>>, vector<1x16xf32>,
        %get3A_163 = vector.shape_cast %get3A_162 : vector<1x16xf32> to vector<16xf32>
        %get3A_164 = arith.index_cast %scan3A_145 : i32 to index
        %get3A_165 = arith.constant 16 : index
        %get3A_166 = tpu.vector_load %arg14[%get3A_164, %get3A_165] {strides = array<i32>} : memref<80x64xf32, #tpu.memory_space<vmem>>, vector<1x16xf32>,
        %get3A_167 = vector.shape_cast %get3A_166 : vector<1x16xf32> to vector<16xf32>
        %add3A_168 = arith.addf %get3A_163, %get3A_167 : vector<16xf32>
        %max3A_169 = arith.constant 0.000000e+00 : f32
        %max3A_170 = vector.broadcast %max3A_169 : f32 to vector<16xf32>
        %max3A_171 = arith.maximumf %add3A_168, %max3A_170 : vector<16xf32>
        %swap3A_172 = arith.index_cast %scan3A_145 : i32 to index
        %swap3A_173 = arith.constant 16 : index
        %swap3A_174 = tpu.vector_load %arg12[%swap3A_172, %swap3A_173] {strides = array<i32>} : memref<80x64xf32, #tpu.memory_space<vmem>>, vector<1x16xf32>,
        %swap3A_175 = vector.shape_cast %swap3A_174 : vector<1x16xf32> to vector<16xf32>
        %swap3A_176 = vector.shape_cast %max3A_171 : vector<16xf32> to vector<1x16xf32>
        tpu.vector_store %arg12[%swap3A_172, %swap3A_173], %swap3A_176 {strides = array<i32>} : memref<80x64xf32, #tpu.memory_space<vmem>>, vector<1x16xf32>,
        %get3A_177 = arith.index_cast %scan3A_145 : i32 to index
        %get3A_178 = arith.constant 32 : index
        %get3A_179 = tpu.vector_load %arg12[%get3A_177, %get3A_178] {strides = array<i32>} : memref<80x64xf32, #tpu.memory_space<vmem>>, vector<1x16xf32>,
        %get3A_180 = vector.shape_cast %get3A_179 : vector<1x16xf32> to vector<16xf32>
        %get3A_181 = arith.index_cast %scan3A_145 : i32 to index
        %get3A_182 = arith.constant 32 : index
        %get3A_183 = tpu.vector_load %arg14[%get3A_181, %get3A_182] {strides = array<i32>} : memref<80x64xf32, #tpu.memory_space<vmem>>, vector<1x16xf32>,
        %get3A_184 = vector.shape_cast %get3A_183 : vector<1x16xf32> to vector<16xf32>
        %add3A_185 = arith.addf %get3A_180, %get3A_184 : vector<16xf32>
        %max3A_186 = arith.constant 0.000000e+00 : f32
        %max3A_187 = vector.broadcast %max3A_186 : f32 to vector<16xf32>
        %max3A_188 = arith.maximumf %add3A_185, %max3A_187 : vector<16xf32>
        %swap3A_189 = arith.index_cast %scan3A_145 : i32 to index
        %swap3A_190 = arith.constant 32 : index
        %swap3A_191 = tpu.vector_load %arg12[%swap3A_189, %swap3A_190] {strides = array<i32>} : memref<80x64xf32, #tpu.memory_space<vmem>>, vector<1x16xf32>,
        %swap3A_192 = vector.shape_cast %swap3A_191 : vector<1x16xf32> to vector<16xf32>
        %swap3A_193 = vector.shape_cast %max3A_188 : vector<16xf32> to vector<1x16xf32>
        tpu.vector_store %arg12[%swap3A_189, %swap3A_190], %swap3A_193 {strides = array<i32>} : memref<80x64xf32, #tpu.memory_space<vmem>>, vector<1x16xf32>,
        %get3A_194 = arith.index_cast %scan3A_145 : i32 to index
        %get3A_195 = arith.constant 48 : index
        %get3A_196 = tpu.vector_load %arg12[%get3A_194, %get3A_195] {strides = array<i32>} : memref<80x64xf32, #tpu.memory_space<vmem>>, vector<1x16xf32>,
        %get3A_197 = vector.shape_cast %get3A_196 : vector<1x16xf32> to vector<16xf32>
        %get3A_198 = arith.index_cast %scan3A_145 : i32 to index
        %get3A_199 = arith.constant 48 : index
        %get3A_200 = tpu.vector_load %arg14[%get3A_198, %get3A_199] {strides = array<i32>} : memref<80x64xf32, #tpu.memory_space<vmem>>, vector<1x16xf32>,
        %get3A_201 = vector.shape_cast %get3A_200 : vector<1x16xf32> to vector<16xf32>
        %add3A_202 = arith.addf %get3A_197, %get3A_201 : vector<16xf32>
        %max3A_203 = arith.constant 0.000000e+00 : f32
        %max3A_204 = vector.broadcast %max3A_203 : f32 to vector<16xf32>
        %max3A_205 = arith.maximumf %add3A_202, %max3A_204 : vector<16xf32>
        %swap3A_206 = arith.index_cast %scan3A_145 : i32 to index
        %swap3A_207 = arith.constant 48 : index
        %swap3A_208 = tpu.vector_load %arg12[%swap3A_206, %swap3A_207] {strides = array<i32>} : memref<80x64xf32, #tpu.memory_space<vmem>>, vector<1x16xf32>,
        %swap3A_209 = vector.shape_cast %swap3A_208 : vector<1x16xf32> to vector<16xf32>
        %swap3A_210 = vector.shape_cast %max3A_205 : vector<16xf32> to vector<1x16xf32>
        tpu.vector_store %arg12[%swap3A_206, %swap3A_207], %swap3A_210 {strides = array<i32>} : memref<80x64xf32, #tpu.memory_space<vmem>>, vector<1x16xf32>,
      }
      %scan3A_137 = arith.constant 80 : i32
      "tpu.region"() ({
        %run_scoped3A = tpu.sem_alloc : memref<!tpu.dma_semaphore, #tpu.memory_space<semaphore_mem>>
        %dma_start3A_145 = arith.constant 0 : i32
        %dma_start3A_146 = tpu.memref_slice %arg10[%add3A_120, %dma_start3A_145] : memref<250x80xi32, #tpu.memory_space<vmem>> -> memref<1x80xi32, #tpu.memory_space<vmem>>
        %dma_start3A_147 = tpu.memref_squeeze %dma_start3A_146 : memref<1x80xi32, #tpu.memory_space<vmem>> -> memref<80xi32, #tpu.memory_space<vmem>>
        %dma_start3A_148 = arith.constant 0 : i32
        %dma_start3A_149 = arith.constant 0 : i32
        %dma_start3A_150 = tpu.memref_slice %arg8[%dma_start3A_148, %dma_start3A_149] : memref<10000x64xf32, #tpu.memory_space<vmem_shared>> -> memref<10000x64xf32, #tpu.memory_space<vmem_shared>>
        tpu.enqueue_indirect_dma source(%arg12 : memref<80x64xf32, #tpu.memory_space<vmem>>) target(%dma_start3A_150 : memref<10000x64xf32, #tpu.memory_space<vmem_shared>>) offsets(%dma_start3A_147 : memref<80xi32, #tpu.memory_space<vmem>>) semaphore(%run_scoped3A : memref<!tpu.dma_semaphore, #tpu.memory_space<semaphore_mem>>) {add = true}
        %dma_wait3A_151 = arith.constant 0 : i32
        %dma_wait3A_152 = tpu.memref_slice %arg10[%add3A_120, %dma_wait3A_151] : memref<250x80xi32, #tpu.memory_space<vmem>> -> memref<1x80xi32, #tpu.memory_space<vmem>>
        %dma_wait3A_153 = tpu.memref_squeeze %dma_wait3A_152 : memref<1x80xi32, #tpu.memory_space<vmem>> -> memref<80xi32, #tpu.memory_space<vmem>>
        %dma_wait3A_154 = arith.constant 0 : i32
        %dma_wait3A_155 = arith.constant 0 : i32
        %dma_wait3A_156 = tpu.memref_slice %arg8[%dma_wait3A_154, %dma_wait3A_155] : memref<10000x64xf32, #tpu.memory_space<vmem_shared>> -> memref<10000x64xf32, #tpu.memory_space<vmem_shared>>
        tpu.wait_indirect_dma semaphore(%run_scoped3A : memref<!tpu.dma_semaphore, #tpu.memory_space<semaphore_mem>>) src(%arg12 : memref<80x64xf32, #tpu.memory_space<vmem>>) dst(%dma_wait3A_156 : memref<10000x64xf32, #tpu.memory_space<vmem_shared>>)
        tpu.yield
      }) : () -> ()
      %add3A_138 = arith.constant 2 : i32
      %add3A_139 = arith.addi %add3A_120, %add3A_138 : i32
      %lt3A_140 = arith.constant 250 : i32
      %lt3A_141 = arith.cmpi slt, %add3A_139, %lt3A_140 : i32
      %convert_element_type3A_142 = arith.extui %lt3A_141 : i1 to i32
      %cond3A_143 = arith.constant 0 : i32
      %cond3A_144 = arith.cmpi ne, %convert_element_type3A_142, %cond3A_143 : i32
      scf.if %cond3A_144 {
        %add3A_145 = arith.constant 2 : i32
        %add3A_146 = arith.addi %add3A_120, %add3A_145 : i32
        %mul3A_147 = arith.constant 80 : i32
        %mul3A_148 = arith.muli %add3A_146, %mul3A_147 : i32
        %add3A_149 = arith.addi %add3A, %mul3A_148 : i32
        %multiple_of3A_150 = tpu.assume_multiple %add3A_149, 8 : i32
        %dma_start3A_151 = arith.constant 0 : i32
        %dma_start3A_152 = tpu.memref_slice %arg3[%multiple_of3A_150, %dma_start3A_151] : memref<640000x64xf32, #tpu.memory_space<hbm>> -> memref<80x64xf32, #tpu.memory_space<hbm>>
        %dma_start3A_153 = arith.constant 0 : i32
        %dma_start3A_154 = tpu.memref_slice %arg3[%multiple_of3A_150, %dma_start3A_153] : memref<640000x64xf32, #tpu.memory_space<hbm>> -> memref<80x64xf32, #tpu.memory_space<hbm>>
        tpu.enqueue_dma source(%dma_start3A_154 : memref<80x64xf32, #tpu.memory_space<hbm>>) target(%arg12 : memref<80x64xf32, #tpu.memory_space<vmem>>) target_semaphore(%arg16 : memref<!tpu.dma_semaphore, #tpu.memory_space<semaphore_mem>>)
        %dma_start3A_155 = arith.constant 0 : i32
        %dma_start3A_156 = tpu.memref_slice %arg9[%add3A_146, %dma_start3A_155] : memref<250x80xi32, #tpu.memory_space<vmem>> -> memref<1x80xi32, #tpu.memory_space<vmem>>
        %dma_start3A_157 = tpu.memref_squeeze %dma_start3A_156 : memref<1x80xi32, #tpu.memory_space<vmem>> -> memref<80xi32, #tpu.memory_space<vmem>>
        %dma_start3A_158 = arith.constant 0 : i32
        %dma_start3A_159 = arith.constant 0 : i32
        %dma_start3A_160 = tpu.memref_slice %arg2[%dma_start3A_158, %dma_start3A_159] : memref<20000x64xf32, #tpu.memory_space<hbm>> -> memref<20000x64xf32, #tpu.memory_space<hbm>>
        tpu.enqueue_indirect_dma source(%dma_start3A_160 : memref<20000x64xf32, #tpu.memory_space<hbm>>) target(%arg14 : memref<80x64xf32, #tpu.memory_space<vmem>>) offsets(%dma_start3A_157 : memref<80xi32, #tpu.memory_space<vmem>>) semaphore(%arg18 : memref<!tpu.dma_semaphore, #tpu.memory_space<semaphore_mem>>)
      } else {
      }
    }
    %scan3A_56 = arith.constant 125 : i32
    %barrier3A_57 = arith.constant 0 : index
    tpu.barrier barrier_id(%barrier3A_57)
    %eq3A_58 = arith.constant 0 : i32
    %eq3A_59 = arith.cmpi eq, %arg0, %eq3A_58 : i32
    %lt3A_60 = arith.constant 15 : i32
    %lt3A_61 = arith.cmpi slt, %arg1, %lt3A_60 : i32
    %and3A = arith.andi %eq3A_59, %lt3A_61 : i1
    %convert_element_type3A_62 = arith.extui %and3A : i1 to i32
    %cond3A_63 = arith.constant 0 : i32
    %cond3A_64 = arith.cmpi ne, %convert_element_type3A_62, %cond3A_63 : i32
    scf.if %cond3A_64 {
      "tpu.region"() ({
        %run_scoped3A = tpu.sem_alloc : memref<!tpu.dma_semaphore, #tpu.memory_space<semaphore_mem>>
        %dma_start3A_89 = arith.constant 0 : i32
        %dma_start3A_90 = tpu.memref_slice %arg6[%multiple_of3A, %dma_start3A_89] : memref<10000x64xf32, #tpu.memory_space<hbm>> -> memref<640x64xf32, #tpu.memory_space<hbm>>
        %dma_start3A_91 = arith.constant 0 : i32
        %dma_start3A_92 = tpu.memref_slice %arg8[%multiple_of3A, %dma_start3A_91] : memref<10000x64xf32, #tpu.memory_space<vmem_shared>> -> memref<640x64xf32, #tpu.memory_space<vmem_shared>>
        tpu.enqueue_dma source(%dma_start3A_92 : memref<640x64xf32, #tpu.memory_space<vmem_shared>>) target(%dma_start3A_90 : memref<640x64xf32, #tpu.memory_space<hbm>>) target_semaphore(%run_scoped3A : memref<!tpu.dma_semaphore, #tpu.memory_space<semaphore_mem>>)
        %dma_wait3A = arith.constant 0 : i32
        %dma_wait3A_93 = tpu.memref_slice %arg6[%multiple_of3A, %dma_wait3A] : memref<10000x64xf32, #tpu.memory_space<hbm>> -> memref<640x64xf32, #tpu.memory_space<hbm>>
        %dma_wait3A_94 = arith.constant 0 : i32
        %dma_wait3A_95 = tpu.memref_slice %arg8[%multiple_of3A, %dma_wait3A_94] : memref<10000x64xf32, #tpu.memory_space<vmem_shared>> -> memref<640x64xf32, #tpu.memory_space<vmem_shared>>
        tpu.wait_dma2 semaphore(%run_scoped3A : memref<!tpu.dma_semaphore, #tpu.memory_space<semaphore_mem>>) src(%dma_wait3A_95 : memref<640x64xf32, #tpu.memory_space<vmem_shared>>) dst(%dma_wait3A_93 : memref<640x64xf32, #tpu.memory_space<hbm>>)
        tpu.yield
      }) : () -> ()
    } else {
    }
    %eq3A_65 = arith.constant 0 : i32
    %eq3A_66 = arith.cmpi eq, %arg0, %eq3A_65 : i32
    %eq3A_67 = arith.constant 15 : i32
    %eq3A_68 = arith.cmpi eq, %arg1, %eq3A_67 : i32
    %and3A_69 = arith.andi %eq3A_66, %eq3A_68 : i1
    %convert_element_type3A_70 = arith.extui %and3A_69 : i1 to i32
    %cond3A_71 = arith.constant 0 : i32
    %cond3A_72 = arith.cmpi ne, %convert_element_type3A_70, %cond3A_71 : i32
    scf.if %cond3A_72 {
      "tpu.region"() ({
        %run_scoped3A = tpu.sem_alloc : memref<!tpu.dma_semaphore, #tpu.memory_space<semaphore_mem>>
        %dma_start3A_89 = arith.constant 0 : i32
        %dma_start3A_90 = tpu.memref_slice %arg6[%multiple_of3A, %dma_start3A_89] : memref<10000x64xf32, #tpu.memory_space<hbm>> -> memref<400x64xf32, #tpu.memory_space<hbm>>
        %dma_start3A_91 = arith.constant 0 : i32
        %dma_start3A_92 = tpu.memref_slice %arg8[%multiple_of3A, %dma_start3A_91] : memref<10000x64xf32, #tpu.memory_space<vmem_shared>> -> memref<400x64xf32, #tpu.memory_space<vmem_shared>>
        tpu.enqueue_dma source(%dma_start3A_92 : memref<400x64xf32, #tpu.memory_space<vmem_shared>>) target(%dma_start3A_90 : memref<400x64xf32, #tpu.memory_space<hbm>>) target_semaphore(%run_scoped3A : memref<!tpu.dma_semaphore, #tpu.memory_space<semaphore_mem>>)
        %dma_wait3A = arith.constant 0 : i32
        %dma_wait3A_93 = tpu.memref_slice %arg6[%multiple_of3A, %dma_wait3A] : memref<10000x64xf32, #tpu.memory_space<hbm>> -> memref<400x64xf32, #tpu.memory_space<hbm>>
        %dma_wait3A_94 = arith.constant 0 : i32
        %dma_wait3A_95 = tpu.memref_slice %arg8[%multiple_of3A, %dma_wait3A_94] : memref<10000x64xf32, #tpu.memory_space<vmem_shared>> -> memref<400x64xf32, #tpu.memory_space<vmem_shared>>
        tpu.wait_dma2 semaphore(%run_scoped3A : memref<!tpu.dma_semaphore, #tpu.memory_space<semaphore_mem>>) src(%dma_wait3A_95 : memref<400x64xf32, #tpu.memory_space<vmem_shared>>) dst(%dma_wait3A_93 : memref<400x64xf32, #tpu.memory_space<hbm>>)
        tpu.yield
      }) : () -> ()
    } else {
    }
    %eq3A_73 = arith.constant 1 : i32
    %eq3A_74 = arith.cmpi eq, %arg0, %eq3A_73 : i32
    %lt3A_75 = arith.constant 15 : i32
    %lt3A_76 = arith.cmpi slt, %arg1, %lt3A_75 : i32
    %and3A_77 = arith.andi %eq3A_74, %lt3A_76 : i1
    %convert_element_type3A_78 = arith.extui %and3A_77 : i1 to i32
    %cond3A_79 = arith.constant 0 : i32
    %cond3A_80 = arith.cmpi ne, %convert_element_type3A_78, %cond3A_79 : i32
    scf.if %cond3A_80 {
      "tpu.region"() ({
        %run_scoped3A = tpu.sem_alloc : memref<!tpu.dma_semaphore, #tpu.memory_space<semaphore_mem>>
        %dma_start3A_89 = arith.constant 0 : i32
        %dma_start3A_90 = tpu.memref_slice %arg7[%multiple_of3A, %dma_start3A_89] : memref<10000x64xf32, #tpu.memory_space<hbm>> -> memref<640x64xf32, #tpu.memory_space<hbm>>
        %dma_start3A_91 = arith.constant 0 : i32
        %dma_start3A_92 = tpu.memref_slice %arg8[%multiple_of3A, %dma_start3A_91] : memref<10000x64xf32, #tpu.memory_space<vmem_shared>> -> memref<640x64xf32, #tpu.memory_space<vmem_shared>>
        tpu.enqueue_dma source(%dma_start3A_92 : memref<640x64xf32, #tpu.memory_space<vmem_shared>>) target(%dma_start3A_90 : memref<640x64xf32, #tpu.memory_space<hbm>>) target_semaphore(%run_scoped3A : memref<!tpu.dma_semaphore, #tpu.memory_space<semaphore_mem>>)
        %dma_wait3A = arith.constant 0 : i32
        %dma_wait3A_93 = tpu.memref_slice %arg7[%multiple_of3A, %dma_wait3A] : memref<10000x64xf32, #tpu.memory_space<hbm>> -> memref<640x64xf32, #tpu.memory_space<hbm>>
        %dma_wait3A_94 = arith.constant 0 : i32
        %dma_wait3A_95 = tpu.memref_slice %arg8[%multiple_of3A, %dma_wait3A_94] : memref<10000x64xf32, #tpu.memory_space<vmem_shared>> -> memref<640x64xf32, #tpu.memory_space<vmem_shared>>
        tpu.wait_dma2 semaphore(%run_scoped3A : memref<!tpu.dma_semaphore, #tpu.memory_space<semaphore_mem>>) src(%dma_wait3A_95 : memref<640x64xf32, #tpu.memory_space<vmem_shared>>) dst(%dma_wait3A_93 : memref<640x64xf32, #tpu.memory_space<hbm>>)
        tpu.yield
      }) : () -> ()
    } else {
    }
    %eq3A_81 = arith.constant 1 : i32
    %eq3A_82 = arith.cmpi eq, %arg0, %eq3A_81 : i32
    %eq3A_83 = arith.constant 15 : i32
    %eq3A_84 = arith.cmpi eq, %arg1, %eq3A_83 : i32
    %and3A_85 = arith.andi %eq3A_82, %eq3A_84 : i1
    %convert_element_type3A_86 = arith.extui %and3A_85 : i1 to i32
    %cond3A_87 = arith.constant 0 : i32
    %cond3A_88 = arith.cmpi ne, %convert_element_type3A_86, %cond3A_87 : i32
    scf.if %cond3A_88 {
      "tpu.region"() ({
        %run_scoped3A = tpu.sem_alloc : memref<!tpu.dma_semaphore, #tpu.memory_space<semaphore_mem>>
        %dma_start3A_89 = arith.constant 0 : i32
        %dma_start3A_90 = tpu.memref_slice %arg7[%multiple_of3A, %dma_start3A_89] : memref<10000x64xf32, #tpu.memory_space<hbm>> -> memref<400x64xf32, #tpu.memory_space<hbm>>
        %dma_start3A_91 = arith.constant 0 : i32
        %dma_start3A_92 = tpu.memref_slice %arg8[%multiple_of3A, %dma_start3A_91] : memref<10000x64xf32, #tpu.memory_space<vmem_shared>> -> memref<400x64xf32, #tpu.memory_space<vmem_shared>>
        tpu.enqueue_dma source(%dma_start3A_92 : memref<400x64xf32, #tpu.memory_space<vmem_shared>>) target(%dma_start3A_90 : memref<400x64xf32, #tpu.memory_space<hbm>>) target_semaphore(%run_scoped3A : memref<!tpu.dma_semaphore, #tpu.memory_space<semaphore_mem>>)
        %dma_wait3A = arith.constant 0 : i32
        %dma_wait3A_93 = tpu.memref_slice %arg7[%multiple_of3A, %dma_wait3A] : memref<10000x64xf32, #tpu.memory_space<hbm>> -> memref<400x64xf32, #tpu.memory_space<hbm>>
        %dma_wait3A_94 = arith.constant 0 : i32
        %dma_wait3A_95 = tpu.memref_slice %arg8[%multiple_of3A, %dma_wait3A_94] : memref<10000x64xf32, #tpu.memory_space<vmem_shared>> -> memref<400x64xf32, #tpu.memory_space<vmem_shared>>
        tpu.wait_dma2 semaphore(%run_scoped3A : memref<!tpu.dma_semaphore, #tpu.memory_space<semaphore_mem>>) src(%dma_wait3A_95 : memref<400x64xf32, #tpu.memory_space<vmem_shared>>) dst(%dma_wait3A_93 : memref<400x64xf32, #tpu.memory_space<hbm>>)
        tpu.yield
      }) : () -> ()
    } else {
    }
    return
  }
}

#map = affine_map<(d0, d1) -> (0, 0)>
#map1 = affine_map<(d0, d1) -> (0, 0, 0)>
module attributes {stable_mosaic.version = 14 : i64} {
  func.func @_sc_edge_body(%arg0: i32, %arg1: i32, %arg2: memref<20000x64xf32, #tpu.memory_space<hbm>>, %arg3: memref<640000x64xf32, #tpu.memory_space<hbm>>, %arg4: memref<16x250x80xi32, #tpu.memory_space<hbm>>, %arg5: memref<16x250x80xi32, #tpu.memory_space<hbm>>, %arg6: memref<10000x64xf32, #tpu.memory_space<hbm>>, %arg7: memref<10000x64xf32, #tpu.memory_space<hbm>>, %arg8: memref<10000x64xf32, #tpu.memory_space<vmem_shared>>, %arg9: memref<250x80xi32, #tpu.memory_space<vmem>>, %arg10: memref<250x80xi32, #tpu.memory_space<vmem>>, %arg11: memref<80x64xf32, #tpu.memory_space<vmem>>, %arg12: memref<80x64xf32, #tpu.memory_space<vmem>>, %arg13: memref<80x64xf32, #tpu.memory_space<vmem>>, %arg14: memref<80x64xf32, #tpu.memory_space<vmem>>, %arg15: memref<!tpu.dma_semaphore, #tpu.memory_space<semaphore_mem>>, %arg16: memref<!tpu.dma_semaphore, #tpu.memory_space<semaphore_mem>>, %arg17: memref<!tpu.dma_semaphore, #tpu.memory_space<semaphore_mem>>, %arg18: memref<!tpu.dma_semaphore, #tpu.memory_space<semaphore_mem>>) attributes {dimension_semantics = [#tpu.dimension_semantics<core_parallel>, #tpu.dimension_semantics<subcore_parallel>], iteration_bounds = array<i64: 2, 16>, scalar_prefetch = 0 : i64, scratch_operands = 11 : i64, tpu.core_type = #tpu.core_type<sc_vector_subcore>, window_params = [{transform_indices = #map}, {transform_indices = #map}, {transform_indices = #map1}, {transform_indices = #map1}, {transform_indices = #map}, {transform_indices = #map}]} {
    %scan3A = arith.constant 0 : i32
    %scan3A_0 = arith.constant 0 : i32
    %scan3A_1 = arith.constant 80 : i32
    %scan3A_2 = arith.addi %scan3A_0, %scan3A_1 : i32
    %scan3A_3 = arith.constant 1 : i32
    scf.for %scan3A_89 = %scan3A_0 to %scan3A_2 step %scan3A_3  : i32 {
      %broadcast_in_dim3A = arith.constant 0.000000e+00 : f32
      %broadcast_in_dim3A_90 = vector.broadcast %broadcast_in_dim3A : f32 to vector<16xf32>
      %swap3A = arith.index_cast %scan3A_89 : i32 to index
      %swap3A_91 = arith.constant 0 : index
      %swap3A_92 = tpu.vector_load %arg13[%swap3A, %swap3A_91] {strides = array<i32>} : memref<80x64xf32, #tpu.memory_space<vmem>>, vector<1x16xf32>,
      %swap3A_93 = vector.shape_cast %swap3A_92 : vector<1x16xf32> to vector<16xf32>
      %swap3A_94 = vector.shape_cast %broadcast_in_dim3A_90 : vector<16xf32> to vector<1x16xf32>
      tpu.vector_store %arg13[%swap3A, %swap3A_91], %swap3A_94 {strides = array<i32>} : memref<80x64xf32, #tpu.memory_space<vmem>>, vector<1x16xf32>,
      %broadcast_in_dim3A_95 = arith.constant 0.000000e+00 : f32
      %broadcast_in_dim3A_96 = vector.broadcast %broadcast_in_dim3A_95 : f32 to vector<16xf32>
      %swap3A_97 = arith.index_cast %scan3A_89 : i32 to index
      %swap3A_98 = arith.constant 16 : index
      %swap3A_99 = tpu.vector_load %arg13[%swap3A_97, %swap3A_98] {strides = array<i32>} : memref<80x64xf32, #tpu.memory_space<vmem>>, vector<1x16xf32>,
      %swap3A_100 = vector.shape_cast %swap3A_99 : vector<1x16xf32> to vector<16xf32>
      %swap3A_101 = vector.shape_cast %broadcast_in_dim3A_96 : vector<16xf32> to vector<1x16xf32>
      tpu.vector_store %arg13[%swap3A_97, %swap3A_98], %swap3A_101 {strides = array<i32>} : memref<80x64xf32, #tpu.memory_space<vmem>>, vector<1x16xf32>,
      %broadcast_in_dim3A_102 = arith.constant 0.000000e+00 : f32
      %broadcast_in_dim3A_103 = vector.broadcast %broadcast_in_dim3A_102 : f32 to vector<16xf32>
      %swap3A_104 = arith.index_cast %scan3A_89 : i32 to index
      %swap3A_105 = arith.constant 32 : index
      %swap3A_106 = tpu.vector_load %arg13[%swap3A_104, %swap3A_105] {strides = array<i32>} : memref<80x64xf32, #tpu.memory_space<vmem>>, vector<1x16xf32>,
      %swap3A_107 = vector.shape_cast %swap3A_106 : vector<1x16xf32> to vector<16xf32>
      %swap3A_108 = vector.shape_cast %broadcast_in_dim3A_103 : vector<16xf32> to vector<1x16xf32>
      tpu.vector_store %arg13[%swap3A_104, %swap3A_105], %swap3A_108 {strides = array<i32>} : memref<80x64xf32, #tpu.memory_space<vmem>>, vector<1x16xf32>,
      %broadcast_in_dim3A_109 = arith.constant 0.000000e+00 : f32
      %broadcast_in_dim3A_110 = vector.broadcast %broadcast_in_dim3A_109 : f32 to vector<16xf32>
      %swap3A_111 = arith.index_cast %scan3A_89 : i32 to index
      %swap3A_112 = arith.constant 48 : index
      %swap3A_113 = tpu.vector_load %arg13[%swap3A_111, %swap3A_112] {strides = array<i32>} : memref<80x64xf32, #tpu.memory_space<vmem>>, vector<1x16xf32>,
      %swap3A_114 = vector.shape_cast %swap3A_113 : vector<1x16xf32> to vector<16xf32>
      %swap3A_115 = vector.shape_cast %broadcast_in_dim3A_110 : vector<16xf32> to vector<1x16xf32>
      tpu.vector_store %arg13[%swap3A_111, %swap3A_112], %swap3A_115 {strides = array<i32>} : memref<80x64xf32, #tpu.memory_space<vmem>>, vector<1x16xf32>,
    }
    %scan3A_4 = arith.constant 80 : i32
    %mul3A = arith.constant 640 : i32
    %mul3A_5 = arith.muli %arg1, %mul3A : i32
    %multiple_of3A = tpu.assume_multiple %mul3A_5, 8 : i32
    %lt3A = arith.constant 15 : i32
    %lt3A_6 = arith.cmpi slt, %arg1, %lt3A : i32
    %convert_element_type3A = arith.extui %lt3A_6 : i1 to i32
    %cond3A = arith.constant 0 : i32
    %cond3A_7 = arith.cmpi ne, %convert_element_type3A, %cond3A : i32
    scf.if %cond3A_7 {
      %add3A_89 = arith.constant 0 : i32
      %add3A_90 = arith.addi %multiple_of3A, %add3A_89 : i32
      "tpu.region"() ({
        %run_scoped3A = tpu.sem_alloc : memref<!tpu.dma_semaphore, #tpu.memory_space<semaphore_mem>>
        %dma_start3A_105 = arith.constant 0 : i32
        %dma_start3A_106 = tpu.memref_slice %arg8[%add3A_90, %dma_start3A_105] : memref<10000x64xf32, #tpu.memory_space<vmem_shared>> -> memref<80x64xf32, #tpu.memory_space<vmem_shared>>
        %dma_start3A_107 = arith.constant 0 : i32
        %dma_start3A_108 = tpu.memref_slice %arg8[%add3A_90, %dma_start3A_107] : memref<10000x64xf32, #tpu.memory_space<vmem_shared>> -> memref<80x64xf32, #tpu.memory_space<vmem_shared>>
        tpu.enqueue_dma source(%arg13 : memref<80x64xf32, #tpu.memory_space<vmem>>) target(%dma_start3A_108 : memref<80x64xf32, #tpu.memory_space<vmem_shared>>) target_semaphore(%run_scoped3A : memref<!tpu.dma_semaphore, #tpu.memory_space<semaphore_mem>>)
        %dma_wait3A = arith.constant 0 : i32
        %dma_wait3A_109 = tpu.memref_slice %arg8[%add3A_90, %dma_wait3A] : memref<10000x64xf32, #tpu.memory_space<vmem_shared>> -> memref<80x64xf32, #tpu.memory_space<vmem_shared>>
        %dma_wait3A_110 = arith.constant 0 : i32
        %dma_wait3A_111 = tpu.memref_slice %arg8[%add3A_90, %dma_wait3A_110] : memref<10000x64xf32, #tpu.memory_space<vmem_shared>> -> memref<80x64xf32, #tpu.memory_space<vmem_shared>>
        tpu.wait_dma2 semaphore(%run_scoped3A : memref<!tpu.dma_semaphore, #tpu.memory_space<semaphore_mem>>) src(%arg13 : memref<80x64xf32, #tpu.memory_space<vmem>>) dst(%dma_wait3A_111 : memref<80x64xf32, #tpu.memory_space<vmem_shared>>)
        tpu.yield
      }) : () -> ()
      %add3A_91 = arith.constant 80 : i32
      %add3A_92 = arith.addi %multiple_of3A, %add3A_91 : i32
      "tpu.region"() ({
        %run_scoped3A = tpu.sem_alloc : memref<!tpu.dma_semaphore, #tpu.memory_space<semaphore_mem>>
        %dma_start3A_105 = arith.constant 0 : i32
        %dma_start3A_106 = tpu.memref_slice %arg8[%add3A_92, %dma_start3A_105] : memref<10000x64xf32, #tpu.memory_space<vmem_shared>> -> memref<80x64xf32, #tpu.memory_space<vmem_shared>>
        %dma_start3A_107 = arith.constant 0 : i32
        %dma_start3A_108 = tpu.memref_slice %arg8[%add3A_92, %dma_start3A_107] : memref<10000x64xf32, #tpu.memory_space<vmem_shared>> -> memref<80x64xf32, #tpu.memory_space<vmem_shared>>
        tpu.enqueue_dma source(%arg13 : memref<80x64xf32, #tpu.memory_space<vmem>>) target(%dma_start3A_108 : memref<80x64xf32, #tpu.memory_space<vmem_shared>>) target_semaphore(%run_scoped3A : memref<!tpu.dma_semaphore, #tpu.memory_space<semaphore_mem>>)
        %dma_wait3A = arith.constant 0 : i32
        %dma_wait3A_109 = tpu.memref_slice %arg8[%add3A_92, %dma_wait3A] : memref<10000x64xf32, #tpu.memory_space<vmem_shared>> -> memref<80x64xf32, #tpu.memory_space<vmem_shared>>
        %dma_wait3A_110 = arith.constant 0 : i32
        %dma_wait3A_111 = tpu.memref_slice %arg8[%add3A_92, %dma_wait3A_110] : memref<10000x64xf32, #tpu.memory_space<vmem_shared>> -> memref<80x64xf32, #tpu.memory_space<vmem_shared>>
        tpu.wait_dma2 semaphore(%run_scoped3A : memref<!tpu.dma_semaphore, #tpu.memory_space<semaphore_mem>>) src(%arg13 : memref<80x64xf32, #tpu.memory_space<vmem>>) dst(%dma_wait3A_111 : memref<80x64xf32, #tpu.memory_space<vmem_shared>>)
        tpu.yield
      }) : () -> ()
      %add3A_93 = arith.constant 160 : i32
      %add3A_94 = arith.addi %multiple_of3A, %add3A_93 : i32
      "tpu.region"() ({
        %run_scoped3A = tpu.sem_alloc : memref<!tpu.dma_semaphore, #tpu.memory_space<semaphore_mem>>
        %dma_start3A_105 = arith.constant 0 : i32
        %dma_start3A_106 = tpu.memref_slice %arg8[%add3A_94, %dma_start3A_105] : memref<10000x64xf32, #tpu.memory_space<vmem_shared>> -> memref<80x64xf32, #tpu.memory_space<vmem_shared>>
        %dma_start3A_107 = arith.constant 0 : i32
        %dma_start3A_108 = tpu.memref_slice %arg8[%add3A_94, %dma_start3A_107] : memref<10000x64xf32, #tpu.memory_space<vmem_shared>> -> memref<80x64xf32, #tpu.memory_space<vmem_shared>>
        tpu.enqueue_dma source(%arg13 : memref<80x64xf32, #tpu.memory_space<vmem>>) target(%dma_start3A_108 : memref<80x64xf32, #tpu.memory_space<vmem_shared>>) target_semaphore(%run_scoped3A : memref<!tpu.dma_semaphore, #tpu.memory_space<semaphore_mem>>)
        %dma_wait3A = arith.constant 0 : i32
        %dma_wait3A_109 = tpu.memref_slice %arg8[%add3A_94, %dma_wait3A] : memref<10000x64xf32, #tpu.memory_space<vmem_shared>> -> memref<80x64xf32, #tpu.memory_space<vmem_shared>>
        %dma_wait3A_110 = arith.constant 0 : i32
        %dma_wait3A_111 = tpu.memref_slice %arg8[%add3A_94, %dma_wait3A_110] : memref<10000x64xf32, #tpu.memory_space<vmem_shared>> -> memref<80x64xf32, #tpu.memory_space<vmem_shared>>
        tpu.wait_dma2 semaphore(%run_scoped3A : memref<!tpu.dma_semaphore, #tpu.memory_space<semaphore_mem>>) src(%arg13 : memref<80x64xf32, #tpu.memory_space<vmem>>) dst(%dma_wait3A_111 : memref<80x64xf32, #tpu.memory_space<vmem_shared>>)
        tpu.yield
      }) : () -> ()
      %add3A_95 = arith.constant 240 : i32
      %add3A_96 = arith.addi %multiple_of3A, %add3A_95 : i32
      "tpu.region"() ({
        %run_scoped3A = tpu.sem_alloc : memref<!tpu.dma_semaphore, #tpu.memory_space<semaphore_mem>>
        %dma_start3A_105 = arith.constant 0 : i32
        %dma_start3A_106 = tpu.memref_slice %arg8[%add3A_96, %dma_start3A_105] : memref<10000x64xf32, #tpu.memory_space<vmem_shared>> -> memref<80x64xf32, #tpu.memory_space<vmem_shared>>
        %dma_start3A_107 = arith.constant 0 : i32
        %dma_start3A_108 = tpu.memref_slice %arg8[%add3A_96, %dma_start3A_107] : memref<10000x64xf32, #tpu.memory_space<vmem_shared>> -> memref<80x64xf32, #tpu.memory_space<vmem_shared>>
        tpu.enqueue_dma source(%arg13 : memref<80x64xf32, #tpu.memory_space<vmem>>) target(%dma_start3A_108 : memref<80x64xf32, #tpu.memory_space<vmem_shared>>) target_semaphore(%run_scoped3A : memref<!tpu.dma_semaphore, #tpu.memory_space<semaphore_mem>>)
        %dma_wait3A = arith.constant 0 : i32
        %dma_wait3A_109 = tpu.memref_slice %arg8[%add3A_96, %dma_wait3A] : memref<10000x64xf32, #tpu.memory_space<vmem_shared>> -> memref<80x64xf32, #tpu.memory_space<vmem_shared>>
        %dma_wait3A_110 = arith.constant 0 : i32
        %dma_wait3A_111 = tpu.memref_slice %arg8[%add3A_96, %dma_wait3A_110] : memref<10000x64xf32, #tpu.memory_space<vmem_shared>> -> memref<80x64xf32, #tpu.memory_space<vmem_shared>>
        tpu.wait_dma2 semaphore(%run_scoped3A : memref<!tpu.dma_semaphore, #tpu.memory_space<semaphore_mem>>) src(%arg13 : memref<80x64xf32, #tpu.memory_space<vmem>>) dst(%dma_wait3A_111 : memref<80x64xf32, #tpu.memory_space<vmem_shared>>)
        tpu.yield
      }) : () -> ()
      %add3A_97 = arith.constant 320 : i32
      %add3A_98 = arith.addi %multiple_of3A, %add3A_97 : i32
      "tpu.region"() ({
        %run_scoped3A = tpu.sem_alloc : memref<!tpu.dma_semaphore, #tpu.memory_space<semaphore_mem>>
        %dma_start3A_105 = arith.constant 0 : i32
        %dma_start3A_106 = tpu.memref_slice %arg8[%add3A_98, %dma_start3A_105] : memref<10000x64xf32, #tpu.memory_space<vmem_shared>> -> memref<80x64xf32, #tpu.memory_space<vmem_shared>>
        %dma_start3A_107 = arith.constant 0 : i32
        %dma_start3A_108 = tpu.memref_slice %arg8[%add3A_98, %dma_start3A_107] : memref<10000x64xf32, #tpu.memory_space<vmem_shared>> -> memref<80x64xf32, #tpu.memory_space<vmem_shared>>
        tpu.enqueue_dma source(%arg13 : memref<80x64xf32, #tpu.memory_space<vmem>>) target(%dma_start3A_108 : memref<80x64xf32, #tpu.memory_space<vmem_shared>>) target_semaphore(%run_scoped3A : memref<!tpu.dma_semaphore, #tpu.memory_space<semaphore_mem>>)
        %dma_wait3A = arith.constant 0 : i32
        %dma_wait3A_109 = tpu.memref_slice %arg8[%add3A_98, %dma_wait3A] : memref<10000x64xf32, #tpu.memory_space<vmem_shared>> -> memref<80x64xf32, #tpu.memory_space<vmem_shared>>
        %dma_wait3A_110 = arith.constant 0 : i32
        %dma_wait3A_111 = tpu.memref_slice %arg8[%add3A_98, %dma_wait3A_110] : memref<10000x64xf32, #tpu.memory_space<vmem_shared>> -> memref<80x64xf32, #tpu.memory_space<vmem_shared>>
        tpu.wait_dma2 semaphore(%run_scoped3A : memref<!tpu.dma_semaphore, #tpu.memory_space<semaphore_mem>>) src(%arg13 : memref<80x64xf32, #tpu.memory_space<vmem>>) dst(%dma_wait3A_111 : memref<80x64xf32, #tpu.memory_space<vmem_shared>>)
        tpu.yield
      }) : () -> ()
      %add3A_99 = arith.constant 400 : i32
      %add3A_100 = arith.addi %multiple_of3A, %add3A_99 : i32
      "tpu.region"() ({
        %run_scoped3A = tpu.sem_alloc : memref<!tpu.dma_semaphore, #tpu.memory_space<semaphore_mem>>
        %dma_start3A_105 = arith.constant 0 : i32
        %dma_start3A_106 = tpu.memref_slice %arg8[%add3A_100, %dma_start3A_105] : memref<10000x64xf32, #tpu.memory_space<vmem_shared>> -> memref<80x64xf32, #tpu.memory_space<vmem_shared>>
        %dma_start3A_107 = arith.constant 0 : i32
        %dma_start3A_108 = tpu.memref_slice %arg8[%add3A_100, %dma_start3A_107] : memref<10000x64xf32, #tpu.memory_space<vmem_shared>> -> memref<80x64xf32, #tpu.memory_space<vmem_shared>>
        tpu.enqueue_dma source(%arg13 : memref<80x64xf32, #tpu.memory_space<vmem>>) target(%dma_start3A_108 : memref<80x64xf32, #tpu.memory_space<vmem_shared>>) target_semaphore(%run_scoped3A : memref<!tpu.dma_semaphore, #tpu.memory_space<semaphore_mem>>)
        %dma_wait3A = arith.constant 0 : i32
        %dma_wait3A_109 = tpu.memref_slice %arg8[%add3A_100, %dma_wait3A] : memref<10000x64xf32, #tpu.memory_space<vmem_shared>> -> memref<80x64xf32, #tpu.memory_space<vmem_shared>>
        %dma_wait3A_110 = arith.constant 0 : i32
        %dma_wait3A_111 = tpu.memref_slice %arg8[%add3A_100, %dma_wait3A_110] : memref<10000x64xf32, #tpu.memory_space<vmem_shared>> -> memref<80x64xf32, #tpu.memory_space<vmem_shared>>
        tpu.wait_dma2 semaphore(%run_scoped3A : memref<!tpu.dma_semaphore, #tpu.memory_space<semaphore_mem>>) src(%arg13 : memref<80x64xf32, #tpu.memory_space<vmem>>) dst(%dma_wait3A_111 : memref<80x64xf32, #tpu.memory_space<vmem_shared>>)
        tpu.yield
      }) : () -> ()
      %add3A_101 = arith.constant 480 : i32
      %add3A_102 = arith.addi %multiple_of3A, %add3A_101 : i32
      "tpu.region"() ({
        %run_scoped3A = tpu.sem_alloc : memref<!tpu.dma_semaphore, #tpu.memory_space<semaphore_mem>>
        %dma_start3A_105 = arith.constant 0 : i32
        %dma_start3A_106 = tpu.memref_slice %arg8[%add3A_102, %dma_start3A_105] : memref<10000x64xf32, #tpu.memory_space<vmem_shared>> -> memref<80x64xf32, #tpu.memory_space<vmem_shared>>
        %dma_start3A_107 = arith.constant 0 : i32
        %dma_start3A_108 = tpu.memref_slice %arg8[%add3A_102, %dma_start3A_107] : memref<10000x64xf32, #tpu.memory_space<vmem_shared>> -> memref<80x64xf32, #tpu.memory_space<vmem_shared>>
        tpu.enqueue_dma source(%arg13 : memref<80x64xf32, #tpu.memory_space<vmem>>) target(%dma_start3A_108 : memref<80x64xf32, #tpu.memory_space<vmem_shared>>) target_semaphore(%run_scoped3A : memref<!tpu.dma_semaphore, #tpu.memory_space<semaphore_mem>>)
        %dma_wait3A = arith.constant 0 : i32
        %dma_wait3A_109 = tpu.memref_slice %arg8[%add3A_102, %dma_wait3A] : memref<10000x64xf32, #tpu.memory_space<vmem_shared>> -> memref<80x64xf32, #tpu.memory_space<vmem_shared>>
        %dma_wait3A_110 = arith.constant 0 : i32
        %dma_wait3A_111 = tpu.memref_slice %arg8[%add3A_102, %dma_wait3A_110] : memref<10000x64xf32, #tpu.memory_space<vmem_shared>> -> memref<80x64xf32, #tpu.memory_space<vmem_shared>>
        tpu.wait_dma2 semaphore(%run_scoped3A : memref<!tpu.dma_semaphore, #tpu.memory_space<semaphore_mem>>) src(%arg13 : memref<80x64xf32, #tpu.memory_space<vmem>>) dst(%dma_wait3A_111 : memref<80x64xf32, #tpu.memory_space<vmem_shared>>)
        tpu.yield
      }) : () -> ()
      %add3A_103 = arith.constant 560 : i32
      %add3A_104 = arith.addi %multiple_of3A, %add3A_103 : i32
      "tpu.region"() ({
        %run_scoped3A = tpu.sem_alloc : memref<!tpu.dma_semaphore, #tpu.memory_space<semaphore_mem>>
        %dma_start3A_105 = arith.constant 0 : i32
        %dma_start3A_106 = tpu.memref_slice %arg8[%add3A_104, %dma_start3A_105] : memref<10000x64xf32, #tpu.memory_space<vmem_shared>> -> memref<80x64xf32, #tpu.memory_space<vmem_shared>>
        %dma_start3A_107 = arith.constant 0 : i32
        %dma_start3A_108 = tpu.memref_slice %arg8[%add3A_104, %dma_start3A_107] : memref<10000x64xf32, #tpu.memory_space<vmem_shared>> -> memref<80x64xf32, #tpu.memory_space<vmem_shared>>
        tpu.enqueue_dma source(%arg13 : memref<80x64xf32, #tpu.memory_space<vmem>>) target(%dma_start3A_108 : memref<80x64xf32, #tpu.memory_space<vmem_shared>>) target_semaphore(%run_scoped3A : memref<!tpu.dma_semaphore, #tpu.memory_space<semaphore_mem>>)
        %dma_wait3A = arith.constant 0 : i32
        %dma_wait3A_109 = tpu.memref_slice %arg8[%add3A_104, %dma_wait3A] : memref<10000x64xf32, #tpu.memory_space<vmem_shared>> -> memref<80x64xf32, #tpu.memory_space<vmem_shared>>
        %dma_wait3A_110 = arith.constant 0 : i32
        %dma_wait3A_111 = tpu.memref_slice %arg8[%add3A_104, %dma_wait3A_110] : memref<10000x64xf32, #tpu.memory_space<vmem_shared>> -> memref<80x64xf32, #tpu.memory_space<vmem_shared>>
        tpu.wait_dma2 semaphore(%run_scoped3A : memref<!tpu.dma_semaphore, #tpu.memory_space<semaphore_mem>>) src(%arg13 : memref<80x64xf32, #tpu.memory_space<vmem>>) dst(%dma_wait3A_111 : memref<80x64xf32, #tpu.memory_space<vmem_shared>>)
        tpu.yield
      }) : () -> ()
    } else {
    }
    %eq3A = arith.constant 15 : i32
    %eq3A_8 = arith.cmpi eq, %arg1, %eq3A : i32
    %convert_element_type3A_9 = arith.extui %eq3A_8 : i1 to i32
    %cond3A_10 = arith.constant 0 : i32
    %cond3A_11 = arith.cmpi ne, %convert_element_type3A_9, %cond3A_10 : i32
    scf.if %cond3A_11 {
      %add3A_89 = arith.constant 0 : i32
      %add3A_90 = arith.addi %multiple_of3A, %add3A_89 : i32
      "tpu.region"() ({
        %run_scoped3A = tpu.sem_alloc : memref<!tpu.dma_semaphore, #tpu.memory_space<semaphore_mem>>
        %dma_start3A_99 = arith.constant 0 : i32
        %dma_start3A_100 = tpu.memref_slice %arg8[%add3A_90, %dma_start3A_99] : memref<10000x64xf32, #tpu.memory_space<vmem_shared>> -> memref<80x64xf32, #tpu.memory_space<vmem_shared>>
        %dma_start3A_101 = arith.constant 0 : i32
        %dma_start3A_102 = tpu.memref_slice %arg8[%add3A_90, %dma_start3A_101] : memref<10000x64xf32, #tpu.memory_space<vmem_shared>> -> memref<80x64xf32, #tpu.memory_space<vmem_shared>>
        tpu.enqueue_dma source(%arg13 : memref<80x64xf32, #tpu.memory_space<vmem>>) target(%dma_start3A_102 : memref<80x64xf32, #tpu.memory_space<vmem_shared>>) target_semaphore(%run_scoped3A : memref<!tpu.dma_semaphore, #tpu.memory_space<semaphore_mem>>)
        %dma_wait3A = arith.constant 0 : i32
        %dma_wait3A_103 = tpu.memref_slice %arg8[%add3A_90, %dma_wait3A] : memref<10000x64xf32, #tpu.memory_space<vmem_shared>> -> memref<80x64xf32, #tpu.memory_space<vmem_shared>>
        %dma_wait3A_104 = arith.constant 0 : i32
        %dma_wait3A_105 = tpu.memref_slice %arg8[%add3A_90, %dma_wait3A_104] : memref<10000x64xf32, #tpu.memory_space<vmem_shared>> -> memref<80x64xf32, #tpu.memory_space<vmem_shared>>
        tpu.wait_dma2 semaphore(%run_scoped3A : memref<!tpu.dma_semaphore, #tpu.memory_space<semaphore_mem>>) src(%arg13 : memref<80x64xf32, #tpu.memory_space<vmem>>) dst(%dma_wait3A_105 : memref<80x64xf32, #tpu.memory_space<vmem_shared>>)
        tpu.yield
      }) : () -> ()
      %add3A_91 = arith.constant 80 : i32
      %add3A_92 = arith.addi %multiple_of3A, %add3A_91 : i32
      "tpu.region"() ({
        %run_scoped3A = tpu.sem_alloc : memref<!tpu.dma_semaphore, #tpu.memory_space<semaphore_mem>>
        %dma_start3A_99 = arith.constant 0 : i32
        %dma_start3A_100 = tpu.memref_slice %arg8[%add3A_92, %dma_start3A_99] : memref<10000x64xf32, #tpu.memory_space<vmem_shared>> -> memref<80x64xf32, #tpu.memory_space<vmem_shared>>
        %dma_start3A_101 = arith.constant 0 : i32
        %dma_start3A_102 = tpu.memref_slice %arg8[%add3A_92, %dma_start3A_101] : memref<10000x64xf32, #tpu.memory_space<vmem_shared>> -> memref<80x64xf32, #tpu.memory_space<vmem_shared>>
        tpu.enqueue_dma source(%arg13 : memref<80x64xf32, #tpu.memory_space<vmem>>) target(%dma_start3A_102 : memref<80x64xf32, #tpu.memory_space<vmem_shared>>) target_semaphore(%run_scoped3A : memref<!tpu.dma_semaphore, #tpu.memory_space<semaphore_mem>>)
        %dma_wait3A = arith.constant 0 : i32
        %dma_wait3A_103 = tpu.memref_slice %arg8[%add3A_92, %dma_wait3A] : memref<10000x64xf32, #tpu.memory_space<vmem_shared>> -> memref<80x64xf32, #tpu.memory_space<vmem_shared>>
        %dma_wait3A_104 = arith.constant 0 : i32
        %dma_wait3A_105 = tpu.memref_slice %arg8[%add3A_92, %dma_wait3A_104] : memref<10000x64xf32, #tpu.memory_space<vmem_shared>> -> memref<80x64xf32, #tpu.memory_space<vmem_shared>>
        tpu.wait_dma2 semaphore(%run_scoped3A : memref<!tpu.dma_semaphore, #tpu.memory_space<semaphore_mem>>) src(%arg13 : memref<80x64xf32, #tpu.memory_space<vmem>>) dst(%dma_wait3A_105 : memref<80x64xf32, #tpu.memory_space<vmem_shared>>)
        tpu.yield
      }) : () -> ()
      %add3A_93 = arith.constant 160 : i32
      %add3A_94 = arith.addi %multiple_of3A, %add3A_93 : i32
      "tpu.region"() ({
        %run_scoped3A = tpu.sem_alloc : memref<!tpu.dma_semaphore, #tpu.memory_space<semaphore_mem>>
        %dma_start3A_99 = arith.constant 0 : i32
        %dma_start3A_100 = tpu.memref_slice %arg8[%add3A_94, %dma_start3A_99] : memref<10000x64xf32, #tpu.memory_space<vmem_shared>> -> memref<80x64xf32, #tpu.memory_space<vmem_shared>>
        %dma_start3A_101 = arith.constant 0 : i32
        %dma_start3A_102 = tpu.memref_slice %arg8[%add3A_94, %dma_start3A_101] : memref<10000x64xf32, #tpu.memory_space<vmem_shared>> -> memref<80x64xf32, #tpu.memory_space<vmem_shared>>
        tpu.enqueue_dma source(%arg13 : memref<80x64xf32, #tpu.memory_space<vmem>>) target(%dma_start3A_102 : memref<80x64xf32, #tpu.memory_space<vmem_shared>>) target_semaphore(%run_scoped3A : memref<!tpu.dma_semaphore, #tpu.memory_space<semaphore_mem>>)
        %dma_wait3A = arith.constant 0 : i32
        %dma_wait3A_103 = tpu.memref_slice %arg8[%add3A_94, %dma_wait3A] : memref<10000x64xf32, #tpu.memory_space<vmem_shared>> -> memref<80x64xf32, #tpu.memory_space<vmem_shared>>
        %dma_wait3A_104 = arith.constant 0 : i32
        %dma_wait3A_105 = tpu.memref_slice %arg8[%add3A_94, %dma_wait3A_104] : memref<10000x64xf32, #tpu.memory_space<vmem_shared>> -> memref<80x64xf32, #tpu.memory_space<vmem_shared>>
        tpu.wait_dma2 semaphore(%run_scoped3A : memref<!tpu.dma_semaphore, #tpu.memory_space<semaphore_mem>>) src(%arg13 : memref<80x64xf32, #tpu.memory_space<vmem>>) dst(%dma_wait3A_105 : memref<80x64xf32, #tpu.memory_space<vmem_shared>>)
        tpu.yield
      }) : () -> ()
      %add3A_95 = arith.constant 240 : i32
      %add3A_96 = arith.addi %multiple_of3A, %add3A_95 : i32
      "tpu.region"() ({
        %run_scoped3A = tpu.sem_alloc : memref<!tpu.dma_semaphore, #tpu.memory_space<semaphore_mem>>
        %dma_start3A_99 = arith.constant 0 : i32
        %dma_start3A_100 = tpu.memref_slice %arg8[%add3A_96, %dma_start3A_99] : memref<10000x64xf32, #tpu.memory_space<vmem_shared>> -> memref<80x64xf32, #tpu.memory_space<vmem_shared>>
        %dma_start3A_101 = arith.constant 0 : i32
        %dma_start3A_102 = tpu.memref_slice %arg8[%add3A_96, %dma_start3A_101] : memref<10000x64xf32, #tpu.memory_space<vmem_shared>> -> memref<80x64xf32, #tpu.memory_space<vmem_shared>>
        tpu.enqueue_dma source(%arg13 : memref<80x64xf32, #tpu.memory_space<vmem>>) target(%dma_start3A_102 : memref<80x64xf32, #tpu.memory_space<vmem_shared>>) target_semaphore(%run_scoped3A : memref<!tpu.dma_semaphore, #tpu.memory_space<semaphore_mem>>)
        %dma_wait3A = arith.constant 0 : i32
        %dma_wait3A_103 = tpu.memref_slice %arg8[%add3A_96, %dma_wait3A] : memref<10000x64xf32, #tpu.memory_space<vmem_shared>> -> memref<80x64xf32, #tpu.memory_space<vmem_shared>>
        %dma_wait3A_104 = arith.constant 0 : i32
        %dma_wait3A_105 = tpu.memref_slice %arg8[%add3A_96, %dma_wait3A_104] : memref<10000x64xf32, #tpu.memory_space<vmem_shared>> -> memref<80x64xf32, #tpu.memory_space<vmem_shared>>
        tpu.wait_dma2 semaphore(%run_scoped3A : memref<!tpu.dma_semaphore, #tpu.memory_space<semaphore_mem>>) src(%arg13 : memref<80x64xf32, #tpu.memory_space<vmem>>) dst(%dma_wait3A_105 : memref<80x64xf32, #tpu.memory_space<vmem_shared>>)
        tpu.yield
      }) : () -> ()
      %add3A_97 = arith.constant 320 : i32
      %add3A_98 = arith.addi %multiple_of3A, %add3A_97 : i32
      "tpu.region"() ({
        %run_scoped3A = tpu.sem_alloc : memref<!tpu.dma_semaphore, #tpu.memory_space<semaphore_mem>>
        %dma_start3A_99 = arith.constant 0 : i32
        %dma_start3A_100 = tpu.memref_slice %arg8[%add3A_98, %dma_start3A_99] : memref<10000x64xf32, #tpu.memory_space<vmem_shared>> -> memref<80x64xf32, #tpu.memory_space<vmem_shared>>
        %dma_start3A_101 = arith.constant 0 : i32
        %dma_start3A_102 = tpu.memref_slice %arg8[%add3A_98, %dma_start3A_101] : memref<10000x64xf32, #tpu.memory_space<vmem_shared>> -> memref<80x64xf32, #tpu.memory_space<vmem_shared>>
        tpu.enqueue_dma source(%arg13 : memref<80x64xf32, #tpu.memory_space<vmem>>) target(%dma_start3A_102 : memref<80x64xf32, #tpu.memory_space<vmem_shared>>) target_semaphore(%run_scoped3A : memref<!tpu.dma_semaphore, #tpu.memory_space<semaphore_mem>>)
        %dma_wait3A = arith.constant 0 : i32
        %dma_wait3A_103 = tpu.memref_slice %arg8[%add3A_98, %dma_wait3A] : memref<10000x64xf32, #tpu.memory_space<vmem_shared>> -> memref<80x64xf32, #tpu.memory_space<vmem_shared>>
        %dma_wait3A_104 = arith.constant 0 : i32
        %dma_wait3A_105 = tpu.memref_slice %arg8[%add3A_98, %dma_wait3A_104] : memref<10000x64xf32, #tpu.memory_space<vmem_shared>> -> memref<80x64xf32, #tpu.memory_space<vmem_shared>>
        tpu.wait_dma2 semaphore(%run_scoped3A : memref<!tpu.dma_semaphore, #tpu.memory_space<semaphore_mem>>) src(%arg13 : memref<80x64xf32, #tpu.memory_space<vmem>>) dst(%dma_wait3A_105 : memref<80x64xf32, #tpu.memory_space<vmem_shared>>)
        tpu.yield
      }) : () -> ()
    } else {
    }
    %barrier3A = arith.constant 0 : index
    tpu.barrier barrier_id(%barrier3A)
    %mul3A_12 = arith.constant 320000 : i32
    %mul3A_13 = arith.muli %arg0, %mul3A_12 : i32
    %mul3A_14 = arith.constant 20000 : i32
    %mul3A_15 = arith.muli %arg1, %mul3A_14 : i32
    %add3A = arith.addi %mul3A_13, %mul3A_15 : i32
    "tpu.region"() ({
      %run_scoped3A = tpu.sem_alloc : memref<!tpu.dma_semaphore, #tpu.memory_space<semaphore_mem>>
      %dma_start3A_89 = arith.constant 0 : i32
      %dma_start3A_90 = arith.constant 0 : i32
      %dma_start3A_91 = tpu.memref_slice %arg4[%arg1, %dma_start3A_89, %dma_start3A_90] : memref<16x250x80xi32, #tpu.memory_space<hbm>> -> memref<1x250x80xi32, #tpu.memory_space<hbm>>
      %dma_start3A_92 = tpu.memref_squeeze %dma_start3A_91 : memref<1x250x80xi32, #tpu.memory_space<hbm>> -> memref<250x80xi32, #tpu.memory_space<hbm>>
      %dma_start3A_93 = arith.constant 0 : i32
      %dma_start3A_94 = arith.constant 0 : i32
      %dma_start3A_95 = tpu.memref_slice %arg4[%arg1, %dma_start3A_93, %dma_start3A_94] : memref<16x250x80xi32, #tpu.memory_space<hbm>> -> memref<1x250x80xi32, #tpu.memory_space<hbm>>
      %dma_start3A_96 = tpu.memref_squeeze %dma_start3A_95 : memref<1x250x80xi32, #tpu.memory_space<hbm>> -> memref<250x80xi32, #tpu.memory_space<hbm>>
      tpu.enqueue_dma source(%dma_start3A_96 : memref<250x80xi32, #tpu.memory_space<hbm>>) target(%arg9 : memref<250x80xi32, #tpu.memory_space<vmem>>) target_semaphore(%run_scoped3A : memref<!tpu.dma_semaphore, #tpu.memory_space<semaphore_mem>>)
      %dma_wait3A = arith.constant 0 : i32
      %dma_wait3A_97 = arith.constant 0 : i32
      %dma_wait3A_98 = tpu.memref_slice %arg4[%arg1, %dma_wait3A, %dma_wait3A_97] : memref<16x250x80xi32, #tpu.memory_space<hbm>> -> memref<1x250x80xi32, #tpu.memory_space<hbm>>
      %dma_wait3A_99 = tpu.memref_squeeze %dma_wait3A_98 : memref<1x250x80xi32, #tpu.memory_space<hbm>> -> memref<250x80xi32, #tpu.memory_space<hbm>>
      %dma_wait3A_100 = arith.constant 0 : i32
      %dma_wait3A_101 = arith.constant 0 : i32
      %dma_wait3A_102 = tpu.memref_slice %arg4[%arg1, %dma_wait3A_100, %dma_wait3A_101] : memref<16x250x80xi32, #tpu.memory_space<hbm>> -> memref<1x250x80xi32, #tpu.memory_space<hbm>>
      %dma_wait3A_103 = tpu.memref_squeeze %dma_wait3A_102 : memref<1x250x80xi32, #tpu.memory_space<hbm>> -> memref<250x80xi32, #tpu.memory_space<hbm>>
      tpu.wait_dma2 semaphore(%run_scoped3A : memref<!tpu.dma_semaphore, #tpu.memory_space<semaphore_mem>>) src(%dma_wait3A_103 : memref<250x80xi32, #tpu.memory_space<hbm>>) dst(%arg9 : memref<250x80xi32, #tpu.memory_space<vmem>>)
      tpu.yield
    }) : () -> ()
    "tpu.region"() ({
      %run_scoped3A = tpu.sem_alloc : memref<!tpu.dma_semaphore, #tpu.memory_space<semaphore_mem>>
      %dma_start3A_89 = arith.constant 0 : i32
      %dma_start3A_90 = arith.constant 0 : i32
      %dma_start3A_91 = tpu.memref_slice %arg5[%arg1, %dma_start3A_89, %dma_start3A_90] : memref<16x250x80xi32, #tpu.memory_space<hbm>> -> memref<1x250x80xi32, #tpu.memory_space<hbm>>
      %dma_start3A_92 = tpu.memref_squeeze %dma_start3A_91 : memref<1x250x80xi32, #tpu.memory_space<hbm>> -> memref<250x80xi32, #tpu.memory_space<hbm>>
      %dma_start3A_93 = arith.constant 0 : i32
      %dma_start3A_94 = arith.constant 0 : i32
      %dma_start3A_95 = tpu.memref_slice %arg5[%arg1, %dma_start3A_93, %dma_start3A_94] : memref<16x250x80xi32, #tpu.memory_space<hbm>> -> memref<1x250x80xi32, #tpu.memory_space<hbm>>
      %dma_start3A_96 = tpu.memref_squeeze %dma_start3A_95 : memref<1x250x80xi32, #tpu.memory_space<hbm>> -> memref<250x80xi32, #tpu.memory_space<hbm>>
      tpu.enqueue_dma source(%dma_start3A_96 : memref<250x80xi32, #tpu.memory_space<hbm>>) target(%arg10 : memref<250x80xi32, #tpu.memory_space<vmem>>) target_semaphore(%run_scoped3A : memref<!tpu.dma_semaphore, #tpu.memory_space<semaphore_mem>>)
      %dma_wait3A = arith.constant 0 : i32
      %dma_wait3A_97 = arith.constant 0 : i32
      %dma_wait3A_98 = tpu.memref_slice %arg5[%arg1, %dma_wait3A, %dma_wait3A_97] : memref<16x250x80xi32, #tpu.memory_space<hbm>> -> memref<1x250x80xi32, #tpu.memory_space<hbm>>
      %dma_wait3A_99 = tpu.memref_squeeze %dma_wait3A_98 : memref<1x250x80xi32, #tpu.memory_space<hbm>> -> memref<250x80xi32, #tpu.memory_space<hbm>>
      %dma_wait3A_100 = arith.constant 0 : i32
      %dma_wait3A_101 = arith.constant 0 : i32
      %dma_wait3A_102 = tpu.memref_slice %arg5[%arg1, %dma_wait3A_100, %dma_wait3A_101] : memref<16x250x80xi32, #tpu.memory_space<hbm>> -> memref<1x250x80xi32, #tpu.memory_space<hbm>>
      %dma_wait3A_103 = tpu.memref_squeeze %dma_wait3A_102 : memref<1x250x80xi32, #tpu.memory_space<hbm>> -> memref<250x80xi32, #tpu.memory_space<hbm>>
      tpu.wait_dma2 semaphore(%run_scoped3A : memref<!tpu.dma_semaphore, #tpu.memory_space<semaphore_mem>>) src(%dma_wait3A_103 : memref<250x80xi32, #tpu.memory_space<hbm>>) dst(%arg10 : memref<250x80xi32, #tpu.memory_space<vmem>>)
      tpu.yield
    }) : () -> ()
    %mul3A_16 = arith.constant 10000 : i32
    %mul3A_17 = arith.muli %arg0, %mul3A_16 : i32
    %scan3A_18 = arith.constant 0 : i32
    %scan3A_19 = arith.constant 0 : i32
    %scan3A_20 = arith.constant 250 : i32
    %scan3A_21 = arith.addi %scan3A_19, %scan3A_20 : i32
    %scan3A_22 = arith.constant 1 : i32
    scf.for %scan3A_89 = %scan3A_19 to %scan3A_21 step %scan3A_22  : i32 {
      %get3A = arith.index_cast %scan3A_89 : i32 to index
      %get3A_90 = arith.constant 0 : index
      %get3A_91 = tpu.vector_load %arg9[%get3A, %get3A_90] {strides = array<i32>} : memref<250x80xi32, #tpu.memory_space<vmem>>, vector<1x16xi32>,
      %get3A_92 = vector.shape_cast %get3A_91 : vector<1x16xi32> to vector<16xi32>
      %add3A_93 = vector.broadcast %mul3A_17 : i32 to vector<16xi32>
      %add3A_94 = arith.addi %get3A_92, %add3A_93 : vector<16xi32>
      %swap3A = arith.index_cast %scan3A_89 : i32 to index
      %swap3A_95 = arith.constant 0 : index
      %swap3A_96 = tpu.vector_load %arg9[%swap3A, %swap3A_95] {strides = array<i32>} : memref<250x80xi32, #tpu.memory_space<vmem>>, vector<1x16xi32>,
      %swap3A_97 = vector.shape_cast %swap3A_96 : vector<1x16xi32> to vector<16xi32>
      %swap3A_98 = vector.shape_cast %add3A_94 : vector<16xi32> to vector<1x16xi32>
      tpu.vector_store %arg9[%swap3A, %swap3A_95], %swap3A_98 {strides = array<i32>} : memref<250x80xi32, #tpu.memory_space<vmem>>, vector<1x16xi32>,
      %get3A_99 = arith.index_cast %scan3A_89 : i32 to index
      %get3A_100 = arith.constant 16 : index
      %get3A_101 = tpu.vector_load %arg9[%get3A_99, %get3A_100] {strides = array<i32>} : memref<250x80xi32, #tpu.memory_space<vmem>>, vector<1x16xi32>,
      %get3A_102 = vector.shape_cast %get3A_101 : vector<1x16xi32> to vector<16xi32>
      %add3A_103 = vector.broadcast %mul3A_17 : i32 to vector<16xi32>
      %add3A_104 = arith.addi %get3A_102, %add3A_103 : vector<16xi32>
      %swap3A_105 = arith.index_cast %scan3A_89 : i32 to index
      %swap3A_106 = arith.constant 16 : index
      %swap3A_107 = tpu.vector_load %arg9[%swap3A_105, %swap3A_106] {strides = array<i32>} : memref<250x80xi32, #tpu.memory_space<vmem>>, vector<1x16xi32>,
      %swap3A_108 = vector.shape_cast %swap3A_107 : vector<1x16xi32> to vector<16xi32>
      %swap3A_109 = vector.shape_cast %add3A_104 : vector<16xi32> to vector<1x16xi32>
      tpu.vector_store %arg9[%swap3A_105, %swap3A_106], %swap3A_109 {strides = array<i32>} : memref<250x80xi32, #tpu.memory_space<vmem>>, vector<1x16xi32>,
      %get3A_110 = arith.index_cast %scan3A_89 : i32 to index
      %get3A_111 = arith.constant 32 : index
      %get3A_112 = tpu.vector_load %arg9[%get3A_110, %get3A_111] {strides = array<i32>} : memref<250x80xi32, #tpu.memory_space<vmem>>, vector<1x16xi32>,
      %get3A_113 = vector.shape_cast %get3A_112 : vector<1x16xi32> to vector<16xi32>
      %add3A_114 = vector.broadcast %mul3A_17 : i32 to vector<16xi32>
      %add3A_115 = arith.addi %get3A_113, %add3A_114 : vector<16xi32>
      %swap3A_116 = arith.index_cast %scan3A_89 : i32 to index
      %swap3A_117 = arith.constant 32 : index
      %swap3A_118 = tpu.vector_load %arg9[%swap3A_116, %swap3A_117] {strides = array<i32>} : memref<250x80xi32, #tpu.memory_space<vmem>>, vector<1x16xi32>,
      %swap3A_119 = vector.shape_cast %swap3A_118 : vector<1x16xi32> to vector<16xi32>
      %swap3A_120 = vector.shape_cast %add3A_115 : vector<16xi32> to vector<1x16xi32>
      tpu.vector_store %arg9[%swap3A_116, %swap3A_117], %swap3A_120 {strides = array<i32>} : memref<250x80xi32, #tpu.memory_space<vmem>>, vector<1x16xi32>,
      %get3A_121 = arith.index_cast %scan3A_89 : i32 to index
      %get3A_122 = arith.constant 48 : index
      %get3A_123 = tpu.vector_load %arg9[%get3A_121, %get3A_122] {strides = array<i32>} : memref<250x80xi32, #tpu.memory_space<vmem>>, vector<1x16xi32>,
      %get3A_124 = vector.shape_cast %get3A_123 : vector<1x16xi32> to vector<16xi32>
      %add3A_125 = vector.broadcast %mul3A_17 : i32 to vector<16xi32>
      %add3A_126 = arith.addi %get3A_124, %add3A_125 : vector<16xi32>
      %swap3A_127 = arith.index_cast %scan3A_89 : i32 to index
      %swap3A_128 = arith.constant 48 : index
      %swap3A_129 = tpu.vector_load %arg9[%swap3A_127, %swap3A_128] {strides = array<i32>} : memref<250x80xi32, #tpu.memory_space<vmem>>, vector<1x16xi32>,
      %swap3A_130 = vector.shape_cast %swap3A_129 : vector<1x16xi32> to vector<16xi32>
      %swap3A_131 = vector.shape_cast %add3A_126 : vector<16xi32> to vector<1x16xi32>
      tpu.vector_store %arg9[%swap3A_127, %swap3A_128], %swap3A_131 {strides = array<i32>} : memref<250x80xi32, #tpu.memory_space<vmem>>, vector<1x16xi32>,
      %get3A_132 = arith.index_cast %scan3A_89 : i32 to index
      %get3A_133 = arith.constant 64 : index
      %get3A_134 = tpu.vector_load %arg9[%get3A_132, %get3A_133] {strides = array<i32>} : memref<250x80xi32, #tpu.memory_space<vmem>>, vector<1x16xi32>,
      %get3A_135 = vector.shape_cast %get3A_134 : vector<1x16xi32> to vector<16xi32>
      %add3A_136 = vector.broadcast %mul3A_17 : i32 to vector<16xi32>
      %add3A_137 = arith.addi %get3A_135, %add3A_136 : vector<16xi32>
      %swap3A_138 = arith.index_cast %scan3A_89 : i32 to index
      %swap3A_139 = arith.constant 64 : index
      %swap3A_140 = tpu.vector_load %arg9[%swap3A_138, %swap3A_139] {strides = array<i32>} : memref<250x80xi32, #tpu.memory_space<vmem>>, vector<1x16xi32>,
      %swap3A_141 = vector.shape_cast %swap3A_140 : vector<1x16xi32> to vector<16xi32>
      %swap3A_142 = vector.shape_cast %add3A_137 : vector<16xi32> to vector<1x16xi32>
      tpu.vector_store %arg9[%swap3A_138, %swap3A_139], %swap3A_142 {strides = array<i32>} : memref<250x80xi32, #tpu.memory_space<vmem>>, vector<1x16xi32>,
    }
    %scan3A_23 = arith.constant 250 : i32
    %add3A_24 = arith.constant 0 : i32
    %add3A_25 = arith.addi %add3A, %add3A_24 : i32
    %multiple_of3A_26 = tpu.assume_multiple %add3A_25, 8 : i32
    %dma_start3A = arith.constant 0 : i32
    %dma_start3A_27 = tpu.memref_slice %arg3[%multiple_of3A_26, %dma_start3A] : memref<640000x64xf32, #tpu.memory_space<hbm>> -> memref<80x64xf32, #tpu.memory_space<hbm>>
    %dma_start3A_28 = arith.constant 0 : i32
    %dma_start3A_29 = tpu.memref_slice %arg3[%multiple_of3A_26, %dma_start3A_28] : memref<640000x64xf32, #tpu.memory_space<hbm>> -> memref<80x64xf32, #tpu.memory_space<hbm>>
    tpu.enqueue_dma source(%dma_start3A_29 : memref<80x64xf32, #tpu.memory_space<hbm>>) target(%arg11 : memref<80x64xf32, #tpu.memory_space<vmem>>) target_semaphore(%arg15 : memref<!tpu.dma_semaphore, #tpu.memory_space<semaphore_mem>>)
    %dma_start3A_30 = arith.constant 0 : i32
    %dma_start3A_31 = arith.constant 0 : i32
    %dma_start3A_32 = tpu.memref_slice %arg9[%dma_start3A_30, %dma_start3A_31] : memref<250x80xi32, #tpu.memory_space<vmem>> -> memref<1x80xi32, #tpu.memory_space<vmem>>
    %dma_start3A_33 = tpu.memref_squeeze %dma_start3A_32 : memref<1x80xi32, #tpu.memory_space<vmem>> -> memref<80xi32, #tpu.memory_space<vmem>>
    %dma_start3A_34 = arith.constant 0 : i32
    %dma_start3A_35 = arith.constant 0 : i32
    %dma_start3A_36 = tpu.memref_slice %arg2[%dma_start3A_34, %dma_start3A_35] : memref<20000x64xf32, #tpu.memory_space<hbm>> -> memref<20000x64xf32, #tpu.memory_space<hbm>>
    tpu.enqueue_indirect_dma source(%dma_start3A_36 : memref<20000x64xf32, #tpu.memory_space<hbm>>) target(%arg13 : memref<80x64xf32, #tpu.memory_space<vmem>>) offsets(%dma_start3A_33 : memref<80xi32, #tpu.memory_space<vmem>>) semaphore(%arg17 : memref<!tpu.dma_semaphore, #tpu.memory_space<semaphore_mem>>)
    %add3A_37 = arith.constant 80 : i32
    %add3A_38 = arith.addi %add3A, %add3A_37 : i32
    %multiple_of3A_39 = tpu.assume_multiple %add3A_38, 8 : i32
    %dma_start3A_40 = arith.constant 0 : i32
    %dma_start3A_41 = tpu.memref_slice %arg3[%multiple_of3A_39, %dma_start3A_40] : memref<640000x64xf32, #tpu.memory_space<hbm>> -> memref<80x64xf32, #tpu.memory_space<hbm>>
    %dma_start3A_42 = arith.constant 0 : i32
    %dma_start3A_43 = tpu.memref_slice %arg3[%multiple_of3A_39, %dma_start3A_42] : memref<640000x64xf32, #tpu.memory_space<hbm>> -> memref<80x64xf32, #tpu.memory_space<hbm>>
    tpu.enqueue_dma source(%dma_start3A_43 : memref<80x64xf32, #tpu.memory_space<hbm>>) target(%arg12 : memref<80x64xf32, #tpu.memory_space<vmem>>) target_semaphore(%arg16 : memref<!tpu.dma_semaphore, #tpu.memory_space<semaphore_mem>>)
    %dma_start3A_44 = arith.constant 1 : i32
    %dma_start3A_45 = arith.constant 0 : i32
    %dma_start3A_46 = tpu.memref_slice %arg9[%dma_start3A_44, %dma_start3A_45] : memref<250x80xi32, #tpu.memory_space<vmem>> -> memref<1x80xi32, #tpu.memory_space<vmem>>
    %dma_start3A_47 = tpu.memref_squeeze %dma_start3A_46 : memref<1x80xi32, #tpu.memory_space<vmem>> -> memref<80xi32, #tpu.memory_space<vmem>>
    %dma_start3A_48 = arith.constant 0 : i32
    %dma_start3A_49 = arith.constant 0 : i32
    %dma_start3A_50 = tpu.memref_slice %arg2[%dma_start3A_48, %dma_start3A_49] : memref<20000x64xf32, #tpu.memory_space<hbm>> -> memref<20000x64xf32, #tpu.memory_space<hbm>>
    tpu.enqueue_indirect_dma source(%dma_start3A_50 : memref<20000x64xf32, #tpu.memory_space<hbm>>) target(%arg14 : memref<80x64xf32, #tpu.memory_space<vmem>>) offsets(%dma_start3A_47 : memref<80xi32, #tpu.memory_space<vmem>>) semaphore(%arg18 : memref<!tpu.dma_semaphore, #tpu.memory_space<semaphore_mem>>)
    %scan3A_51 = arith.constant 0 : i32
    %scan3A_52 = arith.constant 0 : i32
    %scan3A_53 = arith.constant 125 : i32
    %scan3A_54 = arith.addi %scan3A_52, %scan3A_53 : i32
    %scan3A_55 = arith.constant 1 : i32
    scf.for %scan3A_89 = %scan3A_52 to %scan3A_54 step %scan3A_55  : i32 {
      %mul3A_90 = arith.constant 2 : i32
      %mul3A_91 = arith.muli %mul3A_90, %scan3A_89 : i32
      %add3A_92 = arith.constant 0 : i32
      %add3A_93 = arith.addi %mul3A_91, %add3A_92 : i32
      %multiple_of3A_94 = tpu.assume_multiple %add3A, 8 : i32
      %dma_wait3A = arith.constant 0 : i32
      %dma_wait3A_95 = tpu.memref_slice %arg3[%multiple_of3A_94, %dma_wait3A] : memref<640000x64xf32, #tpu.memory_space<hbm>> -> memref<80x64xf32, #tpu.memory_space<hbm>>
      %dma_wait3A_96 = arith.constant 0 : i32
      %dma_wait3A_97 = tpu.memref_slice %arg3[%multiple_of3A_94, %dma_wait3A_96] : memref<640000x64xf32, #tpu.memory_space<hbm>> -> memref<80x64xf32, #tpu.memory_space<hbm>>
      tpu.wait_dma2 semaphore(%arg15 : memref<!tpu.dma_semaphore, #tpu.memory_space<semaphore_mem>>) src(%dma_wait3A_97 : memref<80x64xf32, #tpu.memory_space<hbm>>) dst(%arg11 : memref<80x64xf32, #tpu.memory_space<vmem>>)
      %dma_wait3A_98 = arith.constant 0 : i32
      %dma_wait3A_99 = tpu.memref_slice %arg9[%add3A_93, %dma_wait3A_98] : memref<250x80xi32, #tpu.memory_space<vmem>> -> memref<1x80xi32, #tpu.memory_space<vmem>>
      %dma_wait3A_100 = tpu.memref_squeeze %dma_wait3A_99 : memref<1x80xi32, #tpu.memory_space<vmem>> -> memref<80xi32, #tpu.memory_space<vmem>>
      %dma_wait3A_101 = arith.constant 0 : i32
      %dma_wait3A_102 = arith.constant 0 : i32
      %dma_wait3A_103 = tpu.memref_slice %arg2[%dma_wait3A_101, %dma_wait3A_102] : memref<20000x64xf32, #tpu.memory_space<hbm>> -> memref<20000x64xf32, #tpu.memory_space<hbm>>
      tpu.wait_indirect_dma semaphore(%arg17 : memref<!tpu.dma_semaphore, #tpu.memory_space<semaphore_mem>>) src(%dma_wait3A_103 : memref<20000x64xf32, #tpu.memory_space<hbm>>) dst(%arg13 : memref<80x64xf32, #tpu.memory_space<vmem>>)
      %scan3A_104 = arith.constant 0 : i32
      %scan3A_105 = arith.constant 0 : i32
      %scan3A_106 = arith.constant 80 : i32
      %scan3A_107 = arith.addi %scan3A_105, %scan3A_106 : i32
      %scan3A_108 = arith.constant 1 : i32
      scf.for %scan3A_145 = %scan3A_105 to %scan3A_107 step %scan3A_108  : i32 {
        %get3A = arith.index_cast %scan3A_145 : i32 to index
        %get3A_146 = arith.constant 0 : index
        %get3A_147 = tpu.vector_load %arg11[%get3A, %get3A_146] {strides = array<i32>} : memref<80x64xf32, #tpu.memory_space<vmem>>, vector<1x16xf32>,
        %get3A_148 = vector.shape_cast %get3A_147 : vector<1x16xf32> to vector<16xf32>
        %get3A_149 = arith.index_cast %scan3A_145 : i32 to index
        %get3A_150 = arith.constant 0 : index
        %get3A_151 = tpu.vector_load %arg13[%get3A_149, %get3A_150] {strides = array<i32>} : memref<80x64xf32, #tpu.memory_space<vmem>>, vector<1x16xf32>,
        %get3A_152 = vector.shape_cast %get3A_151 : vector<1x16xf32> to vector<16xf32>
        %add3A_153 = arith.addf %get3A_148, %get3A_152 : vector<16xf32>
        %max3A = arith.constant 0.000000e+00 : f32
        %max3A_154 = vector.broadcast %max3A : f32 to vector<16xf32>
        %max3A_155 = arith.maximumf %add3A_153, %max3A_154 : vector<16xf32>
        %swap3A = arith.index_cast %scan3A_145 : i32 to index
        %swap3A_156 = arith.constant 0 : index
        %swap3A_157 = tpu.vector_load %arg11[%swap3A, %swap3A_156] {strides = array<i32>} : memref<80x64xf32, #tpu.memory_space<vmem>>, vector<1x16xf32>,
        %swap3A_158 = vector.shape_cast %swap3A_157 : vector<1x16xf32> to vector<16xf32>
        %swap3A_159 = vector.shape_cast %max3A_155 : vector<16xf32> to vector<1x16xf32>
        tpu.vector_store %arg11[%swap3A, %swap3A_156], %swap3A_159 {strides = array<i32>} : memref<80x64xf32, #tpu.memory_space<vmem>>, vector<1x16xf32>,
        %get3A_160 = arith.index_cast %scan3A_145 : i32 to index
        %get3A_161 = arith.constant 16 : index
        %get3A_162 = tpu.vector_load %arg11[%get3A_160, %get3A_161] {strides = array<i32>} : memref<80x64xf32, #tpu.memory_space<vmem>>, vector<1x16xf32>,
        %get3A_163 = vector.shape_cast %get3A_162 : vector<1x16xf32> to vector<16xf32>
        %get3A_164 = arith.index_cast %scan3A_145 : i32 to index
        %get3A_165 = arith.constant 16 : index
        %get3A_166 = tpu.vector_load %arg13[%get3A_164, %get3A_165] {strides = array<i32>} : memref<80x64xf32, #tpu.memory_space<vmem>>, vector<1x16xf32>,
        %get3A_167 = vector.shape_cast %get3A_166 : vector<1x16xf32> to vector<16xf32>
        %add3A_168 = arith.addf %get3A_163, %get3A_167 : vector<16xf32>
        %max3A_169 = arith.constant 0.000000e+00 : f32
        %max3A_170 = vector.broadcast %max3A_169 : f32 to vector<16xf32>
        %max3A_171 = arith.maximumf %add3A_168, %max3A_170 : vector<16xf32>
        %swap3A_172 = arith.index_cast %scan3A_145 : i32 to index
        %swap3A_173 = arith.constant 16 : index
        %swap3A_174 = tpu.vector_load %arg11[%swap3A_172, %swap3A_173] {strides = array<i32>} : memref<80x64xf32, #tpu.memory_space<vmem>>, vector<1x16xf32>,
        %swap3A_175 = vector.shape_cast %swap3A_174 : vector<1x16xf32> to vector<16xf32>
        %swap3A_176 = vector.shape_cast %max3A_171 : vector<16xf32> to vector<1x16xf32>
        tpu.vector_store %arg11[%swap3A_172, %swap3A_173], %swap3A_176 {strides = array<i32>} : memref<80x64xf32, #tpu.memory_space<vmem>>, vector<1x16xf32>,
        %get3A_177 = arith.index_cast %scan3A_145 : i32 to index
        %get3A_178 = arith.constant 32 : index
        %get3A_179 = tpu.vector_load %arg11[%get3A_177, %get3A_178] {strides = array<i32>} : memref<80x64xf32, #tpu.memory_space<vmem>>, vector<1x16xf32>,
        %get3A_180 = vector.shape_cast %get3A_179 : vector<1x16xf32> to vector<16xf32>
        %get3A_181 = arith.index_cast %scan3A_145 : i32 to index
        %get3A_182 = arith.constant 32 : index
        %get3A_183 = tpu.vector_load %arg13[%get3A_181, %get3A_182] {strides = array<i32>} : memref<80x64xf32, #tpu.memory_space<vmem>>, vector<1x16xf32>,
        %get3A_184 = vector.shape_cast %get3A_183 : vector<1x16xf32> to vector<16xf32>
        %add3A_185 = arith.addf %get3A_180, %get3A_184 : vector<16xf32>
        %max3A_186 = arith.constant 0.000000e+00 : f32
        %max3A_187 = vector.broadcast %max3A_186 : f32 to vector<16xf32>
        %max3A_188 = arith.maximumf %add3A_185, %max3A_187 : vector<16xf32>
        %swap3A_189 = arith.index_cast %scan3A_145 : i32 to index
        %swap3A_190 = arith.constant 32 : index
        %swap3A_191 = tpu.vector_load %arg11[%swap3A_189, %swap3A_190] {strides = array<i32>} : memref<80x64xf32, #tpu.memory_space<vmem>>, vector<1x16xf32>,
        %swap3A_192 = vector.shape_cast %swap3A_191 : vector<1x16xf32> to vector<16xf32>
        %swap3A_193 = vector.shape_cast %max3A_188 : vector<16xf32> to vector<1x16xf32>
        tpu.vector_store %arg11[%swap3A_189, %swap3A_190], %swap3A_193 {strides = array<i32>} : memref<80x64xf32, #tpu.memory_space<vmem>>, vector<1x16xf32>,
        %get3A_194 = arith.index_cast %scan3A_145 : i32 to index
        %get3A_195 = arith.constant 48 : index
        %get3A_196 = tpu.vector_load %arg11[%get3A_194, %get3A_195] {strides = array<i32>} : memref<80x64xf32, #tpu.memory_space<vmem>>, vector<1x16xf32>,
        %get3A_197 = vector.shape_cast %get3A_196 : vector<1x16xf32> to vector<16xf32>
        %get3A_198 = arith.index_cast %scan3A_145 : i32 to index
        %get3A_199 = arith.constant 48 : index
        %get3A_200 = tpu.vector_load %arg13[%get3A_198, %get3A_199] {strides = array<i32>} : memref<80x64xf32, #tpu.memory_space<vmem>>, vector<1x16xf32>,
        %get3A_201 = vector.shape_cast %get3A_200 : vector<1x16xf32> to vector<16xf32>
        %add3A_202 = arith.addf %get3A_197, %get3A_201 : vector<16xf32>
        %max3A_203 = arith.constant 0.000000e+00 : f32
        %max3A_204 = vector.broadcast %max3A_203 : f32 to vector<16xf32>
        %max3A_205 = arith.maximumf %add3A_202, %max3A_204 : vector<16xf32>
        %swap3A_206 = arith.index_cast %scan3A_145 : i32 to index
        %swap3A_207 = arith.constant 48 : index
        %swap3A_208 = tpu.vector_load %arg11[%swap3A_206, %swap3A_207] {strides = array<i32>} : memref<80x64xf32, #tpu.memory_space<vmem>>, vector<1x16xf32>,
        %swap3A_209 = vector.shape_cast %swap3A_208 : vector<1x16xf32> to vector<16xf32>
        %swap3A_210 = vector.shape_cast %max3A_205 : vector<16xf32> to vector<1x16xf32>
        tpu.vector_store %arg11[%swap3A_206, %swap3A_207], %swap3A_210 {strides = array<i32>} : memref<80x64xf32, #tpu.memory_space<vmem>>, vector<1x16xf32>,
      }
      %scan3A_109 = arith.constant 80 : i32
      "tpu.region"() ({
        %run_scoped3A = tpu.sem_alloc : memref<!tpu.dma_semaphore, #tpu.memory_space<semaphore_mem>>
        %dma_start3A_145 = arith.constant 0 : i32
        %dma_start3A_146 = tpu.memref_slice %arg10[%add3A_93, %dma_start3A_145] : memref<250x80xi32, #tpu.memory_space<vmem>> -> memref<1x80xi32, #tpu.memory_space<vmem>>
        %dma_start3A_147 = tpu.memref_squeeze %dma_start3A_146 : memref<1x80xi32, #tpu.memory_space<vmem>> -> memref<80xi32, #tpu.memory_space<vmem>>
        %dma_start3A_148 = arith.constant 0 : i32
        %dma_start3A_149 = arith.constant 0 : i32
        %dma_start3A_150 = tpu.memref_slice %arg8[%dma_start3A_148, %dma_start3A_149] : memref<10000x64xf32, #tpu.memory_space<vmem_shared>> -> memref<10000x64xf32, #tpu.memory_space<vmem_shared>>
        tpu.enqueue_indirect_dma source(%arg11 : memref<80x64xf32, #tpu.memory_space<vmem>>) target(%dma_start3A_150 : memref<10000x64xf32, #tpu.memory_space<vmem_shared>>) offsets(%dma_start3A_147 : memref<80xi32, #tpu.memory_space<vmem>>) semaphore(%run_scoped3A : memref<!tpu.dma_semaphore, #tpu.memory_space<semaphore_mem>>) {add = true}
        %dma_wait3A_151 = arith.constant 0 : i32
        %dma_wait3A_152 = tpu.memref_slice %arg10[%add3A_93, %dma_wait3A_151] : memref<250x80xi32, #tpu.memory_space<vmem>> -> memref<1x80xi32, #tpu.memory_space<vmem>>
        %dma_wait3A_153 = tpu.memref_squeeze %dma_wait3A_152 : memref<1x80xi32, #tpu.memory_space<vmem>> -> memref<80xi32, #tpu.memory_space<vmem>>
        %dma_wait3A_154 = arith.constant 0 : i32
        %dma_wait3A_155 = arith.constant 0 : i32
        %dma_wait3A_156 = tpu.memref_slice %arg8[%dma_wait3A_154, %dma_wait3A_155] : memref<10000x64xf32, #tpu.memory_space<vmem_shared>> -> memref<10000x64xf32, #tpu.memory_space<vmem_shared>>
        tpu.wait_indirect_dma semaphore(%run_scoped3A : memref<!tpu.dma_semaphore, #tpu.memory_space<semaphore_mem>>) src(%arg11 : memref<80x64xf32, #tpu.memory_space<vmem>>) dst(%dma_wait3A_156 : memref<10000x64xf32, #tpu.memory_space<vmem_shared>>)
        tpu.yield
      }) : () -> ()
      %add3A_110 = arith.constant 2 : i32
      %add3A_111 = arith.addi %add3A_93, %add3A_110 : i32
      %lt3A_112 = arith.constant 250 : i32
      %lt3A_113 = arith.cmpi slt, %add3A_111, %lt3A_112 : i32
      %convert_element_type3A_114 = arith.extui %lt3A_113 : i1 to i32
      %cond3A_115 = arith.constant 0 : i32
      %cond3A_116 = arith.cmpi ne, %convert_element_type3A_114, %cond3A_115 : i32
      scf.if %cond3A_116 {
        %add3A_145 = arith.constant 2 : i32
        %add3A_146 = arith.addi %add3A_93, %add3A_145 : i32
        %mul3A_147 = arith.constant 80 : i32
        %mul3A_148 = arith.muli %add3A_146, %mul3A_147 : i32
        %add3A_149 = arith.addi %add3A, %mul3A_148 : i32
        %multiple_of3A_150 = tpu.assume_multiple %add3A_149, 8 : i32
        %dma_start3A_151 = arith.constant 0 : i32
        %dma_start3A_152 = tpu.memref_slice %arg3[%multiple_of3A_150, %dma_start3A_151] : memref<640000x64xf32, #tpu.memory_space<hbm>> -> memref<80x64xf32, #tpu.memory_space<hbm>>
        %dma_start3A_153 = arith.constant 0 : i32
        %dma_start3A_154 = tpu.memref_slice %arg3[%multiple_of3A_150, %dma_start3A_153] : memref<640000x64xf32, #tpu.memory_space<hbm>> -> memref<80x64xf32, #tpu.memory_space<hbm>>
        tpu.enqueue_dma source(%dma_start3A_154 : memref<80x64xf32, #tpu.memory_space<hbm>>) target(%arg11 : memref<80x64xf32, #tpu.memory_space<vmem>>) target_semaphore(%arg15 : memref<!tpu.dma_semaphore, #tpu.memory_space<semaphore_mem>>)
        %dma_start3A_155 = arith.constant 0 : i32
        %dma_start3A_156 = tpu.memref_slice %arg9[%add3A_146, %dma_start3A_155] : memref<250x80xi32, #tpu.memory_space<vmem>> -> memref<1x80xi32, #tpu.memory_space<vmem>>
        %dma_start3A_157 = tpu.memref_squeeze %dma_start3A_156 : memref<1x80xi32, #tpu.memory_space<vmem>> -> memref<80xi32, #tpu.memory_space<vmem>>
        %dma_start3A_158 = arith.constant 0 : i32
        %dma_start3A_159 = arith.constant 0 : i32
        %dma_start3A_160 = tpu.memref_slice %arg2[%dma_start3A_158, %dma_start3A_159] : memref<20000x64xf32, #tpu.memory_space<hbm>> -> memref<20000x64xf32, #tpu.memory_space<hbm>>
        tpu.enqueue_indirect_dma source(%dma_start3A_160 : memref<20000x64xf32, #tpu.memory_space<hbm>>) target(%arg13 : memref<80x64xf32, #tpu.memory_space<vmem>>) offsets(%dma_start3A_157 : memref<80xi32, #tpu.memory_space<vmem>>) semaphore(%arg17 : memref<!tpu.dma_semaphore, #tpu.memory_space<semaphore_mem>>)
      } else {
      }
      %mul3A_117 = arith.constant 2 : i32
      %mul3A_118 = arith.muli %mul3A_117, %scan3A_89 : i32
      %add3A_119 = arith.constant 1 : i32
      %add3A_120 = arith.addi %mul3A_118, %add3A_119 : i32
      %multiple_of3A_121 = tpu.assume_multiple %add3A, 8 : i32
      %dma_wait3A_122 = arith.constant 0 : i32
      %dma_wait3A_123 = tpu.memref_slice %arg3[%multiple_of3A_121, %dma_wait3A_122] : memref<640000x64xf32, #tpu.memory_space<hbm>> -> memref<80x64xf32, #tpu.memory_space<hbm>>
      %dma_wait3A_124 = arith.constant 0 : i32
      %dma_wait3A_125 = tpu.memref_slice %arg3[%multiple_of3A_121, %dma_wait3A_124] : memref<640000x64xf32, #tpu.memory_space<hbm>> -> memref<80x64xf32, #tpu.memory_space<hbm>>
      tpu.wait_dma2 semaphore(%arg16 : memref<!tpu.dma_semaphore, #tpu.memory_space<semaphore_mem>>) src(%dma_wait3A_125 : memref<80x64xf32, #tpu.memory_space<hbm>>) dst(%arg12 : memref<80x64xf32, #tpu.memory_space<vmem>>)
      %dma_wait3A_126 = arith.constant 0 : i32
      %dma_wait3A_127 = tpu.memref_slice %arg9[%add3A_120, %dma_wait3A_126] : memref<250x80xi32, #tpu.memory_space<vmem>> -> memref<1x80xi32, #tpu.memory_space<vmem>>
      %dma_wait3A_128 = tpu.memref_squeeze %dma_wait3A_127 : memref<1x80xi32, #tpu.memory_space<vmem>> -> memref<80xi32, #tpu.memory_space<vmem>>
      %dma_wait3A_129 = arith.constant 0 : i32
      %dma_wait3A_130 = arith.constant 0 : i32
      %dma_wait3A_131 = tpu.memref_slice %arg2[%dma_wait3A_129, %dma_wait3A_130] : memref<20000x64xf32, #tpu.memory_space<hbm>> -> memref<20000x64xf32, #tpu.memory_space<hbm>>
      tpu.wait_indirect_dma semaphore(%arg18 : memref<!tpu.dma_semaphore, #tpu.memory_space<semaphore_mem>>) src(%dma_wait3A_131 : memref<20000x64xf32, #tpu.memory_space<hbm>>) dst(%arg14 : memref<80x64xf32, #tpu.memory_space<vmem>>)
      %scan3A_132 = arith.constant 0 : i32
      %scan3A_133 = arith.constant 0 : i32
      %scan3A_134 = arith.constant 80 : i32
      %scan3A_135 = arith.addi %scan3A_133, %scan3A_134 : i32
      %scan3A_136 = arith.constant 1 : i32
      scf.for %scan3A_145 = %scan3A_133 to %scan3A_135 step %scan3A_136  : i32 {
        %get3A = arith.index_cast %scan3A_145 : i32 to index
        %get3A_146 = arith.constant 0 : index
        %get3A_147 = tpu.vector_load %arg12[%get3A, %get3A_146] {strides = array<i32>} : memref<80x64xf32, #tpu.memory_space<vmem>>, vector<1x16xf32>,
        %get3A_148 = vector.shape_cast %get3A_147 : vector<1x16xf32> to vector<16xf32>
        %get3A_149 = arith.index_cast %scan3A_145 : i32 to index
        %get3A_150 = arith.constant 0 : index
        %get3A_151 = tpu.vector_load %arg14[%get3A_149, %get3A_150] {strides = array<i32>} : memref<80x64xf32, #tpu.memory_space<vmem>>, vector<1x16xf32>,
        %get3A_152 = vector.shape_cast %get3A_151 : vector<1x16xf32> to vector<16xf32>
        %add3A_153 = arith.addf %get3A_148, %get3A_152 : vector<16xf32>
        %max3A = arith.constant 0.000000e+00 : f32
        %max3A_154 = vector.broadcast %max3A : f32 to vector<16xf32>
        %max3A_155 = arith.maximumf %add3A_153, %max3A_154 : vector<16xf32>
        %swap3A = arith.index_cast %scan3A_145 : i32 to index
        %swap3A_156 = arith.constant 0 : index
        %swap3A_157 = tpu.vector_load %arg12[%swap3A, %swap3A_156] {strides = array<i32>} : memref<80x64xf32, #tpu.memory_space<vmem>>, vector<1x16xf32>,
        %swap3A_158 = vector.shape_cast %swap3A_157 : vector<1x16xf32> to vector<16xf32>
        %swap3A_159 = vector.shape_cast %max3A_155 : vector<16xf32> to vector<1x16xf32>
        tpu.vector_store %arg12[%swap3A, %swap3A_156], %swap3A_159 {strides = array<i32>} : memref<80x64xf32, #tpu.memory_space<vmem>>, vector<1x16xf32>,
        %get3A_160 = arith.index_cast %scan3A_145 : i32 to index
        %get3A_161 = arith.constant 16 : index
        %get3A_162 = tpu.vector_load %arg12[%get3A_160, %get3A_161] {strides = array<i32>} : memref<80x64xf32, #tpu.memory_space<vmem>>, vector<1x16xf32>,
        %get3A_163 = vector.shape_cast %get3A_162 : vector<1x16xf32> to vector<16xf32>
        %get3A_164 = arith.index_cast %scan3A_145 : i32 to index
        %get3A_165 = arith.constant 16 : index
        %get3A_166 = tpu.vector_load %arg14[%get3A_164, %get3A_165] {strides = array<i32>} : memref<80x64xf32, #tpu.memory_space<vmem>>, vector<1x16xf32>,
        %get3A_167 = vector.shape_cast %get3A_166 : vector<1x16xf32> to vector<16xf32>
        %add3A_168 = arith.addf %get3A_163, %get3A_167 : vector<16xf32>
        %max3A_169 = arith.constant 0.000000e+00 : f32
        %max3A_170 = vector.broadcast %max3A_169 : f32 to vector<16xf32>
        %max3A_171 = arith.maximumf %add3A_168, %max3A_170 : vector<16xf32>
        %swap3A_172 = arith.index_cast %scan3A_145 : i32 to index
        %swap3A_173 = arith.constant 16 : index
        %swap3A_174 = tpu.vector_load %arg12[%swap3A_172, %swap3A_173] {strides = array<i32>} : memref<80x64xf32, #tpu.memory_space<vmem>>, vector<1x16xf32>,
        %swap3A_175 = vector.shape_cast %swap3A_174 : vector<1x16xf32> to vector<16xf32>
        %swap3A_176 = vector.shape_cast %max3A_171 : vector<16xf32> to vector<1x16xf32>
        tpu.vector_store %arg12[%swap3A_172, %swap3A_173], %swap3A_176 {strides = array<i32>} : memref<80x64xf32, #tpu.memory_space<vmem>>, vector<1x16xf32>,
        %get3A_177 = arith.index_cast %scan3A_145 : i32 to index
        %get3A_178 = arith.constant 32 : index
        %get3A_179 = tpu.vector_load %arg12[%get3A_177, %get3A_178] {strides = array<i32>} : memref<80x64xf32, #tpu.memory_space<vmem>>, vector<1x16xf32>,
        %get3A_180 = vector.shape_cast %get3A_179 : vector<1x16xf32> to vector<16xf32>
        %get3A_181 = arith.index_cast %scan3A_145 : i32 to index
        %get3A_182 = arith.constant 32 : index
        %get3A_183 = tpu.vector_load %arg14[%get3A_181, %get3A_182] {strides = array<i32>} : memref<80x64xf32, #tpu.memory_space<vmem>>, vector<1x16xf32>,
        %get3A_184 = vector.shape_cast %get3A_183 : vector<1x16xf32> to vector<16xf32>
        %add3A_185 = arith.addf %get3A_180, %get3A_184 : vector<16xf32>
        %max3A_186 = arith.constant 0.000000e+00 : f32
        %max3A_187 = vector.broadcast %max3A_186 : f32 to vector<16xf32>
        %max3A_188 = arith.maximumf %add3A_185, %max3A_187 : vector<16xf32>
        %swap3A_189 = arith.index_cast %scan3A_145 : i32 to index
        %swap3A_190 = arith.constant 32 : index
        %swap3A_191 = tpu.vector_load %arg12[%swap3A_189, %swap3A_190] {strides = array<i32>} : memref<80x64xf32, #tpu.memory_space<vmem>>, vector<1x16xf32>,
        %swap3A_192 = vector.shape_cast %swap3A_191 : vector<1x16xf32> to vector<16xf32>
        %swap3A_193 = vector.shape_cast %max3A_188 : vector<16xf32> to vector<1x16xf32>
        tpu.vector_store %arg12[%swap3A_189, %swap3A_190], %swap3A_193 {strides = array<i32>} : memref<80x64xf32, #tpu.memory_space<vmem>>, vector<1x16xf32>,
        %get3A_194 = arith.index_cast %scan3A_145 : i32 to index
        %get3A_195 = arith.constant 48 : index
        %get3A_196 = tpu.vector_load %arg12[%get3A_194, %get3A_195] {strides = array<i32>} : memref<80x64xf32, #tpu.memory_space<vmem>>, vector<1x16xf32>,
        %get3A_197 = vector.shape_cast %get3A_196 : vector<1x16xf32> to vector<16xf32>
        %get3A_198 = arith.index_cast %scan3A_145 : i32 to index
        %get3A_199 = arith.constant 48 : index
        %get3A_200 = tpu.vector_load %arg14[%get3A_198, %get3A_199] {strides = array<i32>} : memref<80x64xf32, #tpu.memory_space<vmem>>, vector<1x16xf32>,
        %get3A_201 = vector.shape_cast %get3A_200 : vector<1x16xf32> to vector<16xf32>
        %add3A_202 = arith.addf %get3A_197, %get3A_201 : vector<16xf32>
        %max3A_203 = arith.constant 0.000000e+00 : f32
        %max3A_204 = vector.broadcast %max3A_203 : f32 to vector<16xf32>
        %max3A_205 = arith.maximumf %add3A_202, %max3A_204 : vector<16xf32>
        %swap3A_206 = arith.index_cast %scan3A_145 : i32 to index
        %swap3A_207 = arith.constant 48 : index
        %swap3A_208 = tpu.vector_load %arg12[%swap3A_206, %swap3A_207] {strides = array<i32>} : memref<80x64xf32, #tpu.memory_space<vmem>>, vector<1x16xf32>,
        %swap3A_209 = vector.shape_cast %swap3A_208 : vector<1x16xf32> to vector<16xf32>
        %swap3A_210 = vector.shape_cast %max3A_205 : vector<16xf32> to vector<1x16xf32>
        tpu.vector_store %arg12[%swap3A_206, %swap3A_207], %swap3A_210 {strides = array<i32>} : memref<80x64xf32, #tpu.memory_space<vmem>>, vector<1x16xf32>,
      }
      %scan3A_137 = arith.constant 80 : i32
      "tpu.region"() ({
        %run_scoped3A = tpu.sem_alloc : memref<!tpu.dma_semaphore, #tpu.memory_space<semaphore_mem>>
        %dma_start3A_145 = arith.constant 0 : i32
        %dma_start3A_146 = tpu.memref_slice %arg10[%add3A_120, %dma_start3A_145] : memref<250x80xi32, #tpu.memory_space<vmem>> -> memref<1x80xi32, #tpu.memory_space<vmem>>
        %dma_start3A_147 = tpu.memref_squeeze %dma_start3A_146 : memref<1x80xi32, #tpu.memory_space<vmem>> -> memref<80xi32, #tpu.memory_space<vmem>>
        %dma_start3A_148 = arith.constant 0 : i32
        %dma_start3A_149 = arith.constant 0 : i32
        %dma_start3A_150 = tpu.memref_slice %arg8[%dma_start3A_148, %dma_start3A_149] : memref<10000x64xf32, #tpu.memory_space<vmem_shared>> -> memref<10000x64xf32, #tpu.memory_space<vmem_shared>>
        tpu.enqueue_indirect_dma source(%arg12 : memref<80x64xf32, #tpu.memory_space<vmem>>) target(%dma_start3A_150 : memref<10000x64xf32, #tpu.memory_space<vmem_shared>>) offsets(%dma_start3A_147 : memref<80xi32, #tpu.memory_space<vmem>>) semaphore(%run_scoped3A : memref<!tpu.dma_semaphore, #tpu.memory_space<semaphore_mem>>) {add = true}
        %dma_wait3A_151 = arith.constant 0 : i32
        %dma_wait3A_152 = tpu.memref_slice %arg10[%add3A_120, %dma_wait3A_151] : memref<250x80xi32, #tpu.memory_space<vmem>> -> memref<1x80xi32, #tpu.memory_space<vmem>>
        %dma_wait3A_153 = tpu.memref_squeeze %dma_wait3A_152 : memref<1x80xi32, #tpu.memory_space<vmem>> -> memref<80xi32, #tpu.memory_space<vmem>>
        %dma_wait3A_154 = arith.constant 0 : i32
        %dma_wait3A_155 = arith.constant 0 : i32
        %dma_wait3A_156 = tpu.memref_slice %arg8[%dma_wait3A_154, %dma_wait3A_155] : memref<10000x64xf32, #tpu.memory_space<vmem_shared>> -> memref<10000x64xf32, #tpu.memory_space<vmem_shared>>
        tpu.wait_indirect_dma semaphore(%run_scoped3A : memref<!tpu.dma_semaphore, #tpu.memory_space<semaphore_mem>>) src(%arg12 : memref<80x64xf32, #tpu.memory_space<vmem>>) dst(%dma_wait3A_156 : memref<10000x64xf32, #tpu.memory_space<vmem_shared>>)
        tpu.yield
      }) : () -> ()
      %add3A_138 = arith.constant 2 : i32
      %add3A_139 = arith.addi %add3A_120, %add3A_138 : i32
      %lt3A_140 = arith.constant 250 : i32
      %lt3A_141 = arith.cmpi slt, %add3A_139, %lt3A_140 : i32
      %convert_element_type3A_142 = arith.extui %lt3A_141 : i1 to i32
      %cond3A_143 = arith.constant 0 : i32
      %cond3A_144 = arith.cmpi ne, %convert_element_type3A_142, %cond3A_143 : i32
      scf.if %cond3A_144 {
        %add3A_145 = arith.constant 2 : i32
        %add3A_146 = arith.addi %add3A_120, %add3A_145 : i32
        %mul3A_147 = arith.constant 80 : i32
        %mul3A_148 = arith.muli %add3A_146, %mul3A_147 : i32
        %add3A_149 = arith.addi %add3A, %mul3A_148 : i32
        %multiple_of3A_150 = tpu.assume_multiple %add3A_149, 8 : i32
        %dma_start3A_151 = arith.constant 0 : i32
        %dma_start3A_152 = tpu.memref_slice %arg3[%multiple_of3A_150, %dma_start3A_151] : memref<640000x64xf32, #tpu.memory_space<hbm>> -> memref<80x64xf32, #tpu.memory_space<hbm>>
        %dma_start3A_153 = arith.constant 0 : i32
        %dma_start3A_154 = tpu.memref_slice %arg3[%multiple_of3A_150, %dma_start3A_153] : memref<640000x64xf32, #tpu.memory_space<hbm>> -> memref<80x64xf32, #tpu.memory_space<hbm>>
        tpu.enqueue_dma source(%dma_start3A_154 : memref<80x64xf32, #tpu.memory_space<hbm>>) target(%arg12 : memref<80x64xf32, #tpu.memory_space<vmem>>) target_semaphore(%arg16 : memref<!tpu.dma_semaphore, #tpu.memory_space<semaphore_mem>>)
        %dma_start3A_155 = arith.constant 0 : i32
        %dma_start3A_156 = tpu.memref_slice %arg9[%add3A_146, %dma_start3A_155] : memref<250x80xi32, #tpu.memory_space<vmem>> -> memref<1x80xi32, #tpu.memory_space<vmem>>
        %dma_start3A_157 = tpu.memref_squeeze %dma_start3A_156 : memref<1x80xi32, #tpu.memory_space<vmem>> -> memref<80xi32, #tpu.memory_space<vmem>>
        %dma_start3A_158 = arith.constant 0 : i32
        %dma_start3A_159 = arith.constant 0 : i32
        %dma_start3A_160 = tpu.memref_slice %arg2[%dma_start3A_158, %dma_start3A_159] : memref<20000x64xf32, #tpu.memory_space<hbm>> -> memref<20000x64xf32, #tpu.memory_space<hbm>>
        tpu.enqueue_indirect_dma source(%dma_start3A_160 : memref<20000x64xf32, #tpu.memory_space<hbm>>) target(%arg14 : memref<80x64xf32, #tpu.memory_space<vmem>>) offsets(%dma_start3A_157 : memref<80xi32, #tpu.memory_space<vmem>>) semaphore(%arg18 : memref<!tpu.dma_semaphore, #tpu.memory_space<semaphore_mem>>)
      } else {
      }
    }
    %scan3A_56 = arith.constant 125 : i32
    %barrier3A_57 = arith.constant 0 : index
    tpu.barrier barrier_id(%barrier3A_57)
    %eq3A_58 = arith.constant 0 : i32
    %eq3A_59 = arith.cmpi eq, %arg0, %eq3A_58 : i32
    %lt3A_60 = arith.constant 15 : i32
    %lt3A_61 = arith.cmpi slt, %arg1, %lt3A_60 : i32
    %and3A = arith.andi %eq3A_59, %lt3A_61 : i1
    %convert_element_type3A_62 = arith.extui %and3A : i1 to i32
    %cond3A_63 = arith.constant 0 : i32
    %cond3A_64 = arith.cmpi ne, %convert_element_type3A_62, %cond3A_63 : i32
    scf.if %cond3A_64 {
      "tpu.region"() ({
        %run_scoped3A = tpu.sem_alloc : memref<!tpu.dma_semaphore, #tpu.memory_space<semaphore_mem>>
        %dma_start3A_89 = arith.constant 0 : i32
        %dma_start3A_90 = tpu.memref_slice %arg6[%multiple_of3A, %dma_start3A_89] : memref<10000x64xf32, #tpu.memory_space<hbm>> -> memref<640x64xf32, #tpu.memory_space<hbm>>
        %dma_start3A_91 = arith.constant 0 : i32
        %dma_start3A_92 = tpu.memref_slice %arg8[%multiple_of3A, %dma_start3A_91] : memref<10000x64xf32, #tpu.memory_space<vmem_shared>> -> memref<640x64xf32, #tpu.memory_space<vmem_shared>>
        tpu.enqueue_dma source(%dma_start3A_92 : memref<640x64xf32, #tpu.memory_space<vmem_shared>>) target(%dma_start3A_90 : memref<640x64xf32, #tpu.memory_space<hbm>>) target_semaphore(%run_scoped3A : memref<!tpu.dma_semaphore, #tpu.memory_space<semaphore_mem>>)
        %dma_wait3A = arith.constant 0 : i32
        %dma_wait3A_93 = tpu.memref_slice %arg6[%multiple_of3A, %dma_wait3A] : memref<10000x64xf32, #tpu.memory_space<hbm>> -> memref<640x64xf32, #tpu.memory_space<hbm>>
        %dma_wait3A_94 = arith.constant 0 : i32
        %dma_wait3A_95 = tpu.memref_slice %arg8[%multiple_of3A, %dma_wait3A_94] : memref<10000x64xf32, #tpu.memory_space<vmem_shared>> -> memref<640x64xf32, #tpu.memory_space<vmem_shared>>
        tpu.wait_dma2 semaphore(%run_scoped3A : memref<!tpu.dma_semaphore, #tpu.memory_space<semaphore_mem>>) src(%dma_wait3A_95 : memref<640x64xf32, #tpu.memory_space<vmem_shared>>) dst(%dma_wait3A_93 : memref<640x64xf32, #tpu.memory_space<hbm>>)
        tpu.yield
      }) : () -> ()
    } else {
    }
    %eq3A_65 = arith.constant 0 : i32
    %eq3A_66 = arith.cmpi eq, %arg0, %eq3A_65 : i32
    %eq3A_67 = arith.constant 15 : i32
    %eq3A_68 = arith.cmpi eq, %arg1, %eq3A_67 : i32
    %and3A_69 = arith.andi %eq3A_66, %eq3A_68 : i1
    %convert_element_type3A_70 = arith.extui %and3A_69 : i1 to i32
    %cond3A_71 = arith.constant 0 : i32
    %cond3A_72 = arith.cmpi ne, %convert_element_type3A_70, %cond3A_71 : i32
    scf.if %cond3A_72 {
      "tpu.region"() ({
        %run_scoped3A = tpu.sem_alloc : memref<!tpu.dma_semaphore, #tpu.memory_space<semaphore_mem>>
        %dma_start3A_89 = arith.constant 0 : i32
        %dma_start3A_90 = tpu.memref_slice %arg6[%multiple_of3A, %dma_start3A_89] : memref<10000x64xf32, #tpu.memory_space<hbm>> -> memref<400x64xf32, #tpu.memory_space<hbm>>
        %dma_start3A_91 = arith.constant 0 : i32
        %dma_start3A_92 = tpu.memref_slice %arg8[%multiple_of3A, %dma_start3A_91] : memref<10000x64xf32, #tpu.memory_space<vmem_shared>> -> memref<400x64xf32, #tpu.memory_space<vmem_shared>>
        tpu.enqueue_dma source(%dma_start3A_92 : memref<400x64xf32, #tpu.memory_space<vmem_shared>>) target(%dma_start3A_90 : memref<400x64xf32, #tpu.memory_space<hbm>>) target_semaphore(%run_scoped3A : memref<!tpu.dma_semaphore, #tpu.memory_space<semaphore_mem>>)
        %dma_wait3A = arith.constant 0 : i32
        %dma_wait3A_93 = tpu.memref_slice %arg6[%multiple_of3A, %dma_wait3A] : memref<10000x64xf32, #tpu.memory_space<hbm>> -> memref<400x64xf32, #tpu.memory_space<hbm>>
        %dma_wait3A_94 = arith.constant 0 : i32
        %dma_wait3A_95 = tpu.memref_slice %arg8[%multiple_of3A, %dma_wait3A_94] : memref<10000x64xf32, #tpu.memory_space<vmem_shared>> -> memref<400x64xf32, #tpu.memory_space<vmem_shared>>
        tpu.wait_dma2 semaphore(%run_scoped3A : memref<!tpu.dma_semaphore, #tpu.memory_space<semaphore_mem>>) src(%dma_wait3A_95 : memref<400x64xf32, #tpu.memory_space<vmem_shared>>) dst(%dma_wait3A_93 : memref<400x64xf32, #tpu.memory_space<hbm>>)
        tpu.yield
      }) : () -> ()
    } else {
    }
    %eq3A_73 = arith.constant 1 : i32
    %eq3A_74 = arith.cmpi eq, %arg0, %eq3A_73 : i32
    %lt3A_75 = arith.constant 15 : i32
    %lt3A_76 = arith.cmpi slt, %arg1, %lt3A_75 : i32
    %and3A_77 = arith.andi %eq3A_74, %lt3A_76 : i1
    %convert_element_type3A_78 = arith.extui %and3A_77 : i1 to i32
    %cond3A_79 = arith.constant 0 : i32
    %cond3A_80 = arith.cmpi ne, %convert_element_type3A_78, %cond3A_79 : i32
    scf.if %cond3A_80 {
      "tpu.region"() ({
        %run_scoped3A = tpu.sem_alloc : memref<!tpu.dma_semaphore, #tpu.memory_space<semaphore_mem>>
        %dma_start3A_89 = arith.constant 0 : i32
        %dma_start3A_90 = tpu.memref_slice %arg7[%multiple_of3A, %dma_start3A_89] : memref<10000x64xf32, #tpu.memory_space<hbm>> -> memref<640x64xf32, #tpu.memory_space<hbm>>
        %dma_start3A_91 = arith.constant 0 : i32
        %dma_start3A_92 = tpu.memref_slice %arg8[%multiple_of3A, %dma_start3A_91] : memref<10000x64xf32, #tpu.memory_space<vmem_shared>> -> memref<640x64xf32, #tpu.memory_space<vmem_shared>>
        tpu.enqueue_dma source(%dma_start3A_92 : memref<640x64xf32, #tpu.memory_space<vmem_shared>>) target(%dma_start3A_90 : memref<640x64xf32, #tpu.memory_space<hbm>>) target_semaphore(%run_scoped3A : memref<!tpu.dma_semaphore, #tpu.memory_space<semaphore_mem>>)
        %dma_wait3A = arith.constant 0 : i32
        %dma_wait3A_93 = tpu.memref_slice %arg7[%multiple_of3A, %dma_wait3A] : memref<10000x64xf32, #tpu.memory_space<hbm>> -> memref<640x64xf32, #tpu.memory_space<hbm>>
        %dma_wait3A_94 = arith.constant 0 : i32
        %dma_wait3A_95 = tpu.memref_slice %arg8[%multiple_of3A, %dma_wait3A_94] : memref<10000x64xf32, #tpu.memory_space<vmem_shared>> -> memref<640x64xf32, #tpu.memory_space<vmem_shared>>
        tpu.wait_dma2 semaphore(%run_scoped3A : memref<!tpu.dma_semaphore, #tpu.memory_space<semaphore_mem>>) src(%dma_wait3A_95 : memref<640x64xf32, #tpu.memory_space<vmem_shared>>) dst(%dma_wait3A_93 : memref<640x64xf32, #tpu.memory_space<hbm>>)
        tpu.yield
      }) : () -> ()
    } else {
    }
    %eq3A_81 = arith.constant 1 : i32
    %eq3A_82 = arith.cmpi eq, %arg0, %eq3A_81 : i32
    %eq3A_83 = arith.constant 15 : i32
    %eq3A_84 = arith.cmpi eq, %arg1, %eq3A_83 : i32
    %and3A_85 = arith.andi %eq3A_82, %eq3A_84 : i1
    %convert_element_type3A_86 = arith.extui %and3A_85 : i1 to i32
    %cond3A_87 = arith.constant 0 : i32
    %cond3A_88 = arith.cmpi ne, %convert_element_type3A_86, %cond3A_87 : i32
    scf.if %cond3A_88 {
      "tpu.region"() ({
        %run_scoped3A = tpu.sem_alloc : memref<!tpu.dma_semaphore, #tpu.memory_space<semaphore_mem>>
        %dma_start3A_89 = arith.constant 0 : i32
        %dma_start3A_90 = tpu.memref_slice %arg7[%multiple_of3A, %dma_start3A_89] : memref<10000x64xf32, #tpu.memory_space<hbm>> -> memref<400x64xf32, #tpu.memory_space<hbm>>
        %dma_start3A_91 = arith.constant 0 : i32
        %dma_start3A_92 = tpu.memref_slice %arg8[%multiple_of3A, %dma_start3A_91] : memref<10000x64xf32, #tpu.memory_space<vmem_shared>> -> memref<400x64xf32, #tpu.memory_space<vmem_shared>>
        tpu.enqueue_dma source(%dma_start3A_92 : memref<400x64xf32, #tpu.memory_space<vmem_shared>>) target(%dma_start3A_90 : memref<400x64xf32, #tpu.memory_space<hbm>>) target_semaphore(%run_scoped3A : memref<!tpu.dma_semaphore, #tpu.memory_space<semaphore_mem>>)
        %dma_wait3A = arith.constant 0 : i32
        %dma_wait3A_93 = tpu.memref_slice %arg7[%multiple_of3A, %dma_wait3A] : memref<10000x64xf32, #tpu.memory_space<hbm>> -> memref<400x64xf32, #tpu.memory_space<hbm>>
        %dma_wait3A_94 = arith.constant 0 : i32
        %dma_wait3A_95 = tpu.memref_slice %arg8[%multiple_of3A, %dma_wait3A_94] : memref<10000x64xf32, #tpu.memory_space<vmem_shared>> -> memref<400x64xf32, #tpu.memory_space<vmem_shared>>
        tpu.wait_dma2 semaphore(%run_scoped3A : memref<!tpu.dma_semaphore, #tpu.memory_space<semaphore_mem>>) src(%dma_wait3A_95 : memref<400x64xf32, #tpu.memory_space<vmem_shared>>) dst(%dma_wait3A_93 : memref<400x64xf32, #tpu.memory_space<hbm>>)
        tpu.yield
      }) : () -> ()
    } else {
    }
    return
  }
}

module attributes {stable_mosaic.version = 14 : i64} {
  func.func @_proj_body(%arg0: i32, %arg1: memref<4000x16xf32, #tpu.memory_space<vmem>>, %arg2: memref<16x128xf32, #tpu.memory_space<vmem>>, %arg3: memref<1x128xf32, #tpu.memory_space<vmem>>, %arg4: memref<2x4000x64xf32, #tpu.memory_space<vmem>>) attributes {dimension_semantics = [#tpu.dimension_semantics<arbitrary>], iteration_bounds = array<i64: 80>, scalar_prefetch = 0 : i64, scratch_operands = 0 : i64, tpu.core_type = #tpu.core_type<tc>, window_params = [{transform_indices = @transform_0, window_bounds = array<i64: 4000, 16>}, {pipeline_mode = #tpu.pipeline_mode<synchronous>, transform_indices = @transform_1, window_bounds = array<i64: 16, 128>}, {pipeline_mode = #tpu.pipeline_mode<synchronous>, transform_indices = @transform_2, window_bounds = array<i64: 1, 128>}, {transform_indices = @transform_3, window_bounds = array<i64: 2, 4000, 64>}]} {
    %get3A = arith.constant 0 : index
    %get3A_0 = arith.constant 0 : index
    %get3A_1 = vector.load %arg1[%get3A, %get3A_0] : memref<4000x16xf32, #tpu.memory_space<vmem>>, vector<4000x16xf32>
    %ne3A = arith.cmpf one, %get3A_1, %get3A_1 : vector<4000x16xf32>
    %jit3A = arith.constant 0.000000e+00 : f32
    %broadcast_in_dim3A = vector.broadcast %jit3A : f32 to vector<4000x16xf32>
    %select_n3A = arith.select %ne3A, %broadcast_in_dim3A, %get3A_1 : vector<4000x16xi1>, vector<4000x16xf32>
    %get3A_2 = arith.constant 0 : index
    %get3A_3 = arith.constant 0 : index
    %get3A_4 = vector.load %arg2[%get3A_2, %get3A_3] : memref<16x128xf32, #tpu.memory_space<vmem>>, vector<16x128xf32>
    %dot_general3A = arith.constant dense<0.000000e+00> : vector<4000x128xf32>
    %dot_general3A_5 = tpu.matmul %select_n3A, %get3A_4, %dot_general3A {dimension_numbers = #tpu.dot_dimension_numbers<[1], [0], [0], [1], [0, 0, 1, 1], [], []>, transpose_lhs_hint = false} : vector<4000x16xf32>, vector<16x128xf32>, vector<4000x128xf32> -> vector<4000x128xf32>
    %get3A_6 = arith.constant 0 : index
    %get3A_7 = arith.constant 0 : index
    %get3A_8 = vector.load %arg3[%get3A_6, %get3A_7] : memref<1x128xf32, #tpu.memory_space<vmem>>, vector<1x128xf32>
    %add3A = vector.broadcast %get3A_8 : vector<1x128xf32> to vector<4000x128xf32>
    %add3A_9 = arith.addf %dot_general3A_5, %add3A : vector<4000x128xf32>
    %max3A = arith.constant 0.000000e+00 : f32
    %max3A_10 = vector.broadcast %max3A : f32 to vector<4000x128xf32>
    %max3A_11 = arith.maximumf %add3A_9, %max3A_10 : vector<4000x128xf32>
    %slice3A = vector.extract_strided_slice %max3A_11 {offsets = [0, 0], sizes = [4000, 64], strides = [1, 1]} : vector<4000x128xf32> to vector<4000x64xf32>
    %swap3A = arith.constant 0 : index
    %swap3A_12 = arith.constant 0 : index
    %swap3A_13 = arith.constant 0 : index
    %swap3A_14 = vector.load %arg4[%swap3A, %swap3A_12, %swap3A_13] : memref<2x4000x64xf32, #tpu.memory_space<vmem>>, vector<1x4000x64xf32>
    %swap3A_15 = vector.shape_cast %swap3A_14 : vector<1x4000x64xf32> to vector<4000x64xf32>
    %swap3A_16 = vector.shape_cast %slice3A : vector<4000x64xf32> to vector<1x4000x64xf32>
    tpu.vector_store %arg4[%swap3A, %swap3A_12, %swap3A_13], %swap3A_16 {strides = array<i32>} : memref<2x4000x64xf32, #tpu.memory_space<vmem>>, vector<1x4000x64xf32>,
    %slice3A_17 = vector.extract_strided_slice %max3A_11 {offsets = [0, 64], sizes = [4000, 64], strides = [1, 1]} : vector<4000x128xf32> to vector<4000x64xf32>
    %swap3A_18 = arith.constant 1 : index
    %swap3A_19 = arith.constant 0 : index
    %swap3A_20 = arith.constant 0 : index
    %swap3A_21 = vector.load %arg4[%swap3A_18, %swap3A_19, %swap3A_20] : memref<2x4000x64xf32, #tpu.memory_space<vmem>>, vector<1x4000x64xf32>
    %swap3A_22 = vector.shape_cast %swap3A_21 : vector<1x4000x64xf32> to vector<4000x64xf32>
    %swap3A_23 = vector.shape_cast %slice3A_17 : vector<4000x64xf32> to vector<1x4000x64xf32>
    tpu.vector_store %arg4[%swap3A_18, %swap3A_19, %swap3A_20], %swap3A_23 {strides = array<i32>} : memref<2x4000x64xf32, #tpu.memory_space<vmem>>, vector<1x4000x64xf32>,
    return
  }
  func.func @transform_0(%arg0: i32) -> (i32, i32) {
    %c0_i32 = arith.constant 0 : i32
    %c0_i32_0 = arith.constant 0 : i32
    return %arg0, %c0_i32 : i32, i32
  }
  func.func @transform_1(%arg0: i32) -> (i32, i32) {
    %c0_i32 = arith.constant 0 : i32
    %c0_i32_0 = arith.constant 0 : i32
    %c0_i32_1 = arith.constant 0 : i32
    return %c0_i32, %c0_i32_0 : i32, i32
  }
  func.func @transform_2(%arg0: i32) -> (i32, i32) {
    %c0_i32 = arith.constant 0 : i32
    %c0_i32_0 = arith.constant 0 : i32
    %c0_i32_1 = arith.constant 0 : i32
    return %c0_i32, %c0_i32_0 : i32, i32
  }
  func.func @transform_3(%arg0: i32) -> (i32, i32, i32) {
    %c0_i32 = arith.constant 0 : i32
    %c0_i32_0 = arith.constant 0 : i32
    %c0_i32_1 = arith.constant 0 : i32
    return %c0_i32, %arg0, %c0_i32_0 : i32, i32, i32
  }
}

module attributes {stable_mosaic.version = 14 : i64} {
  func.func @_proj_body(%arg0: i32, %arg1: memref<1000x128xf32, #tpu.memory_space<vmem>>, %arg2: memref<128x128xf32, #tpu.memory_space<vmem>>, %arg3: memref<1x128xf32, #tpu.memory_space<vmem>>, %arg4: memref<2x1000x64xf32, #tpu.memory_space<vmem>>) attributes {dimension_semantics = [#tpu.dimension_semantics<arbitrary>], iteration_bounds = array<i64: 10>, scalar_prefetch = 0 : i64, scratch_operands = 0 : i64, tpu.core_type = #tpu.core_type<tc>, window_params = [{transform_indices = @transform_0, window_bounds = array<i64: 1000, 128>}, {pipeline_mode = #tpu.pipeline_mode<synchronous>, transform_indices = @transform_1, window_bounds = array<i64: 128, 128>}, {pipeline_mode = #tpu.pipeline_mode<synchronous>, transform_indices = @transform_2, window_bounds = array<i64: 1, 128>}, {transform_indices = @transform_3, window_bounds = array<i64: 2, 1000, 64>}]} {
    %get3A = arith.constant 0 : index
    %get3A_0 = arith.constant 0 : index
    %get3A_1 = vector.load %arg1[%get3A, %get3A_0] : memref<1000x128xf32, #tpu.memory_space<vmem>>, vector<1000x128xf32>
    %ne3A = arith.cmpf one, %get3A_1, %get3A_1 : vector<1000x128xf32>
    %jit3A = arith.constant 0.000000e+00 : f32
    %broadcast_in_dim3A = vector.broadcast %jit3A : f32 to vector<1000x128xf32>
    %select_n3A = arith.select %ne3A, %broadcast_in_dim3A, %get3A_1 : vector<1000x128xi1>, vector<1000x128xf32>
    %get3A_2 = arith.constant 0 : index
    %get3A_3 = arith.constant 0 : index
    %get3A_4 = vector.load %arg2[%get3A_2, %get3A_3] : memref<128x128xf32, #tpu.memory_space<vmem>>, vector<128x128xf32>
    %dot_general3A = arith.constant dense<0.000000e+00> : vector<1000x128xf32>
    %dot_general3A_5 = tpu.matmul %select_n3A, %get3A_4, %dot_general3A {dimension_numbers = #tpu.dot_dimension_numbers<[1], [0], [0], [1], [0, 0, 1, 1], [], []>, transpose_lhs_hint = false} : vector<1000x128xf32>, vector<128x128xf32>, vector<1000x128xf32> -> vector<1000x128xf32>
    %get3A_6 = arith.constant 0 : index
    %get3A_7 = arith.constant 0 : index
    %get3A_8 = vector.load %arg3[%get3A_6, %get3A_7] : memref<1x128xf32, #tpu.memory_space<vmem>>, vector<1x128xf32>
    %add3A = vector.broadcast %get3A_8 : vector<1x128xf32> to vector<1000x128xf32>
    %add3A_9 = arith.addf %dot_general3A_5, %add3A : vector<1000x128xf32>
    %max3A = arith.constant 0.000000e+00 : f32
    %max3A_10 = vector.broadcast %max3A : f32 to vector<1000x128xf32>
    %max3A_11 = arith.maximumf %add3A_9, %max3A_10 : vector<1000x128xf32>
    %slice3A = vector.extract_strided_slice %max3A_11 {offsets = [0, 0], sizes = [1000, 64], strides = [1, 1]} : vector<1000x128xf32> to vector<1000x64xf32>
    %swap3A = arith.constant 0 : index
    %swap3A_12 = arith.constant 0 : index
    %swap3A_13 = arith.constant 0 : index
    %swap3A_14 = vector.load %arg4[%swap3A, %swap3A_12, %swap3A_13] : memref<2x1000x64xf32, #tpu.memory_space<vmem>>, vector<1x1000x64xf32>
    %swap3A_15 = vector.shape_cast %swap3A_14 : vector<1x1000x64xf32> to vector<1000x64xf32>
    %swap3A_16 = vector.shape_cast %slice3A : vector<1000x64xf32> to vector<1x1000x64xf32>
    tpu.vector_store %arg4[%swap3A, %swap3A_12, %swap3A_13], %swap3A_16 {strides = array<i32>} : memref<2x1000x64xf32, #tpu.memory_space<vmem>>, vector<1x1000x64xf32>,
    %slice3A_17 = vector.extract_strided_slice %max3A_11 {offsets = [0, 64], sizes = [1000, 64], strides = [1, 1]} : vector<1000x128xf32> to vector<1000x64xf32>
    %swap3A_18 = arith.constant 1 : index
    %swap3A_19 = arith.constant 0 : index
    %swap3A_20 = arith.constant 0 : index
    %swap3A_21 = vector.load %arg4[%swap3A_18, %swap3A_19, %swap3A_20] : memref<2x1000x64xf32, #tpu.memory_space<vmem>>, vector<1x1000x64xf32>
    %swap3A_22 = vector.shape_cast %swap3A_21 : vector<1x1000x64xf32> to vector<1000x64xf32>
    %swap3A_23 = vector.shape_cast %slice3A_17 : vector<1000x64xf32> to vector<1x1000x64xf32>
    tpu.vector_store %arg4[%swap3A_18, %swap3A_19, %swap3A_20], %swap3A_23 {strides = array<i32>} : memref<2x1000x64xf32, #tpu.memory_space<vmem>>, vector<1x1000x64xf32>,
    return
  }
  func.func @transform_0(%arg0: i32) -> (i32, i32) {
    %c0_i32 = arith.constant 0 : i32
    %c0_i32_0 = arith.constant 0 : i32
    return %arg0, %c0_i32 : i32, i32
  }
  func.func @transform_1(%arg0: i32) -> (i32, i32) {
    %c0_i32 = arith.constant 0 : i32
    %c0_i32_0 = arith.constant 0 : i32
    %c0_i32_1 = arith.constant 0 : i32
    return %c0_i32, %c0_i32_0 : i32, i32
  }
  func.func @transform_2(%arg0: i32) -> (i32, i32) {
    %c0_i32 = arith.constant 0 : i32
    %c0_i32_0 = arith.constant 0 : i32
    %c0_i32_1 = arith.constant 0 : i32
    return %c0_i32, %c0_i32_0 : i32, i32
  }
  func.func @transform_3(%arg0: i32) -> (i32, i32, i32) {
    %c0_i32 = arith.constant 0 : i32
    %c0_i32_0 = arith.constant 0 : i32
    %c0_i32_1 = arith.constant 0 : i32
    return %c0_i32, %arg0, %c0_i32_0 : i32, i32, i32
  }
}

module attributes {stable_mosaic.version = 14 : i64} {
  func.func @_mlp_body(%arg0: i32, %arg1: memref<2x1000x64xf32, #tpu.memory_space<vmem>>, %arg2: memref<1000x64xf32, #tpu.memory_space<vmem>>, %arg3: memref<1000x64xf32, #tpu.memory_space<vmem>>, %arg4: memref<128x256xf32, #tpu.memory_space<vmem>>, %arg5: memref<1x256xf32, #tpu.memory_space<vmem>>, %arg6: memref<256x128xf32, #tpu.memory_space<vmem>>, %arg7: memref<1x128xf32, #tpu.memory_space<vmem>>, %arg8: memref<1x128xf32, #tpu.memory_space<vmem>>, %arg9: memref<1x128xf32, #tpu.memory_space<vmem>>, %arg10: memref<2x1000x64xf32, #tpu.memory_space<vmem>>) attributes {dimension_semantics = [#tpu.dimension_semantics<arbitrary>], iteration_bounds = array<i64: 10>, scalar_prefetch = 0 : i64, scratch_operands = 0 : i64, tpu.core_type = #tpu.core_type<tc>, window_params = [{transform_indices = @transform_0, window_bounds = array<i64: 2, 1000, 64>}, {transform_indices = @transform_1, window_bounds = array<i64: 1000, 64>}, {transform_indices = @transform_2, window_bounds = array<i64: 1000, 64>}, {pipeline_mode = #tpu.pipeline_mode<synchronous>, transform_indices = @transform_3, window_bounds = array<i64: 128, 256>}, {pipeline_mode = #tpu.pipeline_mode<synchronous>, transform_indices = @transform_4, window_bounds = array<i64: 1, 256>}, {pipeline_mode = #tpu.pipeline_mode<synchronous>, transform_indices = @transform_5, window_bounds = array<i64: 256, 128>}, {pipeline_mode = #tpu.pipeline_mode<synchronous>, transform_indices = @transform_6, window_bounds = array<i64: 1, 128>}, {pipeline_mode = #tpu.pipeline_mode<synchronous>, transform_indices = @transform_7, window_bounds = array<i64: 1, 128>}, {pipeline_mode = #tpu.pipeline_mode<synchronous>, transform_indices = @transform_8, window_bounds = array<i64: 1, 128>}, {transform_indices = @transform_9, window_bounds = array<i64: 2, 1000, 64>}]} {
    %get3A = arith.constant 0 : index
    %get3A_0 = arith.constant 0 : index
    %get3A_1 = arith.constant 0 : index
    %get3A_2 = vector.load %arg1[%get3A, %get3A_0, %get3A_1] : memref<2x1000x64xf32, #tpu.memory_space<vmem>>, vector<1x1000x64xf32>
    %get3A_3 = vector.shape_cast %get3A_2 : vector<1x1000x64xf32> to vector<1000x64xf32>
    %get3A_4 = arith.constant 0 : index
    %get3A_5 = arith.constant 0 : index
    %get3A_6 = vector.load %arg2[%get3A_4, %get3A_5] : memref<1000x64xf32, #tpu.memory_space<vmem>>, vector<1000x64xf32>
    %add3A = arith.addf %get3A_3, %get3A_6 : vector<1000x64xf32>
    %get3A_7 = arith.constant 1 : index
    %get3A_8 = arith.constant 0 : index
    %get3A_9 = arith.constant 0 : index
    %get3A_10 = vector.load %arg1[%get3A_7, %get3A_8, %get3A_9] : memref<2x1000x64xf32, #tpu.memory_space<vmem>>, vector<1x1000x64xf32>
    %get3A_11 = vector.shape_cast %get3A_10 : vector<1x1000x64xf32> to vector<1000x64xf32>
    %get3A_12 = arith.constant 0 : index
    %get3A_13 = arith.constant 0 : index
    %get3A_14 = vector.load %arg3[%get3A_12, %get3A_13] : memref<1000x64xf32, #tpu.memory_space<vmem>>, vector<1000x64xf32>
    %add3A_15 = arith.addf %get3A_11, %get3A_14 : vector<1000x64xf32>
    %concatenate3A = tpu.concatenate %add3A, %add3A_15 in 1 : vector<1000x64xf32>, vector<1000x64xf32> -> vector<1000x128xf32>
    %get3A_16 = arith.constant 0 : index
    %get3A_17 = arith.constant 0 : index
    %get3A_18 = vector.load %arg4[%get3A_16, %get3A_17] : memref<128x256xf32, #tpu.memory_space<vmem>>, vector<128x256xf32>
    %dot_general3A = arith.constant dense<0.000000e+00> : vector<1000x256xf32>
    %dot_general3A_19 = tpu.matmul %concatenate3A, %get3A_18, %dot_general3A {dimension_numbers = #tpu.dot_dimension_numbers<[1], [0], [0], [1], [0, 0, 1, 1], [], []>, transpose_lhs_hint = false} : vector<1000x128xf32>, vector<128x256xf32>, vector<1000x256xf32> -> vector<1000x256xf32>
    %get3A_20 = arith.constant 0 : index
    %get3A_21 = arith.constant 0 : index
    %get3A_22 = vector.load %arg5[%get3A_20, %get3A_21] : memref<1x256xf32, #tpu.memory_space<vmem>>, vector<1x256xf32>
    %add3A_23 = vector.broadcast %get3A_22 : vector<1x256xf32> to vector<1000x256xf32>
    %add3A_24 = arith.addf %dot_general3A_19, %add3A_23 : vector<1000x256xf32>
    %max3A = arith.constant 0.000000e+00 : f32
    %max3A_25 = vector.broadcast %max3A : f32 to vector<1000x256xf32>
    %max3A_26 = arith.maximumf %add3A_24, %max3A_25 : vector<1000x256xf32>
    %get3A_27 = arith.constant 0 : index
    %get3A_28 = arith.constant 0 : index
    %get3A_29 = vector.load %arg6[%get3A_27, %get3A_28] : memref<256x128xf32, #tpu.memory_space<vmem>>, vector<256x128xf32>
    %dot_general3A_30 = arith.constant dense<0.000000e+00> : vector<1000x128xf32>
    %dot_general3A_31 = tpu.matmul %max3A_26, %get3A_29, %dot_general3A_30 {dimension_numbers = #tpu.dot_dimension_numbers<[1], [0], [0], [1], [0, 0, 1, 1], [], []>, transpose_lhs_hint = false} : vector<1000x256xf32>, vector<256x128xf32>, vector<1000x128xf32> -> vector<1000x128xf32>
    %get3A_32 = arith.constant 0 : index
    %get3A_33 = arith.constant 0 : index
    %get3A_34 = vector.load %arg7[%get3A_32, %get3A_33] : memref<1x128xf32, #tpu.memory_space<vmem>>, vector<1x128xf32>
    %add3A_35 = vector.broadcast %get3A_34 : vector<1x128xf32> to vector<1000x128xf32>
    %add3A_36 = arith.addf %dot_general3A_31, %add3A_35 : vector<1000x128xf32>
    %get3A_37 = arith.constant 0 : index
    %get3A_38 = arith.constant 0 : index
    %get3A_39 = vector.load %arg8[%get3A_37, %get3A_38] : memref<1x128xf32, #tpu.memory_space<vmem>>, vector<1x128xf32>
    %mul3A = vector.broadcast %get3A_39 : vector<1x128xf32> to vector<1000x128xf32>
    %mul3A_40 = arith.mulf %add3A_36, %mul3A : vector<1000x128xf32>
    %get3A_41 = arith.constant 0 : index
    %get3A_42 = arith.constant 0 : index
    %get3A_43 = vector.load %arg9[%get3A_41, %get3A_42] : memref<1x128xf32, #tpu.memory_space<vmem>>, vector<1x128xf32>
    %add3A_44 = vector.broadcast %get3A_43 : vector<1x128xf32> to vector<1000x128xf32>
    %add3A_45 = arith.addf %mul3A_40, %add3A_44 : vector<1000x128xf32>
    %max3A_46 = arith.constant 0.000000e+00 : f32
    %max3A_47 = vector.broadcast %max3A_46 : f32 to vector<1000x128xf32>
    %max3A_48 = arith.maximumf %add3A_45, %max3A_47 : vector<1000x128xf32>
    %slice3A = vector.extract_strided_slice %max3A_48 {offsets = [0, 0], sizes = [1000, 64], strides = [1, 1]} : vector<1000x128xf32> to vector<1000x64xf32>
    %swap3A = arith.constant 0 : index
    %swap3A_49 = arith.constant 0 : index
    %swap3A_50 = arith.constant 0 : index
    %swap3A_51 = vector.load %arg10[%swap3A, %swap3A_49, %swap3A_50] : memref<2x1000x64xf32, #tpu.memory_space<vmem>>, vector<1x1000x64xf32>
    %swap3A_52 = vector.shape_cast %swap3A_51 : vector<1x1000x64xf32> to vector<1000x64xf32>
    %swap3A_53 = vector.shape_cast %slice3A : vector<1000x64xf32> to vector<1x1000x64xf32>
    tpu.vector_store %arg10[%swap3A, %swap3A_49, %swap3A_50], %swap3A_53 {strides = array<i32>} : memref<2x1000x64xf32, #tpu.memory_space<vmem>>, vector<1x1000x64xf32>,
    %slice3A_54 = vector.extract_strided_slice %max3A_48 {offsets = [0, 64], sizes = [1000, 64], strides = [1, 1]} : vector<1000x128xf32> to vector<1000x64xf32>
    %swap3A_55 = arith.constant 1 : index
    %swap3A_56 = arith.constant 0 : index
    %swap3A_57 = arith.constant 0 : index
    %swap3A_58 = vector.load %arg10[%swap3A_55, %swap3A_56, %swap3A_57] : memref<2x1000x64xf32, #tpu.memory_space<vmem>>, vector<1x1000x64xf32>
    %swap3A_59 = vector.shape_cast %swap3A_58 : vector<1x1000x64xf32> to vector<1000x64xf32>
    %swap3A_60 = vector.shape_cast %slice3A_54 : vector<1000x64xf32> to vector<1x1000x64xf32>
    tpu.vector_store %arg10[%swap3A_55, %swap3A_56, %swap3A_57], %swap3A_60 {strides = array<i32>} : memref<2x1000x64xf32, #tpu.memory_space<vmem>>, vector<1x1000x64xf32>,
    return
  }
  func.func @transform_0(%arg0: i32) -> (i32, i32, i32) {
    %c0_i32 = arith.constant 0 : i32
    %c0_i32_0 = arith.constant 0 : i32
    %c0_i32_1 = arith.constant 0 : i32
    return %c0_i32, %arg0, %c0_i32_0 : i32, i32, i32
  }
  func.func @transform_1(%arg0: i32) -> (i32, i32) {
    %c0_i32 = arith.constant 0 : i32
    %c0_i32_0 = arith.constant 0 : i32
    return %arg0, %c0_i32 : i32, i32
  }
  func.func @transform_2(%arg0: i32) -> (i32, i32) {
    %c0_i32 = arith.constant 0 : i32
    %c0_i32_0 = arith.constant 0 : i32
    return %arg0, %c0_i32 : i32, i32
  }
  func.func @transform_3(%arg0: i32) -> (i32, i32) {
    %c0_i32 = arith.constant 0 : i32
    %c0_i32_0 = arith.constant 0 : i32
    %c0_i32_1 = arith.constant 0 : i32
    return %c0_i32, %c0_i32_0 : i32, i32
  }
  func.func @transform_4(%arg0: i32) -> (i32, i32) {
    %c0_i32 = arith.constant 0 : i32
    %c0_i32_0 = arith.constant 0 : i32
    %c0_i32_1 = arith.constant 0 : i32
    return %c0_i32, %c0_i32_0 : i32, i32
  }
  func.func @transform_5(%arg0: i32) -> (i32, i32) {
    %c0_i32 = arith.constant 0 : i32
    %c0_i32_0 = arith.constant 0 : i32
    %c0_i32_1 = arith.constant 0 : i32
    return %c0_i32, %c0_i32_0 : i32, i32
  }
  func.func @transform_6(%arg0: i32) -> (i32, i32) {
    %c0_i32 = arith.constant 0 : i32
    %c0_i32_0 = arith.constant 0 : i32
    %c0_i32_1 = arith.constant 0 : i32
    return %c0_i32, %c0_i32_0 : i32, i32
  }
  func.func @transform_7(%arg0: i32) -> (i32, i32) {
    %c0_i32 = arith.constant 0 : i32
    %c0_i32_0 = arith.constant 0 : i32
    %c0_i32_1 = arith.constant 0 : i32
    return %c0_i32, %c0_i32_0 : i32, i32
  }
  func.func @transform_8(%arg0: i32) -> (i32, i32) {
    %c0_i32 = arith.constant 0 : i32
    %c0_i32_0 = arith.constant 0 : i32
    %c0_i32_1 = arith.constant 0 : i32
    return %c0_i32, %c0_i32_0 : i32, i32
  }
  func.func @transform_9(%arg0: i32) -> (i32, i32, i32) {
    %c0_i32 = arith.constant 0 : i32
    %c0_i32_0 = arith.constant 0 : i32
    %c0_i32_1 = arith.constant 0 : i32
    return %c0_i32, %arg0, %c0_i32_0 : i32, i32, i32
  }
}

module attributes {stable_mosaic.version = 14 : i64} {
  func.func @_pool_max_body(%arg0: i32, %arg1: memref<2x1000x64xf32, #tpu.memory_space<vmem>>, %arg2: memref<1000x1xi32, #tpu.memory_space<vmem>>, %arg3: memref<1x128xf32, #tpu.memory_space<vmem>>, %arg4: memref<1x1xf32, #tpu.memory_space<vmem>>, %arg5: memref<1x64xf32, #tpu.memory_space<vmem>>) attributes {dimension_semantics = [#tpu.dimension_semantics<arbitrary>], iteration_bounds = array<i64: 10>, scalar_prefetch = 0 : i64, scratch_operands = 0 : i64, tpu.core_type = #tpu.core_type<tc>, window_params = [{transform_indices = @transform_0, window_bounds = array<i64: 2, 1000, 64>}, {transform_indices = @transform_1, window_bounds = array<i64: 1000, 1>}, {pipeline_mode = #tpu.pipeline_mode<synchronous>, transform_indices = @transform_2, window_bounds = array<i64: 1, 128>}, {pipeline_mode = #tpu.pipeline_mode<synchronous>, transform_indices = @transform_3, window_bounds = array<i64: 1, 1>}, {pipeline_mode = #tpu.pipeline_mode<synchronous>, transform_indices = @transform_4, window_bounds = array<i64: 1, 64>}]} {
    %get3A = arith.constant 0 : index
    %get3A_0 = arith.constant 0 : index
    %get3A_1 = arith.constant 0 : index
    %get3A_2 = vector.load %arg1[%get3A, %get3A_0, %get3A_1] : memref<2x1000x64xf32, #tpu.memory_space<vmem>>, vector<1x1000x64xf32>
    %get3A_3 = vector.shape_cast %get3A_2 : vector<1x1000x64xf32> to vector<1000x64xf32>
    %get3A_4 = arith.constant 1 : index
    %get3A_5 = arith.constant 0 : index
    %get3A_6 = arith.constant 0 : index
    %get3A_7 = vector.load %arg1[%get3A_4, %get3A_5, %get3A_6] : memref<2x1000x64xf32, #tpu.memory_space<vmem>>, vector<1x1000x64xf32>
    %get3A_8 = vector.shape_cast %get3A_7 : vector<1x1000x64xf32> to vector<1000x64xf32>
    %concatenate3A = tpu.concatenate %get3A_3, %get3A_8 in 1 : vector<1000x64xf32>, vector<1000x64xf32> -> vector<1000x128xf32>
    %get3A_9 = arith.constant 0 : index
    %get3A_10 = arith.constant 0 : index
    %get3A_11 = vector.load %arg3[%get3A_9, %get3A_10] : memref<1x128xf32, #tpu.memory_space<vmem>>, vector<1x128xf32>
    %mul3A = vector.broadcast %get3A_11 : vector<1x128xf32> to vector<1000x128xf32>
    %mul3A_12 = arith.mulf %concatenate3A, %mul3A : vector<1000x128xf32>
    %reduce_sum3A = arith.constant dense<0.000000e+00> : vector<1000xf32>
    %reduce_sum3A_13 = vector.multi_reduction <add>, %mul3A_12, %reduce_sum3A [1] : vector<1000x128xf32> to vector<1000xf32>
    %broadcast_in_dim3A = vector.shape_cast %reduce_sum3A_13 : vector<1000xf32> to vector<1000x1xf32>
    %get3A_14 = arith.constant 0 : index
    %get3A_15 = arith.constant 0 : index
    %get3A_16 = vector.load %arg4[%get3A_14, %get3A_15] : memref<1x1xf32, #tpu.memory_space<vmem>>, vector<1x1xf32>
    %get3A_17 = vector.extract %get3A_16[0, 0] : f32 from vector<1x1xf32>
    %add3A = vector.broadcast %get3A_17 : f32 to vector<1000x1xf32>
    %add3A_18 = arith.addf %broadcast_in_dim3A, %add3A : vector<1000x1xf32>
    %get3A_19 = arith.constant 0 : index
    %get3A_20 = arith.constant 0 : index
    %get3A_21 = vector.load %arg2[%get3A_19, %get3A_20] : memref<1000x1xi32, #tpu.memory_space<vmem>>, vector<1000x1xi32>
    %iota3A = tpu.iota {dimensions = array<i32: 1>} : vector<1x64xi32>
    %eq3A = vector.broadcast %get3A_21 : vector<1000x1xi32> to vector<1000x64xi32>
    %eq3A_22 = vector.broadcast %iota3A : vector<1x64xi32> to vector<1000x64xi32>
    %eq3A_23 = arith.cmpi eq, %eq3A, %eq3A_22 : vector<1000x64xi32>
    %jit3A = arith.constant -1.000000e+30 : f32
    %broadcast_in_dim3A_24 = vector.shape_cast %add3A_18 : vector<1000x1xf32> to vector<1000x1xf32>
    %broadcast_in_dim3A_25 = vector.broadcast %broadcast_in_dim3A_24 : vector<1000x1xf32> to vector<1000x64xf32>
    %broadcast_in_dim3A_26 = vector.broadcast %jit3A : f32 to vector<1000x64xf32>
    %select_n3A = arith.select %eq3A_23, %broadcast_in_dim3A_25, %broadcast_in_dim3A_26 : vector<1000x64xi1>, vector<1000x64xf32>
    %reduce_max3A = arith.constant dense<0xFF800000> : vector<64xf32>
    %reduce_max3A_27 = vector.multi_reduction <maximumf>, %select_n3A, %reduce_max3A [0] : vector<1000x64xf32> to vector<64xf32>
    %broadcast_in_dim3A_28 = vector.shape_cast %reduce_max3A_27 : vector<64xf32> to vector<1x64xf32>
    %eq3A_29 = arith.constant 0 : i32
    %eq3A_30 = arith.cmpi eq, %arg0, %eq3A_29 : i32
    %convert_element_type3A = arith.extui %eq3A_30 : i1 to i32
    %cond3A = arith.constant 0 : i32
    %cond3A_31 = arith.cmpi ne, %convert_element_type3A, %cond3A : i32
    scf.if %cond3A_31 {
      %broadcast_in_dim3A_37 = arith.constant -1.000000e+30 : f32
      %broadcast_in_dim3A_38 = vector.broadcast %broadcast_in_dim3A_37 : f32 to vector<1x64xf32>
      %swap3A_39 = arith.constant 0 : index
      %swap3A_40 = arith.constant 0 : index
      %swap3A_41 = vector.load %arg5[%swap3A_39, %swap3A_40] : memref<1x64xf32, #tpu.memory_space<vmem>>, vector<1x64xf32>
      tpu.vector_store %arg5[%swap3A_39, %swap3A_40], %broadcast_in_dim3A_38 {strides = array<i32>} : memref<1x64xf32, #tpu.memory_space<vmem>>, vector<1x64xf32>,
    } else {
    }
    %get3A_32 = arith.constant 0 : index
    %get3A_33 = arith.constant 0 : index
    %get3A_34 = vector.load %arg5[%get3A_32, %get3A_33] : memref<1x64xf32, #tpu.memory_space<vmem>>, vector<1x64xf32>
    %max3A = arith.maximumf %get3A_34, %broadcast_in_dim3A_28 : vector<1x64xf32>
    %swap3A = arith.constant 0 : index
    %swap3A_35 = arith.constant 0 : index
    %swap3A_36 = vector.load %arg5[%swap3A, %swap3A_35] : memref<1x64xf32, #tpu.memory_space<vmem>>, vector<1x64xf32>
    tpu.vector_store %arg5[%swap3A, %swap3A_35], %max3A {strides = array<i32>} : memref<1x64xf32, #tpu.memory_space<vmem>>, vector<1x64xf32>,
    return
  }
  func.func @transform_0(%arg0: i32) -> (i32, i32, i32) {
    %c0_i32 = arith.constant 0 : i32
    %c0_i32_0 = arith.constant 0 : i32
    %c0_i32_1 = arith.constant 0 : i32
    return %c0_i32, %arg0, %c0_i32_0 : i32, i32, i32
  }
  func.func @transform_1(%arg0: i32) -> (i32, i32) {
    %c0_i32 = arith.constant 0 : i32
    %c0_i32_0 = arith.constant 0 : i32
    return %arg0, %c0_i32 : i32, i32
  }
  func.func @transform_2(%arg0: i32) -> (i32, i32) {
    %c0_i32 = arith.constant 0 : i32
    %c0_i32_0 = arith.constant 0 : i32
    %c0_i32_1 = arith.constant 0 : i32
    return %c0_i32, %c0_i32_0 : i32, i32
  }
  func.func @transform_3(%arg0: i32) -> (i32, i32) {
    %c0_i32 = arith.constant 0 : i32
    %c0_i32_0 = arith.constant 0 : i32
    %c0_i32_1 = arith.constant 0 : i32
    return %c0_i32, %c0_i32_0 : i32, i32
  }
  func.func @transform_4(%arg0: i32) -> (i32, i32) {
    %c0_i32 = arith.constant 0 : i32
    %c0_i32_0 = arith.constant 0 : i32
    %c0_i32_1 = arith.constant 0 : i32
    return %c0_i32, %c0_i32_0 : i32, i32
  }
}

module attributes {stable_mosaic.version = 14 : i64} {
  func.func @_pool_sum_body(%arg0: i32, %arg1: memref<2x1000x64xf32, #tpu.memory_space<vmem>>, %arg2: memref<1000x1xi32, #tpu.memory_space<vmem>>, %arg3: memref<1x64xf32, #tpu.memory_space<vmem>>, %arg4: memref<1x128xf32, #tpu.memory_space<vmem>>, %arg5: memref<1x1xf32, #tpu.memory_space<vmem>>, %arg6: memref<128x128xf32, #tpu.memory_space<vmem>>, %arg7: memref<1x128xf32, #tpu.memory_space<vmem>>, %arg8: memref<64x128xf32, #tpu.memory_space<vmem>>, %arg9: memref<64x128xf32, #tpu.memory_space<vmem>>, %arg10: memref<64x128xf32, #tpu.memory_space<vmem>>) attributes {dimension_semantics = [#tpu.dimension_semantics<arbitrary>], iteration_bounds = array<i64: 10>, scalar_prefetch = 0 : i64, scratch_operands = 2 : i64, tpu.core_type = #tpu.core_type<tc>, window_params = [{transform_indices = @transform_0, window_bounds = array<i64: 2, 1000, 64>}, {transform_indices = @transform_1, window_bounds = array<i64: 1000, 1>}, {pipeline_mode = #tpu.pipeline_mode<synchronous>, transform_indices = @transform_2, window_bounds = array<i64: 1, 64>}, {pipeline_mode = #tpu.pipeline_mode<synchronous>, transform_indices = @transform_3, window_bounds = array<i64: 1, 128>}, {pipeline_mode = #tpu.pipeline_mode<synchronous>, transform_indices = @transform_4, window_bounds = array<i64: 1, 1>}, {pipeline_mode = #tpu.pipeline_mode<synchronous>, transform_indices = @transform_5, window_bounds = array<i64: 128, 128>}, {pipeline_mode = #tpu.pipeline_mode<synchronous>, transform_indices = @transform_6, window_bounds = array<i64: 1, 128>}, {pipeline_mode = #tpu.pipeline_mode<synchronous>, transform_indices = @transform_7, window_bounds = array<i64: 64, 128>}]} {
    %eq3A = arith.constant 0 : i32
    %eq3A_0 = arith.cmpi eq, %arg0, %eq3A : i32
    %convert_element_type3A = arith.extui %eq3A_0 : i1 to i32
    %cond3A = arith.constant 0 : i32
    %cond3A_1 = arith.cmpi ne, %convert_element_type3A, %cond3A : i32
    scf.if %cond3A_1 {
      %broadcast_in_dim3A_72 = arith.constant 0.000000e+00 : f32
      %broadcast_in_dim3A_73 = vector.broadcast %broadcast_in_dim3A_72 : f32 to vector<64x128xf32>
      %swap3A_74 = arith.constant 0 : index
      %swap3A_75 = arith.constant 0 : index
      %swap3A_76 = vector.load %arg9[%swap3A_74, %swap3A_75] : memref<64x128xf32, #tpu.memory_space<vmem>>, vector<64x128xf32>
      tpu.vector_store %arg9[%swap3A_74, %swap3A_75], %broadcast_in_dim3A_73 {strides = array<i32>} : memref<64x128xf32, #tpu.memory_space<vmem>>, vector<64x128xf32>,
      %broadcast_in_dim3A_77 = arith.constant 0.000000e+00 : f32
      %broadcast_in_dim3A_78 = vector.broadcast %broadcast_in_dim3A_77 : f32 to vector<64x128xf32>
      %swap3A_79 = arith.constant 0 : index
      %swap3A_80 = arith.constant 0 : index
      %swap3A_81 = vector.load %arg10[%swap3A_79, %swap3A_80] : memref<64x128xf32, #tpu.memory_space<vmem>>, vector<64x128xf32>
      tpu.vector_store %arg10[%swap3A_79, %swap3A_80], %broadcast_in_dim3A_78 {strides = array<i32>} : memref<64x128xf32, #tpu.memory_space<vmem>>, vector<64x128xf32>,
    } else {
    }
    %get3A = arith.constant 0 : index
    %get3A_2 = arith.constant 0 : index
    %get3A_3 = arith.constant 0 : index
    %get3A_4 = vector.load %arg1[%get3A, %get3A_2, %get3A_3] : memref<2x1000x64xf32, #tpu.memory_space<vmem>>, vector<1x1000x64xf32>
    %get3A_5 = vector.shape_cast %get3A_4 : vector<1x1000x64xf32> to vector<1000x64xf32>
    %get3A_6 = arith.constant 1 : index
    %get3A_7 = arith.constant 0 : index
    %get3A_8 = arith.constant 0 : index
    %get3A_9 = vector.load %arg1[%get3A_6, %get3A_7, %get3A_8] : memref<2x1000x64xf32, #tpu.memory_space<vmem>>, vector<1x1000x64xf32>
    %get3A_10 = vector.shape_cast %get3A_9 : vector<1x1000x64xf32> to vector<1000x64xf32>
    %concatenate3A = tpu.concatenate %get3A_5, %get3A_10 in 1 : vector<1000x64xf32>, vector<1000x64xf32> -> vector<1000x128xf32>
    %get3A_11 = arith.constant 0 : index
    %get3A_12 = arith.constant 0 : index
    %get3A_13 = vector.load %arg4[%get3A_11, %get3A_12] : memref<1x128xf32, #tpu.memory_space<vmem>>, vector<1x128xf32>
    %mul3A = vector.broadcast %get3A_13 : vector<1x128xf32> to vector<1000x128xf32>
    %mul3A_14 = arith.mulf %concatenate3A, %mul3A : vector<1000x128xf32>
    %reduce_sum3A = arith.constant dense<0.000000e+00> : vector<1000xf32>
    %reduce_sum3A_15 = vector.multi_reduction <add>, %mul3A_14, %reduce_sum3A [1] : vector<1000x128xf32> to vector<1000xf32>
    %broadcast_in_dim3A = vector.shape_cast %reduce_sum3A_15 : vector<1000xf32> to vector<1000x1xf32>
    %get3A_16 = arith.constant 0 : index
    %get3A_17 = arith.constant 0 : index
    %get3A_18 = vector.load %arg5[%get3A_16, %get3A_17] : memref<1x1xf32, #tpu.memory_space<vmem>>, vector<1x1xf32>
    %get3A_19 = vector.extract %get3A_18[0, 0] : f32 from vector<1x1xf32>
    %add3A = vector.broadcast %get3A_19 : f32 to vector<1000x1xf32>
    %add3A_20 = arith.addf %broadcast_in_dim3A, %add3A : vector<1000x1xf32>
    %get3A_21 = arith.constant 0 : index
    %get3A_22 = arith.constant 0 : index
    %get3A_23 = vector.load %arg2[%get3A_21, %get3A_22] : memref<1000x1xi32, #tpu.memory_space<vmem>>, vector<1000x1xi32>
    %iota3A = tpu.iota {dimensions = array<i32: 1>} : vector<1x64xi32>
    %eq3A_24 = vector.broadcast %get3A_23 : vector<1000x1xi32> to vector<1000x64xi32>
    %eq3A_25 = vector.broadcast %iota3A : vector<1x64xi32> to vector<1000x64xi32>
    %eq3A_26 = arith.cmpi eq, %eq3A_24, %eq3A_25 : vector<1000x64xi32>
    %convert_element_type3A_27 = arith.extui %eq3A_26 : vector<1000x64xi1> to vector<1000x64xi32>
    %convert_element_type3A_28 = arith.sitofp %convert_element_type3A_27 : vector<1000x64xi32> to vector<1000x64xf32>
    %get3A_29 = arith.constant 0 : index
    %get3A_30 = arith.constant 0 : index
    %get3A_31 = vector.load %arg3[%get3A_29, %get3A_30] : memref<1x64xf32, #tpu.memory_space<vmem>>, vector<1x64xf32>
    %mul3A_32 = vector.broadcast %get3A_31 : vector<1x64xf32> to vector<1000x64xf32>
    %mul3A_33 = arith.mulf %convert_element_type3A_28, %mul3A_32 : vector<1000x64xf32>
    %reduce_sum3A_34 = arith.constant dense<0.000000e+00> : vector<1000xf32>
    %reduce_sum3A_35 = vector.multi_reduction <add>, %mul3A_33, %reduce_sum3A_34 [1] : vector<1000x64xf32> to vector<1000xf32>
    %broadcast_in_dim3A_36 = vector.shape_cast %reduce_sum3A_35 : vector<1000xf32> to vector<1000x1xf32>
    %sub3A = arith.subf %add3A_20, %broadcast_in_dim3A_36 : vector<1000x1xf32>
    %exp3A = math.exp %sub3A : vector<1000x1xf32>
    %get3A_37 = arith.constant 0 : index
    %get3A_38 = arith.constant 0 : index
    %get3A_39 = vector.load %arg6[%get3A_37, %get3A_38] : memref<128x128xf32, #tpu.memory_space<vmem>>, vector<128x128xf32>
    %dot_general3A = arith.constant dense<0.000000e+00> : vector<1000x128xf32>
    %dot_general3A_40 = tpu.matmul %concatenate3A, %get3A_39, %dot_general3A {dimension_numbers = #tpu.dot_dimension_numbers<[1], [0], [0], [1], [0, 0, 1, 1], [], []>, transpose_lhs_hint = false} : vector<1000x128xf32>, vector<128x128xf32>, vector<1000x128xf32> -> vector<1000x128xf32>
    %get3A_41 = arith.constant 0 : index
    %get3A_42 = arith.constant 0 : index
    %get3A_43 = vector.load %arg7[%get3A_41, %get3A_42] : memref<1x128xf32, #tpu.memory_space<vmem>>, vector<1x128xf32>
    %add3A_44 = vector.broadcast %get3A_43 : vector<1x128xf32> to vector<1000x128xf32>
    %add3A_45 = arith.addf %dot_general3A_40, %add3A_44 : vector<1000x128xf32>
    %get3A_46 = arith.constant 0 : index
    %get3A_47 = arith.constant 0 : index
    %get3A_48 = vector.load %arg9[%get3A_46, %get3A_47] : memref<64x128xf32, #tpu.memory_space<vmem>>, vector<64x128xf32>
    %mul3A_49 = vector.broadcast %exp3A : vector<1000x1xf32> to vector<1000x128xf32>
    %mul3A_50 = arith.mulf %mul3A_49, %add3A_45 : vector<1000x128xf32>
    %dot_general3A_51 = arith.constant dense<0.000000e+00> : vector<64x128xf32>
    %dot_general3A_52 = tpu.matmul %convert_element_type3A_28, %mul3A_50, %dot_general3A_51 {dimension_numbers = #tpu.dot_dimension_numbers<[0], [0], [1], [1], [0, 1, 1, 1], [], []>, transpose_lhs_hint = false} : vector<1000x64xf32>, vector<1000x128xf32>, vector<64x128xf32> -> vector<64x128xf32>
    %add3A_53 = arith.addf %get3A_48, %dot_general3A_52 : vector<64x128xf32>
    %swap3A = arith.constant 0 : index
    %swap3A_54 = arith.constant 0 : index
    %swap3A_55 = vector.load %arg9[%swap3A, %swap3A_54] : memref<64x128xf32, #tpu.memory_space<vmem>>, vector<64x128xf32>
    tpu.vector_store %arg9[%swap3A, %swap3A_54], %add3A_53 {strides = array<i32>} : memref<64x128xf32, #tpu.memory_space<vmem>>, vector<64x128xf32>,
    %get3A_56 = arith.constant 0 : index
    %get3A_57 = arith.constant 0 : index
    %get3A_58 = vector.load %arg10[%get3A_56, %get3A_57] : memref<64x128xf32, #tpu.memory_space<vmem>>, vector<64x128xf32>
    %broadcast_in_dim3A_59 = vector.shape_cast %exp3A : vector<1000x1xf32> to vector<1000x1xf32>
    %broadcast_in_dim3A_60 = vector.broadcast %broadcast_in_dim3A_59 : vector<1000x1xf32> to vector<1000x128xf32>
    %dot_general3A_61 = arith.constant dense<0.000000e+00> : vector<64x128xf32>
    %dot_general3A_62 = tpu.matmul %convert_element_type3A_28, %broadcast_in_dim3A_60, %dot_general3A_61 {dimension_numbers = #tpu.dot_dimension_numbers<[0], [0], [1], [1], [0, 1, 1, 1], [], []>, transpose_lhs_hint = false} : vector<1000x64xf32>, vector<1000x128xf32>, vector<64x128xf32> -> vector<64x128xf32>
    %add3A_63 = arith.addf %get3A_58, %dot_general3A_62 : vector<64x128xf32>
    %swap3A_64 = arith.constant 0 : index
    %swap3A_65 = arith.constant 0 : index
    %swap3A_66 = vector.load %arg10[%swap3A_64, %swap3A_65] : memref<64x128xf32, #tpu.memory_space<vmem>>, vector<64x128xf32>
    tpu.vector_store %arg10[%swap3A_64, %swap3A_65], %add3A_63 {strides = array<i32>} : memref<64x128xf32, #tpu.memory_space<vmem>>, vector<64x128xf32>,
    %eq3A_67 = arith.constant 9 : i32
    %eq3A_68 = arith.cmpi eq, %arg0, %eq3A_67 : i32
    %convert_element_type3A_69 = arith.extui %eq3A_68 : i1 to i32
    %cond3A_70 = arith.constant 0 : i32
    %cond3A_71 = arith.cmpi ne, %convert_element_type3A_69, %cond3A_70 : i32
    scf.if %cond3A_71 {
      %get3A_72 = arith.constant 0 : index
      %get3A_73 = arith.constant 0 : index
      %get3A_74 = vector.load %arg9[%get3A_72, %get3A_73] : memref<64x128xf32, #tpu.memory_space<vmem>>, vector<64x128xf32>
      %get3A_75 = arith.constant 0 : index
      %get3A_76 = arith.constant 0 : index
      %get3A_77 = vector.load %arg10[%get3A_75, %get3A_76] : memref<64x128xf32, #tpu.memory_space<vmem>>, vector<64x128xf32>
      %add3A_78 = arith.constant 1.000000e-16 : f32
      %add3A_79 = vector.broadcast %add3A_78 : f32 to vector<64x128xf32>
      %add3A_80 = arith.addf %get3A_77, %add3A_79 : vector<64x128xf32>
      %div3A = arith.divf %get3A_74, %add3A_80 : vector<64x128xf32>
      %swap3A_81 = arith.constant 0 : index
      %swap3A_82 = arith.constant 0 : index
      %swap3A_83 = vector.load %arg8[%swap3A_81, %swap3A_82] : memref<64x128xf32, #tpu.memory_space<vmem>>, vector<64x128xf32>
      tpu.vector_store %arg8[%swap3A_81, %swap3A_82], %div3A {strides = array<i32>} : memref<64x128xf32, #tpu.memory_space<vmem>>, vector<64x128xf32>,
    } else {
    }
    return
  }
  func.func @transform_0(%arg0: i32) -> (i32, i32, i32) {
    %c0_i32 = arith.constant 0 : i32
    %c0_i32_0 = arith.constant 0 : i32
    %c0_i32_1 = arith.constant 0 : i32
    return %c0_i32, %arg0, %c0_i32_0 : i32, i32, i32
  }
  func.func @transform_1(%arg0: i32) -> (i32, i32) {
    %c0_i32 = arith.constant 0 : i32
    %c0_i32_0 = arith.constant 0 : i32
    return %arg0, %c0_i32 : i32, i32
  }
  func.func @transform_2(%arg0: i32) -> (i32, i32) {
    %c0_i32 = arith.constant 0 : i32
    %c0_i32_0 = arith.constant 0 : i32
    %c0_i32_1 = arith.constant 0 : i32
    return %c0_i32, %c0_i32_0 : i32, i32
  }
  func.func @transform_3(%arg0: i32) -> (i32, i32) {
    %c0_i32 = arith.constant 0 : i32
    %c0_i32_0 = arith.constant 0 : i32
    %c0_i32_1 = arith.constant 0 : i32
    return %c0_i32, %c0_i32_0 : i32, i32
  }
  func.func @transform_4(%arg0: i32) -> (i32, i32) {
    %c0_i32 = arith.constant 0 : i32
    %c0_i32_0 = arith.constant 0 : i32
    %c0_i32_1 = arith.constant 0 : i32
    return %c0_i32, %c0_i32_0 : i32, i32
  }
  func.func @transform_5(%arg0: i32) -> (i32, i32) {
    %c0_i32 = arith.constant 0 : i32
    %c0_i32_0 = arith.constant 0 : i32
    %c0_i32_1 = arith.constant 0 : i32
    return %c0_i32, %c0_i32_0 : i32, i32
  }
  func.func @transform_6(%arg0: i32) -> (i32, i32) {
    %c0_i32 = arith.constant 0 : i32
    %c0_i32_0 = arith.constant 0 : i32
    %c0_i32_1 = arith.constant 0 : i32
    return %c0_i32, %c0_i32_0 : i32, i32
  }
  func.func @transform_7(%arg0: i32) -> (i32, i32) {
    %c0_i32 = arith.constant 0 : i32
    %c0_i32_0 = arith.constant 0 : i32
    %c0_i32_1 = arith.constant 0 : i32
    return %c0_i32, %c0_i32_0 : i32, i32
  }
}

</mosaic_0001>

<sc_bundles>
// kernel: kernel.14.cloned.1.call-start
scs
__scs_entry_jumppad:
0x0: {  	(pc) =	sbr.rel $0x88, $3  }
0x1: {  	(tag) =	ssettag $0x0;
	lr =	simm.s32 $0x1  }
0x2: {  	[smem:$0x3F8F] =	sst lr;
	_ =	strace $0xD0000000  }
0x3: {  	_ = 	snop  }
0x4: {  	_ = 	snop  }
0x5: {  	_ = 	snop  }
0x6: {  	_ = 	snop  }
0x7: {  	_ = 	snop  }
__scs_overlays_trampoline_lowered:
0x8: {  	[smem:$0x3F9E] =	sst s0  }
0x9: {  	[smem:$0x3F9F] =	sst s1  }
0xa: {  	[smem:$0x3FA0] =	sst s2  }
0xb: {  	[smem:$0x3FA1] =	sst s3  }
0xc: {  	[smem:$0x3FA2] =	sst s4  }
0xd: {  	[smem:$0x3FA3] =	sst s5  }
0xe: {  	[smem:$0x3FA4] =	sst s6  }
0xf: {  	[smem:$0x3FA5] =	sst s7  }
0x10: {  	[smem:$0x3FA6] =	sst s8  }
0x11: {  	[smem:$0x3FA7] =	sst s9;
	s0 =	simm.s32 @!p0 $0x0  }
0x12: {  	s1 =	sld [smem:$0x3F8D];
	s0 =	simm.s32 @p0 $0x1  }
0x13: {  	[smem:$0x3FA8] =	sst s0;
	s0 =	simm.s32 @!p1 $0x0  }
0x14: {  	s2 =	sld [smem:$0x3F8C];
	s0 =	simm.s32 @p1 $0x1  }
0x15: {  	[smem:$0x3FA9] =	sst s0;
	s0 =	simm.s32 @!p2 $0x0  }
0x16: {  	s3 =	sld [smem:$0x3FDB];
	s0 =	simm.s32 @p2 $0x1  }
0x17: {  	s4 =	simm.s32 $0x1BF5;
	[smem:$0x3FAB] =	sst s0  }
0x18: {  	s0 =	sld [smem:$0x3F8E];
	_ =	swait.ge [sflag:s4], $0x0  }
0x19: {  	s7 =	sld [smem:$0x3F8F]  }
0x1a: {  	s8 =	sadd.s32 $0xFFFFE003, lr  }
0x1b: {  	s9 =	sadd.s32 $0xFFFFFEF7, lr;
	s5 =	simm.s32 $0xFFFFFFFF;
	p2 =	slt.u32 s8, $0xFFFFF086  }
0x1c: {  	p1 =	slt.u32 s9, $0xF7A;
	s5 =	simm.s32 @!p2 $0x0  }
0x1d: {  	s5 =	simm.s32 @p1 $0x1;
	p0 =	seq.s32 s7, s2  }
0x1e: {  	s7 =	smul.u32 @!p0 $0xF7A, s2;
	p2 =	seq.s32 @!p0 s5, $0x0  }
0x1f: {  	s9 =	smul.u32 $0xF7A, s1;
	s8 =	simm.s32 @!p0 $0x1BF5;
	p2 =	por !p2, p0  }
0x20: {  	[sflag:s8] =	ssyncset.s32 @!p0 $0xFFFFF086;
	s6 =	sadd.s32 @!p0 s3, s7;
	s7 =	simm.s32 @!p0 $0x108  }
0x21: {  	s3 =	sadd.s32 s3, s9;
	s6 =	sadd.s32 @!p0 $0x88, s6;
	s7 =	simm.s32 @p2 $0x1082  }
0x22: {  	[simem:s7], [sflag:s8] =	dma.local @!p0 [hbm:s6], $0xF7A  }
0x23: {  	s9 =	sor.u32 $0xD0000000, s2;
	s6 =	simm.s32 $0x108;
	_ =	swait.ge @!p0 [sflag:s8], $0x0  }
0x24: {  	s3 =	sadd.s32 $0x88, s3;
	s6 =	simm.s32 @!p1 $0x1082;
	[sflag:s4] =	ssyncset.s32 $0xFFFFF086  }
0x25: {  	[simem:s6], [sflag:s4] =	dma.local [hbm:s3], $0xF7A  }
0x26: {  	[smem:$0x3F8F] =	sst s1;
	(tag) =	ssettag s2;
	_ =	strace s9  }
0x27: {  	s1 =	sld [smem:$0x3F9F]  }
0x28: {  	s2 =	sld [smem:$0x3FA0]  }
0x29: {  	s4 =	sld [smem:$0x3FA2]  }
0x2a: {  	p0 =	seq.s32 s5, $0x0;
	s5 =	sld [smem:$0x3FA3]  }
0x2b: {  	s6 =	sld [smem:$0x3FA4]  }
0x2c: {  	s7 =	sld [smem:$0x3FA5]  }
0x2d: {  	s3 =	simm.s32 $0x108;
	s8 =	sld [smem:$0x3FA6]  }
0x2e: {  	s3 =	simm.s32 @!p0 $0x1082;
	s9 =	sld [smem:$0x3FA7]  }
0x2f: {  	lr =	sadd.s32 s0, s3;
	s0 =	sld [smem:$0x3F9E]  }
0x30: {  	s3 =	sld [smem:$0x3FA1]  }
0x31: {  	[smem:$0x3FAA] =	sst s10  }
0x32: {  	s10 =	sld [smem:$0x3FA8];
	_ =	sdelay $0x3  }
0x33: {  	p0 =	seq.s32 s10, $0x1;
	s10 =	sld [smem:$0x3FAA];
	_ =	sdelay $0x3  }
0x34: {  	[smem:$0x3FAA] =	sst s10  }
0x35: {  	s10 =	sld [smem:$0x3FA9];
	_ =	sdelay $0x3  }
0x36: {  	p1 =	seq.s32 s10, $0x1;
	s10 =	sld [smem:$0x3FAA];
	_ =	sdelay $0x3  }
0x37: {  	[smem:$0x3FAA] =	sst s10  }
0x38: {  	s10 =	sld [smem:$0x3FAB]  }
0x39: {  	_ = 	snop;
	(pc) =	sbr.ind lr, $3  }
0x3a: {  	_ = 	snop  }
0x3b: {  	_ = 	snop  }
0x3c: {  	p2 =	seq.s32 s10, $0x1;
	s10 =	sld [smem:$0x3FAA]  }
0x3d: {  	_ =	shalt  }
0x3e: {  	_ =	shalt  }
0x3f: {  	_ =	shalt  }
0x40: {  	_ =	shalt  }
0x41: {  	_ =	shalt  }
0x42: {  	_ =	shalt  }
0x43: {  	_ =	shalt  }
0x44: {  	_ =	shalt  }
0x45: {  	_ =	shalt  }
0x46: {  	_ =	shalt  }
0x47: {  	_ =	shalt  }
0x48: {  	_ =	shalt  }
0x49: {  	_ =	shalt  }
0x4a: {  	_ =	shalt  }
0x4b: {  	_ =	shalt  }
0x4c: {  	_ =	shalt  }
0x4d: {  	_ =	shalt  }
0x4e: {  	_ =	shalt  }
0x4f: {  	_ =	shalt  }
0x50: {  	_ =	shalt  }
0x51: {  	_ =	shalt  }
0x52: {  	_ =	shalt  }
0x53: {  	_ =	shalt  }
0x54: {  	_ =	shalt  }
0x55: {  	_ =	shalt  }
0x56: {  	_ =	shalt  }
0x57: {  	_ =	shalt  }
0x58: {  	_ =	shalt  }
0x59: {  	_ =	shalt  }
0x5a: {  	_ =	shalt  }
0x5b: {  	_ =	shalt  }
0x5c: {  	_ =	shalt  }
0x5d: {  	_ =	shalt  }
0x5e: {  	_ =	shalt  }
0x5f: {  	_ =	shalt  }
0x60: {  	_ =	shalt  }
0x61: {  	_ =	shalt  }
0x62: {  	_ =	shalt  }
0x63: {  	_ =	shalt  }
0x64: {  	_ =	shalt  }
0x65: {  	_ =	shalt  }
0x66: {  	_ =	shalt  }
0x67: {  	_ =	shalt  }
0x68: {  	_ =	shalt  }
0x69: {  	_ =	shalt  }
0x6a: {  	_ =	shalt  }
0x6b: {  	_ =	shalt  }
0x6c: {  	_ =	shalt  }
0x6d: {  	_ =	shalt  }
0x6e: {  	_ =	shalt  }
0x6f: {  	_ =	shalt  }
0x70: {  	_ =	shalt  }
0x71: {  	_ =	shalt  }
0x72: {  	_ =	shalt  }
0x73: {  	_ =	shalt  }
0x74: {  	_ =	shalt  }
0x75: {  	_ =	shalt  }
0x76: {  	_ =	shalt  }
0x77: {  	_ =	shalt  }
0x78: {  	_ =	shalt  }
0x79: {  	_ =	shalt  }
0x7a: {  	_ =	shalt  }
0x7b: {  	_ =	shalt  }
0x7c: {  	_ =	shalt  }
0x7d: {  	_ =	shalt  }
0x7e: {  	_ =	shalt  }
0x7f: {  	_ =	shalt  }
0x80: {  	_ =	shalt  }
0x81: {  	_ =	shalt  }
0x82: {  	_ =	shalt  }
0x83: {  	_ =	shalt  }
0x84: {  	_ =	shalt  }
0x85: {  	_ =	shalt  }
0x86: {  	_ =	shalt  }
0x87: {  	_ =	shalt  }
.Lfunc_end0:
.L_simem_size_0:
called_computation_lowered:
.L_overlay_start_0:
0x88: {  	s2 =	sld [smem:$0x3FD9]  }
0x89: {  	s3 =	sld [smem:$0x3FFE];
	_ =	sdelay $0x1  }
0x8a: {  	s1 =	srdreg.scid  }
0x8b: {  	s0 =	sand.u32 $0x1, s1  }
0x8c: {  	s16 =	sshll.u32 s0, $0xA;
	s2 =	sadd.s32 s3, s2  }
0x8d: {  	s2 =	sadd.s32 s2, s16  }
0x8e: {  	[smem:$0x3FB6] =	sst s2  }
0x8f: {  	_ = 	snop  }
0x90: {  	(tm) =	ssettm $0x1  }
0x91: {  	s17 =	sld [smem:$0x3FFB];
	_ =	sdelay $0x3  }
0x92: {  	_ =	strace s17  }
0x93: {  	s2 =	sld [smem:$0x3FFC];
	_ =	sdelay $0x3  }
0x94: {  	_ =	strace s2  }
0x95: {  	s2 =	sld [smem:$0x3FFD];
	_ =	sdelay $0x3  }
0x96: {  	_ =	strace s2  }
0x97: {  	_ =	strace $0x8FFFFFFF  }
0x98: {  	s18 =	sld [smem:$0x3FDB];
	_ =	sdelay $0x1  }
0x99: {  	s19 =	simm.s32 $_scs_section_size  }
0x9a: {  	s4 =	simm.s32 $_size__tile_overlayer_lowered;
	s5 =	simm.s32 $_tile_overlayer_lowered  }
0x9b: {  	s22 =	simm.s32 $0x1BFF;
	s21 =	sshll.u32 s5, $0x1;
	s2 =	sadd.s32 s19, s18  }
0x9c: {  	s6 =	simm.s32 $0x0;
	s20 =	sshll.u32 s4, $0x1;
	s4 =	sadd.s32 s21, s2  }
0x9d: {  	[timem:s6], [sflag:s22] =	dma.local [hbm:s4], s20  }
0x9e: {  	_ =	swait.ge [sflag:s22], s20  }
0x9f: {  	s3 =	ssub.s32 $0x0, s20;
	[sflag:s22] =	ssyncset.done $0x0  }
0xa0: {  	[sflag:s22] =	ssyncadd.s32 s3;
	_ =	sdelay $0x1  }
0xa1: {  	s23 =	simm.s32 $0x1B8B  }
0xa2: {  	_ =	swait.ge [sflag:s23], $0x1  }
0xa3: {  	[sflag:s23] =	ssyncset.done $0x0  }
0xa4: {  	s25 =	simm.s32 $0x1B8E;
	s24 =	sld [smem:$0x3FFE];
	[sflag:s23] =	ssyncadd.s32 $0xFFFFFFFF  }
0xa5: {  	s26 =	simm.s32 $execute0_lowered;
	[smem:$0x3FD2] =	sst s25  }
0xa6: {  	s4 =	sshll.u32 s26, $0x1;
	_ =	strace $0x80000046;
	[dreg:$0x1] =	wrdreg $0xFFFFFFFF  }
0xa7: {  	s28 =	simm.s32 $_size_execute0_lowered;
	s2 =	sadd.s32 s2, s4;
	[dreg:$0x0] =	wrdreg $0x0  }
0xa8: {  	s4 =	sshll.u32 s28, $0x1;
	[dreg:$0x2] =	wrdreg s2  }
0xa9: {  	[dreg:$0x3] =	wrdreg s4  }
0xaa: {  	[dreg:$0x4] =	wrdreg $0xC0  }
0xab: {  	_ =	task [dreg:s6], $0x5FFFF  }
0xac: {  	[dreg:$0x1] =	wrdreg $0xFFFFFFFF  }
0xad: {  	[dreg:$0x0] =	wrdreg $0x60  }
0xae: {  	[dreg:$0x2] =	wrdreg s24  }
0xaf: {  	[dreg:$0x3] =	wrdreg $0x0  }
0xb0: {  	[dreg:$0x4] =	wrdreg $0x9  }
0xb1: {  	_ =	task.clear_ibuf [dreg:s6], $0x5FFFF;
	_ =	strace $0x90000046  }
0xb2: {  	s29 =	simm.s32 $0x9;
	_ =	strace $0x80000048  }
0xb3: {  	_ =	swait.ge [sflag:s29], $0x1  }
0xb4: {  	[sflag:s29] =	ssyncadd.s32 $0xFFFFFFFF  }
0xb5: {  	_ =	strace $0x90000048  }
0xb6: {  	_ =	sfence  }
0xb7: {  	s30 =	sld [smem:$0x0];
	_ =	sdelay $0x2  }
0xb8: {  	s31 =	sshll.u32 s1, $0xD;
	s1 =	sshrl.u32 s1, $0x2  }
0xb9: {  	s3 =	sand.u32 $0x4000, s31;
	s1 =	sadd.s32 s1, s30  }
0xba: {  	s0 =	sor.u32 s3, s0;
	s1 =	sshll.u32 s1, $0x11  }
0xbb: {  	s0 =	sor.u32 s1, s0  }
0xbc: {  	s0 =	sadd.s32 $0x8F2B, s0  }
0xbd: {  	[sflag:s0] =	ssyncadd.remote.s32 $0x1  }
0xbe: {  	_ =	sfence.sel $0xFFFF  }
0xbf: {  	[dreg:$0x0] =	wrdreg $0xFFFFFFFF;
	(pc) =	sbr.abs _section_cstart, $3  }
0xc0: {  	[dreg:$0x1] =	wrdreg $0xFFFFFFFF  }
0xc1: {  	_ =	task.clear_ibuf [dreg:s6], $0x2FFFF;
	_ =	strace $0x9FFFFFFF  }
0xc2: {  	(tm) =	ssettm $0x7FFFFFFF  }
0xc3: {  	_ =	shalt  }
tec
execute0_lowered:
.L_overlay_start_1:
0x0: {  	(tag) =	ssettag $0x1  }
0x1: {  	s0 =	rddreg [dreg:$0x0]  }
0x2: {  	s2 =	rddreg [dreg:$0x1];
	s3 =	simm.s32 $0x0  }
0x3: {  	s13 =	stileid.u32;
	s6 =	srdreg.scid;
	s28 =	simm.s32 $0x5  }
0x4: {  	s29 =	simm.s32 $0x9C40;
	s31 =	simm.s32 $0x13880;
	s30 =	simm.s32 $0x1  }
0x5: {  	[smem:$0x7FF] =	sst s3;
	s1 =	smul.u32 $0x4E20, s13;
	s4 =	sadd.s32 $0x54B200, s0  }
0x6: {  	s5 =	sadd.s32 $0x1B000, s0;
	s6 =	sand.u32 $0x1, s6;
	s14 =	sadd.s32 $0x585E00, s0  }
0x7: {  	s19 =	sadd.s32 $0x572400, s0;
	s9 =	smul.u32 $0x28000, s13;
	p0 =	seq.s32 s13, $0xF  }
0x8: {  	p4 =	sne.s32 s13, $0xF;
	s21 =	sadd.s32 $0x96000, s2;
	s10 =	sadd.s32 $0x98800, s2  }
0x9: {  	s11 =	sadd.s32 $0x99C00, s2;
	s12 =	sadd.s32 $0x9B000, s2;
	_ =	strace $0x80000047  }
0xa: {  	s8 =	ssub.s32 $0x2, s6;
	s17 =	smul.u32 $0x4E200, s6;
	[dreg:$0x3] =	wrdreg s14  }
0xb: {  	p3 =	seq.s32 s6, $0x0;
	p1 =	seq.s32 s6, $0x1;
	[dreg:$0x4] =	wrdreg s19  }
0xc: {  	[dreg:$0x5] =	wrdreg s21;
	s7 =	sshrl.u32 s1, $0x3;
	s24 =	sshrl.u32 s8, $0x1  }
0xd: {  	s9 =	sshrl.u32 s9, $0x2;
	p2 =	por !p3, !p4;
	p3 =	por !p3, !p0  }
0xe: {  	p4 =	por !p4, !p1;
	s7 =	sadd.s32 s7, s0;
	s0 =	ssub.s32 s8, s24  }
0xf: {  	s8 =	sadd.s32 $0x97400, s2;
	s9 =	sadd.s32 s9, s2;
	s17 =	sadd.s32 s1, s17  }
0x10: {  	p2 =	por !p2, !p2;
	p3 =	por !p3, !p3;
	p4 =	por !p4, !p4  }
0x11: {  	s1 =	simm.s32 $0x0;
	s15 =	sadd.s32 $0x1400, s9;
	s25 =	sadd.s32 $0x2800, s9  }
0x12: {  	s18 =	sadd.s32 $0x5000, s9;
	s20 =	sadd.s32 $0x6400, s9;
	s22 =	sadd.s32 $0x7800, s9  }
0x13: {  	s16 =	sadd.s32 $0x8C00, s9;
	s26 =	sadd.s32 $0x11200, s7;
	[dreg:$0x6] =	wrdreg s15  }
0x14: {  	s7 =	sadd.s32 $0x7400, s7;
	s24 =	smax.u32 s0, $0x1;
	[dreg:$0x7] =	wrdreg s25  }
0x15: {  	p4 =	por !p4, p3;
	s0 =	simm.s32 $0x50;
	[dreg:$0xb] =	wrdreg s26  }
0x16: {  	s15 =	sadd.s32 $0x3C00, s9;
	[dreg:$0xc] =	wrdreg s7;
	s18 =	smov.u32 @p0 s8  }
0x17: {  	s8 =	sshll.u32 s17, $0x3;
	s20 =	smov.u32 @p0 s10;
	s10 =	smul.u32 $0xA000, s13  }
0x18: {  	s13 =	smul.u32 $0x2710, s6;
	s22 =	smov.u32 @p0 s11;
	s16 =	smov.u32 @p0 s12  }
0x19: {  	s6 =	simm.s32 $0x14C80;
	s7 =	simm.s32 $0x3;
	[dreg:$0x8] =	wrdreg s18  }
.Ltmp0:
0x1a: {  	s11 =	simm.s32 $0x4;
	[dreg:$0x9] =	wrdreg s20;
	(pc) =	sbr.rel .LBB2_1-.Ltmp0, $4  }
0x1b: {  	s20 =	sadd.s32 s5, s8;
	[dreg:$0xa] =	wrdreg s22;
	s15 =	smov.u32 @p0 s21  }
0x1c: {  	s8 =	simm.s32 $0x17480;
	s25 =	sshrl.u32 s10, $0x3;
	s22 =	sadd.s32 s10, s2  }
0x1d: {  	s10 =	simm.s32 $0x2;
	s26 =	sadd.s32 s14, s25;
	s23 =	sadd.s32 s19, s25  }
0x1e: {  	v1 =	vimm.f32 $0.0e+00;
	v0 =	vmov s13;
	s25 =	sadd.s32 $0x280, s20;
	[dreg:$0xd] =	wrdreg s26;
	s26 =	simm.s32 $0x16080  }
.LBB2_14:
0x1f: {  	s1 =	sadd.s32 $0x1, s1  }
0x20: {  	p5 =	sne.s32 s1, s24  }
.Ltmp1:
0x21: {  	_ = 	snop;
	(pc) =	sbr.rel @!p5 .LBB2_15-.Ltmp1, $1  }
0x22: {  	_ =	sdelay $0x3  }
.LBB2_1:
0x23: {  	s18 =	simm.s32 $0x100;
	s12 =	simm.s32 $0x0  }
.LBB2_2:
0x24: {  	p5 =	sne.s32 s18, $0x4F00;
	[tilespmem:s12+$0x160B0] =	vst v1;
	s19 =	smov.u32 s18;
	s18 =	sadd.s32 $0x100, s18  }
.Ltmp2:
0x25: {  	[tilespmem:s12+$0x160A0] =	vst v1;
	(pc) =	sbr.rel @p5 .LBB2_2-.Ltmp2, $3  }
0x26: {  	[tilespmem:s12+$0x16080] =	vst v1  }
0x27: {  	[tilespmem:s12+$0x16090] =	vst v1;
	_ =	sdelay $0x1  }
0x28: {  	s12 =	sshra.s32 s19, $0x2  }
0x29: {  	[tilespmem:s12+$0x160B0] =	vst v1  }
0x2a: {  	[tilespmem:s12+$0x160A0] =	vst v1  }
0x2b: {  	[tilespmem:s12+$0x16080] =	vst v1  }
0x2c: {  	[tilespmem:s12+$0x16090] =	vst v1;
	s12 =	simm.s32 @!p0 $0x16080;
	s18 =	simm.s32 @!p0 $0x5  }
0x2d: {  	[spmem:s9] =	stream.linear.scatter @!p0 [tilespmem:s12], [sflag:$0x5], $0x1400, $0x38;
	[tilespmem:$0x18880] =	vst v63  }
0x2e: {  	_ =	swait.ge @!p0 [sflag:s18], $0x1400  }
0x2f: {  	[sflag:s18] =	ssyncset.done @!p0 $0x0  }
0x30: {  	s13 =	rddreg [dreg:$0x6];
	[sflag:s18] =	ssyncadd.s32 @!p0 $0xFFFFEC00  }
0x31: {  	[spmem:s13] =	stream.linear.scatter @!p0 [tilespmem:s12], [sflag:$0x5], $0x1400, $0x38;
	[tilespmem:$0x18880] =	vst v63  }
0x32: {  	_ =	swait.ge @!p0 [sflag:s18], $0x1400  }
0x33: {  	[sflag:s18] =	ssyncset.done @!p0 $0x0  }
0x34: {  	s13 =	rddreg [dreg:$0x7];
	[sflag:s18] =	ssyncadd.s32 @!p0 $0xFFFFEC00  }
0x35: {  	[spmem:s13] =	stream.linear.scatter @!p0 [tilespmem:s12], [sflag:$0x5], $0x1400, $0x38;
	[tilespmem:$0x18880] =	vst v63  }
0x36: {  	_ =	swait.ge @!p0 [sflag:s18], $0x1400  }
0x37: {  	[sflag:s18] =	ssyncset.done @!p0 $0x0  }
0x38: {  	[sflag:s18] =	ssyncadd.s32 @!p0 $0xFFFFEC00  }
0x39: {  	[spmem:s15] =	stream.linear.scatter [tilespmem:s26], [sflag:$0x5], $0x1400, $0x38;
	[tilespmem:$0x18880] =	vst v63  }
0x3a: {  	_ =	swait.ge [sflag:s28], $0x1400  }
0x3b: {  	[sflag:s28] =	ssyncset.done $0x0  }
0x3c: {  	s21 =	rddreg [dreg:$0x8];
	[sflag:s28] =	ssyncadd.s32 $0xFFFFEC00  }
0x3d: {  	[spmem:s21] =	stream.linear.scatter [tilespmem:s26], [sflag:$0x5], $0x1400, $0x38;
	[tilespmem:$0x18880] =	vst v63  }
0x3e: {  	_ =	swait.ge [sflag:s28], $0x1400  }
0x3f: {  	[sflag:s28] =	ssyncset.done $0x0  }
0x40: {  	s13 =	rddreg [dreg:$0x9];
	[sflag:s28] =	ssyncadd.s32 $0xFFFFEC00  }
0x41: {  	[spmem:s13] =	stream.linear.scatter [tilespmem:s26], [sflag:$0x5], $0x1400, $0x38;
	[tilespmem:$0x18880] =	vst v63  }
0x42: {  	_ =	swait.ge [sflag:s28], $0x1400  }
0x43: {  	[sflag:s28] =	ssyncset.done $0x0  }
0x44: {  	s14 =	rddreg [dreg:$0xa];
	[sflag:s28] =	ssyncadd.s32 $0xFFFFEC00  }
0x45: {  	[spmem:s14] =	stream.linear.scatter [tilespmem:s26], [sflag:$0x5], $0x1400, $0x38;
	[tilespmem:$0x18880] =	vst v63  }
0x46: {  	_ =	swait.ge [sflag:s28], $0x1400  }
0x47: {  	[sflag:s28] =	ssyncset.done $0x0  }
0x48: {  	[sflag:s28] =	ssyncadd.s32 $0xFFFFEC00  }
0x49: {  	[spmem:s16] =	stream.linear.scatter [tilespmem:s26], [sflag:$0x5], $0x1400, $0x38;
	[tilespmem:$0x18880] =	vst v63  }
0x4a: {  	_ =	swait.ge [sflag:s28], $0x1400  }
0x4b: {  	[sflag:s28] =	ssyncset.done $0x0  }
0x4c: {  	[sflag:s28] =	ssyncadd.s32 $0xFFFFEC00  }
0x4d: {  	[bflag:$0x0] =	sbarrier.arrive $0xFFFF  }
0x4e: {  	s18 =	simm.s32 $0x0;
	s19 =	rddreg [dreg:$0xb]  }
0x4f: {  	[tilespmem:s29], [sflag:$0x5] =	stream.linear.gather [hbm4b:s19+s18], $0x4E20, $0x38;
	[tilespmem:$0x18880] =	vst v63  }
0x50: {  	_ =	swait.ge [sflag:s28], $0x4E20  }
0x51: {  	[sflag:s28] =	ssyncset.done $0x0  }
0x52: {  	s14 =	simm.s32 $0xEA60;
	s21 =	rddreg [dreg:$0xc];
	[sflag:s28] =	ssyncadd.s32 $0xFFFFB1E0  }
0x53: {  	[tilespmem:s14], [sflag:$0x5] =	stream.linear.gather [hbm4b:s21+s18], $0x4E20, $0x38;
	[tilespmem:$0x18880] =	vst v63  }
0x54: {  	_ =	swait.ge [sflag:s28], $0x4E20  }
0x55: {  	[sflag:s28] =	ssyncset.done $0x0  }
0x56: {  	s18 =	simm.s32 $0x0;
	[sflag:s28] =	ssyncadd.s32 $0xFFFFB1E0  }
0x57: {  	v5 =	vld [tilespmem:s18+$0x9C40]  }
0x58: {  	v4 =	vld [tilespmem:s18+$0x9C50]  }
0x59: {  	v3 =	vld [tilespmem:s18+$0x9C60]  }
0x5a: {  	s12 =	simm.s32 $0x140;
	v2 =	vld [tilespmem:s18+$0x9C70]  }
.LBB2_4:
0x5b: {  	p5 =	sne.s32 s12, $0x13740;
	v6 =	vld [tilespmem:s18+$0x9C80]  }
0x5c: {  	v5 =	vadd.s32 v0, v5  }
.Ltmp3:
0x5d: {  	s19 =	sshra.s32 s12, $0x2;
	[tilespmem:s18+$0x9C40] =	vst v5;
	v4 =	vadd.s32 v0, v4;
	(pc) =	sbr.rel @p5 .LBB2_4-.Ltmp3, $4  }
0x5e: {  	v5 =	vld [tilespmem:s19+$0x9C40];
	[tilespmem:s18+$0x9C50] =	vst v4;
	v3 =	vadd.s32 v0, v3  }
0x5f: {  	v4 =	vld [tilespmem:s19+$0x9C50];
	[tilespmem:s18+$0x9C60] =	vst v3;
	v2 =	vadd.s32 v0, v2  }
0x60: {  	v3 =	vld [tilespmem:s19+$0x9C60];
	[tilespmem:s18+$0x9C70] =	vst v2;
	v6 =	vadd.s32 v0, v6  }
0x61: {  	s12 =	sadd.s32 $0x140, s12;
	v2 =	vld [tilespmem:s19+$0x9C70];
	[tilespmem:s18+$0x9C80] =	vst v6;
	s18 =	smov.u32 s19  }
0x62: {  	v6 =	vld [tilespmem:s18+$0x9C80]  }
0x63: {  	v5 =	vadd.s32 v0, v5  }
0x64: {  	[tilespmem:s18+$0x9C40] =	vst v5;
	v4 =	vadd.s32 v0, v4  }
0x65: {  	[tilespmem:s18+$0x9C50] =	vst v4;
	v3 =	vadd.s32 v0, v3  }
0x66: {  	[tilespmem:s18+$0x9C60] =	vst v3;
	v2 =	vadd.s32 v0, v2  }
0x67: {  	[tilespmem:s18+$0x9C70] =	vst v2;
	v2 =	vadd.s32 v0, v6  }
0x68: {  	[tilespmem:s18+$0x9C80] =	vst v2;
	s18 =	simm.s32 $0x0  }
0x69: {  	[tilespmem:s31], [sflag:$0x1] =	stream.linear.gather [hbm4b:s20+s18], $0x1400, $0x38;
	[tilespmem:$0x18880] =	vst v63  }
0x6a: {  	_ = 	snop  }
0x6b: {  	[tilespmem:s26], [sflag:$0x3] =	stream.indirect.gather [hbm4b:s4+s0], $0x40, s29, s0, $0xb8;
	[tilespmem:$0x18880] =	vst v63  }
0x6c: {  	_ = 	snop  }
0x6d: {  	[tilespmem:s6], [sflag:$0x2] =	stream.linear.gather [hbm4b:s25+s18], $0x1400, $0x38;
	[tilespmem:$0x18880] =	vst v63  }
0x6e: {  	s12 =	simm.s32 $0x9C90  }
0x6f: {  	[tilespmem:s8], [sflag:$0x4] =	stream.indirect.gather [hbm4b:s4+s0], $0x40, s12, s0, $0xb8;
	[tilespmem:$0x18880] =	vst v63  }
.LBB2_6:
0x70: {  	_ =	swait.ge [sflag:s30], $0x1400  }
0x71: {  	[sflag:s30] =	ssyncset.done $0x0  }
0x72: {  	[sflag:s30] =	ssyncadd.s32 $0xFFFFEC00  }
0x73: {  	_ =	swait.ge [sflag:s7], $0x1400  }
0x74: {  	[sflag:s7] =	ssyncset.done $0x0  }
0x75: {  	s21 =	simm.s32 $0x0;
	[sflag:s7] =	ssyncadd.s32 $0xFFFFEC00  }
0x76: {  	v4 =	vld [tilespmem:s21+$0x16080]  }
0x77: {  	v5 =	vld [tilespmem:s21+$0x16090]  }
0x78: {  	v3 =	vld [tilespmem:s21+$0x160A0]  }
0x79: {  	v2 =	vld [tilespmem:s21+$0x160B0]  }
0x7a: {  	v6 =	vld [tilespmem:s21+$0x13880]  }
0x7b: {  	v8 =	vld [tilespmem:s21+$0x13890]  }
0x7c: {  	s19 =	simm.s32 $0x100;
	v7 =	vld [tilespmem:s21+$0x138A0]  }
.LBB2_7:
0x7d: {  	p5 =	sne.s32 s19, $0x4F00;
	v9 =	vld [tilespmem:s21+$0x138B0]  }
0x7e: {  	s12 =	sshra.s32 s19, $0x2  }
0x7f: {  	v6 =	vadd.f32 v4, v6;
	v4 =	vld [tilespmem:s12+$0x16080]  }
0x80: {  	v8 =	vadd.f32 v5, v8;
	v5 =	vld [tilespmem:s12+$0x16090]  }
.Ltmp4:
0x81: {  	v6 =	vmax.f32 v6, $0.0e+00;
	v7 =	vadd.f32 v3, v7;
	v3 =	vld [tilespmem:s12+$0x160A0];
	(pc) =	sbr.rel @p5 .LBB2_7-.Ltmp4, $4  }
0x82: {  	[tilespmem:s21+$0x13880] =	vst v6;
	v8 =	vmax.f32 v8, $0.0e+00;
	v9 =	vadd.f32 v2, v9;
	v2 =	vld [tilespmem:s12+$0x160B0]  }
0x83: {  	v6 =	vld [tilespmem:s12+$0x13880];
	[tilespmem:s21+$0x13890] =	vst v8;
	v7 =	vmax.f32 v7, $0.0e+00  }
0x84: {  	v8 =	vld [tilespmem:s12+$0x13890];
	[tilespmem:s21+$0x138A0] =	vst v7;
	v9 =	vmax.f32 v9, $0.0e+00  }
0x85: {  	s19 =	sadd.s32 $0x100, s19;
	v7 =	vld [tilespmem:s12+$0x138A0];
	[tilespmem:s21+$0x138B0] =	vst v9;
	s21 =	smov.u32 s12  }
0x86: {  	v9 =	vld [tilespmem:s21+$0x138B0];
	_ =	sdelay $0x1  }
0x87: {  	v4 =	vadd.f32 v4, v6  }
0x88: {  	v5 =	vadd.f32 v5, v8  }
0x89: {  	v4 =	vmax.f32 v4, $0.0e+00;
	v3 =	vadd.f32 v3, v7  }
0x8a: {  	s12 =	smul.u32 $0x280, s18;
	[tilespmem:s21+$0x13880] =	vst v4;
	v4 =	vmax.f32 v5, $0.0e+00;
	v2 =	vadd.f32 v2, v9  }
0x8b: {  	[tilespmem:s21+$0x13890] =	vst v4;
	v3 =	vmax.f32 v3, $0.0e+00  }
0x8c: {  	p5 =	seq.s32 s18, $0x7C;
	s19 =	sshra.s32 s12, $0x2;
	[tilespmem:s21+$0x138A0] =	vst v3;
	v2 =	vmax.f32 v2, $0.0e+00  }
0x8d: {  	s12 =	sadd.s32 $0xEA60, s19;
	[tilespmem:s21+$0x138B0] =	vst v2;
	s21 =	smul.u32 @!p5 $0xA0, s18  }
0x8e: {  	[spmem:s2] =	stream.indirect.scatter.add.f32 [tilespmem:s31], [sflag:$0x5], $0x40, s12, s0, $0xb8;
	[tilespmem:$0x18880] =	vst v63  }
0x8f: {  	s12 =	sadd.s32 @!p5 s17, s21  }
0x90: {  	_ =	swait.ge [sflag:s28], $0x1400;
	s12 =	sshll.u32 @!p5 s12, $0x3  }
0x91: {  	s13 =	simm.s32 @!p5 $0x0;
	[sflag:s28] =	ssyncset.done $0x0;
	s12 =	sadd.s32 @!p5 s5, s12  }
0x92: {  	s14 =	simm.s32 @!p5 $0x13880;
	[sflag:s28] =	ssyncadd.s32 $0xFFFFEC00;
	s12 =	sadd.s32 @!p5 $0x500, s12  }
0x93: {  	[tilespmem:s14], [sflag:$0x1] =	stream.linear.gather @!p5 [hbm4b:s12+s13], $0x1400, $0x38;
	[tilespmem:$0x18880] =	vst v63  }
0x94: {  	s12 =	sadd.s32 @!p5 $0x9CE0, s21;
	s13 =	simm.s32 @!p5 $0x50;
	s14 =	simm.s32 @!p5 $0x16080  }
0x95: {  	[tilespmem:s14], [sflag:$0x3] =	stream.indirect.gather @!p5 [hbm4b:s4+s13], $0x40, s12, s13, $0xb8;
	[tilespmem:$0x18880] =	vst v63  }
0x96: {  	_ =	swait.ge [sflag:s10], $0x1400  }
0x97: {  	[sflag:s10] =	ssyncset.done $0x0  }
0x98: {  	[sflag:s10] =	ssyncadd.s32 $0xFFFFEC00  }
0x99: {  	_ =	swait.ge [sflag:s11], $0x1400  }
0x9a: {  	[sflag:s11] =	ssyncset.done $0x0  }
0x9b: {  	s21 =	simm.s32 $0x0;
	[sflag:s11] =	ssyncadd.s32 $0xFFFFEC00  }
0x9c: {  	v4 =	vld [tilespmem:s21+$0x17480]  }
0x9d: {  	v5 =	vld [tilespmem:s21+$0x17490]  }
0x9e: {  	v3 =	vld [tilespmem:s21+$0x174A0]  }
0x9f: {  	v2 =	vld [tilespmem:s21+$0x174B0]  }
0xa0: {  	v6 =	vld [tilespmem:s21+$0x14C80]  }
0xa1: {  	v8 =	vld [tilespmem:s21+$0x14C90]  }
0xa2: {  	s12 =	simm.s32 $0x100;
	v7 =	vld [tilespmem:s21+$0x14CA0]  }
.LBB2_9:
0xa3: {  	p6 =	sne.s32 s12, $0x4F00;
	v9 =	vld [tilespmem:s21+$0x14CB0]  }
0xa4: {  	s13 =	sshra.s32 s12, $0x2  }
0xa5: {  	v6 =	vadd.f32 v4, v6;
	v4 =	vld [tilespmem:s13+$0x17480]  }
0xa6: {  	v8 =	vadd.f32 v5, v8;
	v5 =	vld [tilespmem:s13+$0x17490]  }
.Ltmp5:
0xa7: {  	v6 =	vmax.f32 v6, $0.0e+00;
	v7 =	vadd.f32 v3, v7;
	v3 =	vld [tilespmem:s13+$0x174A0];
	(pc) =	sbr.rel @p6 .LBB2_9-.Ltmp5, $4  }
0xa8: {  	[tilespmem:s21+$0x14C80] =	vst v6;
	v8 =	vmax.f32 v8, $0.0e+00;
	v9 =	vadd.f32 v2, v9;
	v2 =	vld [tilespmem:s13+$0x174B0]  }
0xa9: {  	v6 =	vld [tilespmem:s13+$0x14C80];
	[tilespmem:s21+$0x14C90] =	vst v8;
	v7 =	vmax.f32 v7, $0.0e+00  }
0xaa: {  	v8 =	vld [tilespmem:s13+$0x14C90];
	[tilespmem:s21+$0x14CA0] =	vst v7;
	v9 =	vmax.f32 v9, $0.0e+00  }
0xab: {  	s12 =	sadd.s32 $0x100, s12;
	v7 =	vld [tilespmem:s13+$0x14CA0];
	[tilespmem:s21+$0x14CB0] =	vst v9;
	s21 =	smov.u32 s13  }
0xac: {  	v9 =	vld [tilespmem:s21+$0x14CB0];
	_ =	sdelay $0x1  }
0xad: {  	v4 =	vadd.f32 v4, v6  }
0xae: {  	v5 =	vadd.f32 v5, v8  }
0xaf: {  	v4 =	vmax.f32 v4, $0.0e+00;
	v3 =	vadd.f32 v3, v7  }
0xb0: {  	[tilespmem:s21+$0x14C80] =	vst v4;
	v63 =	vmax.f32 v5, $0.0e+00;
	v2 =	vadd.f32 v2, v9  }
0xb1: {  	[tilespmem:s21+$0x14C90] =	vst v63;
	v3 =	vmax.f32 v3, $0.0e+00  }
0xb2: {  	[tilespmem:s21+$0x14CA0] =	vst v3;
	v2 =	vmax.f32 v2, $0.0e+00  }
.Ltmp6:
0xb3: {  	s12 =	sadd.s32 $0xEAB0, s19;
	[tilespmem:s21+$0x14CB0] =	vst v2;
	(pc) =	sbr.rel @p5 .LBB2_12-.Ltmp6, $4  }
0xb4: {  	[spmem:s2] =	stream.indirect.scatter.add.f32 [tilespmem:s6], [sflag:$0x5], $0x40, s12, s0, $0xb8;
	[tilespmem:$0x18880] =	vst v63  }
0xb5: {  	_ =	swait.ge [sflag:s28], $0x1400  }
0xb6: {  	[sflag:s28] =	ssyncset.done $0x0  }
0xb7: {  	[sflag:s28] =	ssyncadd.s32 $0xFFFFEC00  }
0xb8: {  	s12 =	smul.u32 $0xA0, s18;
	_ =	sdelay $0x1  }
0xb9: {  	s13 =	sadd.s32 s17, s12  }
0xba: {  	s13 =	sshll.u32 s13, $0x3  }
.Ltmp7:
0xbb: {  	s13 =	sadd.s32 s5, s13;
	(pc) =	sbr.rel .LBB2_6-.Ltmp7, $4  }
0xbc: {  	s13 =	sadd.s32 $0x780, s13  }
0xbd: {  	[tilespmem:s6], [sflag:$0x2] =	stream.linear.gather [hbm4b:s13+s3], $0x1400, $0x38;
	[tilespmem:$0x18880] =	vst v63  }
0xbe: {  	s18 =	sadd.s32 $0x1, s18;
	s12 =	sadd.s32 $0x9D30, s12  }
0xbf: {  	[tilespmem:s8], [sflag:$0x4] =	stream.indirect.gather [hbm4b:s4+s0], $0x40, s12, s0, $0xb8;
	[tilespmem:$0x18880] =	vst v63  }
.LBB2_12:
0xc0: {  	s18 =	stileid.u32;
	[bflag:$0x0] =	sbarrier.arrive $0xFFFF;
	s13 =	sshrl.u32 @p2 s22, $0x3  }
0xc1: {  	p5 =	por @!p4 $0x1, $0x1;
	p6 =	por p1, p1;
	s12 =	sshll.u32 @p2 s18, $0x6  }
0xc2: {  	s14 =	rddreg [dreg:$0xd];
	p6 =	por @!p4 p5, p5;
	s12 =	sor.u32 @p2 $0x1C05, s12  }
0xc3: {  	[hbm:s14], [sflag:s12] =	dma.local @p2 [spmem:s13], $0x1400  }
0xc4: {  	p5 =	por @!p3 !p6, !p0;
	s12 =	simm.s32 @p2 $0x5  }
0xc5: {  	p5 =	por @!p3 !p5, !p5;
	_ =	swait.ge @p2 [sflag:s12], $0x1400  }
0xc6: {  	s13 =	sshll.u32 @!p4 s18, $0x6;
	p5 =	por p3, p5;
	[sflag:s12] =	ssyncset.done @p2 $0x0  }
0xc7: {  	[sflag:s12] =	ssyncadd.s32 @p2 $0xFFFFEC00;
	s12 =	sor.u32 @!p4 $0x1C05, s13;
	s13 =	sshrl.u32 @!p4 s22, $0x3  }
0xc8: {  	[hbm:s23], [sflag:s12] =	dma.local @!p4 [spmem:s13], $0x1400  }
.Ltmp8:
0xc9: {  	_ = 	snop;
	(pc) =	sbr.rel @!p5 .LBB2_14-.Ltmp8, $4  }
0xca: {  	s12 =	simm.s32 @!p4 $0x5  }
0xcb: {  	_ =	swait.ge @!p4 [sflag:s12], $0x1400  }
0xcc: {  	[sflag:s12] =	ssyncset.done @!p4 $0x0  }
0xcd: {  	s14 =	stileid.u32;
	[sflag:s12] =	ssyncadd.s32 @!p4 $0xFFFFEC00  }
0xce: {  	s12 =	rddreg [dreg:$0x4]  }
0xcf: {  	s13 =	rddreg [dreg:$0x3]  }
0xd0: {  	s21 =	rddreg [dreg:$0x5];
	s18 =	simm.s32 $0x1FC5;
	s12 =	smov.u32 @p3 s13  }
.Ltmp9:
0xd1: {  	s13 =	sshrl.u32 s21, $0x3;
	s12 =	sadd.s32 $0x12C00, s12;
	(pc) =	sbr.rel .LBB2_14-.Ltmp9, $4  }
0xd2: {  	[hbm:s12], [sflag:s18] =	dma.local [spmem:s13], $0xC80  }
0xd3: {  	_ =	swait.ge [sflag:s28], $0xC80  }
0xd4: {  	[sflag:s28] =	ssyncset.done $0x0  }
0xd5: {  	[sflag:s28] =	ssyncadd.s32 $0xFFFFF380  }
.LBB2_15:
0xd6: {  	_ =	sfence.sel $0x180000  }
0xd7: {  	[bflag:$0x0] =	sbarrier.arrive $0xFFFF  }
0xd8: {  	_ =	strace $0x90000047  }
0xd9: {  	[bflag:$0x2] =	sbarrier.arrive $0xFFFF  }
0xda: {  	p0 =	sne.s32 s14, $0x0;
	s0 =	rddreg [dreg:$0x2]  }
0xdb: {  	s0 =	sadd.s32 @!p0 $0x100000, s0  }
0xdc: {  	[sflag:s0] =	ssyncadd.tile.s32 @!p0 $0x1;
	_ =	shalt  }
.Lfunc_end2:
_tile_overlayer_lowered:
.L_overlay_start_2:
0xdd: {  	(tag) =	ssettag $0x2  }
0xde: {  	s0 =	rddreg [dreg:$0x0];
	s2 =	stileid.u32  }
0xdf: {  	s1 =	rddreg [dreg:$0x1];
	p0 =	sne.s32 s2, $0x0  }
0xe0: {  	s3 =	rddreg [dreg:$0x2];
	[bflag:$0x3] =	sbarrier.arrive $0xFFFF;
	s2 =	simm.s32 @!p0 $0x1C05  }
0xe1: {  	[timem:s3], [sflag:s2] =	dma.local @!p0 [hbm:s0], s1  }
0xe2: {  	s0 =	simm.s32 @!p0 $0x5  }
0xe3: {  	_ =	swait.ge @!p0 [sflag:s0], s1  }
0xe4: {  	s1 =	ssub.s32 @!p0 $0x0, s1;
	[sflag:s0] =	ssyncset.done @!p0 $0x0  }
0xe5: {  	[sflag:s0] =	ssyncadd.s32 @!p0 s1  }
0xe6: {  	[bflag:$0x3] =	sbarrier.arrive $0xFFFF  }
0xe7: {  	_ =	shalt  }

// kernel: kernel.17.cloned.1.call-start
scs
__scs_entry_jumppad:
0x0: {  	(pc) =	sbr.rel $0x88, $3  }
0x1: {  	(tag) =	ssettag $0x0;
	lr =	simm.s32 $0x1  }
0x2: {  	[smem:$0x3F8F] =	sst lr;
	_ =	strace $0xD0000000  }
0x3: {  	_ = 	snop  }
0x4: {  	_ = 	snop  }
0x5: {  	_ = 	snop  }
0x6: {  	_ = 	snop  }
0x7: {  	_ = 	snop  }
__scs_overlays_trampoline_lowered:
0x8: {  	[smem:$0x3F9E] =	sst s0  }
0x9: {  	[smem:$0x3F9F] =	sst s1  }
0xa: {  	[smem:$0x3FA0] =	sst s2  }
0xb: {  	[smem:$0x3FA1] =	sst s3  }
0xc: {  	[smem:$0x3FA2] =	sst s4  }
0xd: {  	[smem:$0x3FA3] =	sst s5  }
0xe: {  	[smem:$0x3FA4] =	sst s6  }
0xf: {  	[smem:$0x3FA5] =	sst s7  }
0x10: {  	[smem:$0x3FA6] =	sst s8  }
0x11: {  	[smem:$0x3FA7] =	sst s9;
	s0 =	simm.s32 @!p0 $0x0  }
0x12: {  	s1 =	sld [smem:$0x3F8D];
	s0 =	simm.s32 @p0 $0x1  }
0x13: {  	[smem:$0x3FA8] =	sst s0;
	s0 =	simm.s32 @!p1 $0x0  }
0x14: {  	s2 =	sld [smem:$0x3F8C];
	s0 =	simm.s32 @p1 $0x1  }
0x15: {  	[smem:$0x3FA9] =	sst s0;
	s0 =	simm.s32 @!p2 $0x0  }
0x16: {  	s3 =	sld [smem:$0x3FDB];
	s0 =	simm.s32 @p2 $0x1  }
0x17: {  	s4 =	simm.s32 $0x1BF5;
	[smem:$0x3FAB] =	sst s0  }
0x18: {  	s0 =	sld [smem:$0x3F8E];
	_ =	swait.ge [sflag:s4], $0x0  }
0x19: {  	s7 =	sld [smem:$0x3F8F]  }
0x1a: {  	s8 =	sadd.s32 $0xFFFFE003, lr  }
0x1b: {  	s9 =	sadd.s32 $0xFFFFFEF7, lr;
	s5 =	simm.s32 $0xFFFFFFFF;
	p2 =	slt.u32 s8, $0xFFFFF086  }
0x1c: {  	p1 =	slt.u32 s9, $0xF7A;
	s5 =	simm.s32 @!p2 $0x0  }
0x1d: {  	s5 =	simm.s32 @p1 $0x1;
	p0 =	seq.s32 s7, s2  }
0x1e: {  	s7 =	smul.u32 @!p0 $0xF7A, s2;
	p2 =	seq.s32 @!p0 s5, $0x0  }
0x1f: {  	s9 =	smul.u32 $0xF7A, s1;
	s8 =	simm.s32 @!p0 $0x1BF5;
	p2 =	por !p2, p0  }
0x20: {  	[sflag:s8] =	ssyncset.s32 @!p0 $0xFFFFF086;
	s6 =	sadd.s32 @!p0 s3, s7;
	s7 =	simm.s32 @!p0 $0x108  }
0x21: {  	s3 =	sadd.s32 s3, s9;
	s6 =	sadd.s32 @!p0 $0x88, s6;
	s7 =	simm.s32 @p2 $0x1082  }
0x22: {  	[simem:s7], [sflag:s8] =	dma.local @!p0 [hbm:s6], $0xF7A  }
0x23: {  	s9 =	sor.u32 $0xD0000000, s2;
	s6 =	simm.s32 $0x108;
	_ =	swait.ge @!p0 [sflag:s8], $0x0  }
0x24: {  	s3 =	sadd.s32 $0x88, s3;
	s6 =	simm.s32 @!p1 $0x1082;
	[sflag:s4] =	ssyncset.s32 $0xFFFFF086  }
0x25: {  	[simem:s6], [sflag:s4] =	dma.local [hbm:s3], $0xF7A  }
0x26: {  	[smem:$0x3F8F] =	sst s1;
	(tag) =	ssettag s2;
	_ =	strace s9  }
0x27: {  	s1 =	sld [smem:$0x3F9F]  }
0x28: {  	s2 =	sld [smem:$0x3FA0]  }
0x29: {  	s4 =	sld [smem:$0x3FA2]  }
0x2a: {  	p0 =	seq.s32 s5, $0x0;
	s5 =	sld [smem:$0x3FA3]  }
0x2b: {  	s6 =	sld [smem:$0x3FA4]  }
0x2c: {  	s7 =	sld [smem:$0x3FA5]  }
0x2d: {  	s3 =	simm.s32 $0x108;
	s8 =	sld [smem:$0x3FA6]  }
0x2e: {  	s3 =	simm.s32 @!p0 $0x1082;
	s9 =	sld [smem:$0x3FA7]  }
0x2f: {  	lr =	sadd.s32 s0, s3;
	s0 =	sld [smem:$0x3F9E]  }
0x30: {  	s3 =	sld [smem:$0x3FA1]  }
0x31: {  	[smem:$0x3FAA] =	sst s10  }
0x32: {  	s10 =	sld [smem:$0x3FA8];
	_ =	sdelay $0x3  }
0x33: {  	p0 =	seq.s32 s10, $0x1;
	s10 =	sld [smem:$0x3FAA];
	_ =	sdelay $0x3  }
0x34: {  	[smem:$0x3FAA] =	sst s10  }
0x35: {  	s10 =	sld [smem:$0x3FA9];
	_ =	sdelay $0x3  }
0x36: {  	p1 =	seq.s32 s10, $0x1;
	s10 =	sld [smem:$0x3FAA];
	_ =	sdelay $0x3  }
0x37: {  	[smem:$0x3FAA] =	sst s10  }
0x38: {  	s10 =	sld [smem:$0x3FAB]  }
0x39: {  	_ = 	snop;
	(pc) =	sbr.ind lr, $3  }
0x3a: {  	_ = 	snop  }
0x3b: {  	_ = 	snop  }
0x3c: {  	p2 =	seq.s32 s10, $0x1;
	s10 =	sld [smem:$0x3FAA]  }
0x3d: {  	_ =	shalt  }
0x3e: {  	_ =	shalt  }
0x3f: {  	_ =	shalt  }
0x40: {  	_ =	shalt  }
0x41: {  	_ =	shalt  }
0x42: {  	_ =	shalt  }
0x43: {  	_ =	shalt  }
0x44: {  	_ =	shalt  }
0x45: {  	_ =	shalt  }
0x46: {  	_ =	shalt  }
0x47: {  	_ =	shalt  }
0x48: {  	_ =	shalt  }
0x49: {  	_ =	shalt  }
0x4a: {  	_ =	shalt  }
0x4b: {  	_ =	shalt  }
0x4c: {  	_ =	shalt  }
0x4d: {  	_ =	shalt  }
0x4e: {  	_ =	shalt  }
0x4f: {  	_ =	shalt  }
0x50: {  	_ =	shalt  }
0x51: {  	_ =	shalt  }
0x52: {  	_ =	shalt  }
0x53: {  	_ =	shalt  }
0x54: {  	_ =	shalt  }
0x55: {  	_ =	shalt  }
0x56: {  	_ =	shalt  }
0x57: {  	_ =	shalt  }
0x58: {  	_ =	shalt  }
0x59: {  	_ =	shalt  }
0x5a: {  	_ =	shalt  }
0x5b: {  	_ =	shalt  }
0x5c: {  	_ =	shalt  }
0x5d: {  	_ =	shalt  }
0x5e: {  	_ =	shalt  }
0x5f: {  	_ =	shalt  }
0x60: {  	_ =	shalt  }
0x61: {  	_ =	shalt  }
0x62: {  	_ =	shalt  }
0x63: {  	_ =	shalt  }
0x64: {  	_ =	shalt  }
0x65: {  	_ =	shalt  }
0x66: {  	_ =	shalt  }
0x67: {  	_ =	shalt  }
0x68: {  	_ =	shalt  }
0x69: {  	_ =	shalt  }
0x6a: {  	_ =	shalt  }
0x6b: {  	_ =	shalt  }
0x6c: {  	_ =	shalt  }
0x6d: {  	_ =	shalt  }
0x6e: {  	_ =	shalt  }
0x6f: {  	_ =	shalt  }
0x70: {  	_ =	shalt  }
0x71: {  	_ =	shalt  }
0x72: {  	_ =	shalt  }
0x73: {  	_ =	shalt  }
0x74: {  	_ =	shalt  }
0x75: {  	_ =	shalt  }
0x76: {  	_ =	shalt  }
0x77: {  	_ =	shalt  }
0x78: {  	_ =	shalt  }
0x79: {  	_ =	shalt  }
0x7a: {  	_ =	shalt  }
0x7b: {  	_ =	shalt  }
0x7c: {  	_ =	shalt  }
0x7d: {  	_ =	shalt  }
0x7e: {  	_ =	shalt  }
0x7f: {  	_ =	shalt  }
0x80: {  	_ =	shalt  }
0x81: {  	_ =	shalt  }
0x82: {  	_ =	shalt  }
0x83: {  	_ =	shalt  }
0x84: {  	_ =	shalt  }
0x85: {  	_ =	shalt  }
0x86: {  	_ =	shalt  }
0x87: {  	_ =	shalt  }
.Lfunc_end0:
.L_simem_size_0:
called_computation.1_lowered:
.L_overlay_start_0:
0x88: {  	s2 =	sld [smem:$0x3FD9]  }
0x89: {  	s3 =	sld [smem:$0x3FFE];
	_ =	sdelay $0x1  }
0x8a: {  	s1 =	srdreg.scid  }
0x8b: {  	s0 =	sand.u32 $0x1, s1  }
0x8c: {  	s16 =	sshll.u32 s0, $0xA;
	s2 =	sadd.s32 s3, s2  }
0x8d: {  	s2 =	sadd.s32 s2, s16  }
0x8e: {  	[smem:$0x3FB6] =	sst s2  }
0x8f: {  	_ = 	snop  }
0x90: {  	(tm) =	ssettm $0x1  }
0x91: {  	s17 =	sld [smem:$0x3FFB];
	_ =	sdelay $0x3  }
0x92: {  	_ =	strace s17  }
0x93: {  	s2 =	sld [smem:$0x3FFC];
	_ =	sdelay $0x3  }
0x94: {  	_ =	strace s2  }
0x95: {  	s2 =	sld [smem:$0x3FFD];
	_ =	sdelay $0x3  }
0x96: {  	_ =	strace s2  }
0x97: {  	_ =	strace $0x8FFFFFFF  }
0x98: {  	s18 =	sld [smem:$0x3FDB];
	_ =	sdelay $0x1  }
0x99: {  	s19 =	simm.s32 $_scs_section_size  }
0x9a: {  	s4 =	simm.s32 $_size__tile_overlayer_lowered;
	s5 =	simm.s32 $_tile_overlayer_lowered  }
0x9b: {  	s22 =	simm.s32 $0x1BFF;
	s21 =	sshll.u32 s5, $0x1;
	s2 =	sadd.s32 s19, s18  }
0x9c: {  	s6 =	simm.s32 $0x0;
	s20 =	sshll.u32 s4, $0x1;
	s4 =	sadd.s32 s21, s2  }
0x9d: {  	[timem:s6], [sflag:s22] =	dma.local [hbm:s4], s20  }
0x9e: {  	_ =	swait.ge [sflag:s22], s20  }
0x9f: {  	s3 =	ssub.s32 $0x0, s20;
	[sflag:s22] =	ssyncset.done $0x0  }
0xa0: {  	[sflag:s22] =	ssyncadd.s32 s3;
	_ =	sdelay $0x1  }
0xa1: {  	s23 =	simm.s32 $0x1B8B  }
0xa2: {  	_ =	swait.ge [sflag:s23], $0x1  }
0xa3: {  	[sflag:s23] =	ssyncset.done $0x0  }
0xa4: {  	s25 =	simm.s32 $0x1B8E;
	s24 =	sld [smem:$0x3FFE];
	[sflag:s23] =	ssyncadd.s32 $0xFFFFFFFF  }
0xa5: {  	s26 =	simm.s32 $execute0_lowered;
	[smem:$0x3FD2] =	sst s25  }
0xa6: {  	s4 =	sshll.u32 s26, $0x1;
	_ =	strace $0x80000049;
	[dreg:$0x1] =	wrdreg $0xFFFFFFFF  }
0xa7: {  	s28 =	simm.s32 $_size_execute0_lowered;
	s2 =	sadd.s32 s2, s4;
	[dreg:$0x0] =	wrdreg $0x0  }
0xa8: {  	s4 =	sshll.u32 s28, $0x1;
	[dreg:$0x2] =	wrdreg s2  }
0xa9: {  	[dreg:$0x3] =	wrdreg s4  }
0xaa: {  	[dreg:$0x4] =	wrdreg $0xC0  }
0xab: {  	_ =	task [dreg:s6], $0x5FFFF  }
0xac: {  	[dreg:$0x1] =	wrdreg $0xFFFFFFFF  }
0xad: {  	[dreg:$0x0] =	wrdreg $0x60  }
0xae: {  	[dreg:$0x2] =	wrdreg s24  }
0xaf: {  	[dreg:$0x3] =	wrdreg $0x0  }
0xb0: {  	[dreg:$0x4] =	wrdreg $0x9  }
0xb1: {  	_ =	task.clear_ibuf [dreg:s6], $0x5FFFF;
	_ =	strace $0x90000049  }
0xb2: {  	s29 =	simm.s32 $0x9;
	_ =	strace $0x8000004B  }
0xb3: {  	_ =	swait.ge [sflag:s29], $0x1  }
0xb4: {  	[sflag:s29] =	ssyncadd.s32 $0xFFFFFFFF  }
0xb5: {  	_ =	strace $0x9000004B  }
0xb6: {  	_ =	sfence  }
0xb7: {  	s30 =	sld [smem:$0x0];
	_ =	sdelay $0x2  }
0xb8: {  	s31 =	sshll.u32 s1, $0xD;
	s1 =	sshrl.u32 s1, $0x2  }
0xb9: {  	s3 =	sand.u32 $0x4000, s31;
	s1 =	sadd.s32 s1, s30  }
0xba: {  	s0 =	sor.u32 s3, s0;
	s1 =	sshll.u32 s1, $0x11  }
0xbb: {  	s0 =	sor.u32 s1, s0  }
0xbc: {  	s0 =	sadd.s32 $0x8F2B, s0  }
0xbd: {  	[sflag:s0] =	ssyncadd.remote.s32 $0x1  }
0xbe: {  	_ =	sfence.sel $0xFFFF  }
0xbf: {  	[dreg:$0x0] =	wrdreg $0xFFFFFFFF;
	(pc) =	sbr.abs _section_cstart, $3  }
0xc0: {  	[dreg:$0x1] =	wrdreg $0xFFFFFFFF  }
0xc1: {  	_ =	task.clear_ibuf [dreg:s6], $0x2FFFF;
	_ =	strace $0x9FFFFFFF  }
0xc2: {  	(tm) =	ssettm $0x7FFFFFFF  }
0xc3: {  	_ =	shalt  }
tec
execute0_lowered:
.L_overlay_start_1:
0x0: {  	(tag) =	ssettag $0x1  }
0x1: {  	s0 =	rddreg [dreg:$0x0]  }
0x2: {  	s2 =	rddreg [dreg:$0x1];
	s3 =	simm.s32 $0x0  }
0x3: {  	s13 =	stileid.u32;
	s6 =	srdreg.scid;
	s28 =	simm.s32 $0x5  }
0x4: {  	s29 =	simm.s32 $0x9C40;
	s31 =	simm.s32 $0x13880;
	s30 =	simm.s32 $0x1  }
0x5: {  	[smem:$0x7FF] =	sst s3;
	s1 =	smul.u32 $0x4E20, s13;
	s4 =	sadd.s32 $0x54B200, s0  }
0x6: {  	s5 =	sadd.s32 $0x1B000, s0;
	s6 =	sand.u32 $0x1, s6;
	s14 =	sadd.s32 $0x585E00, s0  }
0x7: {  	s19 =	sadd.s32 $0x572400, s0;
	s9 =	smul.u32 $0x28000, s13;
	p0 =	seq.s32 s13, $0xF  }
0x8: {  	p4 =	sne.s32 s13, $0xF;
	s21 =	sadd.s32 $0x96000, s2;
	s10 =	sadd.s32 $0x98800, s2  }
0x9: {  	s11 =	sadd.s32 $0x99C00, s2;
	s12 =	sadd.s32 $0x9B000, s2;
	_ =	strace $0x8000004A  }
0xa: {  	s8 =	ssub.s32 $0x2, s6;
	s17 =	smul.u32 $0x4E200, s6;
	[dreg:$0x3] =	wrdreg s14  }
0xb: {  	p3 =	seq.s32 s6, $0x0;
	p1 =	seq.s32 s6, $0x1;
	[dreg:$0x4] =	wrdreg s19  }
0xc: {  	[dreg:$0x5] =	wrdreg s21;
	s7 =	sshrl.u32 s1, $0x3;
	s24 =	sshrl.u32 s8, $0x1  }
0xd: {  	s9 =	sshrl.u32 s9, $0x2;
	p2 =	por !p3, !p4;
	p3 =	por !p3, !p0  }
0xe: {  	p4 =	por !p4, !p1;
	s7 =	sadd.s32 s7, s0;
	s0 =	ssub.s32 s8, s24  }
0xf: {  	s8 =	sadd.s32 $0x97400, s2;
	s9 =	sadd.s32 s9, s2;
	s17 =	sadd.s32 s1, s17  }
0x10: {  	p2 =	por !p2, !p2;
	p3 =	por !p3, !p3;
	p4 =	por !p4, !p4  }
0x11: {  	s1 =	simm.s32 $0x0;
	s15 =	sadd.s32 $0x1400, s9;
	s25 =	sadd.s32 $0x2800, s9  }
0x12: {  	s18 =	sadd.s32 $0x5000, s9;
	s20 =	sadd.s32 $0x6400, s9;
	s22 =	sadd.s32 $0x7800, s9  }
0x13: {  	s16 =	sadd.s32 $0x8C00, s9;
	s26 =	sadd.s32 $0x11200, s7;
	[dreg:$0x6] =	wrdreg s15  }
0x14: {  	s7 =	sadd.s32 $0x7400, s7;
	s24 =	smax.u32 s0, $0x1;
	[dreg:$0x7] =	wrdreg s25  }
0x15: {  	p4 =	por !p4, p3;
	s0 =	simm.s32 $0x50;
	[dreg:$0xb] =	wrdreg s26  }
0x16: {  	s15 =	sadd.s32 $0x3C00, s9;
	[dreg:$0xc] =	wrdreg s7;
	s18 =	smov.u32 @p0 s8  }
0x17: {  	s8 =	sshll.u32 s17, $0x3;
	s20 =	smov.u32 @p0 s10;
	s10 =	smul.u32 $0xA000, s13  }
0x18: {  	s13 =	smul.u32 $0x2710, s6;
	s22 =	smov.u32 @p0 s11;
	s16 =	smov.u32 @p0 s12  }
0x19: {  	s6 =	simm.s32 $0x14C80;
	s7 =	simm.s32 $0x3;
	[dreg:$0x8] =	wrdreg s18  }
.Ltmp0:
0x1a: {  	s11 =	simm.s32 $0x4;
	[dreg:$0x9] =	wrdreg s20;
	(pc) =	sbr.rel .LBB2_1-.Ltmp0, $4  }
0x1b: {  	s20 =	sadd.s32 s5, s8;
	[dreg:$0xa] =	wrdreg s22;
	s15 =	smov.u32 @p0 s21  }
0x1c: {  	s8 =	simm.s32 $0x17480;
	s25 =	sshrl.u32 s10, $0x3;
	s22 =	sadd.s32 s10, s2  }
0x1d: {  	s10 =	simm.s32 $0x2;
	s26 =	sadd.s32 s14, s25;
	s23 =	sadd.s32 s19, s25  }
0x1e: {  	v1 =	vimm.f32 $0.0e+00;
	v0 =	vmov s13;
	s25 =	sadd.s32 $0x280, s20;
	[dreg:$0xd] =	wrdreg s26;
	s26 =	simm.s32 $0x16080  }
.LBB2_14:
0x1f: {  	s1 =	sadd.s32 $0x1, s1  }
0x20: {  	p5 =	sne.s32 s1, s24  }
.Ltmp1:
0x21: {  	_ = 	snop;
	(pc) =	sbr.rel @!p5 .LBB2_15-.Ltmp1, $1  }
0x22: {  	_ =	sdelay $0x3  }
.LBB2_1:
0x23: {  	s18 =	simm.s32 $0x100;
	s12 =	simm.s32 $0x0  }
.LBB2_2:
0x24: {  	p5 =	sne.s32 s18, $0x4F00;
	[tilespmem:s12+$0x160B0] =	vst v1;
	s19 =	smov.u32 s18;
	s18 =	sadd.s32 $0x100, s18  }
.Ltmp2:
0x25: {  	[tilespmem:s12+$0x160A0] =	vst v1;
	(pc) =	sbr.rel @p5 .LBB2_2-.Ltmp2, $3  }
0x26: {  	[tilespmem:s12+$0x16080] =	vst v1  }
0x27: {  	[tilespmem:s12+$0x16090] =	vst v1;
	_ =	sdelay $0x1  }
0x28: {  	s12 =	sshra.s32 s19, $0x2  }
0x29: {  	[tilespmem:s12+$0x160B0] =	vst v1  }
0x2a: {  	[tilespmem:s12+$0x160A0] =	vst v1  }
0x2b: {  	[tilespmem:s12+$0x16080] =	vst v1  }
0x2c: {  	[tilespmem:s12+$0x16090] =	vst v1;
	s12 =	simm.s32 @!p0 $0x16080;
	s18 =	simm.s32 @!p0 $0x5  }
0x2d: {  	[spmem:s9] =	stream.linear.scatter @!p0 [tilespmem:s12], [sflag:$0x5], $0x1400, $0x38;
	[tilespmem:$0x18880] =	vst v63  }
0x2e: {  	_ =	swait.ge @!p0 [sflag:s18], $0x1400  }
0x2f: {  	[sflag:s18] =	ssyncset.done @!p0 $0x0  }
0x30: {  	s13 =	rddreg [dreg:$0x6];
	[sflag:s18] =	ssyncadd.s32 @!p0 $0xFFFFEC00  }
0x31: {  	[spmem:s13] =	stream.linear.scatter @!p0 [tilespmem:s12], [sflag:$0x5], $0x1400, $0x38;
	[tilespmem:$0x18880] =	vst v63  }
0x32: {  	_ =	swait.ge @!p0 [sflag:s18], $0x1400  }
0x33: {  	[sflag:s18] =	ssyncset.done @!p0 $0x0  }
0x34: {  	s13 =	rddreg [dreg:$0x7];
	[sflag:s18] =	ssyncadd.s32 @!p0 $0xFFFFEC00  }
0x35: {  	[spmem:s13] =	stream.linear.scatter @!p0 [tilespmem:s12], [sflag:$0x5], $0x1400, $0x38;
	[tilespmem:$0x18880] =	vst v63  }
0x36: {  	_ =	swait.ge @!p0 [sflag:s18], $0x1400  }
0x37: {  	[sflag:s18] =	ssyncset.done @!p0 $0x0  }
0x38: {  	[sflag:s18] =	ssyncadd.s32 @!p0 $0xFFFFEC00  }
0x39: {  	[spmem:s15] =	stream.linear.scatter [tilespmem:s26], [sflag:$0x5], $0x1400, $0x38;
	[tilespmem:$0x18880] =	vst v63  }
0x3a: {  	_ =	swait.ge [sflag:s28], $0x1400  }
0x3b: {  	[sflag:s28] =	ssyncset.done $0x0  }
0x3c: {  	s21 =	rddreg [dreg:$0x8];
	[sflag:s28] =	ssyncadd.s32 $0xFFFFEC00  }
0x3d: {  	[spmem:s21] =	stream.linear.scatter [tilespmem:s26], [sflag:$0x5], $0x1400, $0x38;
	[tilespmem:$0x18880] =	vst v63  }
0x3e: {  	_ =	swait.ge [sflag:s28], $0x1400  }
0x3f: {  	[sflag:s28] =	ssyncset.done $0x0  }
0x40: {  	s13 =	rddreg [dreg:$0x9];
	[sflag:s28] =	ssyncadd.s32 $0xFFFFEC00  }
0x41: {  	[spmem:s13] =	stream.linear.scatter [tilespmem:s26], [sflag:$0x5], $0x1400, $0x38;
	[tilespmem:$0x18880] =	vst v63  }
0x42: {  	_ =	swait.ge [sflag:s28], $0x1400  }
0x43: {  	[sflag:s28] =	ssyncset.done $0x0  }
0x44: {  	s14 =	rddreg [dreg:$0xa];
	[sflag:s28] =	ssyncadd.s32 $0xFFFFEC00  }
0x45: {  	[spmem:s14] =	stream.linear.scatter [tilespmem:s26], [sflag:$0x5], $0x1400, $0x38;
	[tilespmem:$0x18880] =	vst v63  }
0x46: {  	_ =	swait.ge [sflag:s28], $0x1400  }
0x47: {  	[sflag:s28] =	ssyncset.done $0x0  }
0x48: {  	[sflag:s28] =	ssyncadd.s32 $0xFFFFEC00  }
0x49: {  	[spmem:s16] =	stream.linear.scatter [tilespmem:s26], [sflag:$0x5], $0x1400, $0x38;
	[tilespmem:$0x18880] =	vst v63  }
0x4a: {  	_ =	swait.ge [sflag:s28], $0x1400  }
0x4b: {  	[sflag:s28] =	ssyncset.done $0x0  }
0x4c: {  	[sflag:s28] =	ssyncadd.s32 $0xFFFFEC00  }
0x4d: {  	[bflag:$0x0] =	sbarrier.arrive $0xFFFF  }
0x4e: {  	s18 =	simm.s32 $0x0;
	s19 =	rddreg [dreg:$0xb]  }
0x4f: {  	[tilespmem:s29], [sflag:$0x5] =	stream.linear.gather [hbm4b:s19+s18], $0x4E20, $0x38;
	[tilespmem:$0x18880] =	vst v63  }
0x50: {  	_ =	swait.ge [sflag:s28], $0x4E20  }
0x51: {  	[sflag:s28] =	ssyncset.done $0x0  }
0x52: {  	s14 =	simm.s32 $0xEA60;
	s21 =	rddreg [dreg:$0xc];
	[sflag:s28] =	ssyncadd.s32 $0xFFFFB1E0  }
0x53: {  	[tilespmem:s14], [sflag:$0x5] =	stream.linear.gather [hbm4b:s21+s18], $0x4E20, $0x38;
	[tilespmem:$0x18880] =	vst v63  }
0x54: {  	_ =	swait.ge [sflag:s28], $0x4E20  }
0x55: {  	[sflag:s28] =	ssyncset.done $0x0  }
0x56: {  	s18 =	simm.s32 $0x0;
	[sflag:s28] =	ssyncadd.s32 $0xFFFFB1E0  }
0x57: {  	v5 =	vld [tilespmem:s18+$0x9C40]  }
0x58: {  	v4 =	vld [tilespmem:s18+$0x9C50]  }
0x59: {  	v3 =	vld [tilespmem:s18+$0x9C60]  }
0x5a: {  	s12 =	simm.s32 $0x140;
	v2 =	vld [tilespmem:s18+$0x9C70]  }
.LBB2_4:
0x5b: {  	p5 =	sne.s32 s12, $0x13740;
	v6 =	vld [tilespmem:s18+$0x9C80]  }
0x5c: {  	v5 =	vadd.s32 v0, v5  }
.Ltmp3:
0x5d: {  	s19 =	sshra.s32 s12, $0x2;
	[tilespmem:s18+$0x9C40] =	vst v5;
	v4 =	vadd.s32 v0, v4;
	(pc) =	sbr.rel @p5 .LBB2_4-.Ltmp3, $4  }
0x5e: {  	v5 =	vld [tilespmem:s19+$0x9C40];
	[tilespmem:s18+$0x9C50] =	vst v4;
	v3 =	vadd.s32 v0, v3  }
0x5f: {  	v4 =	vld [tilespmem:s19+$0x9C50];
	[tilespmem:s18+$0x9C60] =	vst v3;
	v2 =	vadd.s32 v0, v2  }
0x60: {  	v3 =	vld [tilespmem:s19+$0x9C60];
	[tilespmem:s18+$0x9C70] =	vst v2;
	v6 =	vadd.s32 v0, v6  }
0x61: {  	s12 =	sadd.s32 $0x140, s12;
	v2 =	vld [tilespmem:s19+$0x9C70];
	[tilespmem:s18+$0x9C80] =	vst v6;
	s18 =	smov.u32 s19  }
0x62: {  	v6 =	vld [tilespmem:s18+$0x9C80]  }
0x63: {  	v5 =	vadd.s32 v0, v5  }
0x64: {  	[tilespmem:s18+$0x9C40] =	vst v5;
	v4 =	vadd.s32 v0, v4  }
0x65: {  	[tilespmem:s18+$0x9C50] =	vst v4;
	v3 =	vadd.s32 v0, v3  }
0x66: {  	[tilespmem:s18+$0x9C60] =	vst v3;
	v2 =	vadd.s32 v0, v2  }
0x67: {  	[tilespmem:s18+$0x9C70] =	vst v2;
	v2 =	vadd.s32 v0, v6  }
0x68: {  	[tilespmem:s18+$0x9C80] =	vst v2;
	s18 =	simm.s32 $0x0  }
0x69: {  	[tilespmem:s31], [sflag:$0x1] =	stream.linear.gather [hbm4b:s20+s18], $0x1400, $0x38;
	[tilespmem:$0x18880] =	vst v63  }
0x6a: {  	_ = 	snop  }
0x6b: {  	[tilespmem:s26], [sflag:$0x3] =	stream.indirect.gather [hbm4b:s4+s0], $0x40, s29, s0, $0xb8;
	[tilespmem:$0x18880] =	vst v63  }
0x6c: {  	_ = 	snop  }
0x6d: {  	[tilespmem:s6], [sflag:$0x2] =	stream.linear.gather [hbm4b:s25+s18], $0x1400, $0x38;
	[tilespmem:$0x18880] =	vst v63  }
0x6e: {  	s12 =	simm.s32 $0x9C90  }
0x6f: {  	[tilespmem:s8], [sflag:$0x4] =	stream.indirect.gather [hbm4b:s4+s0], $0x40, s12, s0, $0xb8;
	[tilespmem:$0x18880] =	vst v63  }
.LBB2_6:
0x70: {  	_ =	swait.ge [sflag:s30], $0x1400  }
0x71: {  	[sflag:s30] =	ssyncset.done $0x0  }
0x72: {  	[sflag:s30] =	ssyncadd.s32 $0xFFFFEC00  }
0x73: {  	_ =	swait.ge [sflag:s7], $0x1400  }
0x74: {  	[sflag:s7] =	ssyncset.done $0x0  }
0x75: {  	s21 =	simm.s32 $0x0;
	[sflag:s7] =	ssyncadd.s32 $0xFFFFEC00  }
0x76: {  	v4 =	vld [tilespmem:s21+$0x16080]  }
0x77: {  	v5 =	vld [tilespmem:s21+$0x16090]  }
0x78: {  	v3 =	vld [tilespmem:s21+$0x160A0]  }
0x79: {  	v2 =	vld [tilespmem:s21+$0x160B0]  }
0x7a: {  	v6 =	vld [tilespmem:s21+$0x13880]  }
0x7b: {  	v8 =	vld [tilespmem:s21+$0x13890]  }
0x7c: {  	s19 =	simm.s32 $0x100;
	v7 =	vld [tilespmem:s21+$0x138A0]  }
.LBB2_7:
0x7d: {  	p5 =	sne.s32 s19, $0x4F00;
	v9 =	vld [tilespmem:s21+$0x138B0]  }
0x7e: {  	s12 =	sshra.s32 s19, $0x2  }
0x7f: {  	v6 =	vadd.f32 v4, v6;
	v4 =	vld [tilespmem:s12+$0x16080]  }
0x80: {  	v8 =	vadd.f32 v5, v8;
	v5 =	vld [tilespmem:s12+$0x16090]  }
.Ltmp4:
0x81: {  	v6 =	vmax.f32 v6, $0.0e+00;
	v7 =	vadd.f32 v3, v7;
	v3 =	vld [tilespmem:s12+$0x160A0];
	(pc) =	sbr.rel @p5 .LBB2_7-.Ltmp4, $4  }
0x82: {  	[tilespmem:s21+$0x13880] =	vst v6;
	v8 =	vmax.f32 v8, $0.0e+00;
	v9 =	vadd.f32 v2, v9;
	v2 =	vld [tilespmem:s12+$0x160B0]  }
0x83: {  	v6 =	vld [tilespmem:s12+$0x13880];
	[tilespmem:s21+$0x13890] =	vst v8;
	v7 =	vmax.f32 v7, $0.0e+00  }
0x84: {  	v8 =	vld [tilespmem:s12+$0x13890];
	[tilespmem:s21+$0x138A0] =	vst v7;
	v9 =	vmax.f32 v9, $0.0e+00  }
0x85: {  	s19 =	sadd.s32 $0x100, s19;
	v7 =	vld [tilespmem:s12+$0x138A0];
	[tilespmem:s21+$0x138B0] =	vst v9;
	s21 =	smov.u32 s12  }
0x86: {  	v9 =	vld [tilespmem:s21+$0x138B0];
	_ =	sdelay $0x1  }
0x87: {  	v4 =	vadd.f32 v4, v6  }
0x88: {  	v5 =	vadd.f32 v5, v8  }
0x89: {  	v4 =	vmax.f32 v4, $0.0e+00;
	v3 =	vadd.f32 v3, v7  }
0x8a: {  	s12 =	smul.u32 $0x280, s18;
	[tilespmem:s21+$0x13880] =	vst v4;
	v4 =	vmax.f32 v5, $0.0e+00;
	v2 =	vadd.f32 v2, v9  }
0x8b: {  	[tilespmem:s21+$0x13890] =	vst v4;
	v3 =	vmax.f32 v3, $0.0e+00  }
0x8c: {  	p5 =	seq.s32 s18, $0x7C;
	s19 =	sshra.s32 s12, $0x2;
	[tilespmem:s21+$0x138A0] =	vst v3;
	v2 =	vmax.f32 v2, $0.0e+00  }
0x8d: {  	s12 =	sadd.s32 $0xEA60, s19;
	[tilespmem:s21+$0x138B0] =	vst v2;
	s21 =	smul.u32 @!p5 $0xA0, s18  }
0x8e: {  	[spmem:s2] =	stream.indirect.scatter.add.f32 [tilespmem:s31], [sflag:$0x5], $0x40, s12, s0, $0xb8;
	[tilespmem:$0x18880] =	vst v63  }
0x8f: {  	s12 =	sadd.s32 @!p5 s17, s21  }
0x90: {  	_ =	swait.ge [sflag:s28], $0x1400;
	s12 =	sshll.u32 @!p5 s12, $0x3  }
0x91: {  	s13 =	simm.s32 @!p5 $0x0;
	[sflag:s28] =	ssyncset.done $0x0;
	s12 =	sadd.s32 @!p5 s5, s12  }
0x92: {  	s14 =	simm.s32 @!p5 $0x13880;
	[sflag:s28] =	ssyncadd.s32 $0xFFFFEC00;
	s12 =	sadd.s32 @!p5 $0x500, s12  }
0x93: {  	[tilespmem:s14], [sflag:$0x1] =	stream.linear.gather @!p5 [hbm4b:s12+s13], $0x1400, $0x38;
	[tilespmem:$0x18880] =	vst v63  }
0x94: {  	s12 =	sadd.s32 @!p5 $0x9CE0, s21;
	s13 =	simm.s32 @!p5 $0x50;
	s14 =	simm.s32 @!p5 $0x16080  }
0x95: {  	[tilespmem:s14], [sflag:$0x3] =	stream.indirect.gather @!p5 [hbm4b:s4+s13], $0x40, s12, s13, $0xb8;
	[tilespmem:$0x18880] =	vst v63  }
0x96: {  	_ =	swait.ge [sflag:s10], $0x1400  }
0x97: {  	[sflag:s10] =	ssyncset.done $0x0  }
0x98: {  	[sflag:s10] =	ssyncadd.s32 $0xFFFFEC00  }
0x99: {  	_ =	swait.ge [sflag:s11], $0x1400  }
0x9a: {  	[sflag:s11] =	ssyncset.done $0x0  }
0x9b: {  	s21 =	simm.s32 $0x0;
	[sflag:s11] =	ssyncadd.s32 $0xFFFFEC00  }
0x9c: {  	v4 =	vld [tilespmem:s21+$0x17480]  }
0x9d: {  	v5 =	vld [tilespmem:s21+$0x17490]  }
0x9e: {  	v3 =	vld [tilespmem:s21+$0x174A0]  }
0x9f: {  	v2 =	vld [tilespmem:s21+$0x174B0]  }
0xa0: {  	v6 =	vld [tilespmem:s21+$0x14C80]  }
0xa1: {  	v8 =	vld [tilespmem:s21+$0x14C90]  }
0xa2: {  	s12 =	simm.s32 $0x100;
	v7 =	vld [tilespmem:s21+$0x14CA0]  }
.LBB2_9:
0xa3: {  	p6 =	sne.s32 s12, $0x4F00;
	v9 =	vld [tilespmem:s21+$0x14CB0]  }
0xa4: {  	s13 =	sshra.s32 s12, $0x2  }
0xa5: {  	v6 =	vadd.f32 v4, v6;
	v4 =	vld [tilespmem:s13+$0x17480]  }
0xa6: {  	v8 =	vadd.f32 v5, v8;
	v5 =	vld [tilespmem:s13+$0x17490]  }
.Ltmp5:
0xa7: {  	v6 =	vmax.f32 v6, $0.0e+00;
	v7 =	vadd.f32 v3, v7;
	v3 =	vld [tilespmem:s13+$0x174A0];
	(pc) =	sbr.rel @p6 .LBB2_9-.Ltmp5, $4  }
0xa8: {  	[tilespmem:s21+$0x14C80] =	vst v6;
	v8 =	vmax.f32 v8, $0.0e+00;
	v9 =	vadd.f32 v2, v9;
	v2 =	vld [tilespmem:s13+$0x174B0]  }
0xa9: {  	v6 =	vld [tilespmem:s13+$0x14C80];
	[tilespmem:s21+$0x14C90] =	vst v8;
	v7 =	vmax.f32 v7, $0.0e+00  }
0xaa: {  	v8 =	vld [tilespmem:s13+$0x14C90];
	[tilespmem:s21+$0x14CA0] =	vst v7;
	v9 =	vmax.f32 v9, $0.0e+00  }
0xab: {  	s12 =	sadd.s32 $0x100, s12;
	v7 =	vld [tilespmem:s13+$0x14CA0];
	[tilespmem:s21+$0x14CB0] =	vst v9;
	s21 =	smov.u32 s13  }
0xac: {  	v9 =	vld [tilespmem:s21+$0x14CB0];
	_ =	sdelay $0x1  }
0xad: {  	v4 =	vadd.f32 v4, v6  }
0xae: {  	v5 =	vadd.f32 v5, v8  }
0xaf: {  	v4 =	vmax.f32 v4, $0.0e+00;
	v3 =	vadd.f32 v3, v7  }
0xb0: {  	[tilespmem:s21+$0x14C80] =	vst v4;
	v63 =	vmax.f32 v5, $0.0e+00;
	v2 =	vadd.f32 v2, v9  }
0xb1: {  	[tilespmem:s21+$0x14C90] =	vst v63;
	v3 =	vmax.f32 v3, $0.0e+00  }
0xb2: {  	[tilespmem:s21+$0x14CA0] =	vst v3;
	v2 =	vmax.f32 v2, $0.0e+00  }
.Ltmp6:
0xb3: {  	s12 =	sadd.s32 $0xEAB0, s19;
	[tilespmem:s21+$0x14CB0] =	vst v2;
	(pc) =	sbr.rel @p5 .LBB2_12-.Ltmp6, $4  }
0xb4: {  	[spmem:s2] =	stream.indirect.scatter.add.f32 [tilespmem:s6], [sflag:$0x5], $0x40, s12, s0, $0xb8;
	[tilespmem:$0x18880] =	vst v63  }
0xb5: {  	_ =	swait.ge [sflag:s28], $0x1400  }
0xb6: {  	[sflag:s28] =	ssyncset.done $0x0  }
0xb7: {  	[sflag:s28] =	ssyncadd.s32 $0xFFFFEC00  }
0xb8: {  	s12 =	smul.u32 $0xA0, s18;
	_ =	sdelay $0x1  }
0xb9: {  	s13 =	sadd.s32 s17, s12  }
0xba: {  	s13 =	sshll.u32 s13, $0x3  }
.Ltmp7:
0xbb: {  	s13 =	sadd.s32 s5, s13;
	(pc) =	sbr.rel .LBB2_6-.Ltmp7, $4  }
0xbc: {  	s13 =	sadd.s32 $0x780, s13  }
0xbd: {  	[tilespmem:s6], [sflag:$0x2] =	stream.linear.gather [hbm4b:s13+s3], $0x1400, $0x38;
	[tilespmem:$0x18880] =	vst v63  }
0xbe: {  	s18 =	sadd.s32 $0x1, s18;
	s12 =	sadd.s32 $0x9D30, s12  }
0xbf: {  	[tilespmem:s8], [sflag:$0x4] =	stream.indirect.gather [hbm4b:s4+s0], $0x40, s12, s0, $0xb8;
	[tilespmem:$0x18880] =	vst v63  }
.LBB2_12:
0xc0: {  	s18 =	stileid.u32;
	[bflag:$0x0] =	sbarrier.arrive $0xFFFF;
	s13 =	sshrl.u32 @p2 s22, $0x3  }
0xc1: {  	p5 =	por @!p4 $0x1, $0x1;
	p6 =	por p1, p1;
	s12 =	sshll.u32 @p2 s18, $0x6  }
0xc2: {  	s14 =	rddreg [dreg:$0xd];
	p6 =	por @!p4 p5, p5;
	s12 =	sor.u32 @p2 $0x1C05, s12  }
0xc3: {  	[hbm:s14], [sflag:s12] =	dma.local @p2 [spmem:s13], $0x1400  }
0xc4: {  	p5 =	por @!p3 !p6, !p0;
	s12 =	simm.s32 @p2 $0x5  }
0xc5: {  	p5 =	por @!p3 !p5, !p5;
	_ =	swait.ge @p2 [sflag:s12], $0x1400  }
0xc6: {  	s13 =	sshll.u32 @!p4 s18, $0x6;
	p5 =	por p3, p5;
	[sflag:s12] =	ssyncset.done @p2 $0x0  }
0xc7: {  	[sflag:s12] =	ssyncadd.s32 @p2 $0xFFFFEC00;
	s12 =	sor.u32 @!p4 $0x1C05, s13;
	s13 =	sshrl.u32 @!p4 s22, $0x3  }
0xc8: {  	[hbm:s23], [sflag:s12] =	dma.local @!p4 [spmem:s13], $0x1400  }
.Ltmp8:
0xc9: {  	_ = 	snop;
	(pc) =	sbr.rel @!p5 .LBB2_14-.Ltmp8, $4  }
0xca: {  	s12 =	simm.s32 @!p4 $0x5  }
0xcb: {  	_ =	swait.ge @!p4 [sflag:s12], $0x1400  }
0xcc: {  	[sflag:s12] =	ssyncset.done @!p4 $0x0  }
0xcd: {  	s14 =	stileid.u32;
	[sflag:s12] =	ssyncadd.s32 @!p4 $0xFFFFEC00  }
0xce: {  	s12 =	rddreg [dreg:$0x4]  }
0xcf: {  	s13 =	rddreg [dreg:$0x3]  }
0xd0: {  	s21 =	rddreg [dreg:$0x5];
	s18 =	simm.s32 $0x1FC5;
	s12 =	smov.u32 @p3 s13  }
.Ltmp9:
0xd1: {  	s13 =	sshrl.u32 s21, $0x3;
	s12 =	sadd.s32 $0x12C00, s12;
	(pc) =	sbr.rel .LBB2_14-.Ltmp9, $4  }
0xd2: {  	[hbm:s12], [sflag:s18] =	dma.local [spmem:s13], $0xC80  }
0xd3: {  	_ =	swait.ge [sflag:s28], $0xC80  }
0xd4: {  	[sflag:s28] =	ssyncset.done $0x0  }
0xd5: {  	[sflag:s28] =	ssyncadd.s32 $0xFFFFF380  }
.LBB2_15:
0xd6: {  	_ =	sfence.sel $0x180000  }
0xd7: {  	[bflag:$0x0] =	sbarrier.arrive $0xFFFF  }
0xd8: {  	_ =	strace $0x9000004A  }
0xd9: {  	[bflag:$0x2] =	sbarrier.arrive $0xFFFF  }
0xda: {  	p0 =	sne.s32 s14, $0x0;
	s0 =	rddreg [dreg:$0x2]  }
0xdb: {  	s0 =	sadd.s32 @!p0 $0x100000, s0  }
0xdc: {  	[sflag:s0] =	ssyncadd.tile.s32 @!p0 $0x1;
	_ =	shalt  }
.Lfunc_end2:
_tile_overlayer_lowered:
.L_overlay_start_2:
0xdd: {  	(tag) =	ssettag $0x2  }
0xde: {  	s0 =	rddreg [dreg:$0x0];
	s2 =	stileid.u32  }
0xdf: {  	s1 =	rddreg [dreg:$0x1];
	p0 =	sne.s32 s2, $0x0  }
0xe0: {  	s3 =	rddreg [dreg:$0x2];
	[bflag:$0x3] =	sbarrier.arrive $0xFFFF;
	s2 =	simm.s32 @!p0 $0x1C05  }
0xe1: {  	[timem:s3], [sflag:s2] =	dma.local @!p0 [hbm:s0], s1  }
0xe2: {  	s0 =	simm.s32 @!p0 $0x5  }
0xe3: {  	_ =	swait.ge @!p0 [sflag:s0], s1  }
0xe4: {  	s1 =	ssub.s32 @!p0 $0x0, s1;
	[sflag:s0] =	ssyncset.done @!p0 $0x0  }
0xe5: {  	[sflag:s0] =	ssyncadd.s32 @!p0 s1  }
0xe6: {  	[bflag:$0x3] =	sbarrier.arrive $0xFFFF  }
0xe7: {  	_ =	shalt  }

// kernel: kernel.20.cloned.1.call-start
scs
__scs_entry_jumppad:
0x0: {  	(pc) =	sbr.rel $0x88, $3  }
0x1: {  	(tag) =	ssettag $0x0;
	lr =	simm.s32 $0x1  }
0x2: {  	[smem:$0x3F8F] =	sst lr;
	_ =	strace $0xD0000000  }
0x3: {  	_ = 	snop  }
0x4: {  	_ = 	snop  }
0x5: {  	_ = 	snop  }
0x6: {  	_ = 	snop  }
0x7: {  	_ = 	snop  }
__scs_overlays_trampoline_lowered:
0x8: {  	[smem:$0x3F9E] =	sst s0  }
0x9: {  	[smem:$0x3F9F] =	sst s1  }
0xa: {  	[smem:$0x3FA0] =	sst s2  }
0xb: {  	[smem:$0x3FA1] =	sst s3  }
0xc: {  	[smem:$0x3FA2] =	sst s4  }
0xd: {  	[smem:$0x3FA3] =	sst s5  }
0xe: {  	[smem:$0x3FA4] =	sst s6  }
0xf: {  	[smem:$0x3FA5] =	sst s7  }
0x10: {  	[smem:$0x3FA6] =	sst s8  }
0x11: {  	[smem:$0x3FA7] =	sst s9;
	s0 =	simm.s32 @!p0 $0x0  }
0x12: {  	s1 =	sld [smem:$0x3F8D];
	s0 =	simm.s32 @p0 $0x1  }
0x13: {  	[smem:$0x3FA8] =	sst s0;
	s0 =	simm.s32 @!p1 $0x0  }
0x14: {  	s2 =	sld [smem:$0x3F8C];
	s0 =	simm.s32 @p1 $0x1  }
0x15: {  	[smem:$0x3FA9] =	sst s0;
	s0 =	simm.s32 @!p2 $0x0  }
0x16: {  	s3 =	sld [smem:$0x3FDB];
	s0 =	simm.s32 @p2 $0x1  }
0x17: {  	s4 =	simm.s32 $0x1BF5;
	[smem:$0x3FAB] =	sst s0  }
0x18: {  	s0 =	sld [smem:$0x3F8E];
	_ =	swait.ge [sflag:s4], $0x0  }
0x19: {  	s7 =	sld [smem:$0x3F8F]  }
0x1a: {  	s8 =	sadd.s32 $0xFFFFE003, lr  }
0x1b: {  	s9 =	sadd.s32 $0xFFFFFEF7, lr;
	s5 =	simm.s32 $0xFFFFFFFF;
	p2 =	slt.u32 s8, $0xFFFFF086  }
0x1c: {  	p1 =	slt.u32 s9, $0xF7A;
	s5 =	simm.s32 @!p2 $0x0  }
0x1d: {  	s5 =	simm.s32 @p1 $0x1;
	p0 =	seq.s32 s7, s2  }
0x1e: {  	s7 =	smul.u32 @!p0 $0xF7A, s2;
	p2 =	seq.s32 @!p0 s5, $0x0  }
0x1f: {  	s9 =	smul.u32 $0xF7A, s1;
	s8 =	simm.s32 @!p0 $0x1BF5;
	p2 =	por !p2, p0  }
0x20: {  	[sflag:s8] =	ssyncset.s32 @!p0 $0xFFFFF086;
	s6 =	sadd.s32 @!p0 s3, s7;
	s7 =	simm.s32 @!p0 $0x108  }
0x21: {  	s3 =	sadd.s32 s3, s9;
	s6 =	sadd.s32 @!p0 $0x88, s6;
	s7 =	simm.s32 @p2 $0x1082  }
0x22: {  	[simem:s7], [sflag:s8] =	dma.local @!p0 [hbm:s6], $0xF7A  }
0x23: {  	s9 =	sor.u32 $0xD0000000, s2;
	s6 =	simm.s32 $0x108;
	_ =	swait.ge @!p0 [sflag:s8], $0x0  }
0x24: {  	s3 =	sadd.s32 $0x88, s3;
	s6 =	simm.s32 @!p1 $0x1082;
	[sflag:s4] =	ssyncset.s32 $0xFFFFF086  }
0x25: {  	[simem:s6], [sflag:s4] =	dma.local [hbm:s3], $0xF7A  }
0x26: {  	[smem:$0x3F8F] =	sst s1;
	(tag) =	ssettag s2;
	_ =	strace s9  }
0x27: {  	s1 =	sld [smem:$0x3F9F]  }
0x28: {  	s2 =	sld [smem:$0x3FA0]  }
0x29: {  	s4 =	sld [smem:$0x3FA2]  }
0x2a: {  	p0 =	seq.s32 s5, $0x0;
	s5 =	sld [smem:$0x3FA3]  }
0x2b: {  	s6 =	sld [smem:$0x3FA4]  }
0x2c: {  	s7 =	sld [smem:$0x3FA5]  }
0x2d: {  	s3 =	simm.s32 $0x108;
	s8 =	sld [smem:$0x3FA6]  }
0x2e: {  	s3 =	simm.s32 @!p0 $0x1082;
	s9 =	sld [smem:$0x3FA7]  }
0x2f: {  	lr =	sadd.s32 s0, s3;
	s0 =	sld [smem:$0x3F9E]  }
0x30: {  	s3 =	sld [smem:$0x3FA1]  }
0x31: {  	[smem:$0x3FAA] =	sst s10  }
0x32: {  	s10 =	sld [smem:$0x3FA8];
	_ =	sdelay $0x3  }
0x33: {  	p0 =	seq.s32 s10, $0x1;
	s10 =	sld [smem:$0x3FAA];
	_ =	sdelay $0x3  }
0x34: {  	[smem:$0x3FAA] =	sst s10  }
0x35: {  	s10 =	sld [smem:$0x3FA9];
	_ =	sdelay $0x3  }
0x36: {  	p1 =	seq.s32 s10, $0x1;
	s10 =	sld [smem:$0x3FAA];
	_ =	sdelay $0x3  }
0x37: {  	[smem:$0x3FAA] =	sst s10  }
0x38: {  	s10 =	sld [smem:$0x3FAB]  }
0x39: {  	_ = 	snop;
	(pc) =	sbr.ind lr, $3  }
0x3a: {  	_ = 	snop  }
0x3b: {  	_ = 	snop  }
0x3c: {  	p2 =	seq.s32 s10, $0x1;
	s10 =	sld [smem:$0x3FAA]  }
0x3d: {  	_ =	shalt  }
0x3e: {  	_ =	shalt  }
0x3f: {  	_ =	shalt  }
0x40: {  	_ =	shalt  }
0x41: {  	_ =	shalt  }
0x42: {  	_ =	shalt  }
0x43: {  	_ =	shalt  }
0x44: {  	_ =	shalt  }
0x45: {  	_ =	shalt  }
0x46: {  	_ =	shalt  }
0x47: {  	_ =	shalt  }
0x48: {  	_ =	shalt  }
0x49: {  	_ =	shalt  }
0x4a: {  	_ =	shalt  }
0x4b: {  	_ =	shalt  }
0x4c: {  	_ =	shalt  }
0x4d: {  	_ =	shalt  }
0x4e: {  	_ =	shalt  }
0x4f: {  	_ =	shalt  }
0x50: {  	_ =	shalt  }
0x51: {  	_ =	shalt  }
0x52: {  	_ =	shalt  }
0x53: {  	_ =	shalt  }
0x54: {  	_ =	shalt  }
0x55: {  	_ =	shalt  }
0x56: {  	_ =	shalt  }
0x57: {  	_ =	shalt  }
0x58: {  	_ =	shalt  }
0x59: {  	_ =	shalt  }
0x5a: {  	_ =	shalt  }
0x5b: {  	_ =	shalt  }
0x5c: {  	_ =	shalt  }
0x5d: {  	_ =	shalt  }
0x5e: {  	_ =	shalt  }
0x5f: {  	_ =	shalt  }
0x60: {  	_ =	shalt  }
0x61: {  	_ =	shalt  }
0x62: {  	_ =	shalt  }
0x63: {  	_ =	shalt  }
0x64: {  	_ =	shalt  }
0x65: {  	_ =	shalt  }
0x66: {  	_ =	shalt  }
0x67: {  	_ =	shalt  }
0x68: {  	_ =	shalt  }
0x69: {  	_ =	shalt  }
0x6a: {  	_ =	shalt  }
0x6b: {  	_ =	shalt  }
0x6c: {  	_ =	shalt  }
0x6d: {  	_ =	shalt  }
0x6e: {  	_ =	shalt  }
0x6f: {  	_ =	shalt  }
0x70: {  	_ =	shalt  }
0x71: {  	_ =	shalt  }
0x72: {  	_ =	shalt  }
0x73: {  	_ =	shalt  }
0x74: {  	_ =	shalt  }
0x75: {  	_ =	shalt  }
0x76: {  	_ =	shalt  }
0x77: {  	_ =	shalt  }
0x78: {  	_ =	shalt  }
0x79: {  	_ =	shalt  }
0x7a: {  	_ =	shalt  }
0x7b: {  	_ =	shalt  }
0x7c: {  	_ =	shalt  }
0x7d: {  	_ =	shalt  }
0x7e: {  	_ =	shalt  }
0x7f: {  	_ =	shalt  }
0x80: {  	_ =	shalt  }
0x81: {  	_ =	shalt  }
0x82: {  	_ =	shalt  }
0x83: {  	_ =	shalt  }
0x84: {  	_ =	shalt  }
0x85: {  	_ =	shalt  }
0x86: {  	_ =	shalt  }
0x87: {  	_ =	shalt  }
.Lfunc_end0:
.L_simem_size_0:
called_computation.2_lowered:
.L_overlay_start_0:
0x88: {  	s2 =	sld [smem:$0x3FD9]  }
0x89: {  	s3 =	sld [smem:$0x3FFE];
	_ =	sdelay $0x1  }
0x8a: {  	s1 =	srdreg.scid  }
0x8b: {  	s0 =	sand.u32 $0x1, s1  }
0x8c: {  	s16 =	sshll.u32 s0, $0xA;
	s2 =	sadd.s32 s3, s2  }
0x8d: {  	s2 =	sadd.s32 s2, s16  }
0x8e: {  	[smem:$0x3FB6] =	sst s2  }
0x8f: {  	_ = 	snop  }
0x90: {  	(tm) =	ssettm $0x1  }
0x91: {  	s17 =	sld [smem:$0x3FFB];
	_ =	sdelay $0x3  }
0x92: {  	_ =	strace s17  }
0x93: {  	s2 =	sld [smem:$0x3FFC];
	_ =	sdelay $0x3  }
0x94: {  	_ =	strace s2  }
0x95: {  	s2 =	sld [smem:$0x3FFD];
	_ =	sdelay $0x3  }
0x96: {  	_ =	strace s2  }
0x97: {  	_ =	strace $0x8FFFFFFF  }
0x98: {  	s18 =	sld [smem:$0x3FDB];
	_ =	sdelay $0x1  }
0x99: {  	s19 =	simm.s32 $_scs_section_size  }
0x9a: {  	s4 =	simm.s32 $_size__tile_overlayer_lowered;
	s5 =	simm.s32 $_tile_overlayer_lowered  }
0x9b: {  	s22 =	simm.s32 $0x1BFF;
	s21 =	sshll.u32 s5, $0x1;
	s2 =	sadd.s32 s19, s18  }
0x9c: {  	s6 =	simm.s32 $0x0;
	s20 =	sshll.u32 s4, $0x1;
	s4 =	sadd.s32 s21, s2  }
0x9d: {  	[timem:s6], [sflag:s22] =	dma.local [hbm:s4], s20  }
0x9e: {  	_ =	swait.ge [sflag:s22], s20  }
0x9f: {  	s3 =	ssub.s32 $0x0, s20;
	[sflag:s22] =	ssyncset.done $0x0  }
0xa0: {  	[sflag:s22] =	ssyncadd.s32 s3;
	_ =	sdelay $0x1  }
0xa1: {  	s23 =	simm.s32 $0x1B8B  }
0xa2: {  	_ =	swait.ge [sflag:s23], $0x1  }
0xa3: {  	[sflag:s23] =	ssyncset.done $0x0  }
0xa4: {  	s25 =	simm.s32 $0x1B8E;
	s24 =	sld [smem:$0x3FFE];
	[sflag:s23] =	ssyncadd.s32 $0xFFFFFFFF  }
0xa5: {  	s26 =	simm.s32 $execute0_lowered;
	[smem:$0x3FD2] =	sst s25  }
0xa6: {  	s4 =	sshll.u32 s26, $0x1;
	_ =	strace $0x8000004C;
	[dreg:$0x1] =	wrdreg $0xFFFFFFFF  }
0xa7: {  	s28 =	simm.s32 $_size_execute0_lowered;
	s2 =	sadd.s32 s2, s4;
	[dreg:$0x0] =	wrdreg $0x0  }
0xa8: {  	s4 =	sshll.u32 s28, $0x1;
	[dreg:$0x2] =	wrdreg s2  }
0xa9: {  	[dreg:$0x3] =	wrdreg s4  }
0xaa: {  	[dreg:$0x4] =	wrdreg $0xC0  }
0xab: {  	_ =	task [dreg:s6], $0x5FFFF  }
0xac: {  	[dreg:$0x1] =	wrdreg $0xFFFFFFFF  }
0xad: {  	[dreg:$0x0] =	wrdreg $0x60  }
0xae: {  	[dreg:$0x2] =	wrdreg s24  }
0xaf: {  	[dreg:$0x3] =	wrdreg $0x0  }
0xb0: {  	[dreg:$0x4] =	wrdreg $0x9  }
0xb1: {  	_ =	task.clear_ibuf [dreg:s6], $0x5FFFF;
	_ =	strace $0x9000004C  }
0xb2: {  	s29 =	simm.s32 $0x9;
	_ =	strace $0x8000004E  }
0xb3: {  	_ =	swait.ge [sflag:s29], $0x1  }
0xb4: {  	[sflag:s29] =	ssyncadd.s32 $0xFFFFFFFF  }
0xb5: {  	_ =	strace $0x9000004E  }
0xb6: {  	_ =	sfence  }
0xb7: {  	s30 =	sld [smem:$0x0];
	_ =	sdelay $0x2  }
0xb8: {  	s31 =	sshll.u32 s1, $0xD;
	s1 =	sshrl.u32 s1, $0x2  }
0xb9: {  	s3 =	sand.u32 $0x4000, s31;
	s1 =	sadd.s32 s1, s30  }
0xba: {  	s0 =	sor.u32 s3, s0;
	s1 =	sshll.u32 s1, $0x11  }
0xbb: {  	s0 =	sor.u32 s1, s0  }
0xbc: {  	s0 =	sadd.s32 $0x8F2B, s0  }
0xbd: {  	[sflag:s0] =	ssyncadd.remote.s32 $0x1  }
0xbe: {  	_ =	sfence.sel $0xFFFF  }
0xbf: {  	[dreg:$0x0] =	wrdreg $0xFFFFFFFF;
	(pc) =	sbr.abs _section_cstart, $3  }
0xc0: {  	[dreg:$0x1] =	wrdreg $0xFFFFFFFF  }
0xc1: {  	_ =	task.clear_ibuf [dreg:s6], $0x2FFFF;
	_ =	strace $0x9FFFFFFF  }
0xc2: {  	(tm) =	ssettm $0x7FFFFFFF  }
0xc3: {  	_ =	shalt  }
tec
execute0_lowered:
.L_overlay_start_1:
0x0: {  	(tag) =	ssettag $0x1  }
0x1: {  	s0 =	rddreg [dreg:$0x0]  }
0x2: {  	s2 =	rddreg [dreg:$0x1];
	s3 =	simm.s32 $0x0  }
0x3: {  	s13 =	stileid.u32;
	s6 =	srdreg.scid;
	s28 =	simm.s32 $0x5  }
0x4: {  	s29 =	simm.s32 $0x9C40;
	s31 =	simm.s32 $0x13880;
	s30 =	simm.s32 $0x1  }
0x5: {  	[smem:$0x7FF] =	sst s3;
	s1 =	smul.u32 $0x4E20, s13;
	s4 =	sadd.s32 $0x54B200, s0  }
0x6: {  	s5 =	sadd.s32 $0x1B000, s0;
	s6 =	sand.u32 $0x1, s6;
	s14 =	sadd.s32 $0x585E00, s0  }
0x7: {  	s19 =	sadd.s32 $0x572400, s0;
	s9 =	smul.u32 $0x28000, s13;
	p0 =	seq.s32 s13, $0xF  }
0x8: {  	p4 =	sne.s32 s13, $0xF;
	s21 =	sadd.s32 $0x96000, s2;
	s10 =	sadd.s32 $0x98800, s2  }
0x9: {  	s11 =	sadd.s32 $0x99C00, s2;
	s12 =	sadd.s32 $0x9B000, s2;
	_ =	strace $0x8000004D  }
0xa: {  	s8 =	ssub.s32 $0x2, s6;
	s17 =	smul.u32 $0x4E200, s6;
	[dreg:$0x3] =	wrdreg s14  }
0xb: {  	p3 =	seq.s32 s6, $0x0;
	p1 =	seq.s32 s6, $0x1;
	[dreg:$0x4] =	wrdreg s19  }
0xc: {  	[dreg:$0x5] =	wrdreg s21;
	s7 =	sshrl.u32 s1, $0x3;
	s24 =	sshrl.u32 s8, $0x1  }
0xd: {  	s9 =	sshrl.u32 s9, $0x2;
	p2 =	por !p3, !p4;
	p3 =	por !p3, !p0  }
0xe: {  	p4 =	por !p4, !p1;
	s7 =	sadd.s32 s7, s0;
	s0 =	ssub.s32 s8, s24  }
0xf: {  	s8 =	sadd.s32 $0x97400, s2;
	s9 =	sadd.s32 s9, s2;
	s17 =	sadd.s32 s1, s17  }
0x10: {  	p2 =	por !p2, !p2;
	p3 =	por !p3, !p3;
	p4 =	por !p4, !p4  }
0x11: {  	s1 =	simm.s32 $0x0;
	s15 =	sadd.s32 $0x1400, s9;
	s25 =	sadd.s32 $0x2800, s9  }
0x12: {  	s18 =	sadd.s32 $0x5000, s9;
	s20 =	sadd.s32 $0x6400, s9;
	s22 =	sadd.s32 $0x7800, s9  }
0x13: {  	s16 =	sadd.s32 $0x8C00, s9;
	s26 =	sadd.s32 $0x11200, s7;
	[dreg:$0x6] =	wrdreg s15  }
0x14: {  	s7 =	sadd.s32 $0x7400, s7;
	s24 =	smax.u32 s0, $0x1;
	[dreg:$0x7] =	wrdreg s25  }
0x15: {  	p4 =	por !p4, p3;
	s0 =	simm.s32 $0x50;
	[dreg:$0xb] =	wrdreg s26  }
0x16: {  	s15 =	sadd.s32 $0x3C00, s9;
	[dreg:$0xc] =	wrdreg s7;
	s18 =	smov.u32 @p0 s8  }
0x17: {  	s8 =	sshll.u32 s17, $0x3;
	s20 =	smov.u32 @p0 s10;
	s10 =	smul.u32 $0xA000, s13  }
0x18: {  	s13 =	smul.u32 $0x2710, s6;
	s22 =	smov.u32 @p0 s11;
	s16 =	smov.u32 @p0 s12  }
0x19: {  	s6 =	simm.s32 $0x14C80;
	s7 =	simm.s32 $0x3;
	[dreg:$0x8] =	wrdreg s18  }
.Ltmp0:
0x1a: {  	s11 =	simm.s32 $0x4;
	[dreg:$0x9] =	wrdreg s20;
	(pc) =	sbr.rel .LBB2_1-.Ltmp0, $4  }
0x1b: {  	s20 =	sadd.s32 s5, s8;
	[dreg:$0xa] =	wrdreg s22;
	s15 =	smov.u32 @p0 s21  }
0x1c: {  	s8 =	simm.s32 $0x17480;
	s25 =	sshrl.u32 s10, $0x3;
	s22 =	sadd.s32 s10, s2  }
0x1d: {  	s10 =	simm.s32 $0x2;
	s26 =	sadd.s32 s14, s25;
	s23 =	sadd.s32 s19, s25  }
0x1e: {  	v1 =	vimm.f32 $0.0e+00;
	v0 =	vmov s13;
	s25 =	sadd.s32 $0x280, s20;
	[dreg:$0xd] =	wrdreg s26;
	s26 =	simm.s32 $0x16080  }
.LBB2_14:
0x1f: {  	s1 =	sadd.s32 $0x1, s1  }
0x20: {  	p5 =	sne.s32 s1, s24  }
.Ltmp1:
0x21: {  	_ = 	snop;
	(pc) =	sbr.rel @!p5 .LBB2_15-.Ltmp1, $1  }
0x22: {  	_ =	sdelay $0x3  }
.LBB2_1:
0x23: {  	s18 =	simm.s32 $0x100;
	s12 =	simm.s32 $0x0  }
.LBB2_2:
0x24: {  	p5 =	sne.s32 s18, $0x4F00;
	[tilespmem:s12+$0x160B0] =	vst v1;
	s19 =	smov.u32 s18;
	s18 =	sadd.s32 $0x100, s18  }
.Ltmp2:
0x25: {  	[tilespmem:s12+$0x160A0] =	vst v1;
	(pc) =	sbr.rel @p5 .LBB2_2-.Ltmp2, $3  }
0x26: {  	[tilespmem:s12+$0x16080] =	vst v1  }
0x27: {  	[tilespmem:s12+$0x16090] =	vst v1;
	_ =	sdelay $0x1  }
0x28: {  	s12 =	sshra.s32 s19, $0x2  }
0x29: {  	[tilespmem:s12+$0x160B0] =	vst v1  }
0x2a: {  	[tilespmem:s12+$0x160A0] =	vst v1  }
0x2b: {  	[tilespmem:s12+$0x16080] =	vst v1  }
0x2c: {  	[tilespmem:s12+$0x16090] =	vst v1;
	s12 =	simm.s32 @!p0 $0x16080;
	s18 =	simm.s32 @!p0 $0x5  }
0x2d: {  	[spmem:s9] =	stream.linear.scatter @!p0 [tilespmem:s12], [sflag:$0x5], $0x1400, $0x38;
	[tilespmem:$0x18880] =	vst v63  }
0x2e: {  	_ =	swait.ge @!p0 [sflag:s18], $0x1400  }
0x2f: {  	[sflag:s18] =	ssyncset.done @!p0 $0x0  }
0x30: {  	s13 =	rddreg [dreg:$0x6];
	[sflag:s18] =	ssyncadd.s32 @!p0 $0xFFFFEC00  }
0x31: {  	[spmem:s13] =	stream.linear.scatter @!p0 [tilespmem:s12], [sflag:$0x5], $0x1400, $0x38;
	[tilespmem:$0x18880] =	vst v63  }
0x32: {  	_ =	swait.ge @!p0 [sflag:s18], $0x1400  }
0x33: {  	[sflag:s18] =	ssyncset.done @!p0 $0x0  }
0x34: {  	s13 =	rddreg [dreg:$0x7];
	[sflag:s18] =	ssyncadd.s32 @!p0 $0xFFFFEC00  }
0x35: {  	[spmem:s13] =	stream.linear.scatter @!p0 [tilespmem:s12], [sflag:$0x5], $0x1400, $0x38;
	[tilespmem:$0x18880] =	vst v63  }
0x36: {  	_ =	swait.ge @!p0 [sflag:s18], $0x1400  }
0x37: {  	[sflag:s18] =	ssyncset.done @!p0 $0x0  }
0x38: {  	[sflag:s18] =	ssyncadd.s32 @!p0 $0xFFFFEC00  }
0x39: {  	[spmem:s15] =	stream.linear.scatter [tilespmem:s26], [sflag:$0x5], $0x1400, $0x38;
	[tilespmem:$0x18880] =	vst v63  }
0x3a: {  	_ =	swait.ge [sflag:s28], $0x1400  }
0x3b: {  	[sflag:s28] =	ssyncset.done $0x0  }
0x3c: {  	s21 =	rddreg [dreg:$0x8];
	[sflag:s28] =	ssyncadd.s32 $0xFFFFEC00  }
0x3d: {  	[spmem:s21] =	stream.linear.scatter [tilespmem:s26], [sflag:$0x5], $0x1400, $0x38;
	[tilespmem:$0x18880] =	vst v63  }
0x3e: {  	_ =	swait.ge [sflag:s28], $0x1400  }
0x3f: {  	[sflag:s28] =	ssyncset.done $0x0  }
0x40: {  	s13 =	rddreg [dreg:$0x9];
	[sflag:s28] =	ssyncadd.s32 $0xFFFFEC00  }
0x41: {  	[spmem:s13] =	stream.linear.scatter [tilespmem:s26], [sflag:$0x5], $0x1400, $0x38;
	[tilespmem:$0x18880] =	vst v63  }
0x42: {  	_ =	swait.ge [sflag:s28], $0x1400  }
0x43: {  	[sflag:s28] =	ssyncset.done $0x0  }
0x44: {  	s14 =	rddreg [dreg:$0xa];
	[sflag:s28] =	ssyncadd.s32 $0xFFFFEC00  }
0x45: {  	[spmem:s14] =	stream.linear.scatter [tilespmem:s26], [sflag:$0x5], $0x1400, $0x38;
	[tilespmem:$0x18880] =	vst v63  }
0x46: {  	_ =	swait.ge [sflag:s28], $0x1400  }
0x47: {  	[sflag:s28] =	ssyncset.done $0x0  }
0x48: {  	[sflag:s28] =	ssyncadd.s32 $0xFFFFEC00  }
0x49: {  	[spmem:s16] =	stream.linear.scatter [tilespmem:s26], [sflag:$0x5], $0x1400, $0x38;
	[tilespmem:$0x18880] =	vst v63  }
0x4a: {  	_ =	swait.ge [sflag:s28], $0x1400  }
0x4b: {  	[sflag:s28] =	ssyncset.done $0x0  }
0x4c: {  	[sflag:s28] =	ssyncadd.s32 $0xFFFFEC00  }
0x4d: {  	[bflag:$0x0] =	sbarrier.arrive $0xFFFF  }
0x4e: {  	s18 =	simm.s32 $0x0;
	s19 =	rddreg [dreg:$0xb]  }
0x4f: {  	[tilespmem:s29], [sflag:$0x5] =	stream.linear.gather [hbm4b:s19+s18], $0x4E20, $0x38;
	[tilespmem:$0x18880] =	vst v63  }
0x50: {  	_ =	swait.ge [sflag:s28], $0x4E20  }
0x51: {  	[sflag:s28] =	ssyncset.done $0x0  }
0x52: {  	s14 =	simm.s32 $0xEA60;
	s21 =	rddreg [dreg:$0xc];
	[sflag:s28] =	ssyncadd.s32 $0xFFFFB1E0  }
0x53: {  	[tilespmem:s14], [sflag:$0x5] =	stream.linear.gather [hbm4b:s21+s18], $0x4E20, $0x38;
	[tilespmem:$0x18880] =	vst v63  }
0x54: {  	_ =	swait.ge [sflag:s28], $0x4E20  }
0x55: {  	[sflag:s28] =	ssyncset.done $0x0  }
0x56: {  	s18 =	simm.s32 $0x0;
	[sflag:s28] =	ssyncadd.s32 $0xFFFFB1E0  }
0x57: {  	v5 =	vld [tilespmem:s18+$0x9C40]  }
0x58: {  	v4 =	vld [tilespmem:s18+$0x9C50]  }
0x59: {  	v3 =	vld [tilespmem:s18+$0x9C60]  }
0x5a: {  	s12 =	simm.s32 $0x140;
	v2 =	vld [tilespmem:s18+$0x9C70]  }
.LBB2_4:
0x5b: {  	p5 =	sne.s32 s12, $0x13740;
	v6 =	vld [tilespmem:s18+$0x9C80]  }
0x5c: {  	v5 =	vadd.s32 v0, v5  }
.Ltmp3:
0x5d: {  	s19 =	sshra.s32 s12, $0x2;
	[tilespmem:s18+$0x9C40] =	vst v5;
	v4 =	vadd.s32 v0, v4;
	(pc) =	sbr.rel @p5 .LBB2_4-.Ltmp3, $4  }
0x5e: {  	v5 =	vld [tilespmem:s19+$0x9C40];
	[tilespmem:s18+$0x9C50] =	vst v4;
	v3 =	vadd.s32 v0, v3  }
0x5f: {  	v4 =	vld [tilespmem:s19+$0x9C50];
	[tilespmem:s18+$0x9C60] =	vst v3;
	v2 =	vadd.s32 v0, v2  }
0x60: {  	v3 =	vld [tilespmem:s19+$0x9C60];
	[tilespmem:s18+$0x9C70] =	vst v2;
	v6 =	vadd.s32 v0, v6  }
0x61: {  	s12 =	sadd.s32 $0x140, s12;
	v2 =	vld [tilespmem:s19+$0x9C70];
	[tilespmem:s18+$0x9C80] =	vst v6;
	s18 =	smov.u32 s19  }
0x62: {  	v6 =	vld [tilespmem:s18+$0x9C80]  }
0x63: {  	v5 =	vadd.s32 v0, v5  }
0x64: {  	[tilespmem:s18+$0x9C40] =	vst v5;
	v4 =	vadd.s32 v0, v4  }
0x65: {  	[tilespmem:s18+$0x9C50] =	vst v4;
	v3 =	vadd.s32 v0, v3  }
0x66: {  	[tilespmem:s18+$0x9C60] =	vst v3;
	v2 =	vadd.s32 v0, v2  }
0x67: {  	[tilespmem:s18+$0x9C70] =	vst v2;
	v2 =	vadd.s32 v0, v6  }
0x68: {  	[tilespmem:s18+$0x9C80] =	vst v2;
	s18 =	simm.s32 $0x0  }
0x69: {  	[tilespmem:s31], [sflag:$0x1] =	stream.linear.gather [hbm4b:s20+s18], $0x1400, $0x38;
	[tilespmem:$0x18880] =	vst v63  }
0x6a: {  	_ = 	snop  }
0x6b: {  	[tilespmem:s26], [sflag:$0x3] =	stream.indirect.gather [hbm4b:s4+s0], $0x40, s29, s0, $0xb8;
	[tilespmem:$0x18880] =	vst v63  }
0x6c: {  	_ = 	snop  }
0x6d: {  	[tilespmem:s6], [sflag:$0x2] =	stream.linear.gather [hbm4b:s25+s18], $0x1400, $0x38;
	[tilespmem:$0x18880] =	vst v63  }
0x6e: {  	s12 =	simm.s32 $0x9C90  }
0x6f: {  	[tilespmem:s8], [sflag:$0x4] =	stream.indirect.gather [hbm4b:s4+s0], $0x40, s12, s0, $0xb8;
	[tilespmem:$0x18880] =	vst v63  }
.LBB2_6:
0x70: {  	_ =	swait.ge [sflag:s30], $0x1400  }
0x71: {  	[sflag:s30] =	ssyncset.done $0x0  }
0x72: {  	[sflag:s30] =	ssyncadd.s32 $0xFFFFEC00  }
0x73: {  	_ =	swait.ge [sflag:s7], $0x1400  }
0x74: {  	[sflag:s7] =	ssyncset.done $0x0  }
0x75: {  	s21 =	simm.s32 $0x0;
	[sflag:s7] =	ssyncadd.s32 $0xFFFFEC00  }
0x76: {  	v4 =	vld [tilespmem:s21+$0x16080]  }
0x77: {  	v5 =	vld [tilespmem:s21+$0x16090]  }
0x78: {  	v3 =	vld [tilespmem:s21+$0x160A0]  }
0x79: {  	v2 =	vld [tilespmem:s21+$0x160B0]  }
0x7a: {  	v6 =	vld [tilespmem:s21+$0x13880]  }
0x7b: {  	v8 =	vld [tilespmem:s21+$0x13890]  }
0x7c: {  	s19 =	simm.s32 $0x100;
	v7 =	vld [tilespmem:s21+$0x138A0]  }
.LBB2_7:
0x7d: {  	p5 =	sne.s32 s19, $0x4F00;
	v9 =	vld [tilespmem:s21+$0x138B0]  }
0x7e: {  	s12 =	sshra.s32 s19, $0x2  }
0x7f: {  	v6 =	vadd.f32 v4, v6;
	v4 =	vld [tilespmem:s12+$0x16080]  }
0x80: {  	v8 =	vadd.f32 v5, v8;
	v5 =	vld [tilespmem:s12+$0x16090]  }
.Ltmp4:
0x81: {  	v6 =	vmax.f32 v6, $0.0e+00;
	v7 =	vadd.f32 v3, v7;
	v3 =	vld [tilespmem:s12+$0x160A0];
	(pc) =	sbr.rel @p5 .LBB2_7-.Ltmp4, $4  }
0x82: {  	[tilespmem:s21+$0x13880] =	vst v6;
	v8 =	vmax.f32 v8, $0.0e+00;
	v9 =	vadd.f32 v2, v9;
	v2 =	vld [tilespmem:s12+$0x160B0]  }
0x83: {  	v6 =	vld [tilespmem:s12+$0x13880];
	[tilespmem:s21+$0x13890] =	vst v8;
	v7 =	vmax.f32 v7, $0.0e+00  }
0x84: {  	v8 =	vld [tilespmem:s12+$0x13890];
	[tilespmem:s21+$0x138A0] =	vst v7;
	v9 =	vmax.f32 v9, $0.0e+00  }
0x85: {  	s19 =	sadd.s32 $0x100, s19;
	v7 =	vld [tilespmem:s12+$0x138A0];
	[tilespmem:s21+$0x138B0] =	vst v9;
	s21 =	smov.u32 s12  }
0x86: {  	v9 =	vld [tilespmem:s21+$0x138B0];
	_ =	sdelay $0x1  }
0x87: {  	v4 =	vadd.f32 v4, v6  }
0x88: {  	v5 =	vadd.f32 v5, v8  }
0x89: {  	v4 =	vmax.f32 v4, $0.0e+00;
	v3 =	vadd.f32 v3, v7  }
0x8a: {  	s12 =	smul.u32 $0x280, s18;
	[tilespmem:s21+$0x13880] =	vst v4;
	v4 =	vmax.f32 v5, $0.0e+00;
	v2 =	vadd.f32 v2, v9  }
0x8b: {  	[tilespmem:s21+$0x13890] =	vst v4;
	v3 =	vmax.f32 v3, $0.0e+00  }
0x8c: {  	p5 =	seq.s32 s18, $0x7C;
	s19 =	sshra.s32 s12, $0x2;
	[tilespmem:s21+$0x138A0] =	vst v3;
	v2 =	vmax.f32 v2, $0.0e+00  }
0x8d: {  	s12 =	sadd.s32 $0xEA60, s19;
	[tilespmem:s21+$0x138B0] =	vst v2;
	s21 =	smul.u32 @!p5 $0xA0, s18  }
0x8e: {  	[spmem:s2] =	stream.indirect.scatter.add.f32 [tilespmem:s31], [sflag:$0x5], $0x40, s12, s0, $0xb8;
	[tilespmem:$0x18880] =	vst v63  }
0x8f: {  	s12 =	sadd.s32 @!p5 s17, s21  }
0x90: {  	_ =	swait.ge [sflag:s28], $0x1400;
	s12 =	sshll.u32 @!p5 s12, $0x3  }
0x91: {  	s13 =	simm.s32 @!p5 $0x0;
	[sflag:s28] =	ssyncset.done $0x0;
	s12 =	sadd.s32 @!p5 s5, s12  }
0x92: {  	s14 =	simm.s32 @!p5 $0x13880;
	[sflag:s28] =	ssyncadd.s32 $0xFFFFEC00;
	s12 =	sadd.s32 @!p5 $0x500, s12  }
0x93: {  	[tilespmem:s14], [sflag:$0x1] =	stream.linear.gather @!p5 [hbm4b:s12+s13], $0x1400, $0x38;
	[tilespmem:$0x18880] =	vst v63  }
0x94: {  	s12 =	sadd.s32 @!p5 $0x9CE0, s21;
	s13 =	simm.s32 @!p5 $0x50;
	s14 =	simm.s32 @!p5 $0x16080  }
0x95: {  	[tilespmem:s14], [sflag:$0x3] =	stream.indirect.gather @!p5 [hbm4b:s4+s13], $0x40, s12, s13, $0xb8;
	[tilespmem:$0x18880] =	vst v63  }
0x96: {  	_ =	swait.ge [sflag:s10], $0x1400  }
0x97: {  	[sflag:s10] =	ssyncset.done $0x0  }
0x98: {  	[sflag:s10] =	ssyncadd.s32 $0xFFFFEC00  }
0x99: {  	_ =	swait.ge [sflag:s11], $0x1400  }
0x9a: {  	[sflag:s11] =	ssyncset.done $0x0  }
0x9b: {  	s21 =	simm.s32 $0x0;
	[sflag:s11] =	ssyncadd.s32 $0xFFFFEC00  }
0x9c: {  	v4 =	vld [tilespmem:s21+$0x17480]  }
0x9d: {  	v5 =	vld [tilespmem:s21+$0x17490]  }
0x9e: {  	v3 =	vld [tilespmem:s21+$0x174A0]  }
0x9f: {  	v2 =	vld [tilespmem:s21+$0x174B0]  }
0xa0: {  	v6 =	vld [tilespmem:s21+$0x14C80]  }
0xa1: {  	v8 =	vld [tilespmem:s21+$0x14C90]  }
0xa2: {  	s12 =	simm.s32 $0x100;
	v7 =	vld [tilespmem:s21+$0x14CA0]  }
.LBB2_9:
0xa3: {  	p6 =	sne.s32 s12, $0x4F00;
	v9 =	vld [tilespmem:s21+$0x14CB0]  }
0xa4: {  	s13 =	sshra.s32 s12, $0x2  }
0xa5: {  	v6 =	vadd.f32 v4, v6;
	v4 =	vld [tilespmem:s13+$0x17480]  }
0xa6: {  	v8 =	vadd.f32 v5, v8;
	v5 =	vld [tilespmem:s13+$0x17490]  }
.Ltmp5:
0xa7: {  	v6 =	vmax.f32 v6, $0.0e+00;
	v7 =	vadd.f32 v3, v7;
	v3 =	vld [tilespmem:s13+$0x174A0];
	(pc) =	sbr.rel @p6 .LBB2_9-.Ltmp5, $4  }
0xa8: {  	[tilespmem:s21+$0x14C80] =	vst v6;
	v8 =	vmax.f32 v8, $0.0e+00;
	v9 =	vadd.f32 v2, v9;
	v2 =	vld [tilespmem:s13+$0x174B0]  }
0xa9: {  	v6 =	vld [tilespmem:s13+$0x14C80];
	[tilespmem:s21+$0x14C90] =	vst v8;
	v7 =	vmax.f32 v7, $0.0e+00  }
0xaa: {  	v8 =	vld [tilespmem:s13+$0x14C90];
	[tilespmem:s21+$0x14CA0] =	vst v7;
	v9 =	vmax.f32 v9, $0.0e+00  }
0xab: {  	s12 =	sadd.s32 $0x100, s12;
	v7 =	vld [tilespmem:s13+$0x14CA0];
	[tilespmem:s21+$0x14CB0] =	vst v9;
	s21 =	smov.u32 s13  }
0xac: {  	v9 =	vld [tilespmem:s21+$0x14CB0];
	_ =	sdelay $0x1  }
0xad: {  	v4 =	vadd.f32 v4, v6  }
0xae: {  	v5 =	vadd.f32 v5, v8  }
0xaf: {  	v4 =	vmax.f32 v4, $0.0e+00;
	v3 =	vadd.f32 v3, v7  }
0xb0: {  	[tilespmem:s21+$0x14C80] =	vst v4;
	v63 =	vmax.f32 v5, $0.0e+00;
	v2 =	vadd.f32 v2, v9  }
0xb1: {  	[tilespmem:s21+$0x14C90] =	vst v63;
	v3 =	vmax.f32 v3, $0.0e+00  }
0xb2: {  	[tilespmem:s21+$0x14CA0] =	vst v3;
	v2 =	vmax.f32 v2, $0.0e+00  }
.Ltmp6:
0xb3: {  	s12 =	sadd.s32 $0xEAB0, s19;
	[tilespmem:s21+$0x14CB0] =	vst v2;
	(pc) =	sbr.rel @p5 .LBB2_12-.Ltmp6, $4  }
0xb4: {  	[spmem:s2] =	stream.indirect.scatter.add.f32 [tilespmem:s6], [sflag:$0x5], $0x40, s12, s0, $0xb8;
	[tilespmem:$0x18880] =	vst v63  }
0xb5: {  	_ =	swait.ge [sflag:s28], $0x1400  }
0xb6: {  	[sflag:s28] =	ssyncset.done $0x0  }
0xb7: {  	[sflag:s28] =	ssyncadd.s32 $0xFFFFEC00  }
0xb8: {  	s12 =	smul.u32 $0xA0, s18;
	_ =	sdelay $0x1  }
0xb9: {  	s13 =	sadd.s32 s17, s12  }
0xba: {  	s13 =	sshll.u32 s13, $0x3  }
.Ltmp7:
0xbb: {  	s13 =	sadd.s32 s5, s13;
	(pc) =	sbr.rel .LBB2_6-.Ltmp7, $4  }
0xbc: {  	s13 =	sadd.s32 $0x780, s13  }
0xbd: {  	[tilespmem:s6], [sflag:$0x2] =	stream.linear.gather [hbm4b:s13+s3], $0x1400, $0x38;
	[tilespmem:$0x18880] =	vst v63  }
0xbe: {  	s18 =	sadd.s32 $0x1, s18;
	s12 =	sadd.s32 $0x9D30, s12  }
0xbf: {  	[tilespmem:s8], [sflag:$0x4] =	stream.indirect.gather [hbm4b:s4+s0], $0x40, s12, s0, $0xb8;
	[tilespmem:$0x18880] =	vst v63  }
.LBB2_12:
0xc0: {  	s18 =	stileid.u32;
	[bflag:$0x0] =	sbarrier.arrive $0xFFFF;
	s13 =	sshrl.u32 @p2 s22, $0x3  }
0xc1: {  	p5 =	por @!p4 $0x1, $0x1;
	p6 =	por p1, p1;
	s12 =	sshll.u32 @p2 s18, $0x6  }
0xc2: {  	s14 =	rddreg [dreg:$0xd];
	p6 =	por @!p4 p5, p5;
	s12 =	sor.u32 @p2 $0x1C05, s12  }
0xc3: {  	[hbm:s14], [sflag:s12] =	dma.local @p2 [spmem:s13], $0x1400  }
0xc4: {  	p5 =	por @!p3 !p6, !p0;
	s12 =	simm.s32 @p2 $0x5  }
0xc5: {  	p5 =	por @!p3 !p5, !p5;
	_ =	swait.ge @p2 [sflag:s12], $0x1400  }
0xc6: {  	s13 =	sshll.u32 @!p4 s18, $0x6;
	p5 =	por p3, p5;
	[sflag:s12] =	ssyncset.done @p2 $0x0  }
0xc7: {  	[sflag:s12] =	ssyncadd.s32 @p2 $0xFFFFEC00;
	s12 =	sor.u32 @!p4 $0x1C05, s13;
	s13 =	sshrl.u32 @!p4 s22, $0x3  }
0xc8: {  	[hbm:s23], [sflag:s12] =	dma.local @!p4 [spmem:s13], $0x1400  }
.Ltmp8:
0xc9: {  	_ = 	snop;
	(pc) =	sbr.rel @!p5 .LBB2_14-.Ltmp8, $4  }
0xca: {  	s12 =	simm.s32 @!p4 $0x5  }
0xcb: {  	_ =	swait.ge @!p4 [sflag:s12], $0x1400  }
0xcc: {  	[sflag:s12] =	ssyncset.done @!p4 $0x0  }
0xcd: {  	s14 =	stileid.u32;
	[sflag:s12] =	ssyncadd.s32 @!p4 $0xFFFFEC00  }
0xce: {  	s12 =	rddreg [dreg:$0x4]  }
0xcf: {  	s13 =	rddreg [dreg:$0x3]  }
0xd0: {  	s21 =	rddreg [dreg:$0x5];
	s18 =	simm.s32 $0x1FC5;
	s12 =	smov.u32 @p3 s13  }
.Ltmp9:
0xd1: {  	s13 =	sshrl.u32 s21, $0x3;
	s12 =	sadd.s32 $0x12C00, s12;
	(pc) =	sbr.rel .LBB2_14-.Ltmp9, $4  }
0xd2: {  	[hbm:s12], [sflag:s18] =	dma.local [spmem:s13], $0xC80  }
0xd3: {  	_ =	swait.ge [sflag:s28], $0xC80  }
0xd4: {  	[sflag:s28] =	ssyncset.done $0x0  }
0xd5: {  	[sflag:s28] =	ssyncadd.s32 $0xFFFFF380  }
.LBB2_15:
0xd6: {  	_ =	sfence.sel $0x180000  }
0xd7: {  	[bflag:$0x0] =	sbarrier.arrive $0xFFFF  }
0xd8: {  	_ =	strace $0x9000004D  }
0xd9: {  	[bflag:$0x2] =	sbarrier.arrive $0xFFFF  }
0xda: {  	p0 =	sne.s32 s14, $0x0;
	s0 =	rddreg [dreg:$0x2]  }
0xdb: {  	s0 =	sadd.s32 @!p0 $0x100000, s0  }
0xdc: {  	[sflag:s0] =	ssyncadd.tile.s32 @!p0 $0x1;
	_ =	shalt  }
.Lfunc_end2:
_tile_overlayer_lowered:
.L_overlay_start_2:
0xdd: {  	(tag) =	ssettag $0x2  }
0xde: {  	s0 =	rddreg [dreg:$0x0];
	s2 =	stileid.u32  }
0xdf: {  	s1 =	rddreg [dreg:$0x1];
	p0 =	sne.s32 s2, $0x0  }
0xe0: {  	s3 =	rddreg [dreg:$0x2];
	[bflag:$0x3] =	sbarrier.arrive $0xFFFF;
	s2 =	simm.s32 @!p0 $0x1C05  }
0xe1: {  	[timem:s3], [sflag:s2] =	dma.local @!p0 [hbm:s0], s1  }
0xe2: {  	s0 =	simm.s32 @!p0 $0x5  }
0xe3: {  	_ =	swait.ge @!p0 [sflag:s0], s1  }
0xe4: {  	s1 =	ssub.s32 @!p0 $0x0, s1;
	[sflag:s0] =	ssyncset.done @!p0 $0x0  }
0xe5: {  	[sflag:s0] =	ssyncadd.s32 @!p0 s1  }
0xe6: {  	[bflag:$0x3] =	sbarrier.arrive $0xFFFF  }
0xe7: {  	_ =	shalt  }

// kernel: kernel.23.cloned.1.call-start
scs
__scs_entry_jumppad:
0x0: {  	(pc) =	sbr.rel $0x88, $3  }
0x1: {  	(tag) =	ssettag $0x0;
	lr =	simm.s32 $0x1  }
0x2: {  	[smem:$0x3F8F] =	sst lr;
	_ =	strace $0xD0000000  }
0x3: {  	_ = 	snop  }
0x4: {  	_ = 	snop  }
0x5: {  	_ = 	snop  }
0x6: {  	_ = 	snop  }
0x7: {  	_ = 	snop  }
__scs_overlays_trampoline_lowered:
0x8: {  	[smem:$0x3F9E] =	sst s0  }
0x9: {  	[smem:$0x3F9F] =	sst s1  }
0xa: {  	[smem:$0x3FA0] =	sst s2  }
0xb: {  	[smem:$0x3FA1] =	sst s3  }
0xc: {  	[smem:$0x3FA2] =	sst s4  }
0xd: {  	[smem:$0x3FA3] =	sst s5  }
0xe: {  	[smem:$0x3FA4] =	sst s6  }
0xf: {  	[smem:$0x3FA5] =	sst s7  }
0x10: {  	[smem:$0x3FA6] =	sst s8  }
0x11: {  	[smem:$0x3FA7] =	sst s9;
	s0 =	simm.s32 @!p0 $0x0  }
0x12: {  	s1 =	sld [smem:$0x3F8D];
	s0 =	simm.s32 @p0 $0x1  }
0x13: {  	[smem:$0x3FA8] =	sst s0;
	s0 =	simm.s32 @!p1 $0x0  }
0x14: {  	s2 =	sld [smem:$0x3F8C];
	s0 =	simm.s32 @p1 $0x1  }
0x15: {  	[smem:$0x3FA9] =	sst s0;
	s0 =	simm.s32 @!p2 $0x0  }
0x16: {  	s3 =	sld [smem:$0x3FDB];
	s0 =	simm.s32 @p2 $0x1  }
0x17: {  	s4 =	simm.s32 $0x1BF5;
	[smem:$0x3FAB] =	sst s0  }
0x18: {  	s0 =	sld [smem:$0x3F8E];
	_ =	swait.ge [sflag:s4], $0x0  }
0x19: {  	s7 =	sld [smem:$0x3F8F]  }
0x1a: {  	s8 =	sadd.s32 $0xFFFFE003, lr  }
0x1b: {  	s9 =	sadd.s32 $0xFFFFFEF7, lr;
	s5 =	simm.s32 $0xFFFFFFFF;
	p2 =	slt.u32 s8, $0xFFFFF086  }
0x1c: {  	p1 =	slt.u32 s9, $0xF7A;
	s5 =	simm.s32 @!p2 $0x0  }
0x1d: {  	s5 =	simm.s32 @p1 $0x1;
	p0 =	seq.s32 s7, s2  }
0x1e: {  	s7 =	smul.u32 @!p0 $0xF7A, s2;
	p2 =	seq.s32 @!p0 s5, $0x0  }
0x1f: {  	s9 =	smul.u32 $0xF7A, s1;
	s8 =	simm.s32 @!p0 $0x1BF5;
	p2 =	por !p2, p0  }
0x20: {  	[sflag:s8] =	ssyncset.s32 @!p0 $0xFFFFF086;
	s6 =	sadd.s32 @!p0 s3, s7;
	s7 =	simm.s32 @!p0 $0x108  }
0x21: {  	s3 =	sadd.s32 s3, s9;
	s6 =	sadd.s32 @!p0 $0x88, s6;
	s7 =	simm.s32 @p2 $0x1082  }
0x22: {  	[simem:s7], [sflag:s8] =	dma.local @!p0 [hbm:s6], $0xF7A  }
0x23: {  	s9 =	sor.u32 $0xD0000000, s2;
	s6 =	simm.s32 $0x108;
	_ =	swait.ge @!p0 [sflag:s8], $0x0  }
0x24: {  	s3 =	sadd.s32 $0x88, s3;
	s6 =	simm.s32 @!p1 $0x1082;
	[sflag:s4] =	ssyncset.s32 $0xFFFFF086  }
0x25: {  	[simem:s6], [sflag:s4] =	dma.local [hbm:s3], $0xF7A  }
0x26: {  	[smem:$0x3F8F] =	sst s1;
	(tag) =	ssettag s2;
	_ =	strace s9  }
0x27: {  	s1 =	sld [smem:$0x3F9F]  }
0x28: {  	s2 =	sld [smem:$0x3FA0]  }
0x29: {  	s4 =	sld [smem:$0x3FA2]  }
0x2a: {  	p0 =	seq.s32 s5, $0x0;
	s5 =	sld [smem:$0x3FA3]  }
0x2b: {  	s6 =	sld [smem:$0x3FA4]  }
0x2c: {  	s7 =	sld [smem:$0x3FA5]  }
0x2d: {  	s3 =	simm.s32 $0x108;
	s8 =	sld [smem:$0x3FA6]  }
0x2e: {  	s3 =	simm.s32 @!p0 $0x1082;
	s9 =	sld [smem:$0x3FA7]  }
0x2f: {  	lr =	sadd.s32 s0, s3;
	s0 =	sld [smem:$0x3F9E]  }
0x30: {  	s3 =	sld [smem:$0x3FA1]  }
0x31: {  	[smem:$0x3FAA] =	sst s10  }
0x32: {  	s10 =	sld [smem:$0x3FA8];
	_ =	sdelay $0x3  }
0x33: {  	p0 =	seq.s32 s10, $0x1;
	s10 =	sld [smem:$0x3FAA];
	_ =	sdelay $0x3  }
0x34: {  	[smem:$0x3FAA] =	sst s10  }
0x35: {  	s10 =	sld [smem:$0x3FA9];
	_ =	sdelay $0x3  }
0x36: {  	p1 =	seq.s32 s10, $0x1;
	s10 =	sld [smem:$0x3FAA];
	_ =	sdelay $0x3  }
0x37: {  	[smem:$0x3FAA] =	sst s10  }
0x38: {  	s10 =	sld [smem:$0x3FAB]  }
0x39: {  	_ = 	snop;
	(pc) =	sbr.ind lr, $3  }
0x3a: {  	_ = 	snop  }
0x3b: {  	_ = 	snop  }
0x3c: {  	p2 =	seq.s32 s10, $0x1;
	s10 =	sld [smem:$0x3FAA]  }
0x3d: {  	_ =	shalt  }
0x3e: {  	_ =	shalt  }
0x3f: {  	_ =	shalt  }
0x40: {  	_ =	shalt  }
0x41: {  	_ =	shalt  }
0x42: {  	_ =	shalt  }
0x43: {  	_ =	shalt  }
0x44: {  	_ =	shalt  }
0x45: {  	_ =	shalt  }
0x46: {  	_ =	shalt  }
0x47: {  	_ =	shalt  }
0x48: {  	_ =	shalt  }
0x49: {  	_ =	shalt  }
0x4a: {  	_ =	shalt  }
0x4b: {  	_ =	shalt  }
0x4c: {  	_ =	shalt  }
0x4d: {  	_ =	shalt  }
0x4e: {  	_ =	shalt  }
0x4f: {  	_ =	shalt  }
0x50: {  	_ =	shalt  }
0x51: {  	_ =	shalt  }
0x52: {  	_ =	shalt  }
0x53: {  	_ =	shalt  }
0x54: {  	_ =	shalt  }
0x55: {  	_ =	shalt  }
0x56: {  	_ =	shalt  }
0x57: {  	_ =	shalt  }
0x58: {  	_ =	shalt  }
0x59: {  	_ =	shalt  }
0x5a: {  	_ =	shalt  }
0x5b: {  	_ =	shalt  }
0x5c: {  	_ =	shalt  }
0x5d: {  	_ =	shalt  }
0x5e: {  	_ =	shalt  }
0x5f: {  	_ =	shalt  }
0x60: {  	_ =	shalt  }
0x61: {  	_ =	shalt  }
0x62: {  	_ =	shalt  }
0x63: {  	_ =	shalt  }
0x64: {  	_ =	shalt  }
0x65: {  	_ =	shalt  }
0x66: {  	_ =	shalt  }
0x67: {  	_ =	shalt  }
0x68: {  	_ =	shalt  }
0x69: {  	_ =	shalt  }
0x6a: {  	_ =	shalt  }
0x6b: {  	_ =	shalt  }
0x6c: {  	_ =	shalt  }
0x6d: {  	_ =	shalt  }
0x6e: {  	_ =	shalt  }
0x6f: {  	_ =	shalt  }
0x70: {  	_ =	shalt  }
0x71: {  	_ =	shalt  }
0x72: {  	_ =	shalt  }
0x73: {  	_ =	shalt  }
0x74: {  	_ =	shalt  }
0x75: {  	_ =	shalt  }
0x76: {  	_ =	shalt  }
0x77: {  	_ =	shalt  }
0x78: {  	_ =	shalt  }
0x79: {  	_ =	shalt  }
0x7a: {  	_ =	shalt  }
0x7b: {  	_ =	shalt  }
0x7c: {  	_ =	shalt  }
0x7d: {  	_ =	shalt  }
0x7e: {  	_ =	shalt  }
0x7f: {  	_ =	shalt  }
0x80: {  	_ =	shalt  }
0x81: {  	_ =	shalt  }
0x82: {  	_ =	shalt  }
0x83: {  	_ =	shalt  }
0x84: {  	_ =	shalt  }
0x85: {  	_ =	shalt  }
0x86: {  	_ =	shalt  }
0x87: {  	_ =	shalt  }
.Lfunc_end0:
.L_simem_size_0:
called_computation.3_lowered:
.L_overlay_start_0:
0x88: {  	s2 =	sld [smem:$0x3FD9]  }
0x89: {  	s3 =	sld [smem:$0x3FFE];
	_ =	sdelay $0x1  }
0x8a: {  	s1 =	srdreg.scid  }
0x8b: {  	s0 =	sand.u32 $0x1, s1  }
0x8c: {  	s16 =	sshll.u32 s0, $0xA;
	s2 =	sadd.s32 s3, s2  }
0x8d: {  	s2 =	sadd.s32 s2, s16  }
0x8e: {  	[smem:$0x3FB6] =	sst s2  }
0x8f: {  	_ = 	snop  }
0x90: {  	(tm) =	ssettm $0x1  }
0x91: {  	s17 =	sld [smem:$0x3FFB];
	_ =	sdelay $0x3  }
0x92: {  	_ =	strace s17  }
0x93: {  	s2 =	sld [smem:$0x3FFC];
	_ =	sdelay $0x3  }
0x94: {  	_ =	strace s2  }
0x95: {  	s2 =	sld [smem:$0x3FFD];
	_ =	sdelay $0x3  }
0x96: {  	_ =	strace s2  }
0x97: {  	_ =	strace $0x8FFFFFFF  }
0x98: {  	s18 =	sld [smem:$0x3FDB];
	_ =	sdelay $0x1  }
0x99: {  	s19 =	simm.s32 $_scs_section_size  }
0x9a: {  	s4 =	simm.s32 $_size__tile_overlayer_lowered;
	s5 =	simm.s32 $_tile_overlayer_lowered  }
0x9b: {  	s22 =	simm.s32 $0x1BFF;
	s21 =	sshll.u32 s5, $0x1;
	s2 =	sadd.s32 s19, s18  }
0x9c: {  	s6 =	simm.s32 $0x0;
	s20 =	sshll.u32 s4, $0x1;
	s4 =	sadd.s32 s21, s2  }
0x9d: {  	[timem:s6], [sflag:s22] =	dma.local [hbm:s4], s20  }
0x9e: {  	_ =	swait.ge [sflag:s22], s20  }
0x9f: {  	s3 =	ssub.s32 $0x0, s20;
	[sflag:s22] =	ssyncset.done $0x0  }
0xa0: {  	[sflag:s22] =	ssyncadd.s32 s3;
	_ =	sdelay $0x1  }
0xa1: {  	s23 =	simm.s32 $0x1B8B  }
0xa2: {  	_ =	swait.ge [sflag:s23], $0x1  }
0xa3: {  	[sflag:s23] =	ssyncset.done $0x0  }
0xa4: {  	s25 =	simm.s32 $0x1B8E;
	s24 =	sld [smem:$0x3FFE];
	[sflag:s23] =	ssyncadd.s32 $0xFFFFFFFF  }
0xa5: {  	s26 =	simm.s32 $execute0_lowered;
	[smem:$0x3FD2] =	sst s25  }
0xa6: {  	s4 =	sshll.u32 s26, $0x1;
	_ =	strace $0x8000004F;
	[dreg:$0x1] =	wrdreg $0xFFFFFFFF  }
0xa7: {  	s28 =	simm.s32 $_size_execute0_lowered;
	s2 =	sadd.s32 s2, s4;
	[dreg:$0x0] =	wrdreg $0x0  }
0xa8: {  	s4 =	sshll.u32 s28, $0x1;
	[dreg:$0x2] =	wrdreg s2  }
0xa9: {  	[dreg:$0x3] =	wrdreg s4  }
0xaa: {  	[dreg:$0x4] =	wrdreg $0xC0  }
0xab: {  	_ =	task [dreg:s6], $0x5FFFF  }
0xac: {  	[dreg:$0x1] =	wrdreg $0xFFFFFFFF  }
0xad: {  	[dreg:$0x0] =	wrdreg $0x60  }
0xae: {  	[dreg:$0x2] =	wrdreg s24  }
0xaf: {  	[dreg:$0x3] =	wrdreg $0x0  }
0xb0: {  	[dreg:$0x4] =	wrdreg $0x9  }
0xb1: {  	_ =	task.clear_ibuf [dreg:s6], $0x5FFFF;
	_ =	strace $0x9000004F  }
0xb2: {  	s29 =	simm.s32 $0x9;
	_ =	strace $0x80000051  }
0xb3: {  	_ =	swait.ge [sflag:s29], $0x1  }
0xb4: {  	[sflag:s29] =	ssyncadd.s32 $0xFFFFFFFF  }
0xb5: {  	_ =	strace $0x90000051  }
0xb6: {  	_ =	sfence  }
0xb7: {  	s30 =	sld [smem:$0x0];
	_ =	sdelay $0x2  }
0xb8: {  	s31 =	sshll.u32 s1, $0xD;
	s1 =	sshrl.u32 s1, $0x2  }
0xb9: {  	s3 =	sand.u32 $0x4000, s31;
	s1 =	sadd.s32 s1, s30  }
0xba: {  	s0 =	sor.u32 s3, s0;
	s1 =	sshll.u32 s1, $0x11  }
0xbb: {  	s0 =	sor.u32 s1, s0  }
0xbc: {  	s0 =	sadd.s32 $0x8F2B, s0  }
0xbd: {  	[sflag:s0] =	ssyncadd.remote.s32 $0x1  }
0xbe: {  	_ =	sfence.sel $0xFFFF  }
0xbf: {  	[dreg:$0x0] =	wrdreg $0xFFFFFFFF;
	(pc) =	sbr.abs _section_cstart, $3  }
0xc0: {  	[dreg:$0x1] =	wrdreg $0xFFFFFFFF  }
0xc1: {  	_ =	task.clear_ibuf [dreg:s6], $0x2FFFF;
	_ =	strace $0x9FFFFFFF  }
0xc2: {  	(tm) =	ssettm $0x7FFFFFFF  }
0xc3: {  	_ =	shalt  }
tec
execute0_lowered:
.L_overlay_start_1:
0x0: {  	(tag) =	ssettag $0x1  }
0x1: {  	s0 =	rddreg [dreg:$0x0]  }
0x2: {  	s2 =	rddreg [dreg:$0x1];
	s3 =	simm.s32 $0x0  }
0x3: {  	s13 =	stileid.u32;
	s6 =	srdreg.scid;
	s28 =	simm.s32 $0x5  }
0x4: {  	s29 =	simm.s32 $0x9C40;
	s31 =	simm.s32 $0x13880;
	s30 =	simm.s32 $0x1  }
0x5: {  	[smem:$0x7FF] =	sst s3;
	s1 =	smul.u32 $0x4E20, s13;
	s4 =	sadd.s32 $0x54B200, s0  }
0x6: {  	s5 =	sadd.s32 $0x1B000, s0;
	s6 =	sand.u32 $0x1, s6;
	s14 =	sadd.s32 $0x585E00, s0  }
0x7: {  	s19 =	sadd.s32 $0x572400, s0;
	s9 =	smul.u32 $0x28000, s13;
	p0 =	seq.s32 s13, $0xF  }
0x8: {  	p4 =	sne.s32 s13, $0xF;
	s21 =	sadd.s32 $0x96000, s2;
	s10 =	sadd.s32 $0x98800, s2  }
0x9: {  	s11 =	sadd.s32 $0x99C00, s2;
	s12 =	sadd.s32 $0x9B000, s2;
	_ =	strace $0x80000050  }
0xa: {  	s8 =	ssub.s32 $0x2, s6;
	s17 =	smul.u32 $0x4E200, s6;
	[dreg:$0x3] =	wrdreg s14  }
0xb: {  	p3 =	seq.s32 s6, $0x0;
	p1 =	seq.s32 s6, $0x1;
	[dreg:$0x4] =	wrdreg s19  }
0xc: {  	[dreg:$0x5] =	wrdreg s21;
	s7 =	sshrl.u32 s1, $0x3;
	s24 =	sshrl.u32 s8, $0x1  }
0xd: {  	s9 =	sshrl.u32 s9, $0x2;
	p2 =	por !p3, !p4;
	p3 =	por !p3, !p0  }
0xe: {  	p4 =	por !p4, !p1;
	s7 =	sadd.s32 s7, s0;
	s0 =	ssub.s32 s8, s24  }
0xf: {  	s8 =	sadd.s32 $0x97400, s2;
	s9 =	sadd.s32 s9, s2;
	s17 =	sadd.s32 s1, s17  }
0x10: {  	p2 =	por !p2, !p2;
	p3 =	por !p3, !p3;
	p4 =	por !p4, !p4  }
0x11: {  	s1 =	simm.s32 $0x0;
	s15 =	sadd.s32 $0x1400, s9;
	s25 =	sadd.s32 $0x2800, s9  }
0x12: {  	s18 =	sadd.s32 $0x5000, s9;
	s20 =	sadd.s32 $0x6400, s9;
	s22 =	sadd.s32 $0x7800, s9  }
0x13: {  	s16 =	sadd.s32 $0x8C00, s9;
	s26 =	sadd.s32 $0x11200, s7;
	[dreg:$0x6] =	wrdreg s15  }
0x14: {  	s7 =	sadd.s32 $0x7400, s7;
	s24 =	smax.u32 s0, $0x1;
	[dreg:$0x7] =	wrdreg s25  }
0x15: {  	p4 =	por !p4, p3;
	s0 =	simm.s32 $0x50;
	[dreg:$0xb] =	wrdreg s26  }
0x16: {  	s15 =	sadd.s32 $0x3C00, s9;
	[dreg:$0xc] =	wrdreg s7;
	s18 =	smov.u32 @p0 s8  }
0x17: {  	s8 =	sshll.u32 s17, $0x3;
	s20 =	smov.u32 @p0 s10;
	s10 =	smul.u32 $0xA000, s13  }
0x18: {  	s13 =	smul.u32 $0x2710, s6;
	s22 =	smov.u32 @p0 s11;
	s16 =	smov.u32 @p0 s12  }
0x19: {  	s6 =	simm.s32 $0x14C80;
	s7 =	simm.s32 $0x3;
	[dreg:$0x8] =	wrdreg s18  }
.Ltmp0:
0x1a: {  	s11 =	simm.s32 $0x4;
	[dreg:$0x9] =	wrdreg s20;
	(pc) =	sbr.rel .LBB2_1-.Ltmp0, $4  }
0x1b: {  	s20 =	sadd.s32 s5, s8;
	[dreg:$0xa] =	wrdreg s22;
	s15 =	smov.u32 @p0 s21  }
0x1c: {  	s8 =	simm.s32 $0x17480;
	s25 =	sshrl.u32 s10, $0x3;
	s22 =	sadd.s32 s10, s2  }
0x1d: {  	s10 =	simm.s32 $0x2;
	s26 =	sadd.s32 s14, s25;
	s23 =	sadd.s32 s19, s25  }
0x1e: {  	v1 =	vimm.f32 $0.0e+00;
	v0 =	vmov s13;
	s25 =	sadd.s32 $0x280, s20;
	[dreg:$0xd] =	wrdreg s26;
	s26 =	simm.s32 $0x16080  }
.LBB2_14:
0x1f: {  	s1 =	sadd.s32 $0x1, s1  }
0x20: {  	p5 =	sne.s32 s1, s24  }
.Ltmp1:
0x21: {  	_ = 	snop;
	(pc) =	sbr.rel @!p5 .LBB2_15-.Ltmp1, $1  }
0x22: {  	_ =	sdelay $0x3  }
.LBB2_1:
0x23: {  	s18 =	simm.s32 $0x100;
	s12 =	simm.s32 $0x0  }
.LBB2_2:
0x24: {  	p5 =	sne.s32 s18, $0x4F00;
	[tilespmem:s12+$0x160B0] =	vst v1;
	s19 =	smov.u32 s18;
	s18 =	sadd.s32 $0x100, s18  }
.Ltmp2:
0x25: {  	[tilespmem:s12+$0x160A0] =	vst v1;
	(pc) =	sbr.rel @p5 .LBB2_2-.Ltmp2, $3  }
0x26: {  	[tilespmem:s12+$0x16080] =	vst v1  }
0x27: {  	[tilespmem:s12+$0x16090] =	vst v1;
	_ =	sdelay $0x1  }
0x28: {  	s12 =	sshra.s32 s19, $0x2  }
0x29: {  	[tilespmem:s12+$0x160B0] =	vst v1  }
0x2a: {  	[tilespmem:s12+$0x160A0] =	vst v1  }
0x2b: {  	[tilespmem:s12+$0x16080] =	vst v1  }
0x2c: {  	[tilespmem:s12+$0x16090] =	vst v1;
	s12 =	simm.s32 @!p0 $0x16080;
	s18 =	simm.s32 @!p0 $0x5  }
0x2d: {  	[spmem:s9] =	stream.linear.scatter @!p0 [tilespmem:s12], [sflag:$0x5], $0x1400, $0x38;
	[tilespmem:$0x18880] =	vst v63  }
0x2e: {  	_ =	swait.ge @!p0 [sflag:s18], $0x1400  }
0x2f: {  	[sflag:s18] =	ssyncset.done @!p0 $0x0  }
0x30: {  	s13 =	rddreg [dreg:$0x6];
	[sflag:s18] =	ssyncadd.s32 @!p0 $0xFFFFEC00  }
0x31: {  	[spmem:s13] =	stream.linear.scatter @!p0 [tilespmem:s12], [sflag:$0x5], $0x1400, $0x38;
	[tilespmem:$0x18880] =	vst v63  }
0x32: {  	_ =	swait.ge @!p0 [sflag:s18], $0x1400  }
0x33: {  	[sflag:s18] =	ssyncset.done @!p0 $0x0  }
0x34: {  	s13 =	rddreg [dreg:$0x7];
	[sflag:s18] =	ssyncadd.s32 @!p0 $0xFFFFEC00  }
0x35: {  	[spmem:s13] =	stream.linear.scatter @!p0 [tilespmem:s12], [sflag:$0x5], $0x1400, $0x38;
	[tilespmem:$0x18880] =	vst v63  }
0x36: {  	_ =	swait.ge @!p0 [sflag:s18], $0x1400  }
0x37: {  	[sflag:s18] =	ssyncset.done @!p0 $0x0  }
0x38: {  	[sflag:s18] =	ssyncadd.s32 @!p0 $0xFFFFEC00  }
0x39: {  	[spmem:s15] =	stream.linear.scatter [tilespmem:s26], [sflag:$0x5], $0x1400, $0x38;
	[tilespmem:$0x18880] =	vst v63  }
0x3a: {  	_ =	swait.ge [sflag:s28], $0x1400  }
0x3b: {  	[sflag:s28] =	ssyncset.done $0x0  }
0x3c: {  	s21 =	rddreg [dreg:$0x8];
	[sflag:s28] =	ssyncadd.s32 $0xFFFFEC00  }
0x3d: {  	[spmem:s21] =	stream.linear.scatter [tilespmem:s26], [sflag:$0x5], $0x1400, $0x38;
	[tilespmem:$0x18880] =	vst v63  }
0x3e: {  	_ =	swait.ge [sflag:s28], $0x1400  }
0x3f: {  	[sflag:s28] =	ssyncset.done $0x0  }
0x40: {  	s13 =	rddreg [dreg:$0x9];
	[sflag:s28] =	ssyncadd.s32 $0xFFFFEC00  }
0x41: {  	[spmem:s13] =	stream.linear.scatter [tilespmem:s26], [sflag:$0x5], $0x1400, $0x38;
	[tilespmem:$0x18880] =	vst v63  }
0x42: {  	_ =	swait.ge [sflag:s28], $0x1400  }
0x43: {  	[sflag:s28] =	ssyncset.done $0x0  }
0x44: {  	s14 =	rddreg [dreg:$0xa];
	[sflag:s28] =	ssyncadd.s32 $0xFFFFEC00  }
0x45: {  	[spmem:s14] =	stream.linear.scatter [tilespmem:s26], [sflag:$0x5], $0x1400, $0x38;
	[tilespmem:$0x18880] =	vst v63  }
0x46: {  	_ =	swait.ge [sflag:s28], $0x1400  }
0x47: {  	[sflag:s28] =	ssyncset.done $0x0  }
0x48: {  	[sflag:s28] =	ssyncadd.s32 $0xFFFFEC00  }
0x49: {  	[spmem:s16] =	stream.linear.scatter [tilespmem:s26], [sflag:$0x5], $0x1400, $0x38;
	[tilespmem:$0x18880] =	vst v63  }
0x4a: {  	_ =	swait.ge [sflag:s28], $0x1400  }
0x4b: {  	[sflag:s28] =	ssyncset.done $0x0  }
0x4c: {  	[sflag:s28] =	ssyncadd.s32 $0xFFFFEC00  }
0x4d: {  	[bflag:$0x0] =	sbarrier.arrive $0xFFFF  }
0x4e: {  	s18 =	simm.s32 $0x0;
	s19 =	rddreg [dreg:$0xb]  }
0x4f: {  	[tilespmem:s29], [sflag:$0x5] =	stream.linear.gather [hbm4b:s19+s18], $0x4E20, $0x38;
	[tilespmem:$0x18880] =	vst v63  }
0x50: {  	_ =	swait.ge [sflag:s28], $0x4E20  }
0x51: {  	[sflag:s28] =	ssyncset.done $0x0  }
0x52: {  	s14 =	simm.s32 $0xEA60;
	s21 =	rddreg [dreg:$0xc];
	[sflag:s28] =	ssyncadd.s32 $0xFFFFB1E0  }
0x53: {  	[tilespmem:s14], [sflag:$0x5] =	stream.linear.gather [hbm4b:s21+s18], $0x4E20, $0x38;
	[tilespmem:$0x18880] =	vst v63  }
0x54: {  	_ =	swait.ge [sflag:s28], $0x4E20  }
0x55: {  	[sflag:s28] =	ssyncset.done $0x0  }
0x56: {  	s18 =	simm.s32 $0x0;
	[sflag:s28] =	ssyncadd.s32 $0xFFFFB1E0  }
0x57: {  	v5 =	vld [tilespmem:s18+$0x9C40]  }
0x58: {  	v4 =	vld [tilespmem:s18+$0x9C50]  }
0x59: {  	v3 =	vld [tilespmem:s18+$0x9C60]  }
0x5a: {  	s12 =	simm.s32 $0x140;
	v2 =	vld [tilespmem:s18+$0x9C70]  }
.LBB2_4:
0x5b: {  	p5 =	sne.s32 s12, $0x13740;
	v6 =	vld [tilespmem:s18+$0x9C80]  }
0x5c: {  	v5 =	vadd.s32 v0, v5  }
.Ltmp3:
0x5d: {  	s19 =	sshra.s32 s12, $0x2;
	[tilespmem:s18+$0x9C40] =	vst v5;
	v4 =	vadd.s32 v0, v4;
	(pc) =	sbr.rel @p5 .LBB2_4-.Ltmp3, $4  }
0x5e: {  	v5 =	vld [tilespmem:s19+$0x9C40];
	[tilespmem:s18+$0x9C50] =	vst v4;
	v3 =	vadd.s32 v0, v3  }
0x5f: {  	v4 =	vld [tilespmem:s19+$0x9C50];
	[tilespmem:s18+$0x9C60] =	vst v3;
	v2 =	vadd.s32 v0, v2  }
0x60: {  	v3 =	vld [tilespmem:s19+$0x9C60];
	[tilespmem:s18+$0x9C70] =	vst v2;
	v6 =	vadd.s32 v0, v6  }
0x61: {  	s12 =	sadd.s32 $0x140, s12;
	v2 =	vld [tilespmem:s19+$0x9C70];
	[tilespmem:s18+$0x9C80] =	vst v6;
	s18 =	smov.u32 s19  }
0x62: {  	v6 =	vld [tilespmem:s18+$0x9C80]  }
0x63: {  	v5 =	vadd.s32 v0, v5  }
0x64: {  	[tilespmem:s18+$0x9C40] =	vst v5;
	v4 =	vadd.s32 v0, v4  }
0x65: {  	[tilespmem:s18+$0x9C50] =	vst v4;
	v3 =	vadd.s32 v0, v3  }
0x66: {  	[tilespmem:s18+$0x9C60] =	vst v3;
	v2 =	vadd.s32 v0, v2  }
0x67: {  	[tilespmem:s18+$0x9C70] =	vst v2;
	v2 =	vadd.s32 v0, v6  }
0x68: {  	[tilespmem:s18+$0x9C80] =	vst v2;
	s18 =	simm.s32 $0x0  }
0x69: {  	[tilespmem:s31], [sflag:$0x1] =	stream.linear.gather [hbm4b:s20+s18], $0x1400, $0x38;
	[tilespmem:$0x18880] =	vst v63  }
0x6a: {  	_ = 	snop  }
0x6b: {  	[tilespmem:s26], [sflag:$0x3] =	stream.indirect.gather [hbm4b:s4+s0], $0x40, s29, s0, $0xb8;
	[tilespmem:$0x18880] =	vst v63  }
0x6c: {  	_ = 	snop  }
0x6d: {  	[tilespmem:s6], [sflag:$0x2] =	stream.linear.gather [hbm4b:s25+s18], $0x1400, $0x38;
	[tilespmem:$0x18880] =	vst v63  }
0x6e: {  	s12 =	simm.s32 $0x9C90  }
0x6f: {  	[tilespmem:s8], [sflag:$0x4] =	stream.indirect.gather [hbm4b:s4+s0], $0x40, s12, s0, $0xb8;
	[tilespmem:$0x18880] =	vst v63  }
.LBB2_6:
0x70: {  	_ =	swait.ge [sflag:s30], $0x1400  }
0x71: {  	[sflag:s30] =	ssyncset.done $0x0  }
0x72: {  	[sflag:s30] =	ssyncadd.s32 $0xFFFFEC00  }
0x73: {  	_ =	swait.ge [sflag:s7], $0x1400  }
0x74: {  	[sflag:s7] =	ssyncset.done $0x0  }
0x75: {  	s21 =	simm.s32 $0x0;
	[sflag:s7] =	ssyncadd.s32 $0xFFFFEC00  }
0x76: {  	v4 =	vld [tilespmem:s21+$0x16080]  }
0x77: {  	v5 =	vld [tilespmem:s21+$0x16090]  }
0x78: {  	v3 =	vld [tilespmem:s21+$0x160A0]  }
0x79: {  	v2 =	vld [tilespmem:s21+$0x160B0]  }
0x7a: {  	v6 =	vld [tilespmem:s21+$0x13880]  }
0x7b: {  	v8 =	vld [tilespmem:s21+$0x13890]  }
0x7c: {  	s19 =	simm.s32 $0x100;
	v7 =	vld [tilespmem:s21+$0x138A0]  }
.LBB2_7:
0x7d: {  	p5 =	sne.s32 s19, $0x4F00;
	v9 =	vld [tilespmem:s21+$0x138B0]  }
0x7e: {  	s12 =	sshra.s32 s19, $0x2  }
0x7f: {  	v6 =	vadd.f32 v4, v6;
	v4 =	vld [tilespmem:s12+$0x16080]  }
0x80: {  	v8 =	vadd.f32 v5, v8;
	v5 =	vld [tilespmem:s12+$0x16090]  }
.Ltmp4:
0x81: {  	v6 =	vmax.f32 v6, $0.0e+00;
	v7 =	vadd.f32 v3, v7;
	v3 =	vld [tilespmem:s12+$0x160A0];
	(pc) =	sbr.rel @p5 .LBB2_7-.Ltmp4, $4  }
0x82: {  	[tilespmem:s21+$0x13880] =	vst v6;
	v8 =	vmax.f32 v8, $0.0e+00;
	v9 =	vadd.f32 v2, v9;
	v2 =	vld [tilespmem:s12+$0x160B0]  }
0x83: {  	v6 =	vld [tilespmem:s12+$0x13880];
	[tilespmem:s21+$0x13890] =	vst v8;
	v7 =	vmax.f32 v7, $0.0e+00  }
0x84: {  	v8 =	vld [tilespmem:s12+$0x13890];
	[tilespmem:s21+$0x138A0] =	vst v7;
	v9 =	vmax.f32 v9, $0.0e+00  }
0x85: {  	s19 =	sadd.s32 $0x100, s19;
	v7 =	vld [tilespmem:s12+$0x138A0];
	[tilespmem:s21+$0x138B0] =	vst v9;
	s21 =	smov.u32 s12  }
0x86: {  	v9 =	vld [tilespmem:s21+$0x138B0];
	_ =	sdelay $0x1  }
0x87: {  	v4 =	vadd.f32 v4, v6  }
0x88: {  	v5 =	vadd.f32 v5, v8  }
0x89: {  	v4 =	vmax.f32 v4, $0.0e+00;
	v3 =	vadd.f32 v3, v7  }
0x8a: {  	s12 =	smul.u32 $0x280, s18;
	[tilespmem:s21+$0x13880] =	vst v4;
	v4 =	vmax.f32 v5, $0.0e+00;
	v2 =	vadd.f32 v2, v9  }
0x8b: {  	[tilespmem:s21+$0x13890] =	vst v4;
	v3 =	vmax.f32 v3, $0.0e+00  }
0x8c: {  	p5 =	seq.s32 s18, $0x7C;
	s19 =	sshra.s32 s12, $0x2;
	[tilespmem:s21+$0x138A0] =	vst v3;
	v2 =	vmax.f32 v2, $0.0e+00  }
0x8d: {  	s12 =	sadd.s32 $0xEA60, s19;
	[tilespmem:s21+$0x138B0] =	vst v2;
	s21 =	smul.u32 @!p5 $0xA0, s18  }
0x8e: {  	[spmem:s2] =	stream.indirect.scatter.add.f32 [tilespmem:s31], [sflag:$0x5], $0x40, s12, s0, $0xb8;
	[tilespmem:$0x18880] =	vst v63  }
0x8f: {  	s12 =	sadd.s32 @!p5 s17, s21  }
0x90: {  	_ =	swait.ge [sflag:s28], $0x1400;
	s12 =	sshll.u32 @!p5 s12, $0x3  }
0x91: {  	s13 =	simm.s32 @!p5 $0x0;
	[sflag:s28] =	ssyncset.done $0x0;
	s12 =	sadd.s32 @!p5 s5, s12  }
0x92: {  	s14 =	simm.s32 @!p5 $0x13880;
	[sflag:s28] =	ssyncadd.s32 $0xFFFFEC00;
	s12 =	sadd.s32 @!p5 $0x500, s12  }
0x93: {  	[tilespmem:s14], [sflag:$0x1] =	stream.linear.gather @!p5 [hbm4b:s12+s13], $0x1400, $0x38;
	[tilespmem:$0x18880] =	vst v63  }
0x94: {  	s12 =	sadd.s32 @!p5 $0x9CE0, s21;
	s13 =	simm.s32 @!p5 $0x50;
	s14 =	simm.s32 @!p5 $0x16080  }
0x95: {  	[tilespmem:s14], [sflag:$0x3] =	stream.indirect.gather @!p5 [hbm4b:s4+s13], $0x40, s12, s13, $0xb8;
	[tilespmem:$0x18880] =	vst v63  }
0x96: {  	_ =	swait.ge [sflag:s10], $0x1400  }
0x97: {  	[sflag:s10] =	ssyncset.done $0x0  }
0x98: {  	[sflag:s10] =	ssyncadd.s32 $0xFFFFEC00  }
0x99: {  	_ =	swait.ge [sflag:s11], $0x1400  }
0x9a: {  	[sflag:s11] =	ssyncset.done $0x0  }
0x9b: {  	s21 =	simm.s32 $0x0;
	[sflag:s11] =	ssyncadd.s32 $0xFFFFEC00  }
0x9c: {  	v4 =	vld [tilespmem:s21+$0x17480]  }
0x9d: {  	v5 =	vld [tilespmem:s21+$0x17490]  }
0x9e: {  	v3 =	vld [tilespmem:s21+$0x174A0]  }
0x9f: {  	v2 =	vld [tilespmem:s21+$0x174B0]  }
0xa0: {  	v6 =	vld [tilespmem:s21+$0x14C80]  }
0xa1: {  	v8 =	vld [tilespmem:s21+$0x14C90]  }
0xa2: {  	s12 =	simm.s32 $0x100;
	v7 =	vld [tilespmem:s21+$0x14CA0]  }
.LBB2_9:
0xa3: {  	p6 =	sne.s32 s12, $0x4F00;
	v9 =	vld [tilespmem:s21+$0x14CB0]  }
0xa4: {  	s13 =	sshra.s32 s12, $0x2  }
0xa5: {  	v6 =	vadd.f32 v4, v6;
	v4 =	vld [tilespmem:s13+$0x17480]  }
0xa6: {  	v8 =	vadd.f32 v5, v8;
	v5 =	vld [tilespmem:s13+$0x17490]  }
.Ltmp5:
0xa7: {  	v6 =	vmax.f32 v6, $0.0e+00;
	v7 =	vadd.f32 v3, v7;
	v3 =	vld [tilespmem:s13+$0x174A0];
	(pc) =	sbr.rel @p6 .LBB2_9-.Ltmp5, $4  }
0xa8: {  	[tilespmem:s21+$0x14C80] =	vst v6;
	v8 =	vmax.f32 v8, $0.0e+00;
	v9 =	vadd.f32 v2, v9;
	v2 =	vld [tilespmem:s13+$0x174B0]  }
0xa9: {  	v6 =	vld [tilespmem:s13+$0x14C80];
	[tilespmem:s21+$0x14C90] =	vst v8;
	v7 =	vmax.f32 v7, $0.0e+00  }
0xaa: {  	v8 =	vld [tilespmem:s13+$0x14C90];
	[tilespmem:s21+$0x14CA0] =	vst v7;
	v9 =	vmax.f32 v9, $0.0e+00  }
0xab: {  	s12 =	sadd.s32 $0x100, s12;
	v7 =	vld [tilespmem:s13+$0x14CA0];
	[tilespmem:s21+$0x14CB0] =	vst v9;
	s21 =	smov.u32 s13  }
0xac: {  	v9 =	vld [tilespmem:s21+$0x14CB0];
	_ =	sdelay $0x1  }
0xad: {  	v4 =	vadd.f32 v4, v6  }
0xae: {  	v5 =	vadd.f32 v5, v8  }
0xaf: {  	v4 =	vmax.f32 v4, $0.0e+00;
	v3 =	vadd.f32 v3, v7  }
0xb0: {  	[tilespmem:s21+$0x14C80] =	vst v4;
	v63 =	vmax.f32 v5, $0.0e+00;
	v2 =	vadd.f32 v2, v9  }
0xb1: {  	[tilespmem:s21+$0x14C90] =	vst v63;
	v3 =	vmax.f32 v3, $0.0e+00  }
0xb2: {  	[tilespmem:s21+$0x14CA0] =	vst v3;
	v2 =	vmax.f32 v2, $0.0e+00  }
.Ltmp6:
0xb3: {  	s12 =	sadd.s32 $0xEAB0, s19;
	[tilespmem:s21+$0x14CB0] =	vst v2;
	(pc) =	sbr.rel @p5 .LBB2_12-.Ltmp6, $4  }
0xb4: {  	[spmem:s2] =	stream.indirect.scatter.add.f32 [tilespmem:s6], [sflag:$0x5], $0x40, s12, s0, $0xb8;
	[tilespmem:$0x18880] =	vst v63  }
0xb5: {  	_ =	swait.ge [sflag:s28], $0x1400  }
0xb6: {  	[sflag:s28] =	ssyncset.done $0x0  }
0xb7: {  	[sflag:s28] =	ssyncadd.s32 $0xFFFFEC00  }
0xb8: {  	s12 =	smul.u32 $0xA0, s18;
	_ =	sdelay $0x1  }
0xb9: {  	s13 =	sadd.s32 s17, s12  }
0xba: {  	s13 =	sshll.u32 s13, $0x3  }
.Ltmp7:
0xbb: {  	s13 =	sadd.s32 s5, s13;
	(pc) =	sbr.rel .LBB2_6-.Ltmp7, $4  }
0xbc: {  	s13 =	sadd.s32 $0x780, s13  }
0xbd: {  	[tilespmem:s6], [sflag:$0x2] =	stream.linear.gather [hbm4b:s13+s3], $0x1400, $0x38;
	[tilespmem:$0x18880] =	vst v63  }
0xbe: {  	s18 =	sadd.s32 $0x1, s18;
	s12 =	sadd.s32 $0x9D30, s12  }
0xbf: {  	[tilespmem:s8], [sflag:$0x4] =	stream.indirect.gather [hbm4b:s4+s0], $0x40, s12, s0, $0xb8;
	[tilespmem:$0x18880] =	vst v63  }
.LBB2_12:
0xc0: {  	s18 =	stileid.u32;
	[bflag:$0x0] =	sbarrier.arrive $0xFFFF;
	s13 =	sshrl.u32 @p2 s22, $0x3  }
0xc1: {  	p5 =	por @!p4 $0x1, $0x1;
	p6 =	por p1, p1;
	s12 =	sshll.u32 @p2 s18, $0x6  }
0xc2: {  	s14 =	rddreg [dreg:$0xd];
	p6 =	por @!p4 p5, p5;
	s12 =	sor.u32 @p2 $0x1C05, s12  }
0xc3: {  	[hbm:s14], [sflag:s12] =	dma.local @p2 [spmem:s13], $0x1400  }
0xc4: {  	p5 =	por @!p3 !p6, !p0;
	s12 =	simm.s32 @p2 $0x5  }
0xc5: {  	p5 =	por @!p3 !p5, !p5;
	_ =	swait.ge @p2 [sflag:s12], $0x1400  }
0xc6: {  	s13 =	sshll.u32 @!p4 s18, $0x6;
	p5 =	por p3, p5;
	[sflag:s12] =	ssyncset.done @p2 $0x0  }
0xc7: {  	[sflag:s12] =	ssyncadd.s32 @p2 $0xFFFFEC00;
	s12 =	sor.u32 @!p4 $0x1C05, s13;
	s13 =	sshrl.u32 @!p4 s22, $0x3  }
0xc8: {  	[hbm:s23], [sflag:s12] =	dma.local @!p4 [spmem:s13], $0x1400  }
.Ltmp8:
0xc9: {  	_ = 	snop;
	(pc) =	sbr.rel @!p5 .LBB2_14-.Ltmp8, $4  }
0xca: {  	s12 =	simm.s32 @!p4 $0x5  }
0xcb: {  	_ =	swait.ge @!p4 [sflag:s12], $0x1400  }
0xcc: {  	[sflag:s12] =	ssyncset.done @!p4 $0x0  }
0xcd: {  	s14 =	stileid.u32;
	[sflag:s12] =	ssyncadd.s32 @!p4 $0xFFFFEC00  }
0xce: {  	s12 =	rddreg [dreg:$0x4]  }
0xcf: {  	s13 =	rddreg [dreg:$0x3]  }
0xd0: {  	s21 =	rddreg [dreg:$0x5];
	s18 =	simm.s32 $0x1FC5;
	s12 =	smov.u32 @p3 s13  }
.Ltmp9:
0xd1: {  	s13 =	sshrl.u32 s21, $0x3;
	s12 =	sadd.s32 $0x12C00, s12;
	(pc) =	sbr.rel .LBB2_14-.Ltmp9, $4  }
0xd2: {  	[hbm:s12], [sflag:s18] =	dma.local [spmem:s13], $0xC80  }
0xd3: {  	_ =	swait.ge [sflag:s28], $0xC80  }
0xd4: {  	[sflag:s28] =	ssyncset.done $0x0  }
0xd5: {  	[sflag:s28] =	ssyncadd.s32 $0xFFFFF380  }
.LBB2_15:
0xd6: {  	_ =	sfence.sel $0x180000  }
0xd7: {  	[bflag:$0x0] =	sbarrier.arrive $0xFFFF  }
0xd8: {  	_ =	strace $0x90000050  }
0xd9: {  	[bflag:$0x2] =	sbarrier.arrive $0xFFFF  }
0xda: {  	p0 =	sne.s32 s14, $0x0;
	s0 =	rddreg [dreg:$0x2]  }
0xdb: {  	s0 =	sadd.s32 @!p0 $0x100000, s0  }
0xdc: {  	[sflag:s0] =	ssyncadd.tile.s32 @!p0 $0x1;
	_ =	shalt  }
.Lfunc_end2:
_tile_overlayer_lowered:
.L_overlay_start_2:
0xdd: {  	(tag) =	ssettag $0x2  }
0xde: {  	s0 =	rddreg [dreg:$0x0];
	s2 =	stileid.u32  }
0xdf: {  	s1 =	rddreg [dreg:$0x1];
	p0 =	sne.s32 s2, $0x0  }
0xe0: {  	s3 =	rddreg [dreg:$0x2];
	[bflag:$0x3] =	sbarrier.arrive $0xFFFF;
	s2 =	simm.s32 @!p0 $0x1C05  }
0xe1: {  	[timem:s3], [sflag:s2] =	dma.local @!p0 [hbm:s0], s1  }
0xe2: {  	s0 =	simm.s32 @!p0 $0x5  }
0xe3: {  	_ =	swait.ge @!p0 [sflag:s0], s1  }
0xe4: {  	s1 =	ssub.s32 @!p0 $0x0, s1;
	[sflag:s0] =	ssyncset.done @!p0 $0x0  }
0xe5: {  	[sflag:s0] =	ssyncadd.s32 @!p0 s1  }
0xe6: {  	[bflag:$0x3] =	sbarrier.arrive $0xFFFF  }
0xe7: {  	_ =	shalt  }

</sc_bundles>
